<compile_context>
chip_gen: v7x
topology: tpu7x:2x2x1
jax: 0.10.2.dev20260603
libtpu: 0.0.44.dev20260713+nightly
codegen_flags: <defaults>
</compile_context>

<pallas_src>
import functools

import jax
import jax.numpy as jnp
from jax import lax
from jax.experimental import pallas as pl
from jax.experimental.pallas import tpu as pltpu
from jax.experimental.pallas import tpu_sc as plsc

NN = 100000
NP = 100032
EE = 3200000
NBATCH = 64
NC = 2
NS = 16
NW = NC * NS
GC = 800
NPT = NP // NS
F1 = 16
F2 = 32
R128 = NP * F1 // 128


def _sc_mesh():
    return plsc.VectorSubcoreMesh(
        core_axis_name="c", subcore_axis_name="s",
        num_cores=NC, num_subcores=NS)


def _agg_loop(g_hbm, ei, sd, rows, semg, sems, semi, ashared,
              ebase, n_groups):
    def fire_stage(g, ib):
        pltpu.async_copy(ei.at[:, pl.ds(ebase + g * GC, GC)], sd.at[ib],
                         semi[ib])

    def wait_stage(ib):
        pltpu.make_async_copy(ei.at[:, pl.ds(ebase, GC)], sd.at[ib],
                              semi[ib]).wait()

    def fire_gather(ib, rb):
        pltpu.async_copy(g_hbm.at[sd.at[ib, 0]], rows.at[rb], semg[rb])

    def wait_gather(ib, rb):
        pltpu.make_async_copy(g_hbm.at[sd.at[ib, 0]], rows.at[rb],
                              semg[rb]).wait()

    def fire_scatter(ib, rb):
        pltpu.async_copy(rows.at[rb], ashared.at[sd.at[ib, 1]], sems[rb],
                         add=True)

    def wait_scatter(ib, rb):
        pltpu.make_async_copy(rows.at[rb], ashared.at[sd.at[ib, 1]],
                              sems[rb]).wait()

    n6, rem = n_groups // 6, n_groups % 6

    def step(g, j, i=None, last_i=False):
        rb, ib = j % 2, j % 3
        prb, pib = (j - 1) % 2, (j - 1) % 3
        aib = (j + 1) % 3

        def drain():
            wait_scatter(aib, rb)
        if i is None or j >= 2:
            drain()
        else:
            pl.when(i >= 1)(drain)

        if i is not None and j == 5:
            if rem == 0:
                pl.when(g + 1 < n_groups)(lambda: fire_stage(g + 1, 0))
            else:
                fire_stage(g + 1, 0)
        elif i is None:
            if g + 1 < n_groups:
                fire_stage(g + 1, (j + 1) % 3)
        else:
            fire_stage(g + 1, (j + 1) % 3)

        wait_stage(ib)
        fire_gather(ib, rb)

        def finprev():
            wait_gather(pib, prb)
            fire_scatter(pib, prb)
        if i is None or j >= 1:
            finprev()
        else:
            pl.when(i >= 1)(finprev)

    fire_stage(0, 0)

    def body(i, carry):
        for j in range(6):
            step(6 * i + j, j, i=i)
        return carry
    lax.fori_loop(0, n6, body, 0)
    for j in range(rem):
        step(n_groups - rem + j, j, i=None)
    gl = n_groups - 1
    wait_gather(gl % 3, gl % 2)
    fire_scatter(gl % 3, gl % 2)
    wait_scatter((gl - 1) % 3, (gl - 1) % 2)
    wait_scatter(gl % 3, gl % 2)


def _make_deg_kernel():
    mesh = _sc_mesh()
    n_groups = EE // GC // NW

    @functools.partial(
        pl.kernel,
        out_type=jax.ShapeDtypeStruct((NC, NP, F1), jnp.float32),
        mesh=mesh,
        compiler_params=pltpu.CompilerParams(use_tc_tiling_on_sc=False),
        scratch_types=[
            pltpu.VMEM((2, GC), jnp.int32),
            pltpu.VMEM((GC, F1), jnp.float32),
            pltpu.SemaphoreType.DMA,
            pltpu.SemaphoreType.DMA,
            pltpu.VMEM_SHARED((NP, F1), jnp.float32),
        ],
    )
    def deg_k(ei, ones_hbm, z_hbm, out_hbm, didx, ones_v, sem0, sem1,
              dshared):
        c = lax.axis_index("c")
        s = lax.axis_index("s")
        wid = s * NC + c
        sems = (sem0, sem1)
        pltpu.sync_copy(ones_hbm, ones_v)
        pltpu.sync_copy(z_hbm.at[pl.ds(s * NPT, NPT)],
                        dshared.at[pl.ds(s * NPT, NPT)])
        plsc.subcore_barrier()
        ebase = wid * (EE // NW)

        def stage(g, b):
            pltpu.sync_copy(ei.at[1, pl.ds(ebase + g * GC, GC)],
                            didx.at[b])

        def fire(b):
            pltpu.async_copy(ones_v, dshared.at[didx.at[b]], sems[b],
                             add=True)

        def wait(b):
            pltpu.make_async_copy(ones_v, dshared.at[didx.at[b]],
                                  sems[b]).wait()

        npairs = n_groups // 2
        stage(0, 0)

        def body(p, carry):
            g0 = 2 * p
            fire(0)

            @pl.when(p >= 1)
            def _():
                wait(1)
            stage(g0 + 1, 1)
            fire(1)

            @pl.when(p + 1 < npairs)
            def _():
                wait(0)
                stage(g0 + 2, 0)
            return carry
        lax.fori_loop(0, npairs, body, 0)
        if n_groups % 2:
            wait(0)
            stage(n_groups - 1, 0)
            fire(0)
        wait(0)
        wait(1)
        plsc.subcore_barrier()
        pltpu.sync_copy(dshared.at[pl.ds(s * NPT, NPT)],
                        out_hbm.at[c, pl.ds(s * NPT, NPT)])

    return deg_k


def _agg_scratch():
    return [
        pltpu.VMEM((3, 2, GC), jnp.int32),
        pltpu.VMEM((2, GC, F1), jnp.float32),
        pltpu.SemaphoreType.DMA,
        pltpu.SemaphoreType.DMA,
        pltpu.SemaphoreType.DMA,
        pltpu.SemaphoreType.DMA,
        pltpu.SemaphoreType.DMA,
        pltpu.SemaphoreType.DMA,
        pltpu.SemaphoreType.DMA,
        pltpu.VMEM_SHARED((NP, F1), jnp.float32),
    ]


def _make_agg1_kernel():
    mesh = _sc_mesh()
    n_groups = EE // GC // NW

    @functools.partial(
        pl.kernel,
        out_type=jax.ShapeDtypeStruct((NC, NP, F1), jnp.float32),
        mesh=mesh,
        compiler_params=pltpu.CompilerParams(use_tc_tiling_on_sc=False),
        scratch_types=_agg_scratch(),
    )
    def agg1_k(g_hbm, ei, z_hbm, out_hbm,
               sd, rows, sg0, sg1, ss0, ss1, si0, si1, si2, ashared):
        c = lax.axis_index("c")
        s = lax.axis_index("s")
        wid = s * NC + c
        pltpu.sync_copy(z_hbm.at[pl.ds(s * NPT, NPT)],
                        ashared.at[pl.ds(s * NPT, NPT)])
        plsc.subcore_barrier()
        _agg_loop(g_hbm, ei, sd, rows,
                  (sg0, sg1), (ss0, ss1), (si0, si1, si2), ashared,
                  wid * (EE // NW), n_groups)
        plsc.subcore_barrier()
        pltpu.sync_copy(ashared.at[pl.ds(s * NPT, NPT)],
                        out_hbm.at[c, pl.ds(s * NPT, NPT)])

    return agg1_k


def _make_agg2_kernel():
    mesh = _sc_mesh()
    n_groups = EE // GC // NS

    @functools.partial(
        pl.kernel,
        out_type=jax.ShapeDtypeStruct((NC, NP, F1), jnp.float32),
        mesh=mesh,
        compiler_params=pltpu.CompilerParams(use_tc_tiling_on_sc=False),
        scratch_types=_agg_scratch(),
    )
    def agg2_k(g2a_hbm, g2b_hbm, ei, z_hbm, out_hbm,
               sd, rows, sg0, sg1, ss0, ss1, si0, si1, si2, ashared):
        c = lax.axis_index("c")
        s = lax.axis_index("s")
        pltpu.sync_copy(z_hbm.at[pl.ds(s * NPT, NPT)],
                        ashared.at[pl.ds(s * NPT, NPT)])
        plsc.subcore_barrier()
        ebase = s * (EE // NS)

        @pl.when(c == 0)
        def _():
            _agg_loop(g2a_hbm, ei, sd, rows,
                      (sg0, sg1), (ss0, ss1), (si0, si1, si2),
                      ashared, ebase, n_groups)

        @pl.when(c == 1)
        def _():
            _agg_loop(g2b_hbm, ei, sd, rows,
                      (sg0, sg1), (ss0, ss1), (si0, si1, si2),
                      ashared, ebase, n_groups)

        plsc.subcore_barrier()
        pltpu.sync_copy(ashared.at[pl.ds(s * NPT, NPT)],
                        out_hbm.at[c, pl.ds(s * NPT, NPT)])

    return agg2_k


_TC_PARAMS = pltpu.CompilerParams(vmem_limit_bytes=110 * 1024 * 1024)


def _full(shape):
    n = len(shape)
    return pl.BlockSpec(shape, lambda: (0,) * n)


def _tc_h1(xpv, wk1):
    def body(xref, wref, href):
        href[...] = jnp.dot(xref[...], wref[...],
                            preferred_element_type=jnp.float32)

    return pl.pallas_call(
        body,
        in_specs=[_full((R128, 128)), _full((128, 128))],
        out_specs=_full((R128, 128)),
        out_shape=jax.ShapeDtypeStruct((R128, 128), jnp.float32),
        compiler_params=_TC_PARAMS,
    )(xpv, wk1)


def _tc_scale(deg2v, h1v):
    def body(degref, href, dinvref, g1ref):
        dinv = lax.rsqrt(degref[0] + degref[1] + 1.0)
        dinvref[...] = dinv
        g1ref[...] = dinv * href[...]

    return pl.pallas_call(
        body,
        in_specs=[_full((NC, R128, 128)), _full((R128, 128))],
        out_specs=[_full((R128, 128)), _full((R128, 128))],
        out_shape=[
            jax.ShapeDtypeStruct((R128, 128), jnp.float32),
            jax.ShapeDtypeStruct((R128, 128), jnp.float32),
        ],
        compiler_params=_TC_PARAMS,
    )(deg2v, h1v)


def _tc_mid(agg1v, g1v, dinvv, wka, wkb, b1t):
    def body(aggref, g1ref, dinvref, wkaref, wkbref, b1ref,
             g2aref, g2bref):
        dinv = dinvref[...]
        o1 = jnp.maximum(
            dinv * (aggref[0] + aggref[1] + g1ref[...]) + b1ref[...],
            0.0)
        g2aref[...] = dinv * jnp.dot(o1, wkaref[...],
                                     preferred_element_type=jnp.float32)
        g2bref[...] = dinv * jnp.dot(o1, wkbref[...],
                                     preferred_element_type=jnp.float32)

    return pl.pallas_call(
        body,
        in_specs=[
            _full((NC, R128, 128)),
            _full((R128, 128)),
            _full((R128, 128)),
            _full((128, 128)),
            _full((128, 128)),
            _full((1, 128)),
        ],
        out_specs=[_full((R128, 128)), _full((R128, 128))],
        out_shape=[
            jax.ShapeDtypeStruct((R128, 128), jnp.float32),
            jax.ShapeDtypeStruct((R128, 128), jnp.float32),
        ],
        compiler_params=_TC_PARAMS,
    )(agg1v, g1v, dinvv, wka, wkb, b1t)


def _tc_final(agg2v, g2av, g2bv, dinvv, b2at, b2bt, st, en, st1, en1,
              wfc, bfcr):
    def body(aggref, g2aref, g2bref, dinvref, b2aref, b2bref, stref,
             enref, st1ref, en1ref, wfcref, bfcref, outref):
        dinv = dinvref[...]
        o2a = jnp.maximum(dinv * (aggref[0] + g2aref[...])
                          + b2aref[...], 0.0)
        o2b = jnp.maximum(dinv * (aggref[1] + g2bref[...])
                          + b2bref[...], 0.0)
        stv = stref[...]
        env = enref[...]
        ridx = lax.broadcasted_iota(jnp.int32, (R128, NBATCH), 0)
        dn = (((0,), (0,)), ((), ()))
        pa = jnp.zeros((NBATCH, F1), jnp.float32)
        pb = jnp.zeros((NBATCH, F1), jnp.float32)
        for k in range(8):
            gidx = ridx * 8 + k
            oh = ((gidx >= stv) & (gidx < env)).astype(jnp.float32)
            ma = lax.dot_general(oh, o2a, dn,
                                 preferred_element_type=jnp.float32)
            mb = lax.dot_general(oh, o2b, dn,
                                 preferred_element_type=jnp.float32)
            pa = pa + ma[:, 16 * k:16 * k + 16]
            pb = pb + mb[:, 16 * k:16 * k + 16]
        counts = jnp.maximum((en1ref[...] - st1ref[...])
                             .astype(jnp.float32), 1.0)
        pooled = jnp.concatenate([pa, pb], axis=1) / counts
        z = jnp.dot(pooled, wfcref[...],
                    preferred_element_type=jnp.float32) + bfcref[...]
        outref[...] = jax.nn.sigmoid(z)

    return pl.pallas_call(
        body,
        in_specs=[
            _full((NC, R128, 128)),
            _full((R128, 128)),
            _full((R128, 128)),
            _full((R128, 128)),
            _full((1, 128)),
            _full((1, 128)),
            _full((1, NBATCH)),
            _full((1, NBATCH)),
            _full((NBATCH, 1)),
            _full((NBATCH, 1)),
            _full((F2, 1)),
            _full((1, 1)),
        ],
        out_specs=_full((NBATCH, 1)),
        out_shape=jax.ShapeDtypeStruct((NBATCH, 1), jnp.float32),
        compiler_params=_TC_PARAMS,
    )(agg2v, g2av, g2bv, dinvv, b2at, b2bt, st, en, st1, en1, wfc, bfcr)


def kernel(x, edge_index, batch, W1, b1, W2, b2, Wfc, bfc):
    xq = jnp.pad(x, ((0, NP - NN), (0, 0))).reshape(R128, 8, 4)
    xpv = jnp.pad(xq, ((0, 0), (0, 0), (0, F1 - 4))).reshape(R128, 128)
    eye8 = jnp.eye(8, dtype=jnp.float32)
    w1p = jnp.pad(W1, ((0, F1 - 4), (0, 0)))
    wk1 = jnp.kron(eye8, w1p)
    wka = jnp.kron(eye8, W2[:, :F1])
    wkb = jnp.kron(eye8, W2[:, F1:])
    b1t = jnp.tile(b1, 8).reshape(1, 128)
    b2at = jnp.tile(b2[:F1], 8).reshape(1, 128)
    b2bt = jnp.tile(b2[F1:], 8).reshape(1, 128)
    qs = jnp.arange(NBATCH, dtype=batch.dtype)
    st = jnp.searchsorted(batch, qs, side="left",
                          method="compare_all").astype(jnp.int32)
    en = jnp.searchsorted(batch, qs, side="right",
                          method="compare_all").astype(jnp.int32)
    z16 = jnp.zeros((NP, F1), jnp.float32)
    ones_rows = jnp.ones((GC, F1), jnp.float32)
    bfcr = bfc.reshape(1, 1)

    deg2 = _make_deg_kernel()(edge_index, ones_rows, z16)
    h1v = _tc_h1(xpv, wk1)
    dinvv, g1v = _tc_scale(deg2.reshape(NC, R128, 128), h1v)

    g1 = g1v.reshape(NP, F1)
    agg1 = _make_agg1_kernel()(g1, edge_index, z16)
    g2av, g2bv = _tc_mid(agg1.reshape(NC, R128, 128), g1v, dinvv,
                         wka, wkb, b1t)

    agg2 = _make_agg2_kernel()(g2av.reshape(NP, F1),
                               g2bv.reshape(NP, F1), edge_index, z16)
    return _tc_final(agg2.reshape(NC, R128, 128), g2av, g2bv, dinvv,
                     b2at, b2bt,
                     st.reshape(1, NBATCH), en.reshape(1, NBATCH),
                     st.reshape(NBATCH, 1), en.reshape(NBATCH, 1),
                     Wfc, bfcr)

# --- scband reference (transcript-rebuilt; emitter-appended) ---
"""Pipeline reference for scband-simple-gnn-18743237280053 (READ-ONLY COPY).

The authoritative reference and input builder live on the scoring server;
editing this copy changes nothing except your own understanding.
"""

import jax, jax.numpy as jnp
import numpy as np

N = 100000
E = 3200000
B = 64

def setup_inputs(seed: int = 0) -> dict:
    key = jax.random.key(seed)
    ks = jax.random.split(key, 10)
    x = jax.random.normal(ks[0], (N, 4), dtype=jnp.float32)
    edge_index = jax.random.randint(ks[1], (2, E), 0, N, dtype=jnp.int32)
    batch = jnp.sort(jax.random.randint(ks[2], (N,), 0, B, dtype=jnp.int32))
    W1 = jax.random.normal(ks[3], (4, 16), dtype=jnp.float32) * 0.5
    b1 = jnp.zeros((16,), dtype=jnp.float32)
    W2 = jax.random.normal(ks[4], (16, 32), dtype=jnp.float32) * 0.25
    b2 = jnp.zeros((32,), dtype=jnp.float32)
    Wfc = jax.random.normal(ks[5], (32, 1), dtype=jnp.float32) * 0.18
    bfc = jnp.zeros((1,), dtype=jnp.float32)
    return {"x": x, "edge_index": edge_index, "batch": batch,
            "W1": W1, "b1": b1, "W2": W2, "b2": b2, "Wfc": Wfc, "bfc": bfc}

def _gcn_conv(x, src, dst, W, b, n):
    # add self loops
    loop = jnp.arange(n, dtype=src.dtype)
    s = jnp.concatenate([src, loop])
    d = jnp.concatenate([dst, loop])
    deg = jax.ops.segment_sum(jnp.ones(s.shape[0], dtype=x.dtype), d, num_segments=n)
    dinv = jnp.where(deg > 0, jax.lax.rsqrt(deg), 0.0)
    norm = dinv[s] * dinv[d]
    h = x @ W
    msg = h[s] * norm[:, None]
    out = jax.ops.segment_sum(msg, d, num_segments=n)
    return out + b

def reference(x, edge_index, batch, W1, b1, W2, b2, Wfc, bfc):
    n = x.shape[0]
    src, dst = edge_index[0], edge_index[1]
    h = jax.nn.relu(_gcn_conv(x, src, dst, W1, b1, n))
    h = jax.nn.relu(_gcn_conv(h, src, dst, W2, b2, n))
    # dropout is identity in eval mode (training=False)
    counts = jax.ops.segment_sum(jnp.ones((n,), dtype=h.dtype), batch, num_segments=B)
    pooled = jax.ops.segment_sum(h, batch, num_segments=B) / jnp.clip(counts, 1.0)[:, None]
    out = jax.nn.sigmoid(pooled @ Wfc + bfc)
    return out

if __name__ == "__main__":
    import jax
    _d = setup_inputs()
    print(jax.jit(kernel)(*tuple(_d.values())))

</pallas_src>

<mosaic_0001>
#map = affine_map<(d0, d1) -> (0, 0)>
#map1 = affine_map<(d0, d1) -> (0, 0, 0)>
module attributes {stable_mosaic.version = 14 : i64} {
  func.func @agg1_k(%arg0: i32, %arg1: i32, %arg2: memref<100032x16xf32, #tpu.memory_space<hbm>>, %arg3: memref<2x3200000xi32, #tpu.memory_space<hbm>>, %arg4: memref<100032x16xf32, #tpu.memory_space<hbm>>, %arg5: memref<2x100032x16xf32, #tpu.memory_space<hbm>>, %arg6: memref<3x2x800xi32, #tpu.memory_space<vmem>>, %arg7: memref<2x800x16xf32, #tpu.memory_space<vmem>>, %arg8: memref<!tpu.dma_semaphore, #tpu.memory_space<semaphore_mem>>, %arg9: memref<!tpu.dma_semaphore, #tpu.memory_space<semaphore_mem>>, %arg10: memref<!tpu.dma_semaphore, #tpu.memory_space<semaphore_mem>>, %arg11: memref<!tpu.dma_semaphore, #tpu.memory_space<semaphore_mem>>, %arg12: memref<!tpu.dma_semaphore, #tpu.memory_space<semaphore_mem>>, %arg13: memref<!tpu.dma_semaphore, #tpu.memory_space<semaphore_mem>>, %arg14: memref<!tpu.dma_semaphore, #tpu.memory_space<semaphore_mem>>, %arg15: memref<100032x16xf32, #tpu.memory_space<vmem_shared>>) attributes {dimension_semantics = [#tpu.dimension_semantics<core_parallel>, #tpu.dimension_semantics<subcore_parallel>], iteration_bounds = array<i64: 2, 16>, scalar_prefetch = 0 : i64, scratch_operands = 10 : i64, tpu.core_type = #tpu.core_type<sc_vector_subcore>, window_params = [{transform_indices = #map}, {transform_indices = #map}, {transform_indices = #map}, {transform_indices = #map1}]} {
    %mul3A = arith.constant 2 : i32
    %mul3A_0 = arith.muli %arg1, %mul3A : i32
    %add3A = arith.addi %mul3A_0, %arg0 : i32
    %mul3A_1 = arith.constant 6252 : i32
    %mul3A_2 = arith.muli %arg1, %mul3A_1 : i32
    %mul3A_3 = arith.constant 6252 : i32
    %mul3A_4 = arith.muli %arg1, %mul3A_3 : i32
    "tpu.region"() ({
      %run_scoped3A = tpu.sem_alloc : memref<!tpu.dma_semaphore, #tpu.memory_space<semaphore_mem>>
      %dma_start3A_467 = arith.constant 0 : i32
      %dma_start3A_468 = tpu.memref_slice %arg15[%mul3A_4, %dma_start3A_467] : memref<100032x16xf32, #tpu.memory_space<vmem_shared>> -> memref<6252x16xf32, #tpu.memory_space<vmem_shared>>
      %dma_start3A_469 = arith.constant 0 : i32
      %dma_start3A_470 = tpu.memref_slice %arg4[%mul3A_2, %dma_start3A_469] : memref<100032x16xf32, #tpu.memory_space<hbm>> -> memref<6252x16xf32, #tpu.memory_space<hbm>>
      tpu.enqueue_dma source(%dma_start3A_470 : memref<6252x16xf32, #tpu.memory_space<hbm>>) target(%dma_start3A_468 : memref<6252x16xf32, #tpu.memory_space<vmem_shared>>) target_semaphore(%run_scoped3A : memref<!tpu.dma_semaphore, #tpu.memory_space<semaphore_mem>>)
      %dma_wait3A_471 = arith.constant 0 : i32
      %dma_wait3A_472 = tpu.memref_slice %arg15[%mul3A_4, %dma_wait3A_471] : memref<100032x16xf32, #tpu.memory_space<vmem_shared>> -> memref<6252x16xf32, #tpu.memory_space<vmem_shared>>
      %dma_wait3A_473 = arith.constant 0 : i32
      %dma_wait3A_474 = tpu.memref_slice %arg4[%mul3A_2, %dma_wait3A_473] : memref<100032x16xf32, #tpu.memory_space<hbm>> -> memref<6252x16xf32, #tpu.memory_space<hbm>>
      tpu.wait_dma2 semaphore(%run_scoped3A : memref<!tpu.dma_semaphore, #tpu.memory_space<semaphore_mem>>) src(%dma_wait3A_474 : memref<6252x16xf32, #tpu.memory_space<hbm>>) dst(%dma_wait3A_472 : memref<6252x16xf32, #tpu.memory_space<vmem_shared>>)
      tpu.yield
    }) : () -> ()
    %barrier3A = arith.constant 0 : index
    tpu.barrier barrier_id(%barrier3A)
    %mul3A_5 = arith.constant 100000 : i32
    %mul3A_6 = arith.muli %add3A, %mul3A_5 : i32
    %add3A_7 = arith.constant 0 : i32
    %add3A_8 = arith.addi %mul3A_6, %add3A_7 : i32
    %dma_start3A = arith.constant 0 : i32
    %dma_start3A_9 = arith.constant 0 : i32
    %dma_start3A_10 = arith.constant 0 : i32
    %dma_start3A_11 = tpu.memref_slice %arg6[%dma_start3A, %dma_start3A_9, %dma_start3A_10] : memref<3x2x800xi32, #tpu.memory_space<vmem>> -> memref<1x2x800xi32, #tpu.memory_space<vmem>>
    %dma_start3A_12 = tpu.memref_squeeze %dma_start3A_11 : memref<1x2x800xi32, #tpu.memory_space<vmem>> -> memref<2x800xi32, #tpu.memory_space<vmem>>
    %dma_start3A_13 = arith.constant 0 : i32
    %dma_start3A_14 = tpu.memref_slice %arg3[%dma_start3A_13, %add3A_8] : memref<2x3200000xi32, #tpu.memory_space<hbm>> -> memref<2x800xi32, #tpu.memory_space<hbm>>
    %dma_start3A_15 = arith.constant 0 : i32
    %dma_start3A_16 = arith.constant 0 : i32
    %dma_start3A_17 = tpu.memref_slice %arg6[%dma_start3A, %dma_start3A_15, %dma_start3A_16] : memref<3x2x800xi32, #tpu.memory_space<vmem>> -> memref<1x2x800xi32, #tpu.memory_space<vmem>>
    %dma_start3A_18 = tpu.memref_squeeze %dma_start3A_17 : memref<1x2x800xi32, #tpu.memory_space<vmem>> -> memref<2x800xi32, #tpu.memory_space<vmem>>
    %dma_start3A_19 = arith.constant 0 : i32
    %dma_start3A_20 = tpu.memref_slice %arg3[%dma_start3A_19, %add3A_8] : memref<2x3200000xi32, #tpu.memory_space<hbm>> -> memref<2x800xi32, #tpu.memory_space<hbm>>
    tpu.enqueue_dma source(%dma_start3A_20 : memref<2x800xi32, #tpu.memory_space<hbm>>) target(%dma_start3A_18 : memref<2x800xi32, #tpu.memory_space<vmem>>) target_semaphore(%arg12 : memref<!tpu.dma_semaphore, #tpu.memory_space<semaphore_mem>>)
    %scan3A = arith.constant 0 : i32
    %scan3A_21 = arith.constant 0 : i32
    %scan3A_22 = arith.constant 20 : i32
    %scan3A_23 = arith.addi %scan3A_21, %scan3A_22 : i32
    %scan3A_24 = arith.constant 1 : i32
    scf.for %scan3A_467 = %scan3A_21 to %scan3A_23 step %scan3A_24  : i32 {
      %mul3A_468 = arith.constant 6 : i32
      %mul3A_469 = arith.muli %mul3A_468, %scan3A_467 : i32
      %add3A_470 = arith.constant 0 : i32
      %add3A_471 = arith.addi %mul3A_469, %add3A_470 : i32
      %ge3A = arith.constant 1 : i32
      %ge3A_472 = arith.cmpi sge, %scan3A_467, %ge3A : i32
      %convert_element_type3A = arith.extui %ge3A_472 : i1 to i32
      %cond3A = arith.constant 0 : i32
      %cond3A_473 = arith.cmpi ne, %convert_element_type3A, %cond3A : i32
      scf.if %cond3A_473 {
        %dma_wait3A_950 = arith.constant 0 : i32
        %dma_wait3A_951 = arith.constant 1 : i32
        %dma_wait3A_952 = arith.constant 1 : i32
        %dma_wait3A_953 = arith.constant 0 : i32
        %dma_wait3A_954 = arith.constant 0 : i32
        %dma_wait3A_955 = tpu.memref_slice %arg7[%dma_wait3A_950, %dma_wait3A_953, %dma_wait3A_954] : memref<2x800x16xf32, #tpu.memory_space<vmem>> -> memref<1x800x16xf32, #tpu.memory_space<vmem>>
        %dma_wait3A_956 = tpu.memref_squeeze %dma_wait3A_955 : memref<1x800x16xf32, #tpu.memory_space<vmem>> -> memref<800x16xf32, #tpu.memory_space<vmem>>
        %dma_wait3A_957 = arith.constant 0 : i32
        %dma_wait3A_958 = tpu.memref_slice %arg6[%dma_wait3A_951, %dma_wait3A_952, %dma_wait3A_957] : memref<3x2x800xi32, #tpu.memory_space<vmem>> -> memref<1x1x800xi32, #tpu.memory_space<vmem>>
        %dma_wait3A_959 = tpu.memref_squeeze %dma_wait3A_958 : memref<1x1x800xi32, #tpu.memory_space<vmem>> -> memref<800xi32, #tpu.memory_space<vmem>>
        %dma_wait3A_960 = arith.constant 0 : i32
        %dma_wait3A_961 = arith.constant 0 : i32
        %dma_wait3A_962 = tpu.memref_slice %arg15[%dma_wait3A_960, %dma_wait3A_961] : memref<100032x16xf32, #tpu.memory_space<vmem_shared>> -> memref<100032x16xf32, #tpu.memory_space<vmem_shared>>
        tpu.wait_indirect_dma semaphore(%arg10 : memref<!tpu.dma_semaphore, #tpu.memory_space<semaphore_mem>>) src(%dma_wait3A_956 : memref<800x16xf32, #tpu.memory_space<vmem>>) dst(%dma_wait3A_962 : memref<100032x16xf32, #tpu.memory_space<vmem_shared>>)
      } else {
      }
      %add3A_474 = arith.constant 1 : i32
      %add3A_475 = arith.addi %add3A_471, %add3A_474 : i32
      %mul3A_476 = arith.constant 800 : i32
      %mul3A_477 = arith.muli %add3A_475, %mul3A_476 : i32
      %add3A_478 = arith.addi %mul3A_6, %mul3A_477 : i32
      %dma_start3A_479 = arith.constant 1 : i32
      %dma_start3A_480 = arith.constant 0 : i32
      %dma_start3A_481 = arith.constant 0 : i32
      %dma_start3A_482 = tpu.memref_slice %arg6[%dma_start3A_479, %dma_start3A_480, %dma_start3A_481] : memref<3x2x800xi32, #tpu.memory_space<vmem>> -> memref<1x2x800xi32, #tpu.memory_space<vmem>>
      %dma_start3A_483 = tpu.memref_squeeze %dma_start3A_482 : memref<1x2x800xi32, #tpu.memory_space<vmem>> -> memref<2x800xi32, #tpu.memory_space<vmem>>
      %dma_start3A_484 = arith.constant 0 : i32
      %dma_start3A_485 = tpu.memref_slice %arg3[%dma_start3A_484, %add3A_478] : memref<2x3200000xi32, #tpu.memory_space<hbm>> -> memref<2x800xi32, #tpu.memory_space<hbm>>
      %dma_start3A_486 = arith.constant 0 : i32
      %dma_start3A_487 = arith.constant 0 : i32
      %dma_start3A_488 = tpu.memref_slice %arg6[%dma_start3A_479, %dma_start3A_486, %dma_start3A_487] : memref<3x2x800xi32, #tpu.memory_space<vmem>> -> memref<1x2x800xi32, #tpu.memory_space<vmem>>
      %dma_start3A_489 = tpu.memref_squeeze %dma_start3A_488 : memref<1x2x800xi32, #tpu.memory_space<vmem>> -> memref<2x800xi32, #tpu.memory_space<vmem>>
      %dma_start3A_490 = arith.constant 0 : i32
      %dma_start3A_491 = tpu.memref_slice %arg3[%dma_start3A_490, %add3A_478] : memref<2x3200000xi32, #tpu.memory_space<hbm>> -> memref<2x800xi32, #tpu.memory_space<hbm>>
      tpu.enqueue_dma source(%dma_start3A_491 : memref<2x800xi32, #tpu.memory_space<hbm>>) target(%dma_start3A_489 : memref<2x800xi32, #tpu.memory_space<vmem>>) target_semaphore(%arg13 : memref<!tpu.dma_semaphore, #tpu.memory_space<semaphore_mem>>)
      %dma_wait3A_492 = arith.constant 0 : i32
      %dma_wait3A_493 = arith.constant 0 : i32
      %dma_wait3A_494 = arith.constant 0 : i32
      %dma_wait3A_495 = tpu.memref_slice %arg6[%dma_wait3A_492, %dma_wait3A_493, %dma_wait3A_494] : memref<3x2x800xi32, #tpu.memory_space<vmem>> -> memref<1x2x800xi32, #tpu.memory_space<vmem>>
      %dma_wait3A_496 = tpu.memref_squeeze %dma_wait3A_495 : memref<1x2x800xi32, #tpu.memory_space<vmem>> -> memref<2x800xi32, #tpu.memory_space<vmem>>
      %dma_wait3A_497 = arith.constant 0 : i32
      %dma_wait3A_498 = tpu.memref_slice %arg3[%dma_wait3A_497, %mul3A_6] : memref<2x3200000xi32, #tpu.memory_space<hbm>> -> memref<2x800xi32, #tpu.memory_space<hbm>>
      %dma_wait3A_499 = arith.constant 0 : i32
      %dma_wait3A_500 = arith.constant 0 : i32
      %dma_wait3A_501 = tpu.memref_slice %arg6[%dma_wait3A_492, %dma_wait3A_499, %dma_wait3A_500] : memref<3x2x800xi32, #tpu.memory_space<vmem>> -> memref<1x2x800xi32, #tpu.memory_space<vmem>>
      %dma_wait3A_502 = tpu.memref_squeeze %dma_wait3A_501 : memref<1x2x800xi32, #tpu.memory_space<vmem>> -> memref<2x800xi32, #tpu.memory_space<vmem>>
      %dma_wait3A_503 = arith.constant 0 : i32
      %dma_wait3A_504 = tpu.memref_slice %arg3[%dma_wait3A_503, %mul3A_6] : memref<2x3200000xi32, #tpu.memory_space<hbm>> -> memref<2x800xi32, #tpu.memory_space<hbm>>
      tpu.wait_dma2 semaphore(%arg12 : memref<!tpu.dma_semaphore, #tpu.memory_space<semaphore_mem>>) src(%dma_wait3A_504 : memref<2x800xi32, #tpu.memory_space<hbm>>) dst(%dma_wait3A_502 : memref<2x800xi32, #tpu.memory_space<vmem>>)
      %dma_start3A_505 = arith.constant 0 : i32
      %dma_start3A_506 = arith.constant 0 : i32
      %dma_start3A_507 = arith.constant 0 : i32
      %dma_start3A_508 = arith.constant 0 : i32
      %dma_start3A_509 = arith.constant 0 : i32
      %dma_start3A_510 = tpu.memref_slice %arg7[%dma_start3A_507, %dma_start3A_508, %dma_start3A_509] : memref<2x800x16xf32, #tpu.memory_space<vmem>> -> memref<1x800x16xf32, #tpu.memory_space<vmem>>
      %dma_start3A_511 = tpu.memref_squeeze %dma_start3A_510 : memref<1x800x16xf32, #tpu.memory_space<vmem>> -> memref<800x16xf32, #tpu.memory_space<vmem>>
      %dma_start3A_512 = arith.constant 0 : i32
      %dma_start3A_513 = tpu.memref_slice %arg6[%dma_start3A_505, %dma_start3A_506, %dma_start3A_512] : memref<3x2x800xi32, #tpu.memory_space<vmem>> -> memref<1x1x800xi32, #tpu.memory_space<vmem>>
      %dma_start3A_514 = tpu.memref_squeeze %dma_start3A_513 : memref<1x1x800xi32, #tpu.memory_space<vmem>> -> memref<800xi32, #tpu.memory_space<vmem>>
      %dma_start3A_515 = arith.constant 0 : i32
      %dma_start3A_516 = arith.constant 0 : i32
      %dma_start3A_517 = tpu.memref_slice %arg2[%dma_start3A_515, %dma_start3A_516] : memref<100032x16xf32, #tpu.memory_space<hbm>> -> memref<100032x16xf32, #tpu.memory_space<hbm>>
      tpu.enqueue_indirect_dma source(%dma_start3A_517 : memref<100032x16xf32, #tpu.memory_space<hbm>>) target(%dma_start3A_511 : memref<800x16xf32, #tpu.memory_space<vmem>>) offsets(%dma_start3A_514 : memref<800xi32, #tpu.memory_space<vmem>>) semaphore(%arg8 : memref<!tpu.dma_semaphore, #tpu.memory_space<semaphore_mem>>)
      %ge3A_518 = arith.constant 1 : i32
      %ge3A_519 = arith.cmpi sge, %scan3A_467, %ge3A_518 : i32
      %convert_element_type3A_520 = arith.extui %ge3A_519 : i1 to i32
      %cond3A_521 = arith.constant 0 : i32
      %cond3A_522 = arith.cmpi ne, %convert_element_type3A_520, %cond3A_521 : i32
      scf.if %cond3A_522 {
        %dma_wait3A_950 = arith.constant 2 : i32
        %dma_wait3A_951 = arith.constant 0 : i32
        %dma_wait3A_952 = arith.constant 1 : i32
        %dma_wait3A_953 = arith.constant 0 : i32
        %dma_wait3A_954 = arith.constant 0 : i32
        %dma_wait3A_955 = tpu.memref_slice %arg7[%dma_wait3A_952, %dma_wait3A_953, %dma_wait3A_954] : memref<2x800x16xf32, #tpu.memory_space<vmem>> -> memref<1x800x16xf32, #tpu.memory_space<vmem>>
        %dma_wait3A_956 = tpu.memref_squeeze %dma_wait3A_955 : memref<1x800x16xf32, #tpu.memory_space<vmem>> -> memref<800x16xf32, #tpu.memory_space<vmem>>
        %dma_wait3A_957 = arith.constant 0 : i32
        %dma_wait3A_958 = tpu.memref_slice %arg6[%dma_wait3A_950, %dma_wait3A_951, %dma_wait3A_957] : memref<3x2x800xi32, #tpu.memory_space<vmem>> -> memref<1x1x800xi32, #tpu.memory_space<vmem>>
        %dma_wait3A_959 = tpu.memref_squeeze %dma_wait3A_958 : memref<1x1x800xi32, #tpu.memory_space<vmem>> -> memref<800xi32, #tpu.memory_space<vmem>>
        %dma_wait3A_960 = arith.constant 0 : i32
        %dma_wait3A_961 = arith.constant 0 : i32
        %dma_wait3A_962 = tpu.memref_slice %arg2[%dma_wait3A_960, %dma_wait3A_961] : memref<100032x16xf32, #tpu.memory_space<hbm>> -> memref<100032x16xf32, #tpu.memory_space<hbm>>
        tpu.wait_indirect_dma semaphore(%arg9 : memref<!tpu.dma_semaphore, #tpu.memory_space<semaphore_mem>>) src(%dma_wait3A_962 : memref<100032x16xf32, #tpu.memory_space<hbm>>) dst(%dma_wait3A_956 : memref<800x16xf32, #tpu.memory_space<vmem>>)
        %dma_start3A_963 = arith.constant 1 : i32
        %dma_start3A_964 = arith.constant 2 : i32
        %dma_start3A_965 = arith.constant 1 : i32
        %dma_start3A_966 = arith.constant 0 : i32
        %dma_start3A_967 = arith.constant 0 : i32
        %dma_start3A_968 = tpu.memref_slice %arg7[%dma_start3A_963, %dma_start3A_966, %dma_start3A_967] : memref<2x800x16xf32, #tpu.memory_space<vmem>> -> memref<1x800x16xf32, #tpu.memory_space<vmem>>
        %dma_start3A_969 = tpu.memref_squeeze %dma_start3A_968 : memref<1x800x16xf32, #tpu.memory_space<vmem>> -> memref<800x16xf32, #tpu.memory_space<vmem>>
        %dma_start3A_970 = arith.constant 0 : i32
        %dma_start3A_971 = tpu.memref_slice %arg6[%dma_start3A_964, %dma_start3A_965, %dma_start3A_970] : memref<3x2x800xi32, #tpu.memory_space<vmem>> -> memref<1x1x800xi32, #tpu.memory_space<vmem>>
        %dma_start3A_972 = tpu.memref_squeeze %dma_start3A_971 : memref<1x1x800xi32, #tpu.memory_space<vmem>> -> memref<800xi32, #tpu.memory_space<vmem>>
        %dma_start3A_973 = arith.constant 0 : i32
        %dma_start3A_974 = arith.constant 0 : i32
        %dma_start3A_975 = tpu.memref_slice %arg15[%dma_start3A_973, %dma_start3A_974] : memref<100032x16xf32, #tpu.memory_space<vmem_shared>> -> memref<100032x16xf32, #tpu.memory_space<vmem_shared>>
        tpu.enqueue_indirect_dma source(%dma_start3A_969 : memref<800x16xf32, #tpu.memory_space<vmem>>) target(%dma_start3A_975 : memref<100032x16xf32, #tpu.memory_space<vmem_shared>>) offsets(%dma_start3A_972 : memref<800xi32, #tpu.memory_space<vmem>>) semaphore(%arg11 : memref<!tpu.dma_semaphore, #tpu.memory_space<semaphore_mem>>) {add = true}
      } else {
      }
      %mul3A_523 = arith.constant 6 : i32
      %mul3A_524 = arith.muli %mul3A_523, %scan3A_467 : i32
      %add3A_525 = arith.constant 1 : i32
      %add3A_526 = arith.addi %mul3A_524, %add3A_525 : i32
      %ge3A_527 = arith.constant 1 : i32
      %ge3A_528 = arith.cmpi sge, %scan3A_467, %ge3A_527 : i32
      %convert_element_type3A_529 = arith.extui %ge3A_528 : i1 to i32
      %cond3A_530 = arith.constant 0 : i32
      %cond3A_531 = arith.cmpi ne, %convert_element_type3A_529, %cond3A_530 : i32
      scf.if %cond3A_531 {
        %dma_wait3A_950 = arith.constant 1 : i32
        %dma_wait3A_951 = arith.constant 2 : i32
        %dma_wait3A_952 = arith.constant 1 : i32
        %dma_wait3A_953 = arith.constant 0 : i32
        %dma_wait3A_954 = arith.constant 0 : i32
        %dma_wait3A_955 = tpu.memref_slice %arg7[%dma_wait3A_950, %dma_wait3A_953, %dma_wait3A_954] : memref<2x800x16xf32, #tpu.memory_space<vmem>> -> memref<1x800x16xf32, #tpu.memory_space<vmem>>
        %dma_wait3A_956 = tpu.memref_squeeze %dma_wait3A_955 : memref<1x800x16xf32, #tpu.memory_space<vmem>> -> memref<800x16xf32, #tpu.memory_space<vmem>>
        %dma_wait3A_957 = arith.constant 0 : i32
        %dma_wait3A_958 = tpu.memref_slice %arg6[%dma_wait3A_951, %dma_wait3A_952, %dma_wait3A_957] : memref<3x2x800xi32, #tpu.memory_space<vmem>> -> memref<1x1x800xi32, #tpu.memory_space<vmem>>
        %dma_wait3A_959 = tpu.memref_squeeze %dma_wait3A_958 : memref<1x1x800xi32, #tpu.memory_space<vmem>> -> memref<800xi32, #tpu.memory_space<vmem>>
        %dma_wait3A_960 = arith.constant 0 : i32
        %dma_wait3A_961 = arith.constant 0 : i32
        %dma_wait3A_962 = tpu.memref_slice %arg15[%dma_wait3A_960, %dma_wait3A_961] : memref<100032x16xf32, #tpu.memory_space<vmem_shared>> -> memref<100032x16xf32, #tpu.memory_space<vmem_shared>>
        tpu.wait_indirect_dma semaphore(%arg11 : memref<!tpu.dma_semaphore, #tpu.memory_space<semaphore_mem>>) src(%dma_wait3A_956 : memref<800x16xf32, #tpu.memory_space<vmem>>) dst(%dma_wait3A_962 : memref<100032x16xf32, #tpu.memory_space<vmem_shared>>)
      } else {
      }
      %add3A_532 = arith.constant 1 : i32
      %add3A_533 = arith.addi %add3A_526, %add3A_532 : i32
      %mul3A_534 = arith.constant 800 : i32
      %mul3A_535 = arith.muli %add3A_533, %mul3A_534 : i32
      %add3A_536 = arith.addi %mul3A_6, %mul3A_535 : i32
      %dma_start3A_537 = arith.constant 2 : i32
      %dma_start3A_538 = arith.constant 0 : i32
      %dma_start3A_539 = arith.constant 0 : i32
      %dma_start3A_540 = tpu.memref_slice %arg6[%dma_start3A_537, %dma_start3A_538, %dma_start3A_539] : memref<3x2x800xi32, #tpu.memory_space<vmem>> -> memref<1x2x800xi32, #tpu.memory_space<vmem>>
      %dma_start3A_541 = tpu.memref_squeeze %dma_start3A_540 : memref<1x2x800xi32, #tpu.memory_space<vmem>> -> memref<2x800xi32, #tpu.memory_space<vmem>>
      %dma_start3A_542 = arith.constant 0 : i32
      %dma_start3A_543 = tpu.memref_slice %arg3[%dma_start3A_542, %add3A_536] : memref<2x3200000xi32, #tpu.memory_space<hbm>> -> memref<2x800xi32, #tpu.memory_space<hbm>>
      %dma_start3A_544 = arith.constant 0 : i32
      %dma_start3A_545 = arith.constant 0 : i32
      %dma_start3A_546 = tpu.memref_slice %arg6[%dma_start3A_537, %dma_start3A_544, %dma_start3A_545] : memref<3x2x800xi32, #tpu.memory_space<vmem>> -> memref<1x2x800xi32, #tpu.memory_space<vmem>>
      %dma_start3A_547 = tpu.memref_squeeze %dma_start3A_546 : memref<1x2x800xi32, #tpu.memory_space<vmem>> -> memref<2x800xi32, #tpu.memory_space<vmem>>
      %dma_start3A_548 = arith.constant 0 : i32
      %dma_start3A_549 = tpu.memref_slice %arg3[%dma_start3A_548, %add3A_536] : memref<2x3200000xi32, #tpu.memory_space<hbm>> -> memref<2x800xi32, #tpu.memory_space<hbm>>
      tpu.enqueue_dma source(%dma_start3A_549 : memref<2x800xi32, #tpu.memory_space<hbm>>) target(%dma_start3A_547 : memref<2x800xi32, #tpu.memory_space<vmem>>) target_semaphore(%arg14 : memref<!tpu.dma_semaphore, #tpu.memory_space<semaphore_mem>>)
      %dma_wait3A_550 = arith.constant 1 : i32
      %dma_wait3A_551 = arith.constant 0 : i32
      %dma_wait3A_552 = arith.constant 0 : i32
      %dma_wait3A_553 = tpu.memref_slice %arg6[%dma_wait3A_550, %dma_wait3A_551, %dma_wait3A_552] : memref<3x2x800xi32, #tpu.memory_space<vmem>> -> memref<1x2x800xi32, #tpu.memory_space<vmem>>
      %dma_wait3A_554 = tpu.memref_squeeze %dma_wait3A_553 : memref<1x2x800xi32, #tpu.memory_space<vmem>> -> memref<2x800xi32, #tpu.memory_space<vmem>>
      %dma_wait3A_555 = arith.constant 0 : i32
      %dma_wait3A_556 = tpu.memref_slice %arg3[%dma_wait3A_555, %mul3A_6] : memref<2x3200000xi32, #tpu.memory_space<hbm>> -> memref<2x800xi32, #tpu.memory_space<hbm>>
      %dma_wait3A_557 = arith.constant 0 : i32
      %dma_wait3A_558 = arith.constant 0 : i32
      %dma_wait3A_559 = tpu.memref_slice %arg6[%dma_wait3A_550, %dma_wait3A_557, %dma_wait3A_558] : memref<3x2x800xi32, #tpu.memory_space<vmem>> -> memref<1x2x800xi32, #tpu.memory_space<vmem>>
      %dma_wait3A_560 = tpu.memref_squeeze %dma_wait3A_559 : memref<1x2x800xi32, #tpu.memory_space<vmem>> -> memref<2x800xi32, #tpu.memory_space<vmem>>
      %dma_wait3A_561 = arith.constant 0 : i32
      %dma_wait3A_562 = tpu.memref_slice %arg3[%dma_wait3A_561, %mul3A_6] : memref<2x3200000xi32, #tpu.memory_space<hbm>> -> memref<2x800xi32, #tpu.memory_space<hbm>>
      tpu.wait_dma2 semaphore(%arg13 : memref<!tpu.dma_semaphore, #tpu.memory_space<semaphore_mem>>) src(%dma_wait3A_562 : memref<2x800xi32, #tpu.memory_space<hbm>>) dst(%dma_wait3A_560 : memref<2x800xi32, #tpu.memory_space<vmem>>)
      %dma_start3A_563 = arith.constant 1 : i32
      %dma_start3A_564 = arith.constant 0 : i32
      %dma_start3A_565 = arith.constant 1 : i32
      %dma_start3A_566 = arith.constant 0 : i32
      %dma_start3A_567 = arith.constant 0 : i32
      %dma_start3A_568 = tpu.memref_slice %arg7[%dma_start3A_565, %dma_start3A_566, %dma_start3A_567] : memref<2x800x16xf32, #tpu.memory_space<vmem>> -> memref<1x800x16xf32, #tpu.memory_space<vmem>>
      %dma_start3A_569 = tpu.memref_squeeze %dma_start3A_568 : memref<1x800x16xf32, #tpu.memory_space<vmem>> -> memref<800x16xf32, #tpu.memory_space<vmem>>
      %dma_start3A_570 = arith.constant 0 : i32
      %dma_start3A_571 = tpu.memref_slice %arg6[%dma_start3A_563, %dma_start3A_564, %dma_start3A_570] : memref<3x2x800xi32, #tpu.memory_space<vmem>> -> memref<1x1x800xi32, #tpu.memory_space<vmem>>
      %dma_start3A_572 = tpu.memref_squeeze %dma_start3A_571 : memref<1x1x800xi32, #tpu.memory_space<vmem>> -> memref<800xi32, #tpu.memory_space<vmem>>
      %dma_start3A_573 = arith.constant 0 : i32
      %dma_start3A_574 = arith.constant 0 : i32
      %dma_start3A_575 = tpu.memref_slice %arg2[%dma_start3A_573, %dma_start3A_574] : memref<100032x16xf32, #tpu.memory_space<hbm>> -> memref<100032x16xf32, #tpu.memory_space<hbm>>
      tpu.enqueue_indirect_dma source(%dma_start3A_575 : memref<100032x16xf32, #tpu.memory_space<hbm>>) target(%dma_start3A_569 : memref<800x16xf32, #tpu.memory_space<vmem>>) offsets(%dma_start3A_572 : memref<800xi32, #tpu.memory_space<vmem>>) semaphore(%arg9 : memref<!tpu.dma_semaphore, #tpu.memory_space<semaphore_mem>>)
      %dma_wait3A_576 = arith.constant 0 : i32
      %dma_wait3A_577 = arith.constant 0 : i32
      %dma_wait3A_578 = arith.constant 0 : i32
      %dma_wait3A_579 = arith.constant 0 : i32
      %dma_wait3A_580 = arith.constant 0 : i32
      %dma_wait3A_581 = tpu.memref_slice %arg7[%dma_wait3A_578, %dma_wait3A_579, %dma_wait3A_580] : memref<2x800x16xf32, #tpu.memory_space<vmem>> -> memref<1x800x16xf32, #tpu.memory_space<vmem>>
      %dma_wait3A_582 = tpu.memref_squeeze %dma_wait3A_581 : memref<1x800x16xf32, #tpu.memory_space<vmem>> -> memref<800x16xf32, #tpu.memory_space<vmem>>
      %dma_wait3A_583 = arith.constant 0 : i32
      %dma_wait3A_584 = tpu.memref_slice %arg6[%dma_wait3A_576, %dma_wait3A_577, %dma_wait3A_583] : memref<3x2x800xi32, #tpu.memory_space<vmem>> -> memref<1x1x800xi32, #tpu.memory_space<vmem>>
      %dma_wait3A_585 = tpu.memref_squeeze %dma_wait3A_584 : memref<1x1x800xi32, #tpu.memory_space<vmem>> -> memref<800xi32, #tpu.memory_space<vmem>>
      %dma_wait3A_586 = arith.constant 0 : i32
      %dma_wait3A_587 = arith.constant 0 : i32
      %dma_wait3A_588 = tpu.memref_slice %arg2[%dma_wait3A_586, %dma_wait3A_587] : memref<100032x16xf32, #tpu.memory_space<hbm>> -> memref<100032x16xf32, #tpu.memory_space<hbm>>
      tpu.wait_indirect_dma semaphore(%arg8 : memref<!tpu.dma_semaphore, #tpu.memory_space<semaphore_mem>>) src(%dma_wait3A_588 : memref<100032x16xf32, #tpu.memory_space<hbm>>) dst(%dma_wait3A_582 : memref<800x16xf32, #tpu.memory_space<vmem>>)
      %dma_start3A_589 = arith.constant 0 : i32
      %dma_start3A_590 = arith.constant 0 : i32
      %dma_start3A_591 = arith.constant 1 : i32
      %dma_start3A_592 = arith.constant 0 : i32
      %dma_start3A_593 = arith.constant 0 : i32
      %dma_start3A_594 = tpu.memref_slice %arg7[%dma_start3A_589, %dma_start3A_592, %dma_start3A_593] : memref<2x800x16xf32, #tpu.memory_space<vmem>> -> memref<1x800x16xf32, #tpu.memory_space<vmem>>
      %dma_start3A_595 = tpu.memref_squeeze %dma_start3A_594 : memref<1x800x16xf32, #tpu.memory_space<vmem>> -> memref<800x16xf32, #tpu.memory_space<vmem>>
      %dma_start3A_596 = arith.constant 0 : i32
      %dma_start3A_597 = tpu.memref_slice %arg6[%dma_start3A_590, %dma_start3A_591, %dma_start3A_596] : memref<3x2x800xi32, #tpu.memory_space<vmem>> -> memref<1x1x800xi32, #tpu.memory_space<vmem>>
      %dma_start3A_598 = tpu.memref_squeeze %dma_start3A_597 : memref<1x1x800xi32, #tpu.memory_space<vmem>> -> memref<800xi32, #tpu.memory_space<vmem>>
      %dma_start3A_599 = arith.constant 0 : i32
      %dma_start3A_600 = arith.constant 0 : i32
      %dma_start3A_601 = tpu.memref_slice %arg15[%dma_start3A_599, %dma_start3A_600] : memref<100032x16xf32, #tpu.memory_space<vmem_shared>> -> memref<100032x16xf32, #tpu.memory_space<vmem_shared>>
      tpu.enqueue_indirect_dma source(%dma_start3A_595 : memref<800x16xf32, #tpu.memory_space<vmem>>) target(%dma_start3A_601 : memref<100032x16xf32, #tpu.memory_space<vmem_shared>>) offsets(%dma_start3A_598 : memref<800xi32, #tpu.memory_space<vmem>>) semaphore(%arg10 : memref<!tpu.dma_semaphore, #tpu.memory_space<semaphore_mem>>) {add = true}
      %mul3A_602 = arith.constant 6 : i32
      %mul3A_603 = arith.muli %mul3A_602, %scan3A_467 : i32
      %add3A_604 = arith.constant 2 : i32
      %add3A_605 = arith.addi %mul3A_603, %add3A_604 : i32
      %dma_wait3A_606 = arith.constant 0 : i32
      %dma_wait3A_607 = arith.constant 0 : i32
      %dma_wait3A_608 = arith.constant 1 : i32
      %dma_wait3A_609 = arith.constant 0 : i32
      %dma_wait3A_610 = arith.constant 0 : i32
      %dma_wait3A_611 = tpu.memref_slice %arg7[%dma_wait3A_606, %dma_wait3A_609, %dma_wait3A_610] : memref<2x800x16xf32, #tpu.memory_space<vmem>> -> memref<1x800x16xf32, #tpu.memory_space<vmem>>
      %dma_wait3A_612 = tpu.memref_squeeze %dma_wait3A_611 : memref<1x800x16xf32, #tpu.memory_space<vmem>> -> memref<800x16xf32, #tpu.memory_space<vmem>>
      %dma_wait3A_613 = arith.constant 0 : i32
      %dma_wait3A_614 = tpu.memref_slice %arg6[%dma_wait3A_607, %dma_wait3A_608, %dma_wait3A_613] : memref<3x2x800xi32, #tpu.memory_space<vmem>> -> memref<1x1x800xi32, #tpu.memory_space<vmem>>
      %dma_wait3A_615 = tpu.memref_squeeze %dma_wait3A_614 : memref<1x1x800xi32, #tpu.memory_space<vmem>> -> memref<800xi32, #tpu.memory_space<vmem>>
      %dma_wait3A_616 = arith.constant 0 : i32
      %dma_wait3A_617 = arith.constant 0 : i32
      %dma_wait3A_618 = tpu.memref_slice %arg15[%dma_wait3A_616, %dma_wait3A_617] : memref<100032x16xf32, #tpu.memory_space<vmem_shared>> -> memref<100032x16xf32, #tpu.memory_space<vmem_shared>>
      tpu.wait_indirect_dma semaphore(%arg10 : memref<!tpu.dma_semaphore, #tpu.memory_space<semaphore_mem>>) src(%dma_wait3A_612 : memref<800x16xf32, #tpu.memory_space<vmem>>) dst(%dma_wait3A_618 : memref<100032x16xf32, #tpu.memory_space<vmem_shared>>)
      %add3A_619 = arith.constant 1 : i32
      %add3A_620 = arith.addi %add3A_605, %add3A_619 : i32
      %mul3A_621 = arith.constant 800 : i32
      %mul3A_622 = arith.muli %add3A_620, %mul3A_621 : i32
      %add3A_623 = arith.addi %mul3A_6, %mul3A_622 : i32
      %dma_start3A_624 = arith.constant 0 : i32
      %dma_start3A_625 = arith.constant 0 : i32
      %dma_start3A_626 = arith.constant 0 : i32
      %dma_start3A_627 = tpu.memref_slice %arg6[%dma_start3A_624, %dma_start3A_625, %dma_start3A_626] : memref<3x2x800xi32, #tpu.memory_space<vmem>> -> memref<1x2x800xi32, #tpu.memory_space<vmem>>
      %dma_start3A_628 = tpu.memref_squeeze %dma_start3A_627 : memref<1x2x800xi32, #tpu.memory_space<vmem>> -> memref<2x800xi32, #tpu.memory_space<vmem>>
      %dma_start3A_629 = arith.constant 0 : i32
      %dma_start3A_630 = tpu.memref_slice %arg3[%dma_start3A_629, %add3A_623] : memref<2x3200000xi32, #tpu.memory_space<hbm>> -> memref<2x800xi32, #tpu.memory_space<hbm>>
      %dma_start3A_631 = arith.constant 0 : i32
      %dma_start3A_632 = arith.constant 0 : i32
      %dma_start3A_633 = tpu.memref_slice %arg6[%dma_start3A_624, %dma_start3A_631, %dma_start3A_632] : memref<3x2x800xi32, #tpu.memory_space<vmem>> -> memref<1x2x800xi32, #tpu.memory_space<vmem>>
      %dma_start3A_634 = tpu.memref_squeeze %dma_start3A_633 : memref<1x2x800xi32, #tpu.memory_space<vmem>> -> memref<2x800xi32, #tpu.memory_space<vmem>>
      %dma_start3A_635 = arith.constant 0 : i32
      %dma_start3A_636 = tpu.memref_slice %arg3[%dma_start3A_635, %add3A_623] : memref<2x3200000xi32, #tpu.memory_space<hbm>> -> memref<2x800xi32, #tpu.memory_space<hbm>>
      tpu.enqueue_dma source(%dma_start3A_636 : memref<2x800xi32, #tpu.memory_space<hbm>>) target(%dma_start3A_634 : memref<2x800xi32, #tpu.memory_space<vmem>>) target_semaphore(%arg12 : memref<!tpu.dma_semaphore, #tpu.memory_space<semaphore_mem>>)
      %dma_wait3A_637 = arith.constant 2 : i32
      %dma_wait3A_638 = arith.constant 0 : i32
      %dma_wait3A_639 = arith.constant 0 : i32
      %dma_wait3A_640 = tpu.memref_slice %arg6[%dma_wait3A_637, %dma_wait3A_638, %dma_wait3A_639] : memref<3x2x800xi32, #tpu.memory_space<vmem>> -> memref<1x2x800xi32, #tpu.memory_space<vmem>>
      %dma_wait3A_641 = tpu.memref_squeeze %dma_wait3A_640 : memref<1x2x800xi32, #tpu.memory_space<vmem>> -> memref<2x800xi32, #tpu.memory_space<vmem>>
      %dma_wait3A_642 = arith.constant 0 : i32
      %dma_wait3A_643 = tpu.memref_slice %arg3[%dma_wait3A_642, %mul3A_6] : memref<2x3200000xi32, #tpu.memory_space<hbm>> -> memref<2x800xi32, #tpu.memory_space<hbm>>
      %dma_wait3A_644 = arith.constant 0 : i32
      %dma_wait3A_645 = arith.constant 0 : i32
      %dma_wait3A_646 = tpu.memref_slice %arg6[%dma_wait3A_637, %dma_wait3A_644, %dma_wait3A_645] : memref<3x2x800xi32, #tpu.memory_space<vmem>> -> memref<1x2x800xi32, #tpu.memory_space<vmem>>
      %dma_wait3A_647 = tpu.memref_squeeze %dma_wait3A_646 : memref<1x2x800xi32, #tpu.memory_space<vmem>> -> memref<2x800xi32, #tpu.memory_space<vmem>>
      %dma_wait3A_648 = arith.constant 0 : i32
      %dma_wait3A_649 = tpu.memref_slice %arg3[%dma_wait3A_648, %mul3A_6] : memref<2x3200000xi32, #tpu.memory_space<hbm>> -> memref<2x800xi32, #tpu.memory_space<hbm>>
      tpu.wait_dma2 semaphore(%arg14 : memref<!tpu.dma_semaphore, #tpu.memory_space<semaphore_mem>>) src(%dma_wait3A_649 : memref<2x800xi32, #tpu.memory_space<hbm>>) dst(%dma_wait3A_647 : memref<2x800xi32, #tpu.memory_space<vmem>>)
      %dma_start3A_650 = arith.constant 2 : i32
      %dma_start3A_651 = arith.constant 0 : i32
      %dma_start3A_652 = arith.constant 0 : i32
      %dma_start3A_653 = arith.constant 0 : i32
      %dma_start3A_654 = arith.constant 0 : i32
      %dma_start3A_655 = tpu.memref_slice %arg7[%dma_start3A_652, %dma_start3A_653, %dma_start3A_654] : memref<2x800x16xf32, #tpu.memory_space<vmem>> -> memref<1x800x16xf32, #tpu.memory_space<vmem>>
      %dma_start3A_656 = tpu.memref_squeeze %dma_start3A_655 : memref<1x800x16xf32, #tpu.memory_space<vmem>> -> memref<800x16xf32, #tpu.memory_space<vmem>>
      %dma_start3A_657 = arith.constant 0 : i32
      %dma_start3A_658 = tpu.memref_slice %arg6[%dma_start3A_650, %dma_start3A_651, %dma_start3A_657] : memref<3x2x800xi32, #tpu.memory_space<vmem>> -> memref<1x1x800xi32, #tpu.memory_space<vmem>>
      %dma_start3A_659 = tpu.memref_squeeze %dma_start3A_658 : memref<1x1x800xi32, #tpu.memory_space<vmem>> -> memref<800xi32, #tpu.memory_space<vmem>>
      %dma_start3A_660 = arith.constant 0 : i32
      %dma_start3A_661 = arith.constant 0 : i32
      %dma_start3A_662 = tpu.memref_slice %arg2[%dma_start3A_660, %dma_start3A_661] : memref<100032x16xf32, #tpu.memory_space<hbm>> -> memref<100032x16xf32, #tpu.memory_space<hbm>>
      tpu.enqueue_indirect_dma source(%dma_start3A_662 : memref<100032x16xf32, #tpu.memory_space<hbm>>) target(%dma_start3A_656 : memref<800x16xf32, #tpu.memory_space<vmem>>) offsets(%dma_start3A_659 : memref<800xi32, #tpu.memory_space<vmem>>) semaphore(%arg8 : memref<!tpu.dma_semaphore, #tpu.memory_space<semaphore_mem>>)
      %dma_wait3A_663 = arith.constant 1 : i32
      %dma_wait3A_664 = arith.constant 0 : i32
      %dma_wait3A_665 = arith.constant 1 : i32
      %dma_wait3A_666 = arith.constant 0 : i32
      %dma_wait3A_667 = arith.constant 0 : i32
      %dma_wait3A_668 = tpu.memref_slice %arg7[%dma_wait3A_665, %dma_wait3A_666, %dma_wait3A_667] : memref<2x800x16xf32, #tpu.memory_space<vmem>> -> memref<1x800x16xf32, #tpu.memory_space<vmem>>
      %dma_wait3A_669 = tpu.memref_squeeze %dma_wait3A_668 : memref<1x800x16xf32, #tpu.memory_space<vmem>> -> memref<800x16xf32, #tpu.memory_space<vmem>>
      %dma_wait3A_670 = arith.constant 0 : i32
      %dma_wait3A_671 = tpu.memref_slice %arg6[%dma_wait3A_663, %dma_wait3A_664, %dma_wait3A_670] : memref<3x2x800xi32, #tpu.memory_space<vmem>> -> memref<1x1x800xi32, #tpu.memory_space<vmem>>
      %dma_wait3A_672 = tpu.memref_squeeze %dma_wait3A_671 : memref<1x1x800xi32, #tpu.memory_space<vmem>> -> memref<800xi32, #tpu.memory_space<vmem>>
      %dma_wait3A_673 = arith.constant 0 : i32
      %dma_wait3A_674 = arith.constant 0 : i32
      %dma_wait3A_675 = tpu.memref_slice %arg2[%dma_wait3A_673, %dma_wait3A_674] : memref<100032x16xf32, #tpu.memory_space<hbm>> -> memref<100032x16xf32, #tpu.memory_space<hbm>>
      tpu.wait_indirect_dma semaphore(%arg9 : memref<!tpu.dma_semaphore, #tpu.memory_space<semaphore_mem>>) src(%dma_wait3A_675 : memref<100032x16xf32, #tpu.memory_space<hbm>>) dst(%dma_wait3A_669 : memref<800x16xf32, #tpu.memory_space<vmem>>)
      %dma_start3A_676 = arith.constant 1 : i32
      %dma_start3A_677 = arith.constant 1 : i32
      %dma_start3A_678 = arith.constant 1 : i32
      %dma_start3A_679 = arith.constant 0 : i32
      %dma_start3A_680 = arith.constant 0 : i32
      %dma_start3A_681 = tpu.memref_slice %arg7[%dma_start3A_676, %dma_start3A_679, %dma_start3A_680] : memref<2x800x16xf32, #tpu.memory_space<vmem>> -> memref<1x800x16xf32, #tpu.memory_space<vmem>>
      %dma_start3A_682 = tpu.memref_squeeze %dma_start3A_681 : memref<1x800x16xf32, #tpu.memory_space<vmem>> -> memref<800x16xf32, #tpu.memory_space<vmem>>
      %dma_start3A_683 = arith.constant 0 : i32
      %dma_start3A_684 = tpu.memref_slice %arg6[%dma_start3A_677, %dma_start3A_678, %dma_start3A_683] : memref<3x2x800xi32, #tpu.memory_space<vmem>> -> memref<1x1x800xi32, #tpu.memory_space<vmem>>
      %dma_start3A_685 = tpu.memref_squeeze %dma_start3A_684 : memref<1x1x800xi32, #tpu.memory_space<vmem>> -> memref<800xi32, #tpu.memory_space<vmem>>
      %dma_start3A_686 = arith.constant 0 : i32
      %dma_start3A_687 = arith.constant 0 : i32
      %dma_start3A_688 = tpu.memref_slice %arg15[%dma_start3A_686, %dma_start3A_687] : memref<100032x16xf32, #tpu.memory_space<vmem_shared>> -> memref<100032x16xf32, #tpu.memory_space<vmem_shared>>
      tpu.enqueue_indirect_dma source(%dma_start3A_682 : memref<800x16xf32, #tpu.memory_space<vmem>>) target(%dma_start3A_688 : memref<100032x16xf32, #tpu.memory_space<vmem_shared>>) offsets(%dma_start3A_685 : memref<800xi32, #tpu.memory_space<vmem>>) semaphore(%arg11 : memref<!tpu.dma_semaphore, #tpu.memory_space<semaphore_mem>>) {add = true}
      %mul3A_689 = arith.constant 6 : i32
      %mul3A_690 = arith.muli %mul3A_689, %scan3A_467 : i32
      %add3A_691 = arith.constant 3 : i32
      %add3A_692 = arith.addi %mul3A_690, %add3A_691 : i32
      %dma_wait3A_693 = arith.constant 1 : i32
      %dma_wait3A_694 = arith.constant 1 : i32
      %dma_wait3A_695 = arith.constant 1 : i32
      %dma_wait3A_696 = arith.constant 0 : i32
      %dma_wait3A_697 = arith.constant 0 : i32
      %dma_wait3A_698 = tpu.memref_slice %arg7[%dma_wait3A_693, %dma_wait3A_696, %dma_wait3A_697] : memref<2x800x16xf32, #tpu.memory_space<vmem>> -> memref<1x800x16xf32, #tpu.memory_space<vmem>>
      %dma_wait3A_699 = tpu.memref_squeeze %dma_wait3A_698 : memref<1x800x16xf32, #tpu.memory_space<vmem>> -> memref<800x16xf32, #tpu.memory_space<vmem>>
      %dma_wait3A_700 = arith.constant 0 : i32
      %dma_wait3A_701 = tpu.memref_slice %arg6[%dma_wait3A_694, %dma_wait3A_695, %dma_wait3A_700] : memref<3x2x800xi32, #tpu.memory_space<vmem>> -> memref<1x1x800xi32, #tpu.memory_space<vmem>>
      %dma_wait3A_702 = tpu.memref_squeeze %dma_wait3A_701 : memref<1x1x800xi32, #tpu.memory_space<vmem>> -> memref<800xi32, #tpu.memory_space<vmem>>
      %dma_wait3A_703 = arith.constant 0 : i32
      %dma_wait3A_704 = arith.constant 0 : i32
      %dma_wait3A_705 = tpu.memref_slice %arg15[%dma_wait3A_703, %dma_wait3A_704] : memref<100032x16xf32, #tpu.memory_space<vmem_shared>> -> memref<100032x16xf32, #tpu.memory_space<vmem_shared>>
      tpu.wait_indirect_dma semaphore(%arg11 : memref<!tpu.dma_semaphore, #tpu.memory_space<semaphore_mem>>) src(%dma_wait3A_699 : memref<800x16xf32, #tpu.memory_space<vmem>>) dst(%dma_wait3A_705 : memref<100032x16xf32, #tpu.memory_space<vmem_shared>>)
      %add3A_706 = arith.constant 1 : i32
      %add3A_707 = arith.addi %add3A_692, %add3A_706 : i32
      %mul3A_708 = arith.constant 800 : i32
      %mul3A_709 = arith.muli %add3A_707, %mul3A_708 : i32
      %add3A_710 = arith.addi %mul3A_6, %mul3A_709 : i32
      %dma_start3A_711 = arith.constant 1 : i32
      %dma_start3A_712 = arith.constant 0 : i32
      %dma_start3A_713 = arith.constant 0 : i32
      %dma_start3A_714 = tpu.memref_slice %arg6[%dma_start3A_711, %dma_start3A_712, %dma_start3A_713] : memref<3x2x800xi32, #tpu.memory_space<vmem>> -> memref<1x2x800xi32, #tpu.memory_space<vmem>>
      %dma_start3A_715 = tpu.memref_squeeze %dma_start3A_714 : memref<1x2x800xi32, #tpu.memory_space<vmem>> -> memref<2x800xi32, #tpu.memory_space<vmem>>
      %dma_start3A_716 = arith.constant 0 : i32
      %dma_start3A_717 = tpu.memref_slice %arg3[%dma_start3A_716, %add3A_710] : memref<2x3200000xi32, #tpu.memory_space<hbm>> -> memref<2x800xi32, #tpu.memory_space<hbm>>
      %dma_start3A_718 = arith.constant 0 : i32
      %dma_start3A_719 = arith.constant 0 : i32
      %dma_start3A_720 = tpu.memref_slice %arg6[%dma_start3A_711, %dma_start3A_718, %dma_start3A_719] : memref<3x2x800xi32, #tpu.memory_space<vmem>> -> memref<1x2x800xi32, #tpu.memory_space<vmem>>
      %dma_start3A_721 = tpu.memref_squeeze %dma_start3A_720 : memref<1x2x800xi32, #tpu.memory_space<vmem>> -> memref<2x800xi32, #tpu.memory_space<vmem>>
      %dma_start3A_722 = arith.constant 0 : i32
      %dma_start3A_723 = tpu.memref_slice %arg3[%dma_start3A_722, %add3A_710] : memref<2x3200000xi32, #tpu.memory_space<hbm>> -> memref<2x800xi32, #tpu.memory_space<hbm>>
      tpu.enqueue_dma source(%dma_start3A_723 : memref<2x800xi32, #tpu.memory_space<hbm>>) target(%dma_start3A_721 : memref<2x800xi32, #tpu.memory_space<vmem>>) target_semaphore(%arg13 : memref<!tpu.dma_semaphore, #tpu.memory_space<semaphore_mem>>)
      %dma_wait3A_724 = arith.constant 0 : i32
      %dma_wait3A_725 = arith.constant 0 : i32
      %dma_wait3A_726 = arith.constant 0 : i32
      %dma_wait3A_727 = tpu.memref_slice %arg6[%dma_wait3A_724, %dma_wait3A_725, %dma_wait3A_726] : memref<3x2x800xi32, #tpu.memory_space<vmem>> -> memref<1x2x800xi32, #tpu.memory_space<vmem>>
      %dma_wait3A_728 = tpu.memref_squeeze %dma_wait3A_727 : memref<1x2x800xi32, #tpu.memory_space<vmem>> -> memref<2x800xi32, #tpu.memory_space<vmem>>
      %dma_wait3A_729 = arith.constant 0 : i32
      %dma_wait3A_730 = tpu.memref_slice %arg3[%dma_wait3A_729, %mul3A_6] : memref<2x3200000xi32, #tpu.memory_space<hbm>> -> memref<2x800xi32, #tpu.memory_space<hbm>>
      %dma_wait3A_731 = arith.constant 0 : i32
      %dma_wait3A_732 = arith.constant 0 : i32
      %dma_wait3A_733 = tpu.memref_slice %arg6[%dma_wait3A_724, %dma_wait3A_731, %dma_wait3A_732] : memref<3x2x800xi32, #tpu.memory_space<vmem>> -> memref<1x2x800xi32, #tpu.memory_space<vmem>>
      %dma_wait3A_734 = tpu.memref_squeeze %dma_wait3A_733 : memref<1x2x800xi32, #tpu.memory_space<vmem>> -> memref<2x800xi32, #tpu.memory_space<vmem>>
      %dma_wait3A_735 = arith.constant 0 : i32
      %dma_wait3A_736 = tpu.memref_slice %arg3[%dma_wait3A_735, %mul3A_6] : memref<2x3200000xi32, #tpu.memory_space<hbm>> -> memref<2x800xi32, #tpu.memory_space<hbm>>
      tpu.wait_dma2 semaphore(%arg12 : memref<!tpu.dma_semaphore, #tpu.memory_space<semaphore_mem>>) src(%dma_wait3A_736 : memref<2x800xi32, #tpu.memory_space<hbm>>) dst(%dma_wait3A_734 : memref<2x800xi32, #tpu.memory_space<vmem>>)
      %dma_start3A_737 = arith.constant 0 : i32
      %dma_start3A_738 = arith.constant 0 : i32
      %dma_start3A_739 = arith.constant 1 : i32
      %dma_start3A_740 = arith.constant 0 : i32
      %dma_start3A_741 = arith.constant 0 : i32
      %dma_start3A_742 = tpu.memref_slice %arg7[%dma_start3A_739, %dma_start3A_740, %dma_start3A_741] : memref<2x800x16xf32, #tpu.memory_space<vmem>> -> memref<1x800x16xf32, #tpu.memory_space<vmem>>
      %dma_start3A_743 = tpu.memref_squeeze %dma_start3A_742 : memref<1x800x16xf32, #tpu.memory_space<vmem>> -> memref<800x16xf32, #tpu.memory_space<vmem>>
      %dma_start3A_744 = arith.constant 0 : i32
      %dma_start3A_745 = tpu.memref_slice %arg6[%dma_start3A_737, %dma_start3A_738, %dma_start3A_744] : memref<3x2x800xi32, #tpu.memory_space<vmem>> -> memref<1x1x800xi32, #tpu.memory_space<vmem>>
      %dma_start3A_746 = tpu.memref_squeeze %dma_start3A_745 : memref<1x1x800xi32, #tpu.memory_space<vmem>> -> memref<800xi32, #tpu.memory_space<vmem>>
      %dma_start3A_747 = arith.constant 0 : i32
      %dma_start3A_748 = arith.constant 0 : i32
      %dma_start3A_749 = tpu.memref_slice %arg2[%dma_start3A_747, %dma_start3A_748] : memref<100032x16xf32, #tpu.memory_space<hbm>> -> memref<100032x16xf32, #tpu.memory_space<hbm>>
      tpu.enqueue_indirect_dma source(%dma_start3A_749 : memref<100032x16xf32, #tpu.memory_space<hbm>>) target(%dma_start3A_743 : memref<800x16xf32, #tpu.memory_space<vmem>>) offsets(%dma_start3A_746 : memref<800xi32, #tpu.memory_space<vmem>>) semaphore(%arg9 : memref<!tpu.dma_semaphore, #tpu.memory_space<semaphore_mem>>)
      %dma_wait3A_750 = arith.constant 2 : i32
      %dma_wait3A_751 = arith.constant 0 : i32
      %dma_wait3A_752 = arith.constant 0 : i32
      %dma_wait3A_753 = arith.constant 0 : i32
      %dma_wait3A_754 = arith.constant 0 : i32
      %dma_wait3A_755 = tpu.memref_slice %arg7[%dma_wait3A_752, %dma_wait3A_753, %dma_wait3A_754] : memref<2x800x16xf32, #tpu.memory_space<vmem>> -> memref<1x800x16xf32, #tpu.memory_space<vmem>>
      %dma_wait3A_756 = tpu.memref_squeeze %dma_wait3A_755 : memref<1x800x16xf32, #tpu.memory_space<vmem>> -> memref<800x16xf32, #tpu.memory_space<vmem>>
      %dma_wait3A_757 = arith.constant 0 : i32
      %dma_wait3A_758 = tpu.memref_slice %arg6[%dma_wait3A_750, %dma_wait3A_751, %dma_wait3A_757] : memref<3x2x800xi32, #tpu.memory_space<vmem>> -> memref<1x1x800xi32, #tpu.memory_space<vmem>>
      %dma_wait3A_759 = tpu.memref_squeeze %dma_wait3A_758 : memref<1x1x800xi32, #tpu.memory_space<vmem>> -> memref<800xi32, #tpu.memory_space<vmem>>
      %dma_wait3A_760 = arith.constant 0 : i32
      %dma_wait3A_761 = arith.constant 0 : i32
      %dma_wait3A_762 = tpu.memref_slice %arg2[%dma_wait3A_760, %dma_wait3A_761] : memref<100032x16xf32, #tpu.memory_space<hbm>> -> memref<100032x16xf32, #tpu.memory_space<hbm>>
      tpu.wait_indirect_dma semaphore(%arg8 : memref<!tpu.dma_semaphore, #tpu.memory_space<semaphore_mem>>) src(%dma_wait3A_762 : memref<100032x16xf32, #tpu.memory_space<hbm>>) dst(%dma_wait3A_756 : memref<800x16xf32, #tpu.memory_space<vmem>>)
      %dma_start3A_763 = arith.constant 0 : i32
      %dma_start3A_764 = arith.constant 2 : i32
      %dma_start3A_765 = arith.constant 1 : i32
      %dma_start3A_766 = arith.constant 0 : i32
      %dma_start3A_767 = arith.constant 0 : i32
      %dma_start3A_768 = tpu.memref_slice %arg7[%dma_start3A_763, %dma_start3A_766, %dma_start3A_767] : memref<2x800x16xf32, #tpu.memory_space<vmem>> -> memref<1x800x16xf32, #tpu.memory_space<vmem>>
      %dma_start3A_769 = tpu.memref_squeeze %dma_start3A_768 : memref<1x800x16xf32, #tpu.memory_space<vmem>> -> memref<800x16xf32, #tpu.memory_space<vmem>>
      %dma_start3A_770 = arith.constant 0 : i32
      %dma_start3A_771 = tpu.memref_slice %arg6[%dma_start3A_764, %dma_start3A_765, %dma_start3A_770] : memref<3x2x800xi32, #tpu.memory_space<vmem>> -> memref<1x1x800xi32, #tpu.memory_space<vmem>>
      %dma_start3A_772 = tpu.memref_squeeze %dma_start3A_771 : memref<1x1x800xi32, #tpu.memory_space<vmem>> -> memref<800xi32, #tpu.memory_space<vmem>>
      %dma_start3A_773 = arith.constant 0 : i32
      %dma_start3A_774 = arith.constant 0 : i32
      %dma_start3A_775 = tpu.memref_slice %arg15[%dma_start3A_773, %dma_start3A_774] : memref<100032x16xf32, #tpu.memory_space<vmem_shared>> -> memref<100032x16xf32, #tpu.memory_space<vmem_shared>>
      tpu.enqueue_indirect_dma source(%dma_start3A_769 : memref<800x16xf32, #tpu.memory_space<vmem>>) target(%dma_start3A_775 : memref<100032x16xf32, #tpu.memory_space<vmem_shared>>) offsets(%dma_start3A_772 : memref<800xi32, #tpu.memory_space<vmem>>) semaphore(%arg10 : memref<!tpu.dma_semaphore, #tpu.memory_space<semaphore_mem>>) {add = true}
      %mul3A_776 = arith.constant 6 : i32
      %mul3A_777 = arith.muli %mul3A_776, %scan3A_467 : i32
      %add3A_778 = arith.constant 4 : i32
      %add3A_779 = arith.addi %mul3A_777, %add3A_778 : i32
      %dma_wait3A_780 = arith.constant 0 : i32
      %dma_wait3A_781 = arith.constant 2 : i32
      %dma_wait3A_782 = arith.constant 1 : i32
      %dma_wait3A_783 = arith.constant 0 : i32
      %dma_wait3A_784 = arith.constant 0 : i32
      %dma_wait3A_785 = tpu.memref_slice %arg7[%dma_wait3A_780, %dma_wait3A_783, %dma_wait3A_784] : memref<2x800x16xf32, #tpu.memory_space<vmem>> -> memref<1x800x16xf32, #tpu.memory_space<vmem>>
      %dma_wait3A_786 = tpu.memref_squeeze %dma_wait3A_785 : memref<1x800x16xf32, #tpu.memory_space<vmem>> -> memref<800x16xf32, #tpu.memory_space<vmem>>
      %dma_wait3A_787 = arith.constant 0 : i32
      %dma_wait3A_788 = tpu.memref_slice %arg6[%dma_wait3A_781, %dma_wait3A_782, %dma_wait3A_787] : memref<3x2x800xi32, #tpu.memory_space<vmem>> -> memref<1x1x800xi32, #tpu.memory_space<vmem>>
      %dma_wait3A_789 = tpu.memref_squeeze %dma_wait3A_788 : memref<1x1x800xi32, #tpu.memory_space<vmem>> -> memref<800xi32, #tpu.memory_space<vmem>>
      %dma_wait3A_790 = arith.constant 0 : i32
      %dma_wait3A_791 = arith.constant 0 : i32
      %dma_wait3A_792 = tpu.memref_slice %arg15[%dma_wait3A_790, %dma_wait3A_791] : memref<100032x16xf32, #tpu.memory_space<vmem_shared>> -> memref<100032x16xf32, #tpu.memory_space<vmem_shared>>
      tpu.wait_indirect_dma semaphore(%arg10 : memref<!tpu.dma_semaphore, #tpu.memory_space<semaphore_mem>>) src(%dma_wait3A_786 : memref<800x16xf32, #tpu.memory_space<vmem>>) dst(%dma_wait3A_792 : memref<100032x16xf32, #tpu.memory_space<vmem_shared>>)
      %add3A_793 = arith.constant 1 : i32
      %add3A_794 = arith.addi %add3A_779, %add3A_793 : i32
      %mul3A_795 = arith.constant 800 : i32
      %mul3A_796 = arith.muli %add3A_794, %mul3A_795 : i32
      %add3A_797 = arith.addi %mul3A_6, %mul3A_796 : i32
      %dma_start3A_798 = arith.constant 2 : i32
      %dma_start3A_799 = arith.constant 0 : i32
      %dma_start3A_800 = arith.constant 0 : i32
      %dma_start3A_801 = tpu.memref_slice %arg6[%dma_start3A_798, %dma_start3A_799, %dma_start3A_800] : memref<3x2x800xi32, #tpu.memory_space<vmem>> -> memref<1x2x800xi32, #tpu.memory_space<vmem>>
      %dma_start3A_802 = tpu.memref_squeeze %dma_start3A_801 : memref<1x2x800xi32, #tpu.memory_space<vmem>> -> memref<2x800xi32, #tpu.memory_space<vmem>>
      %dma_start3A_803 = arith.constant 0 : i32
      %dma_start3A_804 = tpu.memref_slice %arg3[%dma_start3A_803, %add3A_797] : memref<2x3200000xi32, #tpu.memory_space<hbm>> -> memref<2x800xi32, #tpu.memory_space<hbm>>
      %dma_start3A_805 = arith.constant 0 : i32
      %dma_start3A_806 = arith.constant 0 : i32
      %dma_start3A_807 = tpu.memref_slice %arg6[%dma_start3A_798, %dma_start3A_805, %dma_start3A_806] : memref<3x2x800xi32, #tpu.memory_space<vmem>> -> memref<1x2x800xi32, #tpu.memory_space<vmem>>
      %dma_start3A_808 = tpu.memref_squeeze %dma_start3A_807 : memref<1x2x800xi32, #tpu.memory_space<vmem>> -> memref<2x800xi32, #tpu.memory_space<vmem>>
      %dma_start3A_809 = arith.constant 0 : i32
      %dma_start3A_810 = tpu.memref_slice %arg3[%dma_start3A_809, %add3A_797] : memref<2x3200000xi32, #tpu.memory_space<hbm>> -> memref<2x800xi32, #tpu.memory_space<hbm>>
      tpu.enqueue_dma source(%dma_start3A_810 : memref<2x800xi32, #tpu.memory_space<hbm>>) target(%dma_start3A_808 : memref<2x800xi32, #tpu.memory_space<vmem>>) target_semaphore(%arg14 : memref<!tpu.dma_semaphore, #tpu.memory_space<semaphore_mem>>)
      %dma_wait3A_811 = arith.constant 1 : i32
      %dma_wait3A_812 = arith.constant 0 : i32
      %dma_wait3A_813 = arith.constant 0 : i32
      %dma_wait3A_814 = tpu.memref_slice %arg6[%dma_wait3A_811, %dma_wait3A_812, %dma_wait3A_813] : memref<3x2x800xi32, #tpu.memory_space<vmem>> -> memref<1x2x800xi32, #tpu.memory_space<vmem>>
      %dma_wait3A_815 = tpu.memref_squeeze %dma_wait3A_814 : memref<1x2x800xi32, #tpu.memory_space<vmem>> -> memref<2x800xi32, #tpu.memory_space<vmem>>
      %dma_wait3A_816 = arith.constant 0 : i32
      %dma_wait3A_817 = tpu.memref_slice %arg3[%dma_wait3A_816, %mul3A_6] : memref<2x3200000xi32, #tpu.memory_space<hbm>> -> memref<2x800xi32, #tpu.memory_space<hbm>>
      %dma_wait3A_818 = arith.constant 0 : i32
      %dma_wait3A_819 = arith.constant 0 : i32
      %dma_wait3A_820 = tpu.memref_slice %arg6[%dma_wait3A_811, %dma_wait3A_818, %dma_wait3A_819] : memref<3x2x800xi32, #tpu.memory_space<vmem>> -> memref<1x2x800xi32, #tpu.memory_space<vmem>>
      %dma_wait3A_821 = tpu.memref_squeeze %dma_wait3A_820 : memref<1x2x800xi32, #tpu.memory_space<vmem>> -> memref<2x800xi32, #tpu.memory_space<vmem>>
      %dma_wait3A_822 = arith.constant 0 : i32
      %dma_wait3A_823 = tpu.memref_slice %arg3[%dma_wait3A_822, %mul3A_6] : memref<2x3200000xi32, #tpu.memory_space<hbm>> -> memref<2x800xi32, #tpu.memory_space<hbm>>
      tpu.wait_dma2 semaphore(%arg13 : memref<!tpu.dma_semaphore, #tpu.memory_space<semaphore_mem>>) src(%dma_wait3A_823 : memref<2x800xi32, #tpu.memory_space<hbm>>) dst(%dma_wait3A_821 : memref<2x800xi32, #tpu.memory_space<vmem>>)
      %dma_start3A_824 = arith.constant 1 : i32
      %dma_start3A_825 = arith.constant 0 : i32
      %dma_start3A_826 = arith.constant 0 : i32
      %dma_start3A_827 = arith.constant 0 : i32
      %dma_start3A_828 = arith.constant 0 : i32
      %dma_start3A_829 = tpu.memref_slice %arg7[%dma_start3A_826, %dma_start3A_827, %dma_start3A_828] : memref<2x800x16xf32, #tpu.memory_space<vmem>> -> memref<1x800x16xf32, #tpu.memory_space<vmem>>
      %dma_start3A_830 = tpu.memref_squeeze %dma_start3A_829 : memref<1x800x16xf32, #tpu.memory_space<vmem>> -> memref<800x16xf32, #tpu.memory_space<vmem>>
      %dma_start3A_831 = arith.constant 0 : i32
      %dma_start3A_832 = tpu.memref_slice %arg6[%dma_start3A_824, %dma_start3A_825, %dma_start3A_831] : memref<3x2x800xi32, #tpu.memory_space<vmem>> -> memref<1x1x800xi32, #tpu.memory_space<vmem>>
      %dma_start3A_833 = tpu.memref_squeeze %dma_start3A_832 : memref<1x1x800xi32, #tpu.memory_space<vmem>> -> memref<800xi32, #tpu.memory_space<vmem>>
      %dma_start3A_834 = arith.constant 0 : i32
      %dma_start3A_835 = arith.constant 0 : i32
      %dma_start3A_836 = tpu.memref_slice %arg2[%dma_start3A_834, %dma_start3A_835] : memref<100032x16xf32, #tpu.memory_space<hbm>> -> memref<100032x16xf32, #tpu.memory_space<hbm>>
      tpu.enqueue_indirect_dma source(%dma_start3A_836 : memref<100032x16xf32, #tpu.memory_space<hbm>>) target(%dma_start3A_830 : memref<800x16xf32, #tpu.memory_space<vmem>>) offsets(%dma_start3A_833 : memref<800xi32, #tpu.memory_space<vmem>>) semaphore(%arg8 : memref<!tpu.dma_semaphore, #tpu.memory_space<semaphore_mem>>)
      %dma_wait3A_837 = arith.constant 0 : i32
      %dma_wait3A_838 = arith.constant 0 : i32
      %dma_wait3A_839 = arith.constant 1 : i32
      %dma_wait3A_840 = arith.constant 0 : i32
      %dma_wait3A_841 = arith.constant 0 : i32
      %dma_wait3A_842 = tpu.memref_slice %arg7[%dma_wait3A_839, %dma_wait3A_840, %dma_wait3A_841] : memref<2x800x16xf32, #tpu.memory_space<vmem>> -> memref<1x800x16xf32, #tpu.memory_space<vmem>>
      %dma_wait3A_843 = tpu.memref_squeeze %dma_wait3A_842 : memref<1x800x16xf32, #tpu.memory_space<vmem>> -> memref<800x16xf32, #tpu.memory_space<vmem>>
      %dma_wait3A_844 = arith.constant 0 : i32
      %dma_wait3A_845 = tpu.memref_slice %arg6[%dma_wait3A_837, %dma_wait3A_838, %dma_wait3A_844] : memref<3x2x800xi32, #tpu.memory_space<vmem>> -> memref<1x1x800xi32, #tpu.memory_space<vmem>>
      %dma_wait3A_846 = tpu.memref_squeeze %dma_wait3A_845 : memref<1x1x800xi32, #tpu.memory_space<vmem>> -> memref<800xi32, #tpu.memory_space<vmem>>
      %dma_wait3A_847 = arith.constant 0 : i32
      %dma_wait3A_848 = arith.constant 0 : i32
      %dma_wait3A_849 = tpu.memref_slice %arg2[%dma_wait3A_847, %dma_wait3A_848] : memref<100032x16xf32, #tpu.memory_space<hbm>> -> memref<100032x16xf32, #tpu.memory_space<hbm>>
      tpu.wait_indirect_dma semaphore(%arg9 : memref<!tpu.dma_semaphore, #tpu.memory_space<semaphore_mem>>) src(%dma_wait3A_849 : memref<100032x16xf32, #tpu.memory_space<hbm>>) dst(%dma_wait3A_843 : memref<800x16xf32, #tpu.memory_space<vmem>>)
      %dma_start3A_850 = arith.constant 1 : i32
      %dma_start3A_851 = arith.constant 0 : i32
      %dma_start3A_852 = arith.constant 1 : i32
      %dma_start3A_853 = arith.constant 0 : i32
      %dma_start3A_854 = arith.constant 0 : i32
      %dma_start3A_855 = tpu.memref_slice %arg7[%dma_start3A_850, %dma_start3A_853, %dma_start3A_854] : memref<2x800x16xf32, #tpu.memory_space<vmem>> -> memref<1x800x16xf32, #tpu.memory_space<vmem>>
      %dma_start3A_856 = tpu.memref_squeeze %dma_start3A_855 : memref<1x800x16xf32, #tpu.memory_space<vmem>> -> memref<800x16xf32, #tpu.memory_space<vmem>>
      %dma_start3A_857 = arith.constant 0 : i32
      %dma_start3A_858 = tpu.memref_slice %arg6[%dma_start3A_851, %dma_start3A_852, %dma_start3A_857] : memref<3x2x800xi32, #tpu.memory_space<vmem>> -> memref<1x1x800xi32, #tpu.memory_space<vmem>>
      %dma_start3A_859 = tpu.memref_squeeze %dma_start3A_858 : memref<1x1x800xi32, #tpu.memory_space<vmem>> -> memref<800xi32, #tpu.memory_space<vmem>>
      %dma_start3A_860 = arith.constant 0 : i32
      %dma_start3A_861 = arith.constant 0 : i32
      %dma_start3A_862 = tpu.memref_slice %arg15[%dma_start3A_860, %dma_start3A_861] : memref<100032x16xf32, #tpu.memory_space<vmem_shared>> -> memref<100032x16xf32, #tpu.memory_space<vmem_shared>>
      tpu.enqueue_indirect_dma source(%dma_start3A_856 : memref<800x16xf32, #tpu.memory_space<vmem>>) target(%dma_start3A_862 : memref<100032x16xf32, #tpu.memory_space<vmem_shared>>) offsets(%dma_start3A_859 : memref<800xi32, #tpu.memory_space<vmem>>) semaphore(%arg11 : memref<!tpu.dma_semaphore, #tpu.memory_space<semaphore_mem>>) {add = true}
      %mul3A_863 = arith.constant 6 : i32
      %mul3A_864 = arith.muli %mul3A_863, %scan3A_467 : i32
      %add3A_865 = arith.constant 5 : i32
      %add3A_866 = arith.addi %mul3A_864, %add3A_865 : i32
      %dma_wait3A_867 = arith.constant 1 : i32
      %dma_wait3A_868 = arith.constant 0 : i32
      %dma_wait3A_869 = arith.constant 1 : i32
      %dma_wait3A_870 = arith.constant 0 : i32
      %dma_wait3A_871 = arith.constant 0 : i32
      %dma_wait3A_872 = tpu.memref_slice %arg7[%dma_wait3A_867, %dma_wait3A_870, %dma_wait3A_871] : memref<2x800x16xf32, #tpu.memory_space<vmem>> -> memref<1x800x16xf32, #tpu.memory_space<vmem>>
      %dma_wait3A_873 = tpu.memref_squeeze %dma_wait3A_872 : memref<1x800x16xf32, #tpu.memory_space<vmem>> -> memref<800x16xf32, #tpu.memory_space<vmem>>
      %dma_wait3A_874 = arith.constant 0 : i32
      %dma_wait3A_875 = tpu.memref_slice %arg6[%dma_wait3A_868, %dma_wait3A_869, %dma_wait3A_874] : memref<3x2x800xi32, #tpu.memory_space<vmem>> -> memref<1x1x800xi32, #tpu.memory_space<vmem>>
      %dma_wait3A_876 = tpu.memref_squeeze %dma_wait3A_875 : memref<1x1x800xi32, #tpu.memory_space<vmem>> -> memref<800xi32, #tpu.memory_space<vmem>>
      %dma_wait3A_877 = arith.constant 0 : i32
      %dma_wait3A_878 = arith.constant 0 : i32
      %dma_wait3A_879 = tpu.memref_slice %arg15[%dma_wait3A_877, %dma_wait3A_878] : memref<100032x16xf32, #tpu.memory_space<vmem_shared>> -> memref<100032x16xf32, #tpu.memory_space<vmem_shared>>
      tpu.wait_indirect_dma semaphore(%arg11 : memref<!tpu.dma_semaphore, #tpu.memory_space<semaphore_mem>>) src(%dma_wait3A_873 : memref<800x16xf32, #tpu.memory_space<vmem>>) dst(%dma_wait3A_879 : memref<100032x16xf32, #tpu.memory_space<vmem_shared>>)
      %add3A_880 = arith.constant 1 : i32
      %add3A_881 = arith.addi %add3A_866, %add3A_880 : i32
      %mul3A_882 = arith.constant 800 : i32
      %mul3A_883 = arith.muli %add3A_881, %mul3A_882 : i32
      %add3A_884 = arith.addi %mul3A_6, %mul3A_883 : i32
      %dma_start3A_885 = arith.constant 0 : i32
      %dma_start3A_886 = arith.constant 0 : i32
      %dma_start3A_887 = arith.constant 0 : i32
      %dma_start3A_888 = tpu.memref_slice %arg6[%dma_start3A_885, %dma_start3A_886, %dma_start3A_887] : memref<3x2x800xi32, #tpu.memory_space<vmem>> -> memref<1x2x800xi32, #tpu.memory_space<vmem>>
      %dma_start3A_889 = tpu.memref_squeeze %dma_start3A_888 : memref<1x2x800xi32, #tpu.memory_space<vmem>> -> memref<2x800xi32, #tpu.memory_space<vmem>>
      %dma_start3A_890 = arith.constant 0 : i32
      %dma_start3A_891 = tpu.memref_slice %arg3[%dma_start3A_890, %add3A_884] : memref<2x3200000xi32, #tpu.memory_space<hbm>> -> memref<2x800xi32, #tpu.memory_space<hbm>>
      %dma_start3A_892 = arith.constant 0 : i32
      %dma_start3A_893 = arith.constant 0 : i32
      %dma_start3A_894 = tpu.memref_slice %arg6[%dma_start3A_885, %dma_start3A_892, %dma_start3A_893] : memref<3x2x800xi32, #tpu.memory_space<vmem>> -> memref<1x2x800xi32, #tpu.memory_space<vmem>>
      %dma_start3A_895 = tpu.memref_squeeze %dma_start3A_894 : memref<1x2x800xi32, #tpu.memory_space<vmem>> -> memref<2x800xi32, #tpu.memory_space<vmem>>
      %dma_start3A_896 = arith.constant 0 : i32
      %dma_start3A_897 = tpu.memref_slice %arg3[%dma_start3A_896, %add3A_884] : memref<2x3200000xi32, #tpu.memory_space<hbm>> -> memref<2x800xi32, #tpu.memory_space<hbm>>
      tpu.enqueue_dma source(%dma_start3A_897 : memref<2x800xi32, #tpu.memory_space<hbm>>) target(%dma_start3A_895 : memref<2x800xi32, #tpu.memory_space<vmem>>) target_semaphore(%arg12 : memref<!tpu.dma_semaphore, #tpu.memory_space<semaphore_mem>>)
      %dma_wait3A_898 = arith.constant 2 : i32
      %dma_wait3A_899 = arith.constant 0 : i32
      %dma_wait3A_900 = arith.constant 0 : i32
      %dma_wait3A_901 = tpu.memref_slice %arg6[%dma_wait3A_898, %dma_wait3A_899, %dma_wait3A_900] : memref<3x2x800xi32, #tpu.memory_space<vmem>> -> memref<1x2x800xi32, #tpu.memory_space<vmem>>
      %dma_wait3A_902 = tpu.memref_squeeze %dma_wait3A_901 : memref<1x2x800xi32, #tpu.memory_space<vmem>> -> memref<2x800xi32, #tpu.memory_space<vmem>>
      %dma_wait3A_903 = arith.constant 0 : i32
      %dma_wait3A_904 = tpu.memref_slice %arg3[%dma_wait3A_903, %mul3A_6] : memref<2x3200000xi32, #tpu.memory_space<hbm>> -> memref<2x800xi32, #tpu.memory_space<hbm>>
      %dma_wait3A_905 = arith.constant 0 : i32
      %dma_wait3A_906 = arith.constant 0 : i32
      %dma_wait3A_907 = tpu.memref_slice %arg6[%dma_wait3A_898, %dma_wait3A_905, %dma_wait3A_906] : memref<3x2x800xi32, #tpu.memory_space<vmem>> -> memref<1x2x800xi32, #tpu.memory_space<vmem>>
      %dma_wait3A_908 = tpu.memref_squeeze %dma_wait3A_907 : memref<1x2x800xi32, #tpu.memory_space<vmem>> -> memref<2x800xi32, #tpu.memory_space<vmem>>
      %dma_wait3A_909 = arith.constant 0 : i32
      %dma_wait3A_910 = tpu.memref_slice %arg3[%dma_wait3A_909, %mul3A_6] : memref<2x3200000xi32, #tpu.memory_space<hbm>> -> memref<2x800xi32, #tpu.memory_space<hbm>>
      tpu.wait_dma2 semaphore(%arg14 : memref<!tpu.dma_semaphore, #tpu.memory_space<semaphore_mem>>) src(%dma_wait3A_910 : memref<2x800xi32, #tpu.memory_space<hbm>>) dst(%dma_wait3A_908 : memref<2x800xi32, #tpu.memory_space<vmem>>)
      %dma_start3A_911 = arith.constant 2 : i32
      %dma_start3A_912 = arith.constant 0 : i32
      %dma_start3A_913 = arith.constant 1 : i32
      %dma_start3A_914 = arith.constant 0 : i32
      %dma_start3A_915 = arith.constant 0 : i32
      %dma_start3A_916 = tpu.memref_slice %arg7[%dma_start3A_913, %dma_start3A_914, %dma_start3A_915] : memref<2x800x16xf32, #tpu.memory_space<vmem>> -> memref<1x800x16xf32, #tpu.memory_space<vmem>>
      %dma_start3A_917 = tpu.memref_squeeze %dma_start3A_916 : memref<1x800x16xf32, #tpu.memory_space<vmem>> -> memref<800x16xf32, #tpu.memory_space<vmem>>
      %dma_start3A_918 = arith.constant 0 : i32
      %dma_start3A_919 = tpu.memref_slice %arg6[%dma_start3A_911, %dma_start3A_912, %dma_start3A_918] : memref<3x2x800xi32, #tpu.memory_space<vmem>> -> memref<1x1x800xi32, #tpu.memory_space<vmem>>
      %dma_start3A_920 = tpu.memref_squeeze %dma_start3A_919 : memref<1x1x800xi32, #tpu.memory_space<vmem>> -> memref<800xi32, #tpu.memory_space<vmem>>
      %dma_start3A_921 = arith.constant 0 : i32
      %dma_start3A_922 = arith.constant 0 : i32
      %dma_start3A_923 = tpu.memref_slice %arg2[%dma_start3A_921, %dma_start3A_922] : memref<100032x16xf32, #tpu.memory_space<hbm>> -> memref<100032x16xf32, #tpu.memory_space<hbm>>
      tpu.enqueue_indirect_dma source(%dma_start3A_923 : memref<100032x16xf32, #tpu.memory_space<hbm>>) target(%dma_start3A_917 : memref<800x16xf32, #tpu.memory_space<vmem>>) offsets(%dma_start3A_920 : memref<800xi32, #tpu.memory_space<vmem>>) semaphore(%arg9 : memref<!tpu.dma_semaphore, #tpu.memory_space<semaphore_mem>>)
      %dma_wait3A_924 = arith.constant 1 : i32
      %dma_wait3A_925 = arith.constant 0 : i32
      %dma_wait3A_926 = arith.constant 0 : i32
      %dma_wait3A_927 = arith.constant 0 : i32
      %dma_wait3A_928 = arith.constant 0 : i32
      %dma_wait3A_929 = tpu.memref_slice %arg7[%dma_wait3A_926, %dma_wait3A_927, %dma_wait3A_928] : memref<2x800x16xf32, #tpu.memory_space<vmem>> -> memref<1x800x16xf32, #tpu.memory_space<vmem>>
      %dma_wait3A_930 = tpu.memref_squeeze %dma_wait3A_929 : memref<1x800x16xf32, #tpu.memory_space<vmem>> -> memref<800x16xf32, #tpu.memory_space<vmem>>
      %dma_wait3A_931 = arith.constant 0 : i32
      %dma_wait3A_932 = tpu.memref_slice %arg6[%dma_wait3A_924, %dma_wait3A_925, %dma_wait3A_931] : memref<3x2x800xi32, #tpu.memory_space<vmem>> -> memref<1x1x800xi32, #tpu.memory_space<vmem>>
      %dma_wait3A_933 = tpu.memref_squeeze %dma_wait3A_932 : memref<1x1x800xi32, #tpu.memory_space<vmem>> -> memref<800xi32, #tpu.memory_space<vmem>>
      %dma_wait3A_934 = arith.constant 0 : i32
      %dma_wait3A_935 = arith.constant 0 : i32
      %dma_wait3A_936 = tpu.memref_slice %arg2[%dma_wait3A_934, %dma_wait3A_935] : memref<100032x16xf32, #tpu.memory_space<hbm>> -> memref<100032x16xf32, #tpu.memory_space<hbm>>
      tpu.wait_indirect_dma semaphore(%arg8 : memref<!tpu.dma_semaphore, #tpu.memory_space<semaphore_mem>>) src(%dma_wait3A_936 : memref<100032x16xf32, #tpu.memory_space<hbm>>) dst(%dma_wait3A_930 : memref<800x16xf32, #tpu.memory_space<vmem>>)
      %dma_start3A_937 = arith.constant 0 : i32
      %dma_start3A_938 = arith.constant 1 : i32
      %dma_start3A_939 = arith.constant 1 : i32
      %dma_start3A_940 = arith.constant 0 : i32
      %dma_start3A_941 = arith.constant 0 : i32
      %dma_start3A_942 = tpu.memref_slice %arg7[%dma_start3A_937, %dma_start3A_940, %dma_start3A_941] : memref<2x800x16xf32, #tpu.memory_space<vmem>> -> memref<1x800x16xf32, #tpu.memory_space<vmem>>
      %dma_start3A_943 = tpu.memref_squeeze %dma_start3A_942 : memref<1x800x16xf32, #tpu.memory_space<vmem>> -> memref<800x16xf32, #tpu.memory_space<vmem>>
      %dma_start3A_944 = arith.constant 0 : i32
      %dma_start3A_945 = tpu.memref_slice %arg6[%dma_start3A_938, %dma_start3A_939, %dma_start3A_944] : memref<3x2x800xi32, #tpu.memory_space<vmem>> -> memref<1x1x800xi32, #tpu.memory_space<vmem>>
      %dma_start3A_946 = tpu.memref_squeeze %dma_start3A_945 : memref<1x1x800xi32, #tpu.memory_space<vmem>> -> memref<800xi32, #tpu.memory_space<vmem>>
      %dma_start3A_947 = arith.constant 0 : i32
      %dma_start3A_948 = arith.constant 0 : i32
      %dma_start3A_949 = tpu.memref_slice %arg15[%dma_start3A_947, %dma_start3A_948] : memref<100032x16xf32, #tpu.memory_space<vmem_shared>> -> memref<100032x16xf32, #tpu.memory_space<vmem_shared>>
      tpu.enqueue_indirect_dma source(%dma_start3A_943 : memref<800x16xf32, #tpu.memory_space<vmem>>) target(%dma_start3A_949 : memref<100032x16xf32, #tpu.memory_space<vmem_shared>>) offsets(%dma_start3A_946 : memref<800xi32, #tpu.memory_space<vmem>>) semaphore(%arg10 : memref<!tpu.dma_semaphore, #tpu.memory_space<semaphore_mem>>) {add = true}
    }
    %scan3A_25 = arith.constant 20 : i32
    %dma_wait3A = arith.constant 0 : i32
    %dma_wait3A_26 = arith.constant 1 : i32
    %dma_wait3A_27 = arith.constant 1 : i32
    %dma_wait3A_28 = arith.constant 0 : i32
    %dma_wait3A_29 = arith.constant 0 : i32
    %dma_wait3A_30 = tpu.memref_slice %arg7[%dma_wait3A, %dma_wait3A_28, %dma_wait3A_29] : memref<2x800x16xf32, #tpu.memory_space<vmem>> -> memref<1x800x16xf32, #tpu.memory_space<vmem>>
    %dma_wait3A_31 = tpu.memref_squeeze %dma_wait3A_30 : memref<1x800x16xf32, #tpu.memory_space<vmem>> -> memref<800x16xf32, #tpu.memory_space<vmem>>
    %dma_wait3A_32 = arith.constant 0 : i32
    %dma_wait3A_33 = tpu.memref_slice %arg6[%dma_wait3A_26, %dma_wait3A_27, %dma_wait3A_32] : memref<3x2x800xi32, #tpu.memory_space<vmem>> -> memref<1x1x800xi32, #tpu.memory_space<vmem>>
    %dma_wait3A_34 = tpu.memref_squeeze %dma_wait3A_33 : memref<1x1x800xi32, #tpu.memory_space<vmem>> -> memref<800xi32, #tpu.memory_space<vmem>>
    %dma_wait3A_35 = arith.constant 0 : i32
    %dma_wait3A_36 = arith.constant 0 : i32
    %dma_wait3A_37 = tpu.memref_slice %arg15[%dma_wait3A_35, %dma_wait3A_36] : memref<100032x16xf32, #tpu.memory_space<vmem_shared>> -> memref<100032x16xf32, #tpu.memory_space<vmem_shared>>
    tpu.wait_indirect_dma semaphore(%arg10 : memref<!tpu.dma_semaphore, #tpu.memory_space<semaphore_mem>>) src(%dma_wait3A_31 : memref<800x16xf32, #tpu.memory_space<vmem>>) dst(%dma_wait3A_37 : memref<100032x16xf32, #tpu.memory_space<vmem_shared>>)
    %add3A_38 = arith.constant 96800 : i32
    %add3A_39 = arith.addi %mul3A_6, %add3A_38 : i32
    %dma_start3A_40 = arith.constant 1 : i32
    %dma_start3A_41 = arith.constant 0 : i32
    %dma_start3A_42 = arith.constant 0 : i32
    %dma_start3A_43 = tpu.memref_slice %arg6[%dma_start3A_40, %dma_start3A_41, %dma_start3A_42] : memref<3x2x800xi32, #tpu.memory_space<vmem>> -> memref<1x2x800xi32, #tpu.memory_space<vmem>>
    %dma_start3A_44 = tpu.memref_squeeze %dma_start3A_43 : memref<1x2x800xi32, #tpu.memory_space<vmem>> -> memref<2x800xi32, #tpu.memory_space<vmem>>
    %dma_start3A_45 = arith.constant 0 : i32
    %dma_start3A_46 = tpu.memref_slice %arg3[%dma_start3A_45, %add3A_39] : memref<2x3200000xi32, #tpu.memory_space<hbm>> -> memref<2x800xi32, #tpu.memory_space<hbm>>
    %dma_start3A_47 = arith.constant 0 : i32
    %dma_start3A_48 = arith.constant 0 : i32
    %dma_start3A_49 = tpu.memref_slice %arg6[%dma_start3A_40, %dma_start3A_47, %dma_start3A_48] : memref<3x2x800xi32, #tpu.memory_space<vmem>> -> memref<1x2x800xi32, #tpu.memory_space<vmem>>
    %dma_start3A_50 = tpu.memref_squeeze %dma_start3A_49 : memref<1x2x800xi32, #tpu.memory_space<vmem>> -> memref<2x800xi32, #tpu.memory_space<vmem>>
    %dma_start3A_51 = arith.constant 0 : i32
    %dma_start3A_52 = tpu.memref_slice %arg3[%dma_start3A_51, %add3A_39] : memref<2x3200000xi32, #tpu.memory_space<hbm>> -> memref<2x800xi32, #tpu.memory_space<hbm>>
    tpu.enqueue_dma source(%dma_start3A_52 : memref<2x800xi32, #tpu.memory_space<hbm>>) target(%dma_start3A_50 : memref<2x800xi32, #tpu.memory_space<vmem>>) target_semaphore(%arg13 : memref<!tpu.dma_semaphore, #tpu.memory_space<semaphore_mem>>)
    %dma_wait3A_53 = arith.constant 0 : i32
    %dma_wait3A_54 = arith.constant 0 : i32
    %dma_wait3A_55 = arith.constant 0 : i32
    %dma_wait3A_56 = tpu.memref_slice %arg6[%dma_wait3A_53, %dma_wait3A_54, %dma_wait3A_55] : memref<3x2x800xi32, #tpu.memory_space<vmem>> -> memref<1x2x800xi32, #tpu.memory_space<vmem>>
    %dma_wait3A_57 = tpu.memref_squeeze %dma_wait3A_56 : memref<1x2x800xi32, #tpu.memory_space<vmem>> -> memref<2x800xi32, #tpu.memory_space<vmem>>
    %dma_wait3A_58 = arith.constant 0 : i32
    %dma_wait3A_59 = tpu.memref_slice %arg3[%dma_wait3A_58, %mul3A_6] : memref<2x3200000xi32, #tpu.memory_space<hbm>> -> memref<2x800xi32, #tpu.memory_space<hbm>>
    %dma_wait3A_60 = arith.constant 0 : i32
    %dma_wait3A_61 = arith.constant 0 : i32
    %dma_wait3A_62 = tpu.memref_slice %arg6[%dma_wait3A_53, %dma_wait3A_60, %dma_wait3A_61] : memref<3x2x800xi32, #tpu.memory_space<vmem>> -> memref<1x2x800xi32, #tpu.memory_space<vmem>>
    %dma_wait3A_63 = tpu.memref_squeeze %dma_wait3A_62 : memref<1x2x800xi32, #tpu.memory_space<vmem>> -> memref<2x800xi32, #tpu.memory_space<vmem>>
    %dma_wait3A_64 = arith.constant 0 : i32
    %dma_wait3A_65 = tpu.memref_slice %arg3[%dma_wait3A_64, %mul3A_6] : memref<2x3200000xi32, #tpu.memory_space<hbm>> -> memref<2x800xi32, #tpu.memory_space<hbm>>
    tpu.wait_dma2 semaphore(%arg12 : memref<!tpu.dma_semaphore, #tpu.memory_space<semaphore_mem>>) src(%dma_wait3A_65 : memref<2x800xi32, #tpu.memory_space<hbm>>) dst(%dma_wait3A_63 : memref<2x800xi32, #tpu.memory_space<vmem>>)
    %dma_start3A_66 = arith.constant 0 : i32
    %dma_start3A_67 = arith.constant 0 : i32
    %dma_start3A_68 = arith.constant 0 : i32
    %dma_start3A_69 = arith.constant 0 : i32
    %dma_start3A_70 = arith.constant 0 : i32
    %dma_start3A_71 = tpu.memref_slice %arg7[%dma_start3A_68, %dma_start3A_69, %dma_start3A_70] : memref<2x800x16xf32, #tpu.memory_space<vmem>> -> memref<1x800x16xf32, #tpu.memory_space<vmem>>
    %dma_start3A_72 = tpu.memref_squeeze %dma_start3A_71 : memref<1x800x16xf32, #tpu.memory_space<vmem>> -> memref<800x16xf32, #tpu.memory_space<vmem>>
    %dma_start3A_73 = arith.constant 0 : i32
    %dma_start3A_74 = tpu.memref_slice %arg6[%dma_start3A_66, %dma_start3A_67, %dma_start3A_73] : memref<3x2x800xi32, #tpu.memory_space<vmem>> -> memref<1x1x800xi32, #tpu.memory_space<vmem>>
    %dma_start3A_75 = tpu.memref_squeeze %dma_start3A_74 : memref<1x1x800xi32, #tpu.memory_space<vmem>> -> memref<800xi32, #tpu.memory_space<vmem>>
    %dma_start3A_76 = arith.constant 0 : i32
    %dma_start3A_77 = arith.constant 0 : i32
    %dma_start3A_78 = tpu.memref_slice %arg2[%dma_start3A_76, %dma_start3A_77] : memref<100032x16xf32, #tpu.memory_space<hbm>> -> memref<100032x16xf32, #tpu.memory_space<hbm>>
    tpu.enqueue_indirect_dma source(%dma_start3A_78 : memref<100032x16xf32, #tpu.memory_space<hbm>>) target(%dma_start3A_72 : memref<800x16xf32, #tpu.memory_space<vmem>>) offsets(%dma_start3A_75 : memref<800xi32, #tpu.memory_space<vmem>>) semaphore(%arg8 : memref<!tpu.dma_semaphore, #tpu.memory_space<semaphore_mem>>)
    %dma_wait3A_79 = arith.constant 2 : i32
    %dma_wait3A_80 = arith.constant 0 : i32
    %dma_wait3A_81 = arith.constant 1 : i32
    %dma_wait3A_82 = arith.constant 0 : i32
    %dma_wait3A_83 = arith.constant 0 : i32
    %dma_wait3A_84 = tpu.memref_slice %arg7[%dma_wait3A_81, %dma_wait3A_82, %dma_wait3A_83] : memref<2x800x16xf32, #tpu.memory_space<vmem>> -> memref<1x800x16xf32, #tpu.memory_space<vmem>>
    %dma_wait3A_85 = tpu.memref_squeeze %dma_wait3A_84 : memref<1x800x16xf32, #tpu.memory_space<vmem>> -> memref<800x16xf32, #tpu.memory_space<vmem>>
    %dma_wait3A_86 = arith.constant 0 : i32
    %dma_wait3A_87 = tpu.memref_slice %arg6[%dma_wait3A_79, %dma_wait3A_80, %dma_wait3A_86] : memref<3x2x800xi32, #tpu.memory_space<vmem>> -> memref<1x1x800xi32, #tpu.memory_space<vmem>>
    %dma_wait3A_88 = tpu.memref_squeeze %dma_wait3A_87 : memref<1x1x800xi32, #tpu.memory_space<vmem>> -> memref<800xi32, #tpu.memory_space<vmem>>
    %dma_wait3A_89 = arith.constant 0 : i32
    %dma_wait3A_90 = arith.constant 0 : i32
    %dma_wait3A_91 = tpu.memref_slice %arg2[%dma_wait3A_89, %dma_wait3A_90] : memref<100032x16xf32, #tpu.memory_space<hbm>> -> memref<100032x16xf32, #tpu.memory_space<hbm>>
    tpu.wait_indirect_dma semaphore(%arg9 : memref<!tpu.dma_semaphore, #tpu.memory_space<semaphore_mem>>) src(%dma_wait3A_91 : memref<100032x16xf32, #tpu.memory_space<hbm>>) dst(%dma_wait3A_85 : memref<800x16xf32, #tpu.memory_space<vmem>>)
    %dma_start3A_92 = arith.constant 1 : i32
    %dma_start3A_93 = arith.constant 2 : i32
    %dma_start3A_94 = arith.constant 1 : i32
    %dma_start3A_95 = arith.constant 0 : i32
    %dma_start3A_96 = arith.constant 0 : i32
    %dma_start3A_97 = tpu.memref_slice %arg7[%dma_start3A_92, %dma_start3A_95, %dma_start3A_96] : memref<2x800x16xf32, #tpu.memory_space<vmem>> -> memref<1x800x16xf32, #tpu.memory_space<vmem>>
    %dma_start3A_98 = tpu.memref_squeeze %dma_start3A_97 : memref<1x800x16xf32, #tpu.memory_space<vmem>> -> memref<800x16xf32, #tpu.memory_space<vmem>>
    %dma_start3A_99 = arith.constant 0 : i32
    %dma_start3A_100 = tpu.memref_slice %arg6[%dma_start3A_93, %dma_start3A_94, %dma_start3A_99] : memref<3x2x800xi32, #tpu.memory_space<vmem>> -> memref<1x1x800xi32, #tpu.memory_space<vmem>>
    %dma_start3A_101 = tpu.memref_squeeze %dma_start3A_100 : memref<1x1x800xi32, #tpu.memory_space<vmem>> -> memref<800xi32, #tpu.memory_space<vmem>>
    %dma_start3A_102 = arith.constant 0 : i32
    %dma_start3A_103 = arith.constant 0 : i32
    %dma_start3A_104 = tpu.memref_slice %arg15[%dma_start3A_102, %dma_start3A_103] : memref<100032x16xf32, #tpu.memory_space<vmem_shared>> -> memref<100032x16xf32, #tpu.memory_space<vmem_shared>>
    tpu.enqueue_indirect_dma source(%dma_start3A_98 : memref<800x16xf32, #tpu.memory_space<vmem>>) target(%dma_start3A_104 : memref<100032x16xf32, #tpu.memory_space<vmem_shared>>) offsets(%dma_start3A_101 : memref<800xi32, #tpu.memory_space<vmem>>) semaphore(%arg11 : memref<!tpu.dma_semaphore, #tpu.memory_space<semaphore_mem>>) {add = true}
    %dma_wait3A_105 = arith.constant 1 : i32
    %dma_wait3A_106 = arith.constant 2 : i32
    %dma_wait3A_107 = arith.constant 1 : i32
    %dma_wait3A_108 = arith.constant 0 : i32
    %dma_wait3A_109 = arith.constant 0 : i32
    %dma_wait3A_110 = tpu.memref_slice %arg7[%dma_wait3A_105, %dma_wait3A_108, %dma_wait3A_109] : memref<2x800x16xf32, #tpu.memory_space<vmem>> -> memref<1x800x16xf32, #tpu.memory_space<vmem>>
    %dma_wait3A_111 = tpu.memref_squeeze %dma_wait3A_110 : memref<1x800x16xf32, #tpu.memory_space<vmem>> -> memref<800x16xf32, #tpu.memory_space<vmem>>
    %dma_wait3A_112 = arith.constant 0 : i32
    %dma_wait3A_113 = tpu.memref_slice %arg6[%dma_wait3A_106, %dma_wait3A_107, %dma_wait3A_112] : memref<3x2x800xi32, #tpu.memory_space<vmem>> -> memref<1x1x800xi32, #tpu.memory_space<vmem>>
    %dma_wait3A_114 = tpu.memref_squeeze %dma_wait3A_113 : memref<1x1x800xi32, #tpu.memory_space<vmem>> -> memref<800xi32, #tpu.memory_space<vmem>>
    %dma_wait3A_115 = arith.constant 0 : i32
    %dma_wait3A_116 = arith.constant 0 : i32
    %dma_wait3A_117 = tpu.memref_slice %arg15[%dma_wait3A_115, %dma_wait3A_116] : memref<100032x16xf32, #tpu.memory_space<vmem_shared>> -> memref<100032x16xf32, #tpu.memory_space<vmem_shared>>
    tpu.wait_indirect_dma semaphore(%arg11 : memref<!tpu.dma_semaphore, #tpu.memory_space<semaphore_mem>>) src(%dma_wait3A_111 : memref<800x16xf32, #tpu.memory_space<vmem>>) dst(%dma_wait3A_117 : memref<100032x16xf32, #tpu.memory_space<vmem_shared>>)
    %add3A_118 = arith.constant 97600 : i32
    %add3A_119 = arith.addi %mul3A_6, %add3A_118 : i32
    %dma_start3A_120 = arith.constant 2 : i32
    %dma_start3A_121 = arith.constant 0 : i32
    %dma_start3A_122 = arith.constant 0 : i32
    %dma_start3A_123 = tpu.memref_slice %arg6[%dma_start3A_120, %dma_start3A_121, %dma_start3A_122] : memref<3x2x800xi32, #tpu.memory_space<vmem>> -> memref<1x2x800xi32, #tpu.memory_space<vmem>>
    %dma_start3A_124 = tpu.memref_squeeze %dma_start3A_123 : memref<1x2x800xi32, #tpu.memory_space<vmem>> -> memref<2x800xi32, #tpu.memory_space<vmem>>
    %dma_start3A_125 = arith.constant 0 : i32
    %dma_start3A_126 = tpu.memref_slice %arg3[%dma_start3A_125, %add3A_119] : memref<2x3200000xi32, #tpu.memory_space<hbm>> -> memref<2x800xi32, #tpu.memory_space<hbm>>
    %dma_start3A_127 = arith.constant 0 : i32
    %dma_start3A_128 = arith.constant 0 : i32
    %dma_start3A_129 = tpu.memref_slice %arg6[%dma_start3A_120, %dma_start3A_127, %dma_start3A_128] : memref<3x2x800xi32, #tpu.memory_space<vmem>> -> memref<1x2x800xi32, #tpu.memory_space<vmem>>
    %dma_start3A_130 = tpu.memref_squeeze %dma_start3A_129 : memref<1x2x800xi32, #tpu.memory_space<vmem>> -> memref<2x800xi32, #tpu.memory_space<vmem>>
    %dma_start3A_131 = arith.constant 0 : i32
    %dma_start3A_132 = tpu.memref_slice %arg3[%dma_start3A_131, %add3A_119] : memref<2x3200000xi32, #tpu.memory_space<hbm>> -> memref<2x800xi32, #tpu.memory_space<hbm>>
    tpu.enqueue_dma source(%dma_start3A_132 : memref<2x800xi32, #tpu.memory_space<hbm>>) target(%dma_start3A_130 : memref<2x800xi32, #tpu.memory_space<vmem>>) target_semaphore(%arg14 : memref<!tpu.dma_semaphore, #tpu.memory_space<semaphore_mem>>)
    %dma_wait3A_133 = arith.constant 1 : i32
    %dma_wait3A_134 = arith.constant 0 : i32
    %dma_wait3A_135 = arith.constant 0 : i32
    %dma_wait3A_136 = tpu.memref_slice %arg6[%dma_wait3A_133, %dma_wait3A_134, %dma_wait3A_135] : memref<3x2x800xi32, #tpu.memory_space<vmem>> -> memref<1x2x800xi32, #tpu.memory_space<vmem>>
    %dma_wait3A_137 = tpu.memref_squeeze %dma_wait3A_136 : memref<1x2x800xi32, #tpu.memory_space<vmem>> -> memref<2x800xi32, #tpu.memory_space<vmem>>
    %dma_wait3A_138 = arith.constant 0 : i32
    %dma_wait3A_139 = tpu.memref_slice %arg3[%dma_wait3A_138, %mul3A_6] : memref<2x3200000xi32, #tpu.memory_space<hbm>> -> memref<2x800xi32, #tpu.memory_space<hbm>>
    %dma_wait3A_140 = arith.constant 0 : i32
    %dma_wait3A_141 = arith.constant 0 : i32
    %dma_wait3A_142 = tpu.memref_slice %arg6[%dma_wait3A_133, %dma_wait3A_140, %dma_wait3A_141] : memref<3x2x800xi32, #tpu.memory_space<vmem>> -> memref<1x2x800xi32, #tpu.memory_space<vmem>>
    %dma_wait3A_143 = tpu.memref_squeeze %dma_wait3A_142 : memref<1x2x800xi32, #tpu.memory_space<vmem>> -> memref<2x800xi32, #tpu.memory_space<vmem>>
    %dma_wait3A_144 = arith.constant 0 : i32
    %dma_wait3A_145 = tpu.memref_slice %arg3[%dma_wait3A_144, %mul3A_6] : memref<2x3200000xi32, #tpu.memory_space<hbm>> -> memref<2x800xi32, #tpu.memory_space<hbm>>
    tpu.wait_dma2 semaphore(%arg13 : memref<!tpu.dma_semaphore, #tpu.memory_space<semaphore_mem>>) src(%dma_wait3A_145 : memref<2x800xi32, #tpu.memory_space<hbm>>) dst(%dma_wait3A_143 : memref<2x800xi32, #tpu.memory_space<vmem>>)
    %dma_start3A_146 = arith.constant 1 : i32
    %dma_start3A_147 = arith.constant 0 : i32
    %dma_start3A_148 = arith.constant 1 : i32
    %dma_start3A_149 = arith.constant 0 : i32
    %dma_start3A_150 = arith.constant 0 : i32
    %dma_start3A_151 = tpu.memref_slice %arg7[%dma_start3A_148, %dma_start3A_149, %dma_start3A_150] : memref<2x800x16xf32, #tpu.memory_space<vmem>> -> memref<1x800x16xf32, #tpu.memory_space<vmem>>
    %dma_start3A_152 = tpu.memref_squeeze %dma_start3A_151 : memref<1x800x16xf32, #tpu.memory_space<vmem>> -> memref<800x16xf32, #tpu.memory_space<vmem>>
    %dma_start3A_153 = arith.constant 0 : i32
    %dma_start3A_154 = tpu.memref_slice %arg6[%dma_start3A_146, %dma_start3A_147, %dma_start3A_153] : memref<3x2x800xi32, #tpu.memory_space<vmem>> -> memref<1x1x800xi32, #tpu.memory_space<vmem>>
    %dma_start3A_155 = tpu.memref_squeeze %dma_start3A_154 : memref<1x1x800xi32, #tpu.memory_space<vmem>> -> memref<800xi32, #tpu.memory_space<vmem>>
    %dma_start3A_156 = arith.constant 0 : i32
    %dma_start3A_157 = arith.constant 0 : i32
    %dma_start3A_158 = tpu.memref_slice %arg2[%dma_start3A_156, %dma_start3A_157] : memref<100032x16xf32, #tpu.memory_space<hbm>> -> memref<100032x16xf32, #tpu.memory_space<hbm>>
    tpu.enqueue_indirect_dma source(%dma_start3A_158 : memref<100032x16xf32, #tpu.memory_space<hbm>>) target(%dma_start3A_152 : memref<800x16xf32, #tpu.memory_space<vmem>>) offsets(%dma_start3A_155 : memref<800xi32, #tpu.memory_space<vmem>>) semaphore(%arg9 : memref<!tpu.dma_semaphore, #tpu.memory_space<semaphore_mem>>)
    %dma_wait3A_159 = arith.constant 0 : i32
    %dma_wait3A_160 = arith.constant 0 : i32
    %dma_wait3A_161 = arith.constant 0 : i32
    %dma_wait3A_162 = arith.constant 0 : i32
    %dma_wait3A_163 = arith.constant 0 : i32
    %dma_wait3A_164 = tpu.memref_slice %arg7[%dma_wait3A_161, %dma_wait3A_162, %dma_wait3A_163] : memref<2x800x16xf32, #tpu.memory_space<vmem>> -> memref<1x800x16xf32, #tpu.memory_space<vmem>>
    %dma_wait3A_165 = tpu.memref_squeeze %dma_wait3A_164 : memref<1x800x16xf32, #tpu.memory_space<vmem>> -> memref<800x16xf32, #tpu.memory_space<vmem>>
    %dma_wait3A_166 = arith.constant 0 : i32
    %dma_wait3A_167 = tpu.memref_slice %arg6[%dma_wait3A_159, %dma_wait3A_160, %dma_wait3A_166] : memref<3x2x800xi32, #tpu.memory_space<vmem>> -> memref<1x1x800xi32, #tpu.memory_space<vmem>>
    %dma_wait3A_168 = tpu.memref_squeeze %dma_wait3A_167 : memref<1x1x800xi32, #tpu.memory_space<vmem>> -> memref<800xi32, #tpu.memory_space<vmem>>
    %dma_wait3A_169 = arith.constant 0 : i32
    %dma_wait3A_170 = arith.constant 0 : i32
    %dma_wait3A_171 = tpu.memref_slice %arg2[%dma_wait3A_169, %dma_wait3A_170] : memref<100032x16xf32, #tpu.memory_space<hbm>> -> memref<100032x16xf32, #tpu.memory_space<hbm>>
    tpu.wait_indirect_dma semaphore(%arg8 : memref<!tpu.dma_semaphore, #tpu.memory_space<semaphore_mem>>) src(%dma_wait3A_171 : memref<100032x16xf32, #tpu.memory_space<hbm>>) dst(%dma_wait3A_165 : memref<800x16xf32, #tpu.memory_space<vmem>>)
    %dma_start3A_172 = arith.constant 0 : i32
    %dma_start3A_173 = arith.constant 0 : i32
    %dma_start3A_174 = arith.constant 1 : i32
    %dma_start3A_175 = arith.constant 0 : i32
    %dma_start3A_176 = arith.constant 0 : i32
    %dma_start3A_177 = tpu.memref_slice %arg7[%dma_start3A_172, %dma_start3A_175, %dma_start3A_176] : memref<2x800x16xf32, #tpu.memory_space<vmem>> -> memref<1x800x16xf32, #tpu.memory_space<vmem>>
    %dma_start3A_178 = tpu.memref_squeeze %dma_start3A_177 : memref<1x800x16xf32, #tpu.memory_space<vmem>> -> memref<800x16xf32, #tpu.memory_space<vmem>>
    %dma_start3A_179 = arith.constant 0 : i32
    %dma_start3A_180 = tpu.memref_slice %arg6[%dma_start3A_173, %dma_start3A_174, %dma_start3A_179] : memref<3x2x800xi32, #tpu.memory_space<vmem>> -> memref<1x1x800xi32, #tpu.memory_space<vmem>>
    %dma_start3A_181 = tpu.memref_squeeze %dma_start3A_180 : memref<1x1x800xi32, #tpu.memory_space<vmem>> -> memref<800xi32, #tpu.memory_space<vmem>>
    %dma_start3A_182 = arith.constant 0 : i32
    %dma_start3A_183 = arith.constant 0 : i32
    %dma_start3A_184 = tpu.memref_slice %arg15[%dma_start3A_182, %dma_start3A_183] : memref<100032x16xf32, #tpu.memory_space<vmem_shared>> -> memref<100032x16xf32, #tpu.memory_space<vmem_shared>>
    tpu.enqueue_indirect_dma source(%dma_start3A_178 : memref<800x16xf32, #tpu.memory_space<vmem>>) target(%dma_start3A_184 : memref<100032x16xf32, #tpu.memory_space<vmem_shared>>) offsets(%dma_start3A_181 : memref<800xi32, #tpu.memory_space<vmem>>) semaphore(%arg10 : memref<!tpu.dma_semaphore, #tpu.memory_space<semaphore_mem>>) {add = true}
    %dma_wait3A_185 = arith.constant 0 : i32
    %dma_wait3A_186 = arith.constant 0 : i32
    %dma_wait3A_187 = arith.constant 1 : i32
    %dma_wait3A_188 = arith.constant 0 : i32
    %dma_wait3A_189 = arith.constant 0 : i32
    %dma_wait3A_190 = tpu.memref_slice %arg7[%dma_wait3A_185, %dma_wait3A_188, %dma_wait3A_189] : memref<2x800x16xf32, #tpu.memory_space<vmem>> -> memref<1x800x16xf32, #tpu.memory_space<vmem>>
    %dma_wait3A_191 = tpu.memref_squeeze %dma_wait3A_190 : memref<1x800x16xf32, #tpu.memory_space<vmem>> -> memref<800x16xf32, #tpu.memory_space<vmem>>
    %dma_wait3A_192 = arith.constant 0 : i32
    %dma_wait3A_193 = tpu.memref_slice %arg6[%dma_wait3A_186, %dma_wait3A_187, %dma_wait3A_192] : memref<3x2x800xi32, #tpu.memory_space<vmem>> -> memref<1x1x800xi32, #tpu.memory_space<vmem>>
    %dma_wait3A_194 = tpu.memref_squeeze %dma_wait3A_193 : memref<1x1x800xi32, #tpu.memory_space<vmem>> -> memref<800xi32, #tpu.memory_space<vmem>>
    %dma_wait3A_195 = arith.constant 0 : i32
    %dma_wait3A_196 = arith.constant 0 : i32
    %dma_wait3A_197 = tpu.memref_slice %arg15[%dma_wait3A_195, %dma_wait3A_196] : memref<100032x16xf32, #tpu.memory_space<vmem_shared>> -> memref<100032x16xf32, #tpu.memory_space<vmem_shared>>
    tpu.wait_indirect_dma semaphore(%arg10 : memref<!tpu.dma_semaphore, #tpu.memory_space<semaphore_mem>>) src(%dma_wait3A_191 : memref<800x16xf32, #tpu.memory_space<vmem>>) dst(%dma_wait3A_197 : memref<100032x16xf32, #tpu.memory_space<vmem_shared>>)
    %add3A_198 = arith.constant 98400 : i32
    %add3A_199 = arith.addi %mul3A_6, %add3A_198 : i32
    %dma_start3A_200 = arith.constant 0 : i32
    %dma_start3A_201 = arith.constant 0 : i32
    %dma_start3A_202 = arith.constant 0 : i32
    %dma_start3A_203 = tpu.memref_slice %arg6[%dma_start3A_200, %dma_start3A_201, %dma_start3A_202] : memref<3x2x800xi32, #tpu.memory_space<vmem>> -> memref<1x2x800xi32, #tpu.memory_space<vmem>>
    %dma_start3A_204 = tpu.memref_squeeze %dma_start3A_203 : memref<1x2x800xi32, #tpu.memory_space<vmem>> -> memref<2x800xi32, #tpu.memory_space<vmem>>
    %dma_start3A_205 = arith.constant 0 : i32
    %dma_start3A_206 = tpu.memref_slice %arg3[%dma_start3A_205, %add3A_199] : memref<2x3200000xi32, #tpu.memory_space<hbm>> -> memref<2x800xi32, #tpu.memory_space<hbm>>
    %dma_start3A_207 = arith.constant 0 : i32
    %dma_start3A_208 = arith.constant 0 : i32
    %dma_start3A_209 = tpu.memref_slice %arg6[%dma_start3A_200, %dma_start3A_207, %dma_start3A_208] : memref<3x2x800xi32, #tpu.memory_space<vmem>> -> memref<1x2x800xi32, #tpu.memory_space<vmem>>
    %dma_start3A_210 = tpu.memref_squeeze %dma_start3A_209 : memref<1x2x800xi32, #tpu.memory_space<vmem>> -> memref<2x800xi32, #tpu.memory_space<vmem>>
    %dma_start3A_211 = arith.constant 0 : i32
    %dma_start3A_212 = tpu.memref_slice %arg3[%dma_start3A_211, %add3A_199] : memref<2x3200000xi32, #tpu.memory_space<hbm>> -> memref<2x800xi32, #tpu.memory_space<hbm>>
    tpu.enqueue_dma source(%dma_start3A_212 : memref<2x800xi32, #tpu.memory_space<hbm>>) target(%dma_start3A_210 : memref<2x800xi32, #tpu.memory_space<vmem>>) target_semaphore(%arg12 : memref<!tpu.dma_semaphore, #tpu.memory_space<semaphore_mem>>)
    %dma_wait3A_213 = arith.constant 2 : i32
    %dma_wait3A_214 = arith.constant 0 : i32
    %dma_wait3A_215 = arith.constant 0 : i32
    %dma_wait3A_216 = tpu.memref_slice %arg6[%dma_wait3A_213, %dma_wait3A_214, %dma_wait3A_215] : memref<3x2x800xi32, #tpu.memory_space<vmem>> -> memref<1x2x800xi32, #tpu.memory_space<vmem>>
    %dma_wait3A_217 = tpu.memref_squeeze %dma_wait3A_216 : memref<1x2x800xi32, #tpu.memory_space<vmem>> -> memref<2x800xi32, #tpu.memory_space<vmem>>
    %dma_wait3A_218 = arith.constant 0 : i32
    %dma_wait3A_219 = tpu.memref_slice %arg3[%dma_wait3A_218, %mul3A_6] : memref<2x3200000xi32, #tpu.memory_space<hbm>> -> memref<2x800xi32, #tpu.memory_space<hbm>>
    %dma_wait3A_220 = arith.constant 0 : i32
    %dma_wait3A_221 = arith.constant 0 : i32
    %dma_wait3A_222 = tpu.memref_slice %arg6[%dma_wait3A_213, %dma_wait3A_220, %dma_wait3A_221] : memref<3x2x800xi32, #tpu.memory_space<vmem>> -> memref<1x2x800xi32, #tpu.memory_space<vmem>>
    %dma_wait3A_223 = tpu.memref_squeeze %dma_wait3A_222 : memref<1x2x800xi32, #tpu.memory_space<vmem>> -> memref<2x800xi32, #tpu.memory_space<vmem>>
    %dma_wait3A_224 = arith.constant 0 : i32
    %dma_wait3A_225 = tpu.memref_slice %arg3[%dma_wait3A_224, %mul3A_6] : memref<2x3200000xi32, #tpu.memory_space<hbm>> -> memref<2x800xi32, #tpu.memory_space<hbm>>
    tpu.wait_dma2 semaphore(%arg14 : memref<!tpu.dma_semaphore, #tpu.memory_space<semaphore_mem>>) src(%dma_wait3A_225 : memref<2x800xi32, #tpu.memory_space<hbm>>) dst(%dma_wait3A_223 : memref<2x800xi32, #tpu.memory_space<vmem>>)
    %dma_start3A_226 = arith.constant 2 : i32
    %dma_start3A_227 = arith.constant 0 : i32
    %dma_start3A_228 = arith.constant 0 : i32
    %dma_start3A_229 = arith.constant 0 : i32
    %dma_start3A_230 = arith.constant 0 : i32
    %dma_start3A_231 = tpu.memref_slice %arg7[%dma_start3A_228, %dma_start3A_229, %dma_start3A_230] : memref<2x800x16xf32, #tpu.memory_space<vmem>> -> memref<1x800x16xf32, #tpu.memory_space<vmem>>
    %dma_start3A_232 = tpu.memref_squeeze %dma_start3A_231 : memref<1x800x16xf32, #tpu.memory_space<vmem>> -> memref<800x16xf32, #tpu.memory_space<vmem>>
    %dma_start3A_233 = arith.constant 0 : i32
    %dma_start3A_234 = tpu.memref_slice %arg6[%dma_start3A_226, %dma_start3A_227, %dma_start3A_233] : memref<3x2x800xi32, #tpu.memory_space<vmem>> -> memref<1x1x800xi32, #tpu.memory_space<vmem>>
    %dma_start3A_235 = tpu.memref_squeeze %dma_start3A_234 : memref<1x1x800xi32, #tpu.memory_space<vmem>> -> memref<800xi32, #tpu.memory_space<vmem>>
    %dma_start3A_236 = arith.constant 0 : i32
    %dma_start3A_237 = arith.constant 0 : i32
    %dma_start3A_238 = tpu.memref_slice %arg2[%dma_start3A_236, %dma_start3A_237] : memref<100032x16xf32, #tpu.memory_space<hbm>> -> memref<100032x16xf32, #tpu.memory_space<hbm>>
    tpu.enqueue_indirect_dma source(%dma_start3A_238 : memref<100032x16xf32, #tpu.memory_space<hbm>>) target(%dma_start3A_232 : memref<800x16xf32, #tpu.memory_space<vmem>>) offsets(%dma_start3A_235 : memref<800xi32, #tpu.memory_space<vmem>>) semaphore(%arg8 : memref<!tpu.dma_semaphore, #tpu.memory_space<semaphore_mem>>)
    %dma_wait3A_239 = arith.constant 1 : i32
    %dma_wait3A_240 = arith.constant 0 : i32
    %dma_wait3A_241 = arith.constant 1 : i32
    %dma_wait3A_242 = arith.constant 0 : i32
    %dma_wait3A_243 = arith.constant 0 : i32
    %dma_wait3A_244 = tpu.memref_slice %arg7[%dma_wait3A_241, %dma_wait3A_242, %dma_wait3A_243] : memref<2x800x16xf32, #tpu.memory_space<vmem>> -> memref<1x800x16xf32, #tpu.memory_space<vmem>>
    %dma_wait3A_245 = tpu.memref_squeeze %dma_wait3A_244 : memref<1x800x16xf32, #tpu.memory_space<vmem>> -> memref<800x16xf32, #tpu.memory_space<vmem>>
    %dma_wait3A_246 = arith.constant 0 : i32
    %dma_wait3A_247 = tpu.memref_slice %arg6[%dma_wait3A_239, %dma_wait3A_240, %dma_wait3A_246] : memref<3x2x800xi32, #tpu.memory_space<vmem>> -> memref<1x1x800xi32, #tpu.memory_space<vmem>>
    %dma_wait3A_248 = tpu.memref_squeeze %dma_wait3A_247 : memref<1x1x800xi32, #tpu.memory_space<vmem>> -> memref<800xi32, #tpu.memory_space<vmem>>
    %dma_wait3A_249 = arith.constant 0 : i32
    %dma_wait3A_250 = arith.constant 0 : i32
    %dma_wait3A_251 = tpu.memref_slice %arg2[%dma_wait3A_249, %dma_wait3A_250] : memref<100032x16xf32, #tpu.memory_space<hbm>> -> memref<100032x16xf32, #tpu.memory_space<hbm>>
    tpu.wait_indirect_dma semaphore(%arg9 : memref<!tpu.dma_semaphore, #tpu.memory_space<semaphore_mem>>) src(%dma_wait3A_251 : memref<100032x16xf32, #tpu.memory_space<hbm>>) dst(%dma_wait3A_245 : memref<800x16xf32, #tpu.memory_space<vmem>>)
    %dma_start3A_252 = arith.constant 1 : i32
    %dma_start3A_253 = arith.constant 1 : i32
    %dma_start3A_254 = arith.constant 1 : i32
    %dma_start3A_255 = arith.constant 0 : i32
    %dma_start3A_256 = arith.constant 0 : i32
    %dma_start3A_257 = tpu.memref_slice %arg7[%dma_start3A_252, %dma_start3A_255, %dma_start3A_256] : memref<2x800x16xf32, #tpu.memory_space<vmem>> -> memref<1x800x16xf32, #tpu.memory_space<vmem>>
    %dma_start3A_258 = tpu.memref_squeeze %dma_start3A_257 : memref<1x800x16xf32, #tpu.memory_space<vmem>> -> memref<800x16xf32, #tpu.memory_space<vmem>>
    %dma_start3A_259 = arith.constant 0 : i32
    %dma_start3A_260 = tpu.memref_slice %arg6[%dma_start3A_253, %dma_start3A_254, %dma_start3A_259] : memref<3x2x800xi32, #tpu.memory_space<vmem>> -> memref<1x1x800xi32, #tpu.memory_space<vmem>>
    %dma_start3A_261 = tpu.memref_squeeze %dma_start3A_260 : memref<1x1x800xi32, #tpu.memory_space<vmem>> -> memref<800xi32, #tpu.memory_space<vmem>>
    %dma_start3A_262 = arith.constant 0 : i32
    %dma_start3A_263 = arith.constant 0 : i32
    %dma_start3A_264 = tpu.memref_slice %arg15[%dma_start3A_262, %dma_start3A_263] : memref<100032x16xf32, #tpu.memory_space<vmem_shared>> -> memref<100032x16xf32, #tpu.memory_space<vmem_shared>>
    tpu.enqueue_indirect_dma source(%dma_start3A_258 : memref<800x16xf32, #tpu.memory_space<vmem>>) target(%dma_start3A_264 : memref<100032x16xf32, #tpu.memory_space<vmem_shared>>) offsets(%dma_start3A_261 : memref<800xi32, #tpu.memory_space<vmem>>) semaphore(%arg11 : memref<!tpu.dma_semaphore, #tpu.memory_space<semaphore_mem>>) {add = true}
    %dma_wait3A_265 = arith.constant 1 : i32
    %dma_wait3A_266 = arith.constant 1 : i32
    %dma_wait3A_267 = arith.constant 1 : i32
    %dma_wait3A_268 = arith.constant 0 : i32
    %dma_wait3A_269 = arith.constant 0 : i32
    %dma_wait3A_270 = tpu.memref_slice %arg7[%dma_wait3A_265, %dma_wait3A_268, %dma_wait3A_269] : memref<2x800x16xf32, #tpu.memory_space<vmem>> -> memref<1x800x16xf32, #tpu.memory_space<vmem>>
    %dma_wait3A_271 = tpu.memref_squeeze %dma_wait3A_270 : memref<1x800x16xf32, #tpu.memory_space<vmem>> -> memref<800x16xf32, #tpu.memory_space<vmem>>
    %dma_wait3A_272 = arith.constant 0 : i32
    %dma_wait3A_273 = tpu.memref_slice %arg6[%dma_wait3A_266, %dma_wait3A_267, %dma_wait3A_272] : memref<3x2x800xi32, #tpu.memory_space<vmem>> -> memref<1x1x800xi32, #tpu.memory_space<vmem>>
    %dma_wait3A_274 = tpu.memref_squeeze %dma_wait3A_273 : memref<1x1x800xi32, #tpu.memory_space<vmem>> -> memref<800xi32, #tpu.memory_space<vmem>>
    %dma_wait3A_275 = arith.constant 0 : i32
    %dma_wait3A_276 = arith.constant 0 : i32
    %dma_wait3A_277 = tpu.memref_slice %arg15[%dma_wait3A_275, %dma_wait3A_276] : memref<100032x16xf32, #tpu.memory_space<vmem_shared>> -> memref<100032x16xf32, #tpu.memory_space<vmem_shared>>
    tpu.wait_indirect_dma semaphore(%arg11 : memref<!tpu.dma_semaphore, #tpu.memory_space<semaphore_mem>>) src(%dma_wait3A_271 : memref<800x16xf32, #tpu.memory_space<vmem>>) dst(%dma_wait3A_277 : memref<100032x16xf32, #tpu.memory_space<vmem_shared>>)
    %add3A_278 = arith.constant 99200 : i32
    %add3A_279 = arith.addi %mul3A_6, %add3A_278 : i32
    %dma_start3A_280 = arith.constant 1 : i32
    %dma_start3A_281 = arith.constant 0 : i32
    %dma_start3A_282 = arith.constant 0 : i32
    %dma_start3A_283 = tpu.memref_slice %arg6[%dma_start3A_280, %dma_start3A_281, %dma_start3A_282] : memref<3x2x800xi32, #tpu.memory_space<vmem>> -> memref<1x2x800xi32, #tpu.memory_space<vmem>>
    %dma_start3A_284 = tpu.memref_squeeze %dma_start3A_283 : memref<1x2x800xi32, #tpu.memory_space<vmem>> -> memref<2x800xi32, #tpu.memory_space<vmem>>
    %dma_start3A_285 = arith.constant 0 : i32
    %dma_start3A_286 = tpu.memref_slice %arg3[%dma_start3A_285, %add3A_279] : memref<2x3200000xi32, #tpu.memory_space<hbm>> -> memref<2x800xi32, #tpu.memory_space<hbm>>
    %dma_start3A_287 = arith.constant 0 : i32
    %dma_start3A_288 = arith.constant 0 : i32
    %dma_start3A_289 = tpu.memref_slice %arg6[%dma_start3A_280, %dma_start3A_287, %dma_start3A_288] : memref<3x2x800xi32, #tpu.memory_space<vmem>> -> memref<1x2x800xi32, #tpu.memory_space<vmem>>
    %dma_start3A_290 = tpu.memref_squeeze %dma_start3A_289 : memref<1x2x800xi32, #tpu.memory_space<vmem>> -> memref<2x800xi32, #tpu.memory_space<vmem>>
    %dma_start3A_291 = arith.constant 0 : i32
    %dma_start3A_292 = tpu.memref_slice %arg3[%dma_start3A_291, %add3A_279] : memref<2x3200000xi32, #tpu.memory_space<hbm>> -> memref<2x800xi32, #tpu.memory_space<hbm>>
    tpu.enqueue_dma source(%dma_start3A_292 : memref<2x800xi32, #tpu.memory_space<hbm>>) target(%dma_start3A_290 : memref<2x800xi32, #tpu.memory_space<vmem>>) target_semaphore(%arg13 : memref<!tpu.dma_semaphore, #tpu.memory_space<semaphore_mem>>)
    %dma_wait3A_293 = arith.constant 0 : i32
    %dma_wait3A_294 = arith.constant 0 : i32
    %dma_wait3A_295 = arith.constant 0 : i32
    %dma_wait3A_296 = tpu.memref_slice %arg6[%dma_wait3A_293, %dma_wait3A_294, %dma_wait3A_295] : memref<3x2x800xi32, #tpu.memory_space<vmem>> -> memref<1x2x800xi32, #tpu.memory_space<vmem>>
    %dma_wait3A_297 = tpu.memref_squeeze %dma_wait3A_296 : memref<1x2x800xi32, #tpu.memory_space<vmem>> -> memref<2x800xi32, #tpu.memory_space<vmem>>
    %dma_wait3A_298 = arith.constant 0 : i32
    %dma_wait3A_299 = tpu.memref_slice %arg3[%dma_wait3A_298, %mul3A_6] : memref<2x3200000xi32, #tpu.memory_space<hbm>> -> memref<2x800xi32, #tpu.memory_space<hbm>>
    %dma_wait3A_300 = arith.constant 0 : i32
    %dma_wait3A_301 = arith.constant 0 : i32
    %dma_wait3A_302 = tpu.memref_slice %arg6[%dma_wait3A_293, %dma_wait3A_300, %dma_wait3A_301] : memref<3x2x800xi32, #tpu.memory_space<vmem>> -> memref<1x2x800xi32, #tpu.memory_space<vmem>>
    %dma_wait3A_303 = tpu.memref_squeeze %dma_wait3A_302 : memref<1x2x800xi32, #tpu.memory_space<vmem>> -> memref<2x800xi32, #tpu.memory_space<vmem>>
    %dma_wait3A_304 = arith.constant 0 : i32
    %dma_wait3A_305 = tpu.memref_slice %arg3[%dma_wait3A_304, %mul3A_6] : memref<2x3200000xi32, #tpu.memory_space<hbm>> -> memref<2x800xi32, #tpu.memory_space<hbm>>
    tpu.wait_dma2 semaphore(%arg12 : memref<!tpu.dma_semaphore, #tpu.memory_space<semaphore_mem>>) src(%dma_wait3A_305 : memref<2x800xi32, #tpu.memory_space<hbm>>) dst(%dma_wait3A_303 : memref<2x800xi32, #tpu.memory_space<vmem>>)
    %dma_start3A_306 = arith.constant 0 : i32
    %dma_start3A_307 = arith.constant 0 : i32
    %dma_start3A_308 = arith.constant 1 : i32
    %dma_start3A_309 = arith.constant 0 : i32
    %dma_start3A_310 = arith.constant 0 : i32
    %dma_start3A_311 = tpu.memref_slice %arg7[%dma_start3A_308, %dma_start3A_309, %dma_start3A_310] : memref<2x800x16xf32, #tpu.memory_space<vmem>> -> memref<1x800x16xf32, #tpu.memory_space<vmem>>
    %dma_start3A_312 = tpu.memref_squeeze %dma_start3A_311 : memref<1x800x16xf32, #tpu.memory_space<vmem>> -> memref<800x16xf32, #tpu.memory_space<vmem>>
    %dma_start3A_313 = arith.constant 0 : i32
    %dma_start3A_314 = tpu.memref_slice %arg6[%dma_start3A_306, %dma_start3A_307, %dma_start3A_313] : memref<3x2x800xi32, #tpu.memory_space<vmem>> -> memref<1x1x800xi32, #tpu.memory_space<vmem>>
    %dma_start3A_315 = tpu.memref_squeeze %dma_start3A_314 : memref<1x1x800xi32, #tpu.memory_space<vmem>> -> memref<800xi32, #tpu.memory_space<vmem>>
    %dma_start3A_316 = arith.constant 0 : i32
    %dma_start3A_317 = arith.constant 0 : i32
    %dma_start3A_318 = tpu.memref_slice %arg2[%dma_start3A_316, %dma_start3A_317] : memref<100032x16xf32, #tpu.memory_space<hbm>> -> memref<100032x16xf32, #tpu.memory_space<hbm>>
    tpu.enqueue_indirect_dma source(%dma_start3A_318 : memref<100032x16xf32, #tpu.memory_space<hbm>>) target(%dma_start3A_312 : memref<800x16xf32, #tpu.memory_space<vmem>>) offsets(%dma_start3A_315 : memref<800xi32, #tpu.memory_space<vmem>>) semaphore(%arg9 : memref<!tpu.dma_semaphore, #tpu.memory_space<semaphore_mem>>)
    %dma_wait3A_319 = arith.constant 2 : i32
    %dma_wait3A_320 = arith.constant 0 : i32
    %dma_wait3A_321 = arith.constant 0 : i32
    %dma_wait3A_322 = arith.constant 0 : i32
    %dma_wait3A_323 = arith.constant 0 : i32
    %dma_wait3A_324 = tpu.memref_slice %arg7[%dma_wait3A_321, %dma_wait3A_322, %dma_wait3A_323] : memref<2x800x16xf32, #tpu.memory_space<vmem>> -> memref<1x800x16xf32, #tpu.memory_space<vmem>>
    %dma_wait3A_325 = tpu.memref_squeeze %dma_wait3A_324 : memref<1x800x16xf32, #tpu.memory_space<vmem>> -> memref<800x16xf32, #tpu.memory_space<vmem>>
    %dma_wait3A_326 = arith.constant 0 : i32
    %dma_wait3A_327 = tpu.memref_slice %arg6[%dma_wait3A_319, %dma_wait3A_320, %dma_wait3A_326] : memref<3x2x800xi32, #tpu.memory_space<vmem>> -> memref<1x1x800xi32, #tpu.memory_space<vmem>>
    %dma_wait3A_328 = tpu.memref_squeeze %dma_wait3A_327 : memref<1x1x800xi32, #tpu.memory_space<vmem>> -> memref<800xi32, #tpu.memory_space<vmem>>
    %dma_wait3A_329 = arith.constant 0 : i32
    %dma_wait3A_330 = arith.constant 0 : i32
    %dma_wait3A_331 = tpu.memref_slice %arg2[%dma_wait3A_329, %dma_wait3A_330] : memref<100032x16xf32, #tpu.memory_space<hbm>> -> memref<100032x16xf32, #tpu.memory_space<hbm>>
    tpu.wait_indirect_dma semaphore(%arg8 : memref<!tpu.dma_semaphore, #tpu.memory_space<semaphore_mem>>) src(%dma_wait3A_331 : memref<100032x16xf32, #tpu.memory_space<hbm>>) dst(%dma_wait3A_325 : memref<800x16xf32, #tpu.memory_space<vmem>>)
    %dma_start3A_332 = arith.constant 0 : i32
    %dma_start3A_333 = arith.constant 2 : i32
    %dma_start3A_334 = arith.constant 1 : i32
    %dma_start3A_335 = arith.constant 0 : i32
    %dma_start3A_336 = arith.constant 0 : i32
    %dma_start3A_337 = tpu.memref_slice %arg7[%dma_start3A_332, %dma_start3A_335, %dma_start3A_336] : memref<2x800x16xf32, #tpu.memory_space<vmem>> -> memref<1x800x16xf32, #tpu.memory_space<vmem>>
    %dma_start3A_338 = tpu.memref_squeeze %dma_start3A_337 : memref<1x800x16xf32, #tpu.memory_space<vmem>> -> memref<800x16xf32, #tpu.memory_space<vmem>>
    %dma_start3A_339 = arith.constant 0 : i32
    %dma_start3A_340 = tpu.memref_slice %arg6[%dma_start3A_333, %dma_start3A_334, %dma_start3A_339] : memref<3x2x800xi32, #tpu.memory_space<vmem>> -> memref<1x1x800xi32, #tpu.memory_space<vmem>>
    %dma_start3A_341 = tpu.memref_squeeze %dma_start3A_340 : memref<1x1x800xi32, #tpu.memory_space<vmem>> -> memref<800xi32, #tpu.memory_space<vmem>>
    %dma_start3A_342 = arith.constant 0 : i32
    %dma_start3A_343 = arith.constant 0 : i32
    %dma_start3A_344 = tpu.memref_slice %arg15[%dma_start3A_342, %dma_start3A_343] : memref<100032x16xf32, #tpu.memory_space<vmem_shared>> -> memref<100032x16xf32, #tpu.memory_space<vmem_shared>>
    tpu.enqueue_indirect_dma source(%dma_start3A_338 : memref<800x16xf32, #tpu.memory_space<vmem>>) target(%dma_start3A_344 : memref<100032x16xf32, #tpu.memory_space<vmem_shared>>) offsets(%dma_start3A_341 : memref<800xi32, #tpu.memory_space<vmem>>) semaphore(%arg10 : memref<!tpu.dma_semaphore, #tpu.memory_space<semaphore_mem>>) {add = true}
    %dma_wait3A_345 = arith.constant 0 : i32
    %dma_wait3A_346 = arith.constant 2 : i32
    %dma_wait3A_347 = arith.constant 1 : i32
    %dma_wait3A_348 = arith.constant 0 : i32
    %dma_wait3A_349 = arith.constant 0 : i32
    %dma_wait3A_350 = tpu.memref_slice %arg7[%dma_wait3A_345, %dma_wait3A_348, %dma_wait3A_349] : memref<2x800x16xf32, #tpu.memory_space<vmem>> -> memref<1x800x16xf32, #tpu.memory_space<vmem>>
    %dma_wait3A_351 = tpu.memref_squeeze %dma_wait3A_350 : memref<1x800x16xf32, #tpu.memory_space<vmem>> -> memref<800x16xf32, #tpu.memory_space<vmem>>
    %dma_wait3A_352 = arith.constant 0 : i32
    %dma_wait3A_353 = tpu.memref_slice %arg6[%dma_wait3A_346, %dma_wait3A_347, %dma_wait3A_352] : memref<3x2x800xi32, #tpu.memory_space<vmem>> -> memref<1x1x800xi32, #tpu.memory_space<vmem>>
    %dma_wait3A_354 = tpu.memref_squeeze %dma_wait3A_353 : memref<1x1x800xi32, #tpu.memory_space<vmem>> -> memref<800xi32, #tpu.memory_space<vmem>>
    %dma_wait3A_355 = arith.constant 0 : i32
    %dma_wait3A_356 = arith.constant 0 : i32
    %dma_wait3A_357 = tpu.memref_slice %arg15[%dma_wait3A_355, %dma_wait3A_356] : memref<100032x16xf32, #tpu.memory_space<vmem_shared>> -> memref<100032x16xf32, #tpu.memory_space<vmem_shared>>
    tpu.wait_indirect_dma semaphore(%arg10 : memref<!tpu.dma_semaphore, #tpu.memory_space<semaphore_mem>>) src(%dma_wait3A_351 : memref<800x16xf32, #tpu.memory_space<vmem>>) dst(%dma_wait3A_357 : memref<100032x16xf32, #tpu.memory_space<vmem_shared>>)
    %dma_wait3A_358 = arith.constant 1 : i32
    %dma_wait3A_359 = arith.constant 0 : i32
    %dma_wait3A_360 = arith.constant 0 : i32
    %dma_wait3A_361 = tpu.memref_slice %arg6[%dma_wait3A_358, %dma_wait3A_359, %dma_wait3A_360] : memref<3x2x800xi32, #tpu.memory_space<vmem>> -> memref<1x2x800xi32, #tpu.memory_space<vmem>>
    %dma_wait3A_362 = tpu.memref_squeeze %dma_wait3A_361 : memref<1x2x800xi32, #tpu.memory_space<vmem>> -> memref<2x800xi32, #tpu.memory_space<vmem>>
    %dma_wait3A_363 = arith.constant 0 : i32
    %dma_wait3A_364 = tpu.memref_slice %arg3[%dma_wait3A_363, %mul3A_6] : memref<2x3200000xi32, #tpu.memory_space<hbm>> -> memref<2x800xi32, #tpu.memory_space<hbm>>
    %dma_wait3A_365 = arith.constant 0 : i32
    %dma_wait3A_366 = arith.constant 0 : i32
    %dma_wait3A_367 = tpu.memref_slice %arg6[%dma_wait3A_358, %dma_wait3A_365, %dma_wait3A_366] : memref<3x2x800xi32, #tpu.memory_space<vmem>> -> memref<1x2x800xi32, #tpu.memory_space<vmem>>
    %dma_wait3A_368 = tpu.memref_squeeze %dma_wait3A_367 : memref<1x2x800xi32, #tpu.memory_space<vmem>> -> memref<2x800xi32, #tpu.memory_space<vmem>>
    %dma_wait3A_369 = arith.constant 0 : i32
    %dma_wait3A_370 = tpu.memref_slice %arg3[%dma_wait3A_369, %mul3A_6] : memref<2x3200000xi32, #tpu.memory_space<hbm>> -> memref<2x800xi32, #tpu.memory_space<hbm>>
    tpu.wait_dma2 semaphore(%arg13 : memref<!tpu.dma_semaphore, #tpu.memory_space<semaphore_mem>>) src(%dma_wait3A_370 : memref<2x800xi32, #tpu.memory_space<hbm>>) dst(%dma_wait3A_368 : memref<2x800xi32, #tpu.memory_space<vmem>>)
    %dma_start3A_371 = arith.constant 1 : i32
    %dma_start3A_372 = arith.constant 0 : i32
    %dma_start3A_373 = arith.constant 0 : i32
    %dma_start3A_374 = arith.constant 0 : i32
    %dma_start3A_375 = arith.constant 0 : i32
    %dma_start3A_376 = tpu.memref_slice %arg7[%dma_start3A_373, %dma_start3A_374, %dma_start3A_375] : memref<2x800x16xf32, #tpu.memory_space<vmem>> -> memref<1x800x16xf32, #tpu.memory_space<vmem>>
    %dma_start3A_377 = tpu.memref_squeeze %dma_start3A_376 : memref<1x800x16xf32, #tpu.memory_space<vmem>> -> memref<800x16xf32, #tpu.memory_space<vmem>>
    %dma_start3A_378 = arith.constant 0 : i32
    %dma_start3A_379 = tpu.memref_slice %arg6[%dma_start3A_371, %dma_start3A_372, %dma_start3A_378] : memref<3x2x800xi32, #tpu.memory_space<vmem>> -> memref<1x1x800xi32, #tpu.memory_space<vmem>>
    %dma_start3A_380 = tpu.memref_squeeze %dma_start3A_379 : memref<1x1x800xi32, #tpu.memory_space<vmem>> -> memref<800xi32, #tpu.memory_space<vmem>>
    %dma_start3A_381 = arith.constant 0 : i32
    %dma_start3A_382 = arith.constant 0 : i32
    %dma_start3A_383 = tpu.memref_slice %arg2[%dma_start3A_381, %dma_start3A_382] : memref<100032x16xf32, #tpu.memory_space<hbm>> -> memref<100032x16xf32, #tpu.memory_space<hbm>>
    tpu.enqueue_indirect_dma source(%dma_start3A_383 : memref<100032x16xf32, #tpu.memory_space<hbm>>) target(%dma_start3A_377 : memref<800x16xf32, #tpu.memory_space<vmem>>) offsets(%dma_start3A_380 : memref<800xi32, #tpu.memory_space<vmem>>) semaphore(%arg8 : memref<!tpu.dma_semaphore, #tpu.memory_space<semaphore_mem>>)
    %dma_wait3A_384 = arith.constant 0 : i32
    %dma_wait3A_385 = arith.constant 0 : i32
    %dma_wait3A_386 = arith.constant 1 : i32
    %dma_wait3A_387 = arith.constant 0 : i32
    %dma_wait3A_388 = arith.constant 0 : i32
    %dma_wait3A_389 = tpu.memref_slice %arg7[%dma_wait3A_386, %dma_wait3A_387, %dma_wait3A_388] : memref<2x800x16xf32, #tpu.memory_space<vmem>> -> memref<1x800x16xf32, #tpu.memory_space<vmem>>
    %dma_wait3A_390 = tpu.memref_squeeze %dma_wait3A_389 : memref<1x800x16xf32, #tpu.memory_space<vmem>> -> memref<800x16xf32, #tpu.memory_space<vmem>>
    %dma_wait3A_391 = arith.constant 0 : i32
    %dma_wait3A_392 = tpu.memref_slice %arg6[%dma_wait3A_384, %dma_wait3A_385, %dma_wait3A_391] : memref<3x2x800xi32, #tpu.memory_space<vmem>> -> memref<1x1x800xi32, #tpu.memory_space<vmem>>
    %dma_wait3A_393 = tpu.memref_squeeze %dma_wait3A_392 : memref<1x1x800xi32, #tpu.memory_space<vmem>> -> memref<800xi32, #tpu.memory_space<vmem>>
    %dma_wait3A_394 = arith.constant 0 : i32
    %dma_wait3A_395 = arith.constant 0 : i32
    %dma_wait3A_396 = tpu.memref_slice %arg2[%dma_wait3A_394, %dma_wait3A_395] : memref<100032x16xf32, #tpu.memory_space<hbm>> -> memref<100032x16xf32, #tpu.memory_space<hbm>>
    tpu.wait_indirect_dma semaphore(%arg9 : memref<!tpu.dma_semaphore, #tpu.memory_space<semaphore_mem>>) src(%dma_wait3A_396 : memref<100032x16xf32, #tpu.memory_space<hbm>>) dst(%dma_wait3A_390 : memref<800x16xf32, #tpu.memory_space<vmem>>)
    %dma_start3A_397 = arith.constant 1 : i32
    %dma_start3A_398 = arith.constant 0 : i32
    %dma_start3A_399 = arith.constant 1 : i32
    %dma_start3A_400 = arith.constant 0 : i32
    %dma_start3A_401 = arith.constant 0 : i32
    %dma_start3A_402 = tpu.memref_slice %arg7[%dma_start3A_397, %dma_start3A_400, %dma_start3A_401] : memref<2x800x16xf32, #tpu.memory_space<vmem>> -> memref<1x800x16xf32, #tpu.memory_space<vmem>>
    %dma_start3A_403 = tpu.memref_squeeze %dma_start3A_402 : memref<1x800x16xf32, #tpu.memory_space<vmem>> -> memref<800x16xf32, #tpu.memory_space<vmem>>
    %dma_start3A_404 = arith.constant 0 : i32
    %dma_start3A_405 = tpu.memref_slice %arg6[%dma_start3A_398, %dma_start3A_399, %dma_start3A_404] : memref<3x2x800xi32, #tpu.memory_space<vmem>> -> memref<1x1x800xi32, #tpu.memory_space<vmem>>
    %dma_start3A_406 = tpu.memref_squeeze %dma_start3A_405 : memref<1x1x800xi32, #tpu.memory_space<vmem>> -> memref<800xi32, #tpu.memory_space<vmem>>
    %dma_start3A_407 = arith.constant 0 : i32
    %dma_start3A_408 = arith.constant 0 : i32
    %dma_start3A_409 = tpu.memref_slice %arg15[%dma_start3A_407, %dma_start3A_408] : memref<100032x16xf32, #tpu.memory_space<vmem_shared>> -> memref<100032x16xf32, #tpu.memory_space<vmem_shared>>
    tpu.enqueue_indirect_dma source(%dma_start3A_403 : memref<800x16xf32, #tpu.memory_space<vmem>>) target(%dma_start3A_409 : memref<100032x16xf32, #tpu.memory_space<vmem_shared>>) offsets(%dma_start3A_406 : memref<800xi32, #tpu.memory_space<vmem>>) semaphore(%arg11 : memref<!tpu.dma_semaphore, #tpu.memory_space<semaphore_mem>>) {add = true}
    %dma_wait3A_410 = arith.constant 1 : i32
    %dma_wait3A_411 = arith.constant 0 : i32
    %dma_wait3A_412 = arith.constant 0 : i32
    %dma_wait3A_413 = arith.constant 0 : i32
    %dma_wait3A_414 = arith.constant 0 : i32
    %dma_wait3A_415 = tpu.memref_slice %arg7[%dma_wait3A_412, %dma_wait3A_413, %dma_wait3A_414] : memref<2x800x16xf32, #tpu.memory_space<vmem>> -> memref<1x800x16xf32, #tpu.memory_space<vmem>>
    %dma_wait3A_416 = tpu.memref_squeeze %dma_wait3A_415 : memref<1x800x16xf32, #tpu.memory_space<vmem>> -> memref<800x16xf32, #tpu.memory_space<vmem>>
    %dma_wait3A_417 = arith.constant 0 : i32
    %dma_wait3A_418 = tpu.memref_slice %arg6[%dma_wait3A_410, %dma_wait3A_411, %dma_wait3A_417] : memref<3x2x800xi32, #tpu.memory_space<vmem>> -> memref<1x1x800xi32, #tpu.memory_space<vmem>>
    %dma_wait3A_419 = tpu.memref_squeeze %dma_wait3A_418 : memref<1x1x800xi32, #tpu.memory_space<vmem>> -> memref<800xi32, #tpu.memory_space<vmem>>
    %dma_wait3A_420 = arith.constant 0 : i32
    %dma_wait3A_421 = arith.constant 0 : i32
    %dma_wait3A_422 = tpu.memref_slice %arg2[%dma_wait3A_420, %dma_wait3A_421] : memref<100032x16xf32, #tpu.memory_space<hbm>> -> memref<100032x16xf32, #tpu.memory_space<hbm>>
    tpu.wait_indirect_dma semaphore(%arg8 : memref<!tpu.dma_semaphore, #tpu.memory_space<semaphore_mem>>) src(%dma_wait3A_422 : memref<100032x16xf32, #tpu.memory_space<hbm>>) dst(%dma_wait3A_416 : memref<800x16xf32, #tpu.memory_space<vmem>>)
    %dma_start3A_423 = arith.constant 0 : i32
    %dma_start3A_424 = arith.constant 1 : i32
    %dma_start3A_425 = arith.constant 1 : i32
    %dma_start3A_426 = arith.constant 0 : i32
    %dma_start3A_427 = arith.constant 0 : i32
    %dma_start3A_428 = tpu.memref_slice %arg7[%dma_start3A_423, %dma_start3A_426, %dma_start3A_427] : memref<2x800x16xf32, #tpu.memory_space<vmem>> -> memref<1x800x16xf32, #tpu.memory_space<vmem>>
    %dma_start3A_429 = tpu.memref_squeeze %dma_start3A_428 : memref<1x800x16xf32, #tpu.memory_space<vmem>> -> memref<800x16xf32, #tpu.memory_space<vmem>>
    %dma_start3A_430 = arith.constant 0 : i32
    %dma_start3A_431 = tpu.memref_slice %arg6[%dma_start3A_424, %dma_start3A_425, %dma_start3A_430] : memref<3x2x800xi32, #tpu.memory_space<vmem>> -> memref<1x1x800xi32, #tpu.memory_space<vmem>>
    %dma_start3A_432 = tpu.memref_squeeze %dma_start3A_431 : memref<1x1x800xi32, #tpu.memory_space<vmem>> -> memref<800xi32, #tpu.memory_space<vmem>>
    %dma_start3A_433 = arith.constant 0 : i32
    %dma_start3A_434 = arith.constant 0 : i32
    %dma_start3A_435 = tpu.memref_slice %arg15[%dma_start3A_433, %dma_start3A_434] : memref<100032x16xf32, #tpu.memory_space<vmem_shared>> -> memref<100032x16xf32, #tpu.memory_space<vmem_shared>>
    tpu.enqueue_indirect_dma source(%dma_start3A_429 : memref<800x16xf32, #tpu.memory_space<vmem>>) target(%dma_start3A_435 : memref<100032x16xf32, #tpu.memory_space<vmem_shared>>) offsets(%dma_start3A_432 : memref<800xi32, #tpu.memory_space<vmem>>) semaphore(%arg10 : memref<!tpu.dma_semaphore, #tpu.memory_space<semaphore_mem>>) {add = true}
    %dma_wait3A_436 = arith.constant 1 : i32
    %dma_wait3A_437 = arith.constant 0 : i32
    %dma_wait3A_438 = arith.constant 1 : i32
    %dma_wait3A_439 = arith.constant 0 : i32
    %dma_wait3A_440 = arith.constant 0 : i32
    %dma_wait3A_441 = tpu.memref_slice %arg7[%dma_wait3A_436, %dma_wait3A_439, %dma_wait3A_440] : memref<2x800x16xf32, #tpu.memory_space<vmem>> -> memref<1x800x16xf32, #tpu.memory_space<vmem>>
    %dma_wait3A_442 = tpu.memref_squeeze %dma_wait3A_441 : memref<1x800x16xf32, #tpu.memory_space<vmem>> -> memref<800x16xf32, #tpu.memory_space<vmem>>
    %dma_wait3A_443 = arith.constant 0 : i32
    %dma_wait3A_444 = tpu.memref_slice %arg6[%dma_wait3A_437, %dma_wait3A_438, %dma_wait3A_443] : memref<3x2x800xi32, #tpu.memory_space<vmem>> -> memref<1x1x800xi32, #tpu.memory_space<vmem>>
    %dma_wait3A_445 = tpu.memref_squeeze %dma_wait3A_444 : memref<1x1x800xi32, #tpu.memory_space<vmem>> -> memref<800xi32, #tpu.memory_space<vmem>>
    %dma_wait3A_446 = arith.constant 0 : i32
    %dma_wait3A_447 = arith.constant 0 : i32
    %dma_wait3A_448 = tpu.memref_slice %arg15[%dma_wait3A_446, %dma_wait3A_447] : memref<100032x16xf32, #tpu.memory_space<vmem_shared>> -> memref<100032x16xf32, #tpu.memory_space<vmem_shared>>
    tpu.wait_indirect_dma semaphore(%arg11 : memref<!tpu.dma_semaphore, #tpu.memory_space<semaphore_mem>>) src(%dma_wait3A_442 : memref<800x16xf32, #tpu.memory_space<vmem>>) dst(%dma_wait3A_448 : memref<100032x16xf32, #tpu.memory_space<vmem_shared>>)
    %dma_wait3A_449 = arith.constant 0 : i32
    %dma_wait3A_450 = arith.constant 1 : i32
    %dma_wait3A_451 = arith.constant 1 : i32
    %dma_wait3A_452 = arith.constant 0 : i32
    %dma_wait3A_453 = arith.constant 0 : i32
    %dma_wait3A_454 = tpu.memref_slice %arg7[%dma_wait3A_449, %dma_wait3A_452, %dma_wait3A_453] : memref<2x800x16xf32, #tpu.memory_space<vmem>> -> memref<1x800x16xf32, #tpu.memory_space<vmem>>
    %dma_wait3A_455 = tpu.memref_squeeze %dma_wait3A_454 : memref<1x800x16xf32, #tpu.memory_space<vmem>> -> memref<800x16xf32, #tpu.memory_space<vmem>>
    %dma_wait3A_456 = arith.constant 0 : i32
    %dma_wait3A_457 = tpu.memref_slice %arg6[%dma_wait3A_450, %dma_wait3A_451, %dma_wait3A_456] : memref<3x2x800xi32, #tpu.memory_space<vmem>> -> memref<1x1x800xi32, #tpu.memory_space<vmem>>
    %dma_wait3A_458 = tpu.memref_squeeze %dma_wait3A_457 : memref<1x1x800xi32, #tpu.memory_space<vmem>> -> memref<800xi32, #tpu.memory_space<vmem>>
    %dma_wait3A_459 = arith.constant 0 : i32
    %dma_wait3A_460 = arith.constant 0 : i32
    %dma_wait3A_461 = tpu.memref_slice %arg15[%dma_wait3A_459, %dma_wait3A_460] : memref<100032x16xf32, #tpu.memory_space<vmem_shared>> -> memref<100032x16xf32, #tpu.memory_space<vmem_shared>>
    tpu.wait_indirect_dma semaphore(%arg10 : memref<!tpu.dma_semaphore, #tpu.memory_space<semaphore_mem>>) src(%dma_wait3A_455 : memref<800x16xf32, #tpu.memory_space<vmem>>) dst(%dma_wait3A_461 : memref<100032x16xf32, #tpu.memory_space<vmem_shared>>)
    %barrier3A_462 = arith.constant 0 : index
    tpu.barrier barrier_id(%barrier3A_462)
    %mul3A_463 = arith.constant 6252 : i32
    %mul3A_464 = arith.muli %arg1, %mul3A_463 : i32
    %mul3A_465 = arith.constant 6252 : i32
    %mul3A_466 = arith.muli %arg1, %mul3A_465 : i32
    "tpu.region"() ({
      %run_scoped3A = tpu.sem_alloc : memref<!tpu.dma_semaphore, #tpu.memory_space<semaphore_mem>>
      %dma_start3A_467 = arith.constant 0 : i32
      %dma_start3A_468 = tpu.memref_slice %arg5[%arg0, %mul3A_466, %dma_start3A_467] : memref<2x100032x16xf32, #tpu.memory_space<hbm>> -> memref<1x6252x16xf32, #tpu.memory_space<hbm>>
      %dma_start3A_469 = tpu.memref_squeeze %dma_start3A_468 : memref<1x6252x16xf32, #tpu.memory_space<hbm>> -> memref<6252x16xf32, #tpu.memory_space<hbm>>
      %dma_start3A_470 = arith.constant 0 : i32
      %dma_start3A_471 = tpu.memref_slice %arg15[%mul3A_464, %dma_start3A_470] : memref<100032x16xf32, #tpu.memory_space<vmem_shared>> -> memref<6252x16xf32, #tpu.memory_space<vmem_shared>>
      tpu.enqueue_dma source(%dma_start3A_471 : memref<6252x16xf32, #tpu.memory_space<vmem_shared>>) target(%dma_start3A_469 : memref<6252x16xf32, #tpu.memory_space<hbm>>) target_semaphore(%run_scoped3A : memref<!tpu.dma_semaphore, #tpu.memory_space<semaphore_mem>>)
      %dma_wait3A_472 = arith.constant 0 : i32
      %dma_wait3A_473 = tpu.memref_slice %arg5[%arg0, %mul3A_466, %dma_wait3A_472] : memref<2x100032x16xf32, #tpu.memory_space<hbm>> -> memref<1x6252x16xf32, #tpu.memory_space<hbm>>
      %dma_wait3A_474 = tpu.memref_squeeze %dma_wait3A_473 : memref<1x6252x16xf32, #tpu.memory_space<hbm>> -> memref<6252x16xf32, #tpu.memory_space<hbm>>
      %dma_wait3A_475 = arith.constant 0 : i32
      %dma_wait3A_476 = tpu.memref_slice %arg15[%mul3A_464, %dma_wait3A_475] : memref<100032x16xf32, #tpu.memory_space<vmem_shared>> -> memref<6252x16xf32, #tpu.memory_space<vmem_shared>>
      tpu.wait_dma2 semaphore(%run_scoped3A : memref<!tpu.dma_semaphore, #tpu.memory_space<semaphore_mem>>) src(%dma_wait3A_476 : memref<6252x16xf32, #tpu.memory_space<vmem_shared>>) dst(%dma_wait3A_474 : memref<6252x16xf32, #tpu.memory_space<hbm>>)
      tpu.yield
    }) : () -> ()
    return
  }
}

#map = affine_map<(d0, d1) -> (0, 0)>
#map1 = affine_map<(d0, d1) -> (0, 0, 0)>
module attributes {stable_mosaic.version = 14 : i64} {
  func.func @deg_k(%arg0: i32, %arg1: i32, %arg2: memref<2x3200000xi32, #tpu.memory_space<hbm>>, %arg3: memref<800x16xf32, #tpu.memory_space<hbm>>, %arg4: memref<100032x16xf32, #tpu.memory_space<hbm>>, %arg5: memref<2x100032x16xf32, #tpu.memory_space<hbm>>, %arg6: memref<2x800xi32, #tpu.memory_space<vmem>>, %arg7: memref<800x16xf32, #tpu.memory_space<vmem>>, %arg8: memref<!tpu.dma_semaphore, #tpu.memory_space<semaphore_mem>>, %arg9: memref<!tpu.dma_semaphore, #tpu.memory_space<semaphore_mem>>, %arg10: memref<100032x16xf32, #tpu.memory_space<vmem_shared>>) attributes {dimension_semantics = [#tpu.dimension_semantics<core_parallel>, #tpu.dimension_semantics<subcore_parallel>], iteration_bounds = array<i64: 2, 16>, scalar_prefetch = 0 : i64, scratch_operands = 5 : i64, tpu.core_type = #tpu.core_type<sc_vector_subcore>, window_params = [{transform_indices = #map}, {transform_indices = #map}, {transform_indices = #map}, {transform_indices = #map1}]} {
    %mul3A = arith.constant 2 : i32
    %mul3A_0 = arith.muli %arg1, %mul3A : i32
    %add3A = arith.addi %mul3A_0, %arg0 : i32
    "tpu.region"() ({
      %run_scoped3A_50 = tpu.sem_alloc : memref<!tpu.dma_semaphore, #tpu.memory_space<semaphore_mem>>
      tpu.enqueue_dma source(%arg3 : memref<800x16xf32, #tpu.memory_space<hbm>>) target(%arg7 : memref<800x16xf32, #tpu.memory_space<vmem>>) target_semaphore(%run_scoped3A_50 : memref<!tpu.dma_semaphore, #tpu.memory_space<semaphore_mem>>)
      tpu.wait_dma2 semaphore(%run_scoped3A_50 : memref<!tpu.dma_semaphore, #tpu.memory_space<semaphore_mem>>) src(%arg3 : memref<800x16xf32, #tpu.memory_space<hbm>>) dst(%arg7 : memref<800x16xf32, #tpu.memory_space<vmem>>)
      tpu.yield
    }) : () -> ()
    %mul3A_1 = arith.constant 6252 : i32
    %mul3A_2 = arith.muli %arg1, %mul3A_1 : i32
    %mul3A_3 = arith.constant 6252 : i32
    %mul3A_4 = arith.muli %arg1, %mul3A_3 : i32
    "tpu.region"() ({
      %run_scoped3A_50 = tpu.sem_alloc : memref<!tpu.dma_semaphore, #tpu.memory_space<semaphore_mem>>
      %dma_start3A_51 = arith.constant 0 : i32
      %dma_start3A_52 = tpu.memref_slice %arg10[%mul3A_4, %dma_start3A_51] : memref<100032x16xf32, #tpu.memory_space<vmem_shared>> -> memref<6252x16xf32, #tpu.memory_space<vmem_shared>>
      %dma_start3A_53 = arith.constant 0 : i32
      %dma_start3A_54 = tpu.memref_slice %arg4[%mul3A_2, %dma_start3A_53] : memref<100032x16xf32, #tpu.memory_space<hbm>> -> memref<6252x16xf32, #tpu.memory_space<hbm>>
      tpu.enqueue_dma source(%dma_start3A_54 : memref<6252x16xf32, #tpu.memory_space<hbm>>) target(%dma_start3A_52 : memref<6252x16xf32, #tpu.memory_space<vmem_shared>>) target_semaphore(%run_scoped3A_50 : memref<!tpu.dma_semaphore, #tpu.memory_space<semaphore_mem>>)
      %dma_wait3A_55 = arith.constant 0 : i32
      %dma_wait3A_56 = tpu.memref_slice %arg10[%mul3A_4, %dma_wait3A_55] : memref<100032x16xf32, #tpu.memory_space<vmem_shared>> -> memref<6252x16xf32, #tpu.memory_space<vmem_shared>>
      %dma_wait3A_57 = arith.constant 0 : i32
      %dma_wait3A_58 = tpu.memref_slice %arg4[%mul3A_2, %dma_wait3A_57] : memref<100032x16xf32, #tpu.memory_space<hbm>> -> memref<6252x16xf32, #tpu.memory_space<hbm>>
      tpu.wait_dma2 semaphore(%run_scoped3A_50 : memref<!tpu.dma_semaphore, #tpu.memory_space<semaphore_mem>>) src(%dma_wait3A_58 : memref<6252x16xf32, #tpu.memory_space<hbm>>) dst(%dma_wait3A_56 : memref<6252x16xf32, #tpu.memory_space<vmem_shared>>)
      tpu.yield
    }) : () -> ()
    %barrier3A = arith.constant 0 : index
    tpu.barrier barrier_id(%barrier3A)
    %mul3A_5 = arith.constant 100000 : i32
    %mul3A_6 = arith.muli %add3A, %mul3A_5 : i32
    %add3A_7 = arith.constant 0 : i32
    %add3A_8 = arith.addi %mul3A_6, %add3A_7 : i32
    %run_scoped3A = arith.constant 1 : i32
    %run_scoped3A_9 = arith.constant 0 : i32
    "tpu.region"() ({
      %run_scoped3A_50 = tpu.sem_alloc : memref<!tpu.dma_semaphore, #tpu.memory_space<semaphore_mem>>
      %dma_start3A_51 = arith.constant 0 : i32
      %dma_start3A_52 = tpu.memref_slice %arg6[%run_scoped3A_9, %dma_start3A_51] : memref<2x800xi32, #tpu.memory_space<vmem>> -> memref<1x800xi32, #tpu.memory_space<vmem>>
      %dma_start3A_53 = tpu.memref_squeeze %dma_start3A_52 : memref<1x800xi32, #tpu.memory_space<vmem>> -> memref<800xi32, #tpu.memory_space<vmem>>
      %dma_start3A_54 = tpu.memref_slice %arg2[%run_scoped3A, %add3A_8] : memref<2x3200000xi32, #tpu.memory_space<hbm>> -> memref<1x800xi32, #tpu.memory_space<hbm>>
      %dma_start3A_55 = tpu.memref_squeeze %dma_start3A_54 : memref<1x800xi32, #tpu.memory_space<hbm>> -> memref<800xi32, #tpu.memory_space<hbm>>
      %dma_start3A_56 = arith.constant 0 : i32
      %dma_start3A_57 = tpu.memref_slice %arg6[%run_scoped3A_9, %dma_start3A_56] : memref<2x800xi32, #tpu.memory_space<vmem>> -> memref<1x800xi32, #tpu.memory_space<vmem>>
      %dma_start3A_58 = tpu.memref_squeeze %dma_start3A_57 : memref<1x800xi32, #tpu.memory_space<vmem>> -> memref<800xi32, #tpu.memory_space<vmem>>
      %dma_start3A_59 = tpu.memref_slice %arg2[%run_scoped3A, %add3A_8] : memref<2x3200000xi32, #tpu.memory_space<hbm>> -> memref<1x800xi32, #tpu.memory_space<hbm>>
      %dma_start3A_60 = tpu.memref_squeeze %dma_start3A_59 : memref<1x800xi32, #tpu.memory_space<hbm>> -> memref<800xi32, #tpu.memory_space<hbm>>
      tpu.enqueue_dma source(%dma_start3A_60 : memref<800xi32, #tpu.memory_space<hbm>>) target(%dma_start3A_58 : memref<800xi32, #tpu.memory_space<vmem>>) target_semaphore(%run_scoped3A_50 : memref<!tpu.dma_semaphore, #tpu.memory_space<semaphore_mem>>)
      %dma_wait3A_61 = arith.constant 0 : i32
      %dma_wait3A_62 = tpu.memref_slice %arg6[%run_scoped3A_9, %dma_wait3A_61] : memref<2x800xi32, #tpu.memory_space<vmem>> -> memref<1x800xi32, #tpu.memory_space<vmem>>
      %dma_wait3A_63 = tpu.memref_squeeze %dma_wait3A_62 : memref<1x800xi32, #tpu.memory_space<vmem>> -> memref<800xi32, #tpu.memory_space<vmem>>
      %dma_wait3A_64 = tpu.memref_slice %arg2[%run_scoped3A, %add3A_8] : memref<2x3200000xi32, #tpu.memory_space<hbm>> -> memref<1x800xi32, #tpu.memory_space<hbm>>
      %dma_wait3A_65 = tpu.memref_squeeze %dma_wait3A_64 : memref<1x800xi32, #tpu.memory_space<hbm>> -> memref<800xi32, #tpu.memory_space<hbm>>
      %dma_wait3A_66 = arith.constant 0 : i32
      %dma_wait3A_67 = tpu.memref_slice %arg6[%run_scoped3A_9, %dma_wait3A_66] : memref<2x800xi32, #tpu.memory_space<vmem>> -> memref<1x800xi32, #tpu.memory_space<vmem>>
      %dma_wait3A_68 = tpu.memref_squeeze %dma_wait3A_67 : memref<1x800xi32, #tpu.memory_space<vmem>> -> memref<800xi32, #tpu.memory_space<vmem>>
      %dma_wait3A_69 = tpu.memref_slice %arg2[%run_scoped3A, %add3A_8] : memref<2x3200000xi32, #tpu.memory_space<hbm>> -> memref<1x800xi32, #tpu.memory_space<hbm>>
      %dma_wait3A_70 = tpu.memref_squeeze %dma_wait3A_69 : memref<1x800xi32, #tpu.memory_space<hbm>> -> memref<800xi32, #tpu.memory_space<hbm>>
      tpu.wait_dma2 semaphore(%run_scoped3A_50 : memref<!tpu.dma_semaphore, #tpu.memory_space<semaphore_mem>>) src(%dma_wait3A_70 : memref<800xi32, #tpu.memory_space<hbm>>) dst(%dma_wait3A_68 : memref<800xi32, #tpu.memory_space<vmem>>)
      tpu.yield
    }) : () -> ()
    %scan3A = arith.constant 0 : i32
    %scan3A_10 = arith.constant 0 : i32
    %scan3A_11 = arith.constant 62 : i32
    %scan3A_12 = arith.addi %scan3A_10, %scan3A_11 : i32
    %scan3A_13 = arith.constant 1 : i32
    scf.for %scan3A_50 = %scan3A_10 to %scan3A_12 step %scan3A_13  : i32 {
      %mul3A_51 = arith.constant 2 : i32
      %mul3A_52 = arith.muli %mul3A_51, %scan3A_50 : i32
      %dma_start3A_53 = arith.constant 0 : i32
      %dma_start3A_54 = arith.constant 0 : i32
      %dma_start3A_55 = tpu.memref_slice %arg6[%dma_start3A_53, %dma_start3A_54] : memref<2x800xi32, #tpu.memory_space<vmem>> -> memref<1x800xi32, #tpu.memory_space<vmem>>
      %dma_start3A_56 = tpu.memref_squeeze %dma_start3A_55 : memref<1x800xi32, #tpu.memory_space<vmem>> -> memref<800xi32, #tpu.memory_space<vmem>>
      %dma_start3A_57 = arith.constant 0 : i32
      %dma_start3A_58 = arith.constant 0 : i32
      %dma_start3A_59 = tpu.memref_slice %arg10[%dma_start3A_57, %dma_start3A_58] : memref<100032x16xf32, #tpu.memory_space<vmem_shared>> -> memref<100032x16xf32, #tpu.memory_space<vmem_shared>>
      tpu.enqueue_indirect_dma source(%arg7 : memref<800x16xf32, #tpu.memory_space<vmem>>) target(%dma_start3A_59 : memref<100032x16xf32, #tpu.memory_space<vmem_shared>>) offsets(%dma_start3A_56 : memref<800xi32, #tpu.memory_space<vmem>>) semaphore(%arg8 : memref<!tpu.dma_semaphore, #tpu.memory_space<semaphore_mem>>) {add = true}
      %ge3A = arith.constant 1 : i32
      %ge3A_60 = arith.cmpi sge, %scan3A_50, %ge3A : i32
      %convert_element_type3A = arith.extui %ge3A_60 : i1 to i32
      %cond3A = arith.constant 0 : i32
      %cond3A_61 = arith.cmpi ne, %convert_element_type3A, %cond3A : i32
      scf.if %cond3A_61 {
        %dma_wait3A_82 = arith.constant 1 : i32
        %dma_wait3A_83 = arith.constant 0 : i32
        %dma_wait3A_84 = tpu.memref_slice %arg6[%dma_wait3A_82, %dma_wait3A_83] : memref<2x800xi32, #tpu.memory_space<vmem>> -> memref<1x800xi32, #tpu.memory_space<vmem>>
        %dma_wait3A_85 = tpu.memref_squeeze %dma_wait3A_84 : memref<1x800xi32, #tpu.memory_space<vmem>> -> memref<800xi32, #tpu.memory_space<vmem>>
        %dma_wait3A_86 = arith.constant 0 : i32
        %dma_wait3A_87 = arith.constant 0 : i32
        %dma_wait3A_88 = tpu.memref_slice %arg10[%dma_wait3A_86, %dma_wait3A_87] : memref<100032x16xf32, #tpu.memory_space<vmem_shared>> -> memref<100032x16xf32, #tpu.memory_space<vmem_shared>>
        tpu.wait_indirect_dma semaphore(%arg9 : memref<!tpu.dma_semaphore, #tpu.memory_space<semaphore_mem>>) src(%arg7 : memref<800x16xf32, #tpu.memory_space<vmem>>) dst(%dma_wait3A_88 : memref<100032x16xf32, #tpu.memory_space<vmem_shared>>)
      } else {
      }
      %add3A_62 = arith.constant 1 : i32
      %add3A_63 = arith.addi %mul3A_52, %add3A_62 : i32
      %mul3A_64 = arith.constant 800 : i32
      %mul3A_65 = arith.muli %add3A_63, %mul3A_64 : i32
      %add3A_66 = arith.addi %mul3A_6, %mul3A_65 : i32
      %run_scoped3A_67 = arith.constant 1 : i32
      %run_scoped3A_68 = arith.constant 1 : i32
      "tpu.region"() ({
        %run_scoped3A_82 = tpu.sem_alloc : memref<!tpu.dma_semaphore, #tpu.memory_space<semaphore_mem>>
        %dma_start3A_83 = arith.constant 0 : i32
        %dma_start3A_84 = tpu.memref_slice %arg6[%run_scoped3A_68, %dma_start3A_83] : memref<2x800xi32, #tpu.memory_space<vmem>> -> memref<1x800xi32, #tpu.memory_space<vmem>>
        %dma_start3A_85 = tpu.memref_squeeze %dma_start3A_84 : memref<1x800xi32, #tpu.memory_space<vmem>> -> memref<800xi32, #tpu.memory_space<vmem>>
        %dma_start3A_86 = tpu.memref_slice %arg2[%run_scoped3A_67, %add3A_66] : memref<2x3200000xi32, #tpu.memory_space<hbm>> -> memref<1x800xi32, #tpu.memory_space<hbm>>
        %dma_start3A_87 = tpu.memref_squeeze %dma_start3A_86 : memref<1x800xi32, #tpu.memory_space<hbm>> -> memref<800xi32, #tpu.memory_space<hbm>>
        %dma_start3A_88 = arith.constant 0 : i32
        %dma_start3A_89 = tpu.memref_slice %arg6[%run_scoped3A_68, %dma_start3A_88] : memref<2x800xi32, #tpu.memory_space<vmem>> -> memref<1x800xi32, #tpu.memory_space<vmem>>
        %dma_start3A_90 = tpu.memref_squeeze %dma_start3A_89 : memref<1x800xi32, #tpu.memory_space<vmem>> -> memref<800xi32, #tpu.memory_space<vmem>>
        %dma_start3A_91 = tpu.memref_slice %arg2[%run_scoped3A_67, %add3A_66] : memref<2x3200000xi32, #tpu.memory_space<hbm>> -> memref<1x800xi32, #tpu.memory_space<hbm>>
        %dma_start3A_92 = tpu.memref_squeeze %dma_start3A_91 : memref<1x800xi32, #tpu.memory_space<hbm>> -> memref<800xi32, #tpu.memory_space<hbm>>
        tpu.enqueue_dma source(%dma_start3A_92 : memref<800xi32, #tpu.memory_space<hbm>>) target(%dma_start3A_90 : memref<800xi32, #tpu.memory_space<vmem>>) target_semaphore(%run_scoped3A_82 : memref<!tpu.dma_semaphore, #tpu.memory_space<semaphore_mem>>)
        %dma_wait3A_93 = arith.constant 0 : i32
        %dma_wait3A_94 = tpu.memref_slice %arg6[%run_scoped3A_68, %dma_wait3A_93] : memref<2x800xi32, #tpu.memory_space<vmem>> -> memref<1x800xi32, #tpu.memory_space<vmem>>
        %dma_wait3A_95 = tpu.memref_squeeze %dma_wait3A_94 : memref<1x800xi32, #tpu.memory_space<vmem>> -> memref<800xi32, #tpu.memory_space<vmem>>
        %dma_wait3A_96 = tpu.memref_slice %arg2[%run_scoped3A_67, %add3A_66] : memref<2x3200000xi32, #tpu.memory_space<hbm>> -> memref<1x800xi32, #tpu.memory_space<hbm>>
        %dma_wait3A_97 = tpu.memref_squeeze %dma_wait3A_96 : memref<1x800xi32, #tpu.memory_space<hbm>> -> memref<800xi32, #tpu.memory_space<hbm>>
        %dma_wait3A_98 = arith.constant 0 : i32
        %dma_wait3A_99 = tpu.memref_slice %arg6[%run_scoped3A_68, %dma_wait3A_98] : memref<2x800xi32, #tpu.memory_space<vmem>> -> memref<1x800xi32, #tpu.memory_space<vmem>>
        %dma_wait3A_100 = tpu.memref_squeeze %dma_wait3A_99 : memref<1x800xi32, #tpu.memory_space<vmem>> -> memref<800xi32, #tpu.memory_space<vmem>>
        %dma_wait3A_101 = tpu.memref_slice %arg2[%run_scoped3A_67, %add3A_66] : memref<2x3200000xi32, #tpu.memory_space<hbm>> -> memref<1x800xi32, #tpu.memory_space<hbm>>
        %dma_wait3A_102 = tpu.memref_squeeze %dma_wait3A_101 : memref<1x800xi32, #tpu.memory_space<hbm>> -> memref<800xi32, #tpu.memory_space<hbm>>
        tpu.wait_dma2 semaphore(%run_scoped3A_82 : memref<!tpu.dma_semaphore, #tpu.memory_space<semaphore_mem>>) src(%dma_wait3A_102 : memref<800xi32, #tpu.memory_space<hbm>>) dst(%dma_wait3A_100 : memref<800xi32, #tpu.memory_space<vmem>>)
        tpu.yield
      }) : () -> ()
      %dma_start3A_69 = arith.constant 1 : i32
      %dma_start3A_70 = arith.constant 0 : i32
      %dma_start3A_71 = tpu.memref_slice %arg6[%dma_start3A_69, %dma_start3A_70] : memref<2x800xi32, #tpu.memory_space<vmem>> -> memref<1x800xi32, #tpu.memory_space<vmem>>
      %dma_start3A_72 = tpu.memref_squeeze %dma_start3A_71 : memref<1x800xi32, #tpu.memory_space<vmem>> -> memref<800xi32, #tpu.memory_space<vmem>>
      %dma_start3A_73 = arith.constant 0 : i32
      %dma_start3A_74 = arith.constant 0 : i32
      %dma_start3A_75 = tpu.memref_slice %arg10[%dma_start3A_73, %dma_start3A_74] : memref<100032x16xf32, #tpu.memory_space<vmem_shared>> -> memref<100032x16xf32, #tpu.memory_space<vmem_shared>>
      tpu.enqueue_indirect_dma source(%arg7 : memref<800x16xf32, #tpu.memory_space<vmem>>) target(%dma_start3A_75 : memref<100032x16xf32, #tpu.memory_space<vmem_shared>>) offsets(%dma_start3A_72 : memref<800xi32, #tpu.memory_space<vmem>>) semaphore(%arg9 : memref<!tpu.dma_semaphore, #tpu.memory_space<semaphore_mem>>) {add = true}
      %add3A_76 = arith.constant 1 : i32
      %add3A_77 = arith.addi %scan3A_50, %add3A_76 : i32
      %lt3A = arith.constant 62 : i32
      %lt3A_78 = arith.cmpi slt, %add3A_77, %lt3A : i32
      %convert_element_type3A_79 = arith.extui %lt3A_78 : i1 to i32
      %cond3A_80 = arith.constant 0 : i32
      %cond3A_81 = arith.cmpi ne, %convert_element_type3A_79, %cond3A_80 : i32
      scf.if %cond3A_81 {
        %dma_wait3A_82 = arith.constant 0 : i32
        %dma_wait3A_83 = arith.constant 0 : i32
        %dma_wait3A_84 = tpu.memref_slice %arg6[%dma_wait3A_82, %dma_wait3A_83] : memref<2x800xi32, #tpu.memory_space<vmem>> -> memref<1x800xi32, #tpu.memory_space<vmem>>
        %dma_wait3A_85 = tpu.memref_squeeze %dma_wait3A_84 : memref<1x800xi32, #tpu.memory_space<vmem>> -> memref<800xi32, #tpu.memory_space<vmem>>
        %dma_wait3A_86 = arith.constant 0 : i32
        %dma_wait3A_87 = arith.constant 0 : i32
        %dma_wait3A_88 = tpu.memref_slice %arg10[%dma_wait3A_86, %dma_wait3A_87] : memref<100032x16xf32, #tpu.memory_space<vmem_shared>> -> memref<100032x16xf32, #tpu.memory_space<vmem_shared>>
        tpu.wait_indirect_dma semaphore(%arg8 : memref<!tpu.dma_semaphore, #tpu.memory_space<semaphore_mem>>) src(%arg7 : memref<800x16xf32, #tpu.memory_space<vmem>>) dst(%dma_wait3A_88 : memref<100032x16xf32, #tpu.memory_space<vmem_shared>>)
        %add3A_89 = arith.constant 2 : i32
        %add3A_90 = arith.addi %mul3A_52, %add3A_89 : i32
        %mul3A_91 = arith.constant 800 : i32
        %mul3A_92 = arith.muli %add3A_90, %mul3A_91 : i32
        %add3A_93 = arith.addi %mul3A_6, %mul3A_92 : i32
        %run_scoped3A_94 = arith.constant 1 : i32
        %run_scoped3A_95 = arith.constant 0 : i32
        "tpu.region"() ({
          %run_scoped3A_96 = tpu.sem_alloc : memref<!tpu.dma_semaphore, #tpu.memory_space<semaphore_mem>>
          %dma_start3A_97 = arith.constant 0 : i32
          %dma_start3A_98 = tpu.memref_slice %arg6[%run_scoped3A_95, %dma_start3A_97] : memref<2x800xi32, #tpu.memory_space<vmem>> -> memref<1x800xi32, #tpu.memory_space<vmem>>
          %dma_start3A_99 = tpu.memref_squeeze %dma_start3A_98 : memref<1x800xi32, #tpu.memory_space<vmem>> -> memref<800xi32, #tpu.memory_space<vmem>>
          %dma_start3A_100 = tpu.memref_slice %arg2[%run_scoped3A_94, %add3A_93] : memref<2x3200000xi32, #tpu.memory_space<hbm>> -> memref<1x800xi32, #tpu.memory_space<hbm>>
          %dma_start3A_101 = tpu.memref_squeeze %dma_start3A_100 : memref<1x800xi32, #tpu.memory_space<hbm>> -> memref<800xi32, #tpu.memory_space<hbm>>
          %dma_start3A_102 = arith.constant 0 : i32
          %dma_start3A_103 = tpu.memref_slice %arg6[%run_scoped3A_95, %dma_start3A_102] : memref<2x800xi32, #tpu.memory_space<vmem>> -> memref<1x800xi32, #tpu.memory_space<vmem>>
          %dma_start3A_104 = tpu.memref_squeeze %dma_start3A_103 : memref<1x800xi32, #tpu.memory_space<vmem>> -> memref<800xi32, #tpu.memory_space<vmem>>
          %dma_start3A_105 = tpu.memref_slice %arg2[%run_scoped3A_94, %add3A_93] : memref<2x3200000xi32, #tpu.memory_space<hbm>> -> memref<1x800xi32, #tpu.memory_space<hbm>>
          %dma_start3A_106 = tpu.memref_squeeze %dma_start3A_105 : memref<1x800xi32, #tpu.memory_space<hbm>> -> memref<800xi32, #tpu.memory_space<hbm>>
          tpu.enqueue_dma source(%dma_start3A_106 : memref<800xi32, #tpu.memory_space<hbm>>) target(%dma_start3A_104 : memref<800xi32, #tpu.memory_space<vmem>>) target_semaphore(%run_scoped3A_96 : memref<!tpu.dma_semaphore, #tpu.memory_space<semaphore_mem>>)
          %dma_wait3A_107 = arith.constant 0 : i32
          %dma_wait3A_108 = tpu.memref_slice %arg6[%run_scoped3A_95, %dma_wait3A_107] : memref<2x800xi32, #tpu.memory_space<vmem>> -> memref<1x800xi32, #tpu.memory_space<vmem>>
          %dma_wait3A_109 = tpu.memref_squeeze %dma_wait3A_108 : memref<1x800xi32, #tpu.memory_space<vmem>> -> memref<800xi32, #tpu.memory_space<vmem>>
          %dma_wait3A_110 = tpu.memref_slice %arg2[%run_scoped3A_94, %add3A_93] : memref<2x3200000xi32, #tpu.memory_space<hbm>> -> memref<1x800xi32, #tpu.memory_space<hbm>>
          %dma_wait3A_111 = tpu.memref_squeeze %dma_wait3A_110 : memref<1x800xi32, #tpu.memory_space<hbm>> -> memref<800xi32, #tpu.memory_space<hbm>>
          %dma_wait3A_112 = arith.constant 0 : i32
          %dma_wait3A_113 = tpu.memref_slice %arg6[%run_scoped3A_95, %dma_wait3A_112] : memref<2x800xi32, #tpu.memory_space<vmem>> -> memref<1x800xi32, #tpu.memory_space<vmem>>
          %dma_wait3A_114 = tpu.memref_squeeze %dma_wait3A_113 : memref<1x800xi32, #tpu.memory_space<vmem>> -> memref<800xi32, #tpu.memory_space<vmem>>
          %dma_wait3A_115 = tpu.memref_slice %arg2[%run_scoped3A_94, %add3A_93] : memref<2x3200000xi32, #tpu.memory_space<hbm>> -> memref<1x800xi32, #tpu.memory_space<hbm>>
          %dma_wait3A_116 = tpu.memref_squeeze %dma_wait3A_115 : memref<1x800xi32, #tpu.memory_space<hbm>> -> memref<800xi32, #tpu.memory_space<hbm>>
          tpu.wait_dma2 semaphore(%run_scoped3A_96 : memref<!tpu.dma_semaphore, #tpu.memory_space<semaphore_mem>>) src(%dma_wait3A_116 : memref<800xi32, #tpu.memory_space<hbm>>) dst(%dma_wait3A_114 : memref<800xi32, #tpu.memory_space<vmem>>)
          tpu.yield
        }) : () -> ()
      } else {
      }
    }
    %scan3A_14 = arith.constant 62 : i32
    %dma_wait3A = arith.constant 0 : i32
    %dma_wait3A_15 = arith.constant 0 : i32
    %dma_wait3A_16 = tpu.memref_slice %arg6[%dma_wait3A, %dma_wait3A_15] : memref<2x800xi32, #tpu.memory_space<vmem>> -> memref<1x800xi32, #tpu.memory_space<vmem>>
    %dma_wait3A_17 = tpu.memref_squeeze %dma_wait3A_16 : memref<1x800xi32, #tpu.memory_space<vmem>> -> memref<800xi32, #tpu.memory_space<vmem>>
    %dma_wait3A_18 = arith.constant 0 : i32
    %dma_wait3A_19 = arith.constant 0 : i32
    %dma_wait3A_20 = tpu.memref_slice %arg10[%dma_wait3A_18, %dma_wait3A_19] : memref<100032x16xf32, #tpu.memory_space<vmem_shared>> -> memref<100032x16xf32, #tpu.memory_space<vmem_shared>>
    tpu.wait_indirect_dma semaphore(%arg8 : memref<!tpu.dma_semaphore, #tpu.memory_space<semaphore_mem>>) src(%arg7 : memref<800x16xf32, #tpu.memory_space<vmem>>) dst(%dma_wait3A_20 : memref<100032x16xf32, #tpu.memory_space<vmem_shared>>)
    %add3A_21 = arith.constant 99200 : i32
    %add3A_22 = arith.addi %mul3A_6, %add3A_21 : i32
    %run_scoped3A_23 = arith.constant 1 : i32
    %run_scoped3A_24 = arith.constant 0 : i32
    "tpu.region"() ({
      %run_scoped3A_50 = tpu.sem_alloc : memref<!tpu.dma_semaphore, #tpu.memory_space<semaphore_mem>>
      %dma_start3A_51 = arith.constant 0 : i32
      %dma_start3A_52 = tpu.memref_slice %arg6[%run_scoped3A_24, %dma_start3A_51] : memref<2x800xi32, #tpu.memory_space<vmem>> -> memref<1x800xi32, #tpu.memory_space<vmem>>
      %dma_start3A_53 = tpu.memref_squeeze %dma_start3A_52 : memref<1x800xi32, #tpu.memory_space<vmem>> -> memref<800xi32, #tpu.memory_space<vmem>>
      %dma_start3A_54 = tpu.memref_slice %arg2[%run_scoped3A_23, %add3A_22] : memref<2x3200000xi32, #tpu.memory_space<hbm>> -> memref<1x800xi32, #tpu.memory_space<hbm>>
      %dma_start3A_55 = tpu.memref_squeeze %dma_start3A_54 : memref<1x800xi32, #tpu.memory_space<hbm>> -> memref<800xi32, #tpu.memory_space<hbm>>
      %dma_start3A_56 = arith.constant 0 : i32
      %dma_start3A_57 = tpu.memref_slice %arg6[%run_scoped3A_24, %dma_start3A_56] : memref<2x800xi32, #tpu.memory_space<vmem>> -> memref<1x800xi32, #tpu.memory_space<vmem>>
      %dma_start3A_58 = tpu.memref_squeeze %dma_start3A_57 : memref<1x800xi32, #tpu.memory_space<vmem>> -> memref<800xi32, #tpu.memory_space<vmem>>
      %dma_start3A_59 = tpu.memref_slice %arg2[%run_scoped3A_23, %add3A_22] : memref<2x3200000xi32, #tpu.memory_space<hbm>> -> memref<1x800xi32, #tpu.memory_space<hbm>>
      %dma_start3A_60 = tpu.memref_squeeze %dma_start3A_59 : memref<1x800xi32, #tpu.memory_space<hbm>> -> memref<800xi32, #tpu.memory_space<hbm>>
      tpu.enqueue_dma source(%dma_start3A_60 : memref<800xi32, #tpu.memory_space<hbm>>) target(%dma_start3A_58 : memref<800xi32, #tpu.memory_space<vmem>>) target_semaphore(%run_scoped3A_50 : memref<!tpu.dma_semaphore, #tpu.memory_space<semaphore_mem>>)
      %dma_wait3A_61 = arith.constant 0 : i32
      %dma_wait3A_62 = tpu.memref_slice %arg6[%run_scoped3A_24, %dma_wait3A_61] : memref<2x800xi32, #tpu.memory_space<vmem>> -> memref<1x800xi32, #tpu.memory_space<vmem>>
      %dma_wait3A_63 = tpu.memref_squeeze %dma_wait3A_62 : memref<1x800xi32, #tpu.memory_space<vmem>> -> memref<800xi32, #tpu.memory_space<vmem>>
      %dma_wait3A_64 = tpu.memref_slice %arg2[%run_scoped3A_23, %add3A_22] : memref<2x3200000xi32, #tpu.memory_space<hbm>> -> memref<1x800xi32, #tpu.memory_space<hbm>>
      %dma_wait3A_65 = tpu.memref_squeeze %dma_wait3A_64 : memref<1x800xi32, #tpu.memory_space<hbm>> -> memref<800xi32, #tpu.memory_space<hbm>>
      %dma_wait3A_66 = arith.constant 0 : i32
      %dma_wait3A_67 = tpu.memref_slice %arg6[%run_scoped3A_24, %dma_wait3A_66] : memref<2x800xi32, #tpu.memory_space<vmem>> -> memref<1x800xi32, #tpu.memory_space<vmem>>
      %dma_wait3A_68 = tpu.memref_squeeze %dma_wait3A_67 : memref<1x800xi32, #tpu.memory_space<vmem>> -> memref<800xi32, #tpu.memory_space<vmem>>
      %dma_wait3A_69 = tpu.memref_slice %arg2[%run_scoped3A_23, %add3A_22] : memref<2x3200000xi32, #tpu.memory_space<hbm>> -> memref<1x800xi32, #tpu.memory_space<hbm>>
      %dma_wait3A_70 = tpu.memref_squeeze %dma_wait3A_69 : memref<1x800xi32, #tpu.memory_space<hbm>> -> memref<800xi32, #tpu.memory_space<hbm>>
      tpu.wait_dma2 semaphore(%run_scoped3A_50 : memref<!tpu.dma_semaphore, #tpu.memory_space<semaphore_mem>>) src(%dma_wait3A_70 : memref<800xi32, #tpu.memory_space<hbm>>) dst(%dma_wait3A_68 : memref<800xi32, #tpu.memory_space<vmem>>)
      tpu.yield
    }) : () -> ()
    %dma_start3A = arith.constant 0 : i32
    %dma_start3A_25 = arith.constant 0 : i32
    %dma_start3A_26 = tpu.memref_slice %arg6[%dma_start3A, %dma_start3A_25] : memref<2x800xi32, #tpu.memory_space<vmem>> -> memref<1x800xi32, #tpu.memory_space<vmem>>
    %dma_start3A_27 = tpu.memref_squeeze %dma_start3A_26 : memref<1x800xi32, #tpu.memory_space<vmem>> -> memref<800xi32, #tpu.memory_space<vmem>>
    %dma_start3A_28 = arith.constant 0 : i32
    %dma_start3A_29 = arith.constant 0 : i32
    %dma_start3A_30 = tpu.memref_slice %arg10[%dma_start3A_28, %dma_start3A_29] : memref<100032x16xf32, #tpu.memory_space<vmem_shared>> -> memref<100032x16xf32, #tpu.memory_space<vmem_shared>>
    tpu.enqueue_indirect_dma source(%arg7 : memref<800x16xf32, #tpu.memory_space<vmem>>) target(%dma_start3A_30 : memref<100032x16xf32, #tpu.memory_space<vmem_shared>>) offsets(%dma_start3A_27 : memref<800xi32, #tpu.memory_space<vmem>>) semaphore(%arg8 : memref<!tpu.dma_semaphore, #tpu.memory_space<semaphore_mem>>) {add = true}
    %dma_wait3A_31 = arith.constant 0 : i32
    %dma_wait3A_32 = arith.constant 0 : i32
    %dma_wait3A_33 = tpu.memref_slice %arg6[%dma_wait3A_31, %dma_wait3A_32] : memref<2x800xi32, #tpu.memory_space<vmem>> -> memref<1x800xi32, #tpu.memory_space<vmem>>
    %dma_wait3A_34 = tpu.memref_squeeze %dma_wait3A_33 : memref<1x800xi32, #tpu.memory_space<vmem>> -> memref<800xi32, #tpu.memory_space<vmem>>
    %dma_wait3A_35 = arith.constant 0 : i32
    %dma_wait3A_36 = arith.constant 0 : i32
    %dma_wait3A_37 = tpu.memref_slice %arg10[%dma_wait3A_35, %dma_wait3A_36] : memref<100032x16xf32, #tpu.memory_space<vmem_shared>> -> memref<100032x16xf32, #tpu.memory_space<vmem_shared>>
    tpu.wait_indirect_dma semaphore(%arg8 : memref<!tpu.dma_semaphore, #tpu.memory_space<semaphore_mem>>) src(%arg7 : memref<800x16xf32, #tpu.memory_space<vmem>>) dst(%dma_wait3A_37 : memref<100032x16xf32, #tpu.memory_space<vmem_shared>>)
    %dma_wait3A_38 = arith.constant 1 : i32
    %dma_wait3A_39 = arith.constant 0 : i32
    %dma_wait3A_40 = tpu.memref_slice %arg6[%dma_wait3A_38, %dma_wait3A_39] : memref<2x800xi32, #tpu.memory_space<vmem>> -> memref<1x800xi32, #tpu.memory_space<vmem>>
    %dma_wait3A_41 = tpu.memref_squeeze %dma_wait3A_40 : memref<1x800xi32, #tpu.memory_space<vmem>> -> memref<800xi32, #tpu.memory_space<vmem>>
    %dma_wait3A_42 = arith.constant 0 : i32
    %dma_wait3A_43 = arith.constant 0 : i32
    %dma_wait3A_44 = tpu.memref_slice %arg10[%dma_wait3A_42, %dma_wait3A_43] : memref<100032x16xf32, #tpu.memory_space<vmem_shared>> -> memref<100032x16xf32, #tpu.memory_space<vmem_shared>>
    tpu.wait_indirect_dma semaphore(%arg9 : memref<!tpu.dma_semaphore, #tpu.memory_space<semaphore_mem>>) src(%arg7 : memref<800x16xf32, #tpu.memory_space<vmem>>) dst(%dma_wait3A_44 : memref<100032x16xf32, #tpu.memory_space<vmem_shared>>)
    %barrier3A_45 = arith.constant 0 : index
    tpu.barrier barrier_id(%barrier3A_45)
    %mul3A_46 = arith.constant 6252 : i32
    %mul3A_47 = arith.muli %arg1, %mul3A_46 : i32
    %mul3A_48 = arith.constant 6252 : i32
    %mul3A_49 = arith.muli %arg1, %mul3A_48 : i32
    "tpu.region"() ({
      %run_scoped3A_50 = tpu.sem_alloc : memref<!tpu.dma_semaphore, #tpu.memory_space<semaphore_mem>>
      %dma_start3A_51 = arith.constant 0 : i32
      %dma_start3A_52 = tpu.memref_slice %arg5[%arg0, %mul3A_49, %dma_start3A_51] : memref<2x100032x16xf32, #tpu.memory_space<hbm>> -> memref<1x6252x16xf32, #tpu.memory_space<hbm>>
      %dma_start3A_53 = tpu.memref_squeeze %dma_start3A_52 : memref<1x6252x16xf32, #tpu.memory_space<hbm>> -> memref<6252x16xf32, #tpu.memory_space<hbm>>
      %dma_start3A_54 = arith.constant 0 : i32
      %dma_start3A_55 = tpu.memref_slice %arg10[%mul3A_47, %dma_start3A_54] : memref<100032x16xf32, #tpu.memory_space<vmem_shared>> -> memref<6252x16xf32, #tpu.memory_space<vmem_shared>>
      tpu.enqueue_dma source(%dma_start3A_55 : memref<6252x16xf32, #tpu.memory_space<vmem_shared>>) target(%dma_start3A_53 : memref<6252x16xf32, #tpu.memory_space<hbm>>) target_semaphore(%run_scoped3A_50 : memref<!tpu.dma_semaphore, #tpu.memory_space<semaphore_mem>>)
      %dma_wait3A_56 = arith.constant 0 : i32
      %dma_wait3A_57 = tpu.memref_slice %arg5[%arg0, %mul3A_49, %dma_wait3A_56] : memref<2x100032x16xf32, #tpu.memory_space<hbm>> -> memref<1x6252x16xf32, #tpu.memory_space<hbm>>
      %dma_wait3A_58 = tpu.memref_squeeze %dma_wait3A_57 : memref<1x6252x16xf32, #tpu.memory_space<hbm>> -> memref<6252x16xf32, #tpu.memory_space<hbm>>
      %dma_wait3A_59 = arith.constant 0 : i32
      %dma_wait3A_60 = tpu.memref_slice %arg10[%mul3A_47, %dma_wait3A_59] : memref<100032x16xf32, #tpu.memory_space<vmem_shared>> -> memref<6252x16xf32, #tpu.memory_space<vmem_shared>>
      tpu.wait_dma2 semaphore(%run_scoped3A_50 : memref<!tpu.dma_semaphore, #tpu.memory_space<semaphore_mem>>) src(%dma_wait3A_60 : memref<6252x16xf32, #tpu.memory_space<vmem_shared>>) dst(%dma_wait3A_58 : memref<6252x16xf32, #tpu.memory_space<hbm>>)
      tpu.yield
    }) : () -> ()
    return
  }
}

#map = affine_map<(d0, d1) -> (0, 0)>
#map1 = affine_map<(d0, d1) -> (0, 0, 0)>
module attributes {stable_mosaic.version = 14 : i64} {
  func.func @agg2_k(%arg0: i32, %arg1: i32, %arg2: memref<100032x16xf32, #tpu.memory_space<hbm>>, %arg3: memref<100032x16xf32, #tpu.memory_space<hbm>>, %arg4: memref<2x3200000xi32, #tpu.memory_space<hbm>>, %arg5: memref<100032x16xf32, #tpu.memory_space<hbm>>, %arg6: memref<2x100032x16xf32, #tpu.memory_space<hbm>>, %arg7: memref<3x2x800xi32, #tpu.memory_space<vmem>>, %arg8: memref<2x800x16xf32, #tpu.memory_space<vmem>>, %arg9: memref<!tpu.dma_semaphore, #tpu.memory_space<semaphore_mem>>, %arg10: memref<!tpu.dma_semaphore, #tpu.memory_space<semaphore_mem>>, %arg11: memref<!tpu.dma_semaphore, #tpu.memory_space<semaphore_mem>>, %arg12: memref<!tpu.dma_semaphore, #tpu.memory_space<semaphore_mem>>, %arg13: memref<!tpu.dma_semaphore, #tpu.memory_space<semaphore_mem>>, %arg14: memref<!tpu.dma_semaphore, #tpu.memory_space<semaphore_mem>>, %arg15: memref<!tpu.dma_semaphore, #tpu.memory_space<semaphore_mem>>, %arg16: memref<100032x16xf32, #tpu.memory_space<vmem_shared>>) attributes {dimension_semantics = [#tpu.dimension_semantics<core_parallel>, #tpu.dimension_semantics<subcore_parallel>], iteration_bounds = array<i64: 2, 16>, scalar_prefetch = 0 : i64, scratch_operands = 10 : i64, tpu.core_type = #tpu.core_type<sc_vector_subcore>, window_params = [{transform_indices = #map}, {transform_indices = #map}, {transform_indices = #map}, {transform_indices = #map}, {transform_indices = #map1}]} {
    %mul3A = arith.constant 6252 : i32
    %mul3A_0 = arith.muli %arg1, %mul3A : i32
    %mul3A_1 = arith.constant 6252 : i32
    %mul3A_2 = arith.muli %arg1, %mul3A_1 : i32
    "tpu.region"() ({
      %run_scoped3A = tpu.sem_alloc : memref<!tpu.dma_semaphore, #tpu.memory_space<semaphore_mem>>
      %dma_start3A = arith.constant 0 : i32
      %dma_start3A_17 = tpu.memref_slice %arg16[%mul3A_2, %dma_start3A] : memref<100032x16xf32, #tpu.memory_space<vmem_shared>> -> memref<6252x16xf32, #tpu.memory_space<vmem_shared>>
      %dma_start3A_18 = arith.constant 0 : i32
      %dma_start3A_19 = tpu.memref_slice %arg5[%mul3A_0, %dma_start3A_18] : memref<100032x16xf32, #tpu.memory_space<hbm>> -> memref<6252x16xf32, #tpu.memory_space<hbm>>
      tpu.enqueue_dma source(%dma_start3A_19 : memref<6252x16xf32, #tpu.memory_space<hbm>>) target(%dma_start3A_17 : memref<6252x16xf32, #tpu.memory_space<vmem_shared>>) target_semaphore(%run_scoped3A : memref<!tpu.dma_semaphore, #tpu.memory_space<semaphore_mem>>)
      %dma_wait3A = arith.constant 0 : i32
      %dma_wait3A_20 = tpu.memref_slice %arg16[%mul3A_2, %dma_wait3A] : memref<100032x16xf32, #tpu.memory_space<vmem_shared>> -> memref<6252x16xf32, #tpu.memory_space<vmem_shared>>
      %dma_wait3A_21 = arith.constant 0 : i32
      %dma_wait3A_22 = tpu.memref_slice %arg5[%mul3A_0, %dma_wait3A_21] : memref<100032x16xf32, #tpu.memory_space<hbm>> -> memref<6252x16xf32, #tpu.memory_space<hbm>>
      tpu.wait_dma2 semaphore(%run_scoped3A : memref<!tpu.dma_semaphore, #tpu.memory_space<semaphore_mem>>) src(%dma_wait3A_22 : memref<6252x16xf32, #tpu.memory_space<hbm>>) dst(%dma_wait3A_20 : memref<6252x16xf32, #tpu.memory_space<vmem_shared>>)
      tpu.yield
    }) : () -> ()
    %barrier3A = arith.constant 0 : index
    tpu.barrier barrier_id(%barrier3A)
    %mul3A_3 = arith.constant 200000 : i32
    %mul3A_4 = arith.muli %arg1, %mul3A_3 : i32
    %eq3A = arith.constant 0 : i32
    %eq3A_5 = arith.cmpi eq, %arg0, %eq3A : i32
    %convert_element_type3A = arith.extui %eq3A_5 : i1 to i32
    %cond3A = arith.constant 0 : i32
    %cond3A_6 = arith.cmpi ne, %convert_element_type3A, %cond3A : i32
    scf.if %cond3A_6 {
      %add3A = arith.constant 0 : i32
      %add3A_17 = arith.addi %mul3A_4, %add3A : i32
      %dma_start3A = arith.constant 0 : i32
      %dma_start3A_18 = arith.constant 0 : i32
      %dma_start3A_19 = arith.constant 0 : i32
      %dma_start3A_20 = tpu.memref_slice %arg7[%dma_start3A, %dma_start3A_18, %dma_start3A_19] : memref<3x2x800xi32, #tpu.memory_space<vmem>> -> memref<1x2x800xi32, #tpu.memory_space<vmem>>
      %dma_start3A_21 = tpu.memref_squeeze %dma_start3A_20 : memref<1x2x800xi32, #tpu.memory_space<vmem>> -> memref<2x800xi32, #tpu.memory_space<vmem>>
      %dma_start3A_22 = arith.constant 0 : i32
      %dma_start3A_23 = tpu.memref_slice %arg4[%dma_start3A_22, %add3A_17] : memref<2x3200000xi32, #tpu.memory_space<hbm>> -> memref<2x800xi32, #tpu.memory_space<hbm>>
      %dma_start3A_24 = arith.constant 0 : i32
      %dma_start3A_25 = arith.constant 0 : i32
      %dma_start3A_26 = tpu.memref_slice %arg7[%dma_start3A, %dma_start3A_24, %dma_start3A_25] : memref<3x2x800xi32, #tpu.memory_space<vmem>> -> memref<1x2x800xi32, #tpu.memory_space<vmem>>
      %dma_start3A_27 = tpu.memref_squeeze %dma_start3A_26 : memref<1x2x800xi32, #tpu.memory_space<vmem>> -> memref<2x800xi32, #tpu.memory_space<vmem>>
      %dma_start3A_28 = arith.constant 0 : i32
      %dma_start3A_29 = tpu.memref_slice %arg4[%dma_start3A_28, %add3A_17] : memref<2x3200000xi32, #tpu.memory_space<hbm>> -> memref<2x800xi32, #tpu.memory_space<hbm>>
      tpu.enqueue_dma source(%dma_start3A_29 : memref<2x800xi32, #tpu.memory_space<hbm>>) target(%dma_start3A_27 : memref<2x800xi32, #tpu.memory_space<vmem>>) target_semaphore(%arg13 : memref<!tpu.dma_semaphore, #tpu.memory_space<semaphore_mem>>)
      %scan3A = arith.constant 0 : i32
      %scan3A_30 = arith.constant 0 : i32
      %scan3A_31 = arith.constant 41 : i32
      %scan3A_32 = arith.addi %scan3A_30, %scan3A_31 : i32
      %scan3A_33 = arith.constant 1 : i32
      scf.for %scan3A_391 = %scan3A_30 to %scan3A_32 step %scan3A_33  : i32 {
        %mul3A_392 = arith.constant 6 : i32
        %mul3A_393 = arith.muli %mul3A_392, %scan3A_391 : i32
        %add3A_394 = arith.constant 0 : i32
        %add3A_395 = arith.addi %mul3A_393, %add3A_394 : i32
        %ge3A = arith.constant 1 : i32
        %ge3A_396 = arith.cmpi sge, %scan3A_391, %ge3A : i32
        %convert_element_type3A_397 = arith.extui %ge3A_396 : i1 to i32
        %cond3A_398 = arith.constant 0 : i32
        %cond3A_399 = arith.cmpi ne, %convert_element_type3A_397, %cond3A_398 : i32
        scf.if %cond3A_399 {
          %dma_wait3A_876 = arith.constant 0 : i32
          %dma_wait3A_877 = arith.constant 1 : i32
          %dma_wait3A_878 = arith.constant 1 : i32
          %dma_wait3A_879 = arith.constant 0 : i32
          %dma_wait3A_880 = arith.constant 0 : i32
          %dma_wait3A_881 = tpu.memref_slice %arg8[%dma_wait3A_876, %dma_wait3A_879, %dma_wait3A_880] : memref<2x800x16xf32, #tpu.memory_space<vmem>> -> memref<1x800x16xf32, #tpu.memory_space<vmem>>
          %dma_wait3A_882 = tpu.memref_squeeze %dma_wait3A_881 : memref<1x800x16xf32, #tpu.memory_space<vmem>> -> memref<800x16xf32, #tpu.memory_space<vmem>>
          %dma_wait3A_883 = arith.constant 0 : i32
          %dma_wait3A_884 = tpu.memref_slice %arg7[%dma_wait3A_877, %dma_wait3A_878, %dma_wait3A_883] : memref<3x2x800xi32, #tpu.memory_space<vmem>> -> memref<1x1x800xi32, #tpu.memory_space<vmem>>
          %dma_wait3A_885 = tpu.memref_squeeze %dma_wait3A_884 : memref<1x1x800xi32, #tpu.memory_space<vmem>> -> memref<800xi32, #tpu.memory_space<vmem>>
          %dma_wait3A_886 = arith.constant 0 : i32
          %dma_wait3A_887 = arith.constant 0 : i32
          %dma_wait3A_888 = tpu.memref_slice %arg16[%dma_wait3A_886, %dma_wait3A_887] : memref<100032x16xf32, #tpu.memory_space<vmem_shared>> -> memref<100032x16xf32, #tpu.memory_space<vmem_shared>>
          tpu.wait_indirect_dma semaphore(%arg11 : memref<!tpu.dma_semaphore, #tpu.memory_space<semaphore_mem>>) src(%dma_wait3A_882 : memref<800x16xf32, #tpu.memory_space<vmem>>) dst(%dma_wait3A_888 : memref<100032x16xf32, #tpu.memory_space<vmem_shared>>)
        } else {
        }
        %add3A_400 = arith.constant 1 : i32
        %add3A_401 = arith.addi %add3A_395, %add3A_400 : i32
        %mul3A_402 = arith.constant 800 : i32
        %mul3A_403 = arith.muli %add3A_401, %mul3A_402 : i32
        %add3A_404 = arith.addi %mul3A_4, %mul3A_403 : i32
        %dma_start3A_405 = arith.constant 1 : i32
        %dma_start3A_406 = arith.constant 0 : i32
        %dma_start3A_407 = arith.constant 0 : i32
        %dma_start3A_408 = tpu.memref_slice %arg7[%dma_start3A_405, %dma_start3A_406, %dma_start3A_407] : memref<3x2x800xi32, #tpu.memory_space<vmem>> -> memref<1x2x800xi32, #tpu.memory_space<vmem>>
        %dma_start3A_409 = tpu.memref_squeeze %dma_start3A_408 : memref<1x2x800xi32, #tpu.memory_space<vmem>> -> memref<2x800xi32, #tpu.memory_space<vmem>>
        %dma_start3A_410 = arith.constant 0 : i32
        %dma_start3A_411 = tpu.memref_slice %arg4[%dma_start3A_410, %add3A_404] : memref<2x3200000xi32, #tpu.memory_space<hbm>> -> memref<2x800xi32, #tpu.memory_space<hbm>>
        %dma_start3A_412 = arith.constant 0 : i32
        %dma_start3A_413 = arith.constant 0 : i32
        %dma_start3A_414 = tpu.memref_slice %arg7[%dma_start3A_405, %dma_start3A_412, %dma_start3A_413] : memref<3x2x800xi32, #tpu.memory_space<vmem>> -> memref<1x2x800xi32, #tpu.memory_space<vmem>>
        %dma_start3A_415 = tpu.memref_squeeze %dma_start3A_414 : memref<1x2x800xi32, #tpu.memory_space<vmem>> -> memref<2x800xi32, #tpu.memory_space<vmem>>
        %dma_start3A_416 = arith.constant 0 : i32
        %dma_start3A_417 = tpu.memref_slice %arg4[%dma_start3A_416, %add3A_404] : memref<2x3200000xi32, #tpu.memory_space<hbm>> -> memref<2x800xi32, #tpu.memory_space<hbm>>
        tpu.enqueue_dma source(%dma_start3A_417 : memref<2x800xi32, #tpu.memory_space<hbm>>) target(%dma_start3A_415 : memref<2x800xi32, #tpu.memory_space<vmem>>) target_semaphore(%arg14 : memref<!tpu.dma_semaphore, #tpu.memory_space<semaphore_mem>>)
        %dma_wait3A_418 = arith.constant 0 : i32
        %dma_wait3A_419 = arith.constant 0 : i32
        %dma_wait3A_420 = arith.constant 0 : i32
        %dma_wait3A_421 = tpu.memref_slice %arg7[%dma_wait3A_418, %dma_wait3A_419, %dma_wait3A_420] : memref<3x2x800xi32, #tpu.memory_space<vmem>> -> memref<1x2x800xi32, #tpu.memory_space<vmem>>
        %dma_wait3A_422 = tpu.memref_squeeze %dma_wait3A_421 : memref<1x2x800xi32, #tpu.memory_space<vmem>> -> memref<2x800xi32, #tpu.memory_space<vmem>>
        %dma_wait3A_423 = arith.constant 0 : i32
        %dma_wait3A_424 = tpu.memref_slice %arg4[%dma_wait3A_423, %mul3A_4] : memref<2x3200000xi32, #tpu.memory_space<hbm>> -> memref<2x800xi32, #tpu.memory_space<hbm>>
        %dma_wait3A_425 = arith.constant 0 : i32
        %dma_wait3A_426 = arith.constant 0 : i32
        %dma_wait3A_427 = tpu.memref_slice %arg7[%dma_wait3A_418, %dma_wait3A_425, %dma_wait3A_426] : memref<3x2x800xi32, #tpu.memory_space<vmem>> -> memref<1x2x800xi32, #tpu.memory_space<vmem>>
        %dma_wait3A_428 = tpu.memref_squeeze %dma_wait3A_427 : memref<1x2x800xi32, #tpu.memory_space<vmem>> -> memref<2x800xi32, #tpu.memory_space<vmem>>
        %dma_wait3A_429 = arith.constant 0 : i32
        %dma_wait3A_430 = tpu.memref_slice %arg4[%dma_wait3A_429, %mul3A_4] : memref<2x3200000xi32, #tpu.memory_space<hbm>> -> memref<2x800xi32, #tpu.memory_space<hbm>>
        tpu.wait_dma2 semaphore(%arg13 : memref<!tpu.dma_semaphore, #tpu.memory_space<semaphore_mem>>) src(%dma_wait3A_430 : memref<2x800xi32, #tpu.memory_space<hbm>>) dst(%dma_wait3A_428 : memref<2x800xi32, #tpu.memory_space<vmem>>)
        %dma_start3A_431 = arith.constant 0 : i32
        %dma_start3A_432 = arith.constant 0 : i32
        %dma_start3A_433 = arith.constant 0 : i32
        %dma_start3A_434 = arith.constant 0 : i32
        %dma_start3A_435 = arith.constant 0 : i32
        %dma_start3A_436 = tpu.memref_slice %arg8[%dma_start3A_433, %dma_start3A_434, %dma_start3A_435] : memref<2x800x16xf32, #tpu.memory_space<vmem>> -> memref<1x800x16xf32, #tpu.memory_space<vmem>>
        %dma_start3A_437 = tpu.memref_squeeze %dma_start3A_436 : memref<1x800x16xf32, #tpu.memory_space<vmem>> -> memref<800x16xf32, #tpu.memory_space<vmem>>
        %dma_start3A_438 = arith.constant 0 : i32
        %dma_start3A_439 = tpu.memref_slice %arg7[%dma_start3A_431, %dma_start3A_432, %dma_start3A_438] : memref<3x2x800xi32, #tpu.memory_space<vmem>> -> memref<1x1x800xi32, #tpu.memory_space<vmem>>
        %dma_start3A_440 = tpu.memref_squeeze %dma_start3A_439 : memref<1x1x800xi32, #tpu.memory_space<vmem>> -> memref<800xi32, #tpu.memory_space<vmem>>
        %dma_start3A_441 = arith.constant 0 : i32
        %dma_start3A_442 = arith.constant 0 : i32
        %dma_start3A_443 = tpu.memref_slice %arg2[%dma_start3A_441, %dma_start3A_442] : memref<100032x16xf32, #tpu.memory_space<hbm>> -> memref<100032x16xf32, #tpu.memory_space<hbm>>
        tpu.enqueue_indirect_dma source(%dma_start3A_443 : memref<100032x16xf32, #tpu.memory_space<hbm>>) target(%dma_start3A_437 : memref<800x16xf32, #tpu.memory_space<vmem>>) offsets(%dma_start3A_440 : memref<800xi32, #tpu.memory_space<vmem>>) semaphore(%arg9 : memref<!tpu.dma_semaphore, #tpu.memory_space<semaphore_mem>>)
        %ge3A_444 = arith.constant 1 : i32
        %ge3A_445 = arith.cmpi sge, %scan3A_391, %ge3A_444 : i32
        %convert_element_type3A_446 = arith.extui %ge3A_445 : i1 to i32
        %cond3A_447 = arith.constant 0 : i32
        %cond3A_448 = arith.cmpi ne, %convert_element_type3A_446, %cond3A_447 : i32
        scf.if %cond3A_448 {
          %dma_wait3A_876 = arith.constant 2 : i32
          %dma_wait3A_877 = arith.constant 0 : i32
          %dma_wait3A_878 = arith.constant 1 : i32
          %dma_wait3A_879 = arith.constant 0 : i32
          %dma_wait3A_880 = arith.constant 0 : i32
          %dma_wait3A_881 = tpu.memref_slice %arg8[%dma_wait3A_878, %dma_wait3A_879, %dma_wait3A_880] : memref<2x800x16xf32, #tpu.memory_space<vmem>> -> memref<1x800x16xf32, #tpu.memory_space<vmem>>
          %dma_wait3A_882 = tpu.memref_squeeze %dma_wait3A_881 : memref<1x800x16xf32, #tpu.memory_space<vmem>> -> memref<800x16xf32, #tpu.memory_space<vmem>>
          %dma_wait3A_883 = arith.constant 0 : i32
          %dma_wait3A_884 = tpu.memref_slice %arg7[%dma_wait3A_876, %dma_wait3A_877, %dma_wait3A_883] : memref<3x2x800xi32, #tpu.memory_space<vmem>> -> memref<1x1x800xi32, #tpu.memory_space<vmem>>
          %dma_wait3A_885 = tpu.memref_squeeze %dma_wait3A_884 : memref<1x1x800xi32, #tpu.memory_space<vmem>> -> memref<800xi32, #tpu.memory_space<vmem>>
          %dma_wait3A_886 = arith.constant 0 : i32
          %dma_wait3A_887 = arith.constant 0 : i32
          %dma_wait3A_888 = tpu.memref_slice %arg2[%dma_wait3A_886, %dma_wait3A_887] : memref<100032x16xf32, #tpu.memory_space<hbm>> -> memref<100032x16xf32, #tpu.memory_space<hbm>>
          tpu.wait_indirect_dma semaphore(%arg10 : memref<!tpu.dma_semaphore, #tpu.memory_space<semaphore_mem>>) src(%dma_wait3A_888 : memref<100032x16xf32, #tpu.memory_space<hbm>>) dst(%dma_wait3A_882 : memref<800x16xf32, #tpu.memory_space<vmem>>)
          %dma_start3A_889 = arith.constant 1 : i32
          %dma_start3A_890 = arith.constant 2 : i32
          %dma_start3A_891 = arith.constant 1 : i32
          %dma_start3A_892 = arith.constant 0 : i32
          %dma_start3A_893 = arith.constant 0 : i32
          %dma_start3A_894 = tpu.memref_slice %arg8[%dma_start3A_889, %dma_start3A_892, %dma_start3A_893] : memref<2x800x16xf32, #tpu.memory_space<vmem>> -> memref<1x800x16xf32, #tpu.memory_space<vmem>>
          %dma_start3A_895 = tpu.memref_squeeze %dma_start3A_894 : memref<1x800x16xf32, #tpu.memory_space<vmem>> -> memref<800x16xf32, #tpu.memory_space<vmem>>
          %dma_start3A_896 = arith.constant 0 : i32
          %dma_start3A_897 = tpu.memref_slice %arg7[%dma_start3A_890, %dma_start3A_891, %dma_start3A_896] : memref<3x2x800xi32, #tpu.memory_space<vmem>> -> memref<1x1x800xi32, #tpu.memory_space<vmem>>
          %dma_start3A_898 = tpu.memref_squeeze %dma_start3A_897 : memref<1x1x800xi32, #tpu.memory_space<vmem>> -> memref<800xi32, #tpu.memory_space<vmem>>
          %dma_start3A_899 = arith.constant 0 : i32
          %dma_start3A_900 = arith.constant 0 : i32
          %dma_start3A_901 = tpu.memref_slice %arg16[%dma_start3A_899, %dma_start3A_900] : memref<100032x16xf32, #tpu.memory_space<vmem_shared>> -> memref<100032x16xf32, #tpu.memory_space<vmem_shared>>
          tpu.enqueue_indirect_dma source(%dma_start3A_895 : memref<800x16xf32, #tpu.memory_space<vmem>>) target(%dma_start3A_901 : memref<100032x16xf32, #tpu.memory_space<vmem_shared>>) offsets(%dma_start3A_898 : memref<800xi32, #tpu.memory_space<vmem>>) semaphore(%arg12 : memref<!tpu.dma_semaphore, #tpu.memory_space<semaphore_mem>>) {add = true}
        } else {
        }
        %mul3A_449 = arith.constant 6 : i32
        %mul3A_450 = arith.muli %mul3A_449, %scan3A_391 : i32
        %add3A_451 = arith.constant 1 : i32
        %add3A_452 = arith.addi %mul3A_450, %add3A_451 : i32
        %ge3A_453 = arith.constant 1 : i32
        %ge3A_454 = arith.cmpi sge, %scan3A_391, %ge3A_453 : i32
        %convert_element_type3A_455 = arith.extui %ge3A_454 : i1 to i32
        %cond3A_456 = arith.constant 0 : i32
        %cond3A_457 = arith.cmpi ne, %convert_element_type3A_455, %cond3A_456 : i32
        scf.if %cond3A_457 {
          %dma_wait3A_876 = arith.constant 1 : i32
          %dma_wait3A_877 = arith.constant 2 : i32
          %dma_wait3A_878 = arith.constant 1 : i32
          %dma_wait3A_879 = arith.constant 0 : i32
          %dma_wait3A_880 = arith.constant 0 : i32
          %dma_wait3A_881 = tpu.memref_slice %arg8[%dma_wait3A_876, %dma_wait3A_879, %dma_wait3A_880] : memref<2x800x16xf32, #tpu.memory_space<vmem>> -> memref<1x800x16xf32, #tpu.memory_space<vmem>>
          %dma_wait3A_882 = tpu.memref_squeeze %dma_wait3A_881 : memref<1x800x16xf32, #tpu.memory_space<vmem>> -> memref<800x16xf32, #tpu.memory_space<vmem>>
          %dma_wait3A_883 = arith.constant 0 : i32
          %dma_wait3A_884 = tpu.memref_slice %arg7[%dma_wait3A_877, %dma_wait3A_878, %dma_wait3A_883] : memref<3x2x800xi32, #tpu.memory_space<vmem>> -> memref<1x1x800xi32, #tpu.memory_space<vmem>>
          %dma_wait3A_885 = tpu.memref_squeeze %dma_wait3A_884 : memref<1x1x800xi32, #tpu.memory_space<vmem>> -> memref<800xi32, #tpu.memory_space<vmem>>
          %dma_wait3A_886 = arith.constant 0 : i32
          %dma_wait3A_887 = arith.constant 0 : i32
          %dma_wait3A_888 = tpu.memref_slice %arg16[%dma_wait3A_886, %dma_wait3A_887] : memref<100032x16xf32, #tpu.memory_space<vmem_shared>> -> memref<100032x16xf32, #tpu.memory_space<vmem_shared>>
          tpu.wait_indirect_dma semaphore(%arg12 : memref<!tpu.dma_semaphore, #tpu.memory_space<semaphore_mem>>) src(%dma_wait3A_882 : memref<800x16xf32, #tpu.memory_space<vmem>>) dst(%dma_wait3A_888 : memref<100032x16xf32, #tpu.memory_space<vmem_shared>>)
        } else {
        }
        %add3A_458 = arith.constant 1 : i32
        %add3A_459 = arith.addi %add3A_452, %add3A_458 : i32
        %mul3A_460 = arith.constant 800 : i32
        %mul3A_461 = arith.muli %add3A_459, %mul3A_460 : i32
        %add3A_462 = arith.addi %mul3A_4, %mul3A_461 : i32
        %dma_start3A_463 = arith.constant 2 : i32
        %dma_start3A_464 = arith.constant 0 : i32
        %dma_start3A_465 = arith.constant 0 : i32
        %dma_start3A_466 = tpu.memref_slice %arg7[%dma_start3A_463, %dma_start3A_464, %dma_start3A_465] : memref<3x2x800xi32, #tpu.memory_space<vmem>> -> memref<1x2x800xi32, #tpu.memory_space<vmem>>
        %dma_start3A_467 = tpu.memref_squeeze %dma_start3A_466 : memref<1x2x800xi32, #tpu.memory_space<vmem>> -> memref<2x800xi32, #tpu.memory_space<vmem>>
        %dma_start3A_468 = arith.constant 0 : i32
        %dma_start3A_469 = tpu.memref_slice %arg4[%dma_start3A_468, %add3A_462] : memref<2x3200000xi32, #tpu.memory_space<hbm>> -> memref<2x800xi32, #tpu.memory_space<hbm>>
        %dma_start3A_470 = arith.constant 0 : i32
        %dma_start3A_471 = arith.constant 0 : i32
        %dma_start3A_472 = tpu.memref_slice %arg7[%dma_start3A_463, %dma_start3A_470, %dma_start3A_471] : memref<3x2x800xi32, #tpu.memory_space<vmem>> -> memref<1x2x800xi32, #tpu.memory_space<vmem>>
        %dma_start3A_473 = tpu.memref_squeeze %dma_start3A_472 : memref<1x2x800xi32, #tpu.memory_space<vmem>> -> memref<2x800xi32, #tpu.memory_space<vmem>>
        %dma_start3A_474 = arith.constant 0 : i32
        %dma_start3A_475 = tpu.memref_slice %arg4[%dma_start3A_474, %add3A_462] : memref<2x3200000xi32, #tpu.memory_space<hbm>> -> memref<2x800xi32, #tpu.memory_space<hbm>>
        tpu.enqueue_dma source(%dma_start3A_475 : memref<2x800xi32, #tpu.memory_space<hbm>>) target(%dma_start3A_473 : memref<2x800xi32, #tpu.memory_space<vmem>>) target_semaphore(%arg15 : memref<!tpu.dma_semaphore, #tpu.memory_space<semaphore_mem>>)
        %dma_wait3A_476 = arith.constant 1 : i32
        %dma_wait3A_477 = arith.constant 0 : i32
        %dma_wait3A_478 = arith.constant 0 : i32
        %dma_wait3A_479 = tpu.memref_slice %arg7[%dma_wait3A_476, %dma_wait3A_477, %dma_wait3A_478] : memref<3x2x800xi32, #tpu.memory_space<vmem>> -> memref<1x2x800xi32, #tpu.memory_space<vmem>>
        %dma_wait3A_480 = tpu.memref_squeeze %dma_wait3A_479 : memref<1x2x800xi32, #tpu.memory_space<vmem>> -> memref<2x800xi32, #tpu.memory_space<vmem>>
        %dma_wait3A_481 = arith.constant 0 : i32
        %dma_wait3A_482 = tpu.memref_slice %arg4[%dma_wait3A_481, %mul3A_4] : memref<2x3200000xi32, #tpu.memory_space<hbm>> -> memref<2x800xi32, #tpu.memory_space<hbm>>
        %dma_wait3A_483 = arith.constant 0 : i32
        %dma_wait3A_484 = arith.constant 0 : i32
        %dma_wait3A_485 = tpu.memref_slice %arg7[%dma_wait3A_476, %dma_wait3A_483, %dma_wait3A_484] : memref<3x2x800xi32, #tpu.memory_space<vmem>> -> memref<1x2x800xi32, #tpu.memory_space<vmem>>
        %dma_wait3A_486 = tpu.memref_squeeze %dma_wait3A_485 : memref<1x2x800xi32, #tpu.memory_space<vmem>> -> memref<2x800xi32, #tpu.memory_space<vmem>>
        %dma_wait3A_487 = arith.constant 0 : i32
        %dma_wait3A_488 = tpu.memref_slice %arg4[%dma_wait3A_487, %mul3A_4] : memref<2x3200000xi32, #tpu.memory_space<hbm>> -> memref<2x800xi32, #tpu.memory_space<hbm>>
        tpu.wait_dma2 semaphore(%arg14 : memref<!tpu.dma_semaphore, #tpu.memory_space<semaphore_mem>>) src(%dma_wait3A_488 : memref<2x800xi32, #tpu.memory_space<hbm>>) dst(%dma_wait3A_486 : memref<2x800xi32, #tpu.memory_space<vmem>>)
        %dma_start3A_489 = arith.constant 1 : i32
        %dma_start3A_490 = arith.constant 0 : i32
        %dma_start3A_491 = arith.constant 1 : i32
        %dma_start3A_492 = arith.constant 0 : i32
        %dma_start3A_493 = arith.constant 0 : i32
        %dma_start3A_494 = tpu.memref_slice %arg8[%dma_start3A_491, %dma_start3A_492, %dma_start3A_493] : memref<2x800x16xf32, #tpu.memory_space<vmem>> -> memref<1x800x16xf32, #tpu.memory_space<vmem>>
        %dma_start3A_495 = tpu.memref_squeeze %dma_start3A_494 : memref<1x800x16xf32, #tpu.memory_space<vmem>> -> memref<800x16xf32, #tpu.memory_space<vmem>>
        %dma_start3A_496 = arith.constant 0 : i32
        %dma_start3A_497 = tpu.memref_slice %arg7[%dma_start3A_489, %dma_start3A_490, %dma_start3A_496] : memref<3x2x800xi32, #tpu.memory_space<vmem>> -> memref<1x1x800xi32, #tpu.memory_space<vmem>>
        %dma_start3A_498 = tpu.memref_squeeze %dma_start3A_497 : memref<1x1x800xi32, #tpu.memory_space<vmem>> -> memref<800xi32, #tpu.memory_space<vmem>>
        %dma_start3A_499 = arith.constant 0 : i32
        %dma_start3A_500 = arith.constant 0 : i32
        %dma_start3A_501 = tpu.memref_slice %arg2[%dma_start3A_499, %dma_start3A_500] : memref<100032x16xf32, #tpu.memory_space<hbm>> -> memref<100032x16xf32, #tpu.memory_space<hbm>>
        tpu.enqueue_indirect_dma source(%dma_start3A_501 : memref<100032x16xf32, #tpu.memory_space<hbm>>) target(%dma_start3A_495 : memref<800x16xf32, #tpu.memory_space<vmem>>) offsets(%dma_start3A_498 : memref<800xi32, #tpu.memory_space<vmem>>) semaphore(%arg10 : memref<!tpu.dma_semaphore, #tpu.memory_space<semaphore_mem>>)
        %dma_wait3A_502 = arith.constant 0 : i32
        %dma_wait3A_503 = arith.constant 0 : i32
        %dma_wait3A_504 = arith.constant 0 : i32
        %dma_wait3A_505 = arith.constant 0 : i32
        %dma_wait3A_506 = arith.constant 0 : i32
        %dma_wait3A_507 = tpu.memref_slice %arg8[%dma_wait3A_504, %dma_wait3A_505, %dma_wait3A_506] : memref<2x800x16xf32, #tpu.memory_space<vmem>> -> memref<1x800x16xf32, #tpu.memory_space<vmem>>
        %dma_wait3A_508 = tpu.memref_squeeze %dma_wait3A_507 : memref<1x800x16xf32, #tpu.memory_space<vmem>> -> memref<800x16xf32, #tpu.memory_space<vmem>>
        %dma_wait3A_509 = arith.constant 0 : i32
        %dma_wait3A_510 = tpu.memref_slice %arg7[%dma_wait3A_502, %dma_wait3A_503, %dma_wait3A_509] : memref<3x2x800xi32, #tpu.memory_space<vmem>> -> memref<1x1x800xi32, #tpu.memory_space<vmem>>
        %dma_wait3A_511 = tpu.memref_squeeze %dma_wait3A_510 : memref<1x1x800xi32, #tpu.memory_space<vmem>> -> memref<800xi32, #tpu.memory_space<vmem>>
        %dma_wait3A_512 = arith.constant 0 : i32
        %dma_wait3A_513 = arith.constant 0 : i32
        %dma_wait3A_514 = tpu.memref_slice %arg2[%dma_wait3A_512, %dma_wait3A_513] : memref<100032x16xf32, #tpu.memory_space<hbm>> -> memref<100032x16xf32, #tpu.memory_space<hbm>>
        tpu.wait_indirect_dma semaphore(%arg9 : memref<!tpu.dma_semaphore, #tpu.memory_space<semaphore_mem>>) src(%dma_wait3A_514 : memref<100032x16xf32, #tpu.memory_space<hbm>>) dst(%dma_wait3A_508 : memref<800x16xf32, #tpu.memory_space<vmem>>)
        %dma_start3A_515 = arith.constant 0 : i32
        %dma_start3A_516 = arith.constant 0 : i32
        %dma_start3A_517 = arith.constant 1 : i32
        %dma_start3A_518 = arith.constant 0 : i32
        %dma_start3A_519 = arith.constant 0 : i32
        %dma_start3A_520 = tpu.memref_slice %arg8[%dma_start3A_515, %dma_start3A_518, %dma_start3A_519] : memref<2x800x16xf32, #tpu.memory_space<vmem>> -> memref<1x800x16xf32, #tpu.memory_space<vmem>>
        %dma_start3A_521 = tpu.memref_squeeze %dma_start3A_520 : memref<1x800x16xf32, #tpu.memory_space<vmem>> -> memref<800x16xf32, #tpu.memory_space<vmem>>
        %dma_start3A_522 = arith.constant 0 : i32
        %dma_start3A_523 = tpu.memref_slice %arg7[%dma_start3A_516, %dma_start3A_517, %dma_start3A_522] : memref<3x2x800xi32, #tpu.memory_space<vmem>> -> memref<1x1x800xi32, #tpu.memory_space<vmem>>
        %dma_start3A_524 = tpu.memref_squeeze %dma_start3A_523 : memref<1x1x800xi32, #tpu.memory_space<vmem>> -> memref<800xi32, #tpu.memory_space<vmem>>
        %dma_start3A_525 = arith.constant 0 : i32
        %dma_start3A_526 = arith.constant 0 : i32
        %dma_start3A_527 = tpu.memref_slice %arg16[%dma_start3A_525, %dma_start3A_526] : memref<100032x16xf32, #tpu.memory_space<vmem_shared>> -> memref<100032x16xf32, #tpu.memory_space<vmem_shared>>
        tpu.enqueue_indirect_dma source(%dma_start3A_521 : memref<800x16xf32, #tpu.memory_space<vmem>>) target(%dma_start3A_527 : memref<100032x16xf32, #tpu.memory_space<vmem_shared>>) offsets(%dma_start3A_524 : memref<800xi32, #tpu.memory_space<vmem>>) semaphore(%arg11 : memref<!tpu.dma_semaphore, #tpu.memory_space<semaphore_mem>>) {add = true}
        %mul3A_528 = arith.constant 6 : i32
        %mul3A_529 = arith.muli %mul3A_528, %scan3A_391 : i32
        %add3A_530 = arith.constant 2 : i32
        %add3A_531 = arith.addi %mul3A_529, %add3A_530 : i32
        %dma_wait3A_532 = arith.constant 0 : i32
        %dma_wait3A_533 = arith.constant 0 : i32
        %dma_wait3A_534 = arith.constant 1 : i32
        %dma_wait3A_535 = arith.constant 0 : i32
        %dma_wait3A_536 = arith.constant 0 : i32
        %dma_wait3A_537 = tpu.memref_slice %arg8[%dma_wait3A_532, %dma_wait3A_535, %dma_wait3A_536] : memref<2x800x16xf32, #tpu.memory_space<vmem>> -> memref<1x800x16xf32, #tpu.memory_space<vmem>>
        %dma_wait3A_538 = tpu.memref_squeeze %dma_wait3A_537 : memref<1x800x16xf32, #tpu.memory_space<vmem>> -> memref<800x16xf32, #tpu.memory_space<vmem>>
        %dma_wait3A_539 = arith.constant 0 : i32
        %dma_wait3A_540 = tpu.memref_slice %arg7[%dma_wait3A_533, %dma_wait3A_534, %dma_wait3A_539] : memref<3x2x800xi32, #tpu.memory_space<vmem>> -> memref<1x1x800xi32, #tpu.memory_space<vmem>>
        %dma_wait3A_541 = tpu.memref_squeeze %dma_wait3A_540 : memref<1x1x800xi32, #tpu.memory_space<vmem>> -> memref<800xi32, #tpu.memory_space<vmem>>
        %dma_wait3A_542 = arith.constant 0 : i32
        %dma_wait3A_543 = arith.constant 0 : i32
        %dma_wait3A_544 = tpu.memref_slice %arg16[%dma_wait3A_542, %dma_wait3A_543] : memref<100032x16xf32, #tpu.memory_space<vmem_shared>> -> memref<100032x16xf32, #tpu.memory_space<vmem_shared>>
        tpu.wait_indirect_dma semaphore(%arg11 : memref<!tpu.dma_semaphore, #tpu.memory_space<semaphore_mem>>) src(%dma_wait3A_538 : memref<800x16xf32, #tpu.memory_space<vmem>>) dst(%dma_wait3A_544 : memref<100032x16xf32, #tpu.memory_space<vmem_shared>>)
        %add3A_545 = arith.constant 1 : i32
        %add3A_546 = arith.addi %add3A_531, %add3A_545 : i32
        %mul3A_547 = arith.constant 800 : i32
        %mul3A_548 = arith.muli %add3A_546, %mul3A_547 : i32
        %add3A_549 = arith.addi %mul3A_4, %mul3A_548 : i32
        %dma_start3A_550 = arith.constant 0 : i32
        %dma_start3A_551 = arith.constant 0 : i32
        %dma_start3A_552 = arith.constant 0 : i32
        %dma_start3A_553 = tpu.memref_slice %arg7[%dma_start3A_550, %dma_start3A_551, %dma_start3A_552] : memref<3x2x800xi32, #tpu.memory_space<vmem>> -> memref<1x2x800xi32, #tpu.memory_space<vmem>>
        %dma_start3A_554 = tpu.memref_squeeze %dma_start3A_553 : memref<1x2x800xi32, #tpu.memory_space<vmem>> -> memref<2x800xi32, #tpu.memory_space<vmem>>
        %dma_start3A_555 = arith.constant 0 : i32
        %dma_start3A_556 = tpu.memref_slice %arg4[%dma_start3A_555, %add3A_549] : memref<2x3200000xi32, #tpu.memory_space<hbm>> -> memref<2x800xi32, #tpu.memory_space<hbm>>
        %dma_start3A_557 = arith.constant 0 : i32
        %dma_start3A_558 = arith.constant 0 : i32
        %dma_start3A_559 = tpu.memref_slice %arg7[%dma_start3A_550, %dma_start3A_557, %dma_start3A_558] : memref<3x2x800xi32, #tpu.memory_space<vmem>> -> memref<1x2x800xi32, #tpu.memory_space<vmem>>
        %dma_start3A_560 = tpu.memref_squeeze %dma_start3A_559 : memref<1x2x800xi32, #tpu.memory_space<vmem>> -> memref<2x800xi32, #tpu.memory_space<vmem>>
        %dma_start3A_561 = arith.constant 0 : i32
        %dma_start3A_562 = tpu.memref_slice %arg4[%dma_start3A_561, %add3A_549] : memref<2x3200000xi32, #tpu.memory_space<hbm>> -> memref<2x800xi32, #tpu.memory_space<hbm>>
        tpu.enqueue_dma source(%dma_start3A_562 : memref<2x800xi32, #tpu.memory_space<hbm>>) target(%dma_start3A_560 : memref<2x800xi32, #tpu.memory_space<vmem>>) target_semaphore(%arg13 : memref<!tpu.dma_semaphore, #tpu.memory_space<semaphore_mem>>)
        %dma_wait3A_563 = arith.constant 2 : i32
        %dma_wait3A_564 = arith.constant 0 : i32
        %dma_wait3A_565 = arith.constant 0 : i32
        %dma_wait3A_566 = tpu.memref_slice %arg7[%dma_wait3A_563, %dma_wait3A_564, %dma_wait3A_565] : memref<3x2x800xi32, #tpu.memory_space<vmem>> -> memref<1x2x800xi32, #tpu.memory_space<vmem>>
        %dma_wait3A_567 = tpu.memref_squeeze %dma_wait3A_566 : memref<1x2x800xi32, #tpu.memory_space<vmem>> -> memref<2x800xi32, #tpu.memory_space<vmem>>
        %dma_wait3A_568 = arith.constant 0 : i32
        %dma_wait3A_569 = tpu.memref_slice %arg4[%dma_wait3A_568, %mul3A_4] : memref<2x3200000xi32, #tpu.memory_space<hbm>> -> memref<2x800xi32, #tpu.memory_space<hbm>>
        %dma_wait3A_570 = arith.constant 0 : i32
        %dma_wait3A_571 = arith.constant 0 : i32
        %dma_wait3A_572 = tpu.memref_slice %arg7[%dma_wait3A_563, %dma_wait3A_570, %dma_wait3A_571] : memref<3x2x800xi32, #tpu.memory_space<vmem>> -> memref<1x2x800xi32, #tpu.memory_space<vmem>>
        %dma_wait3A_573 = tpu.memref_squeeze %dma_wait3A_572 : memref<1x2x800xi32, #tpu.memory_space<vmem>> -> memref<2x800xi32, #tpu.memory_space<vmem>>
        %dma_wait3A_574 = arith.constant 0 : i32
        %dma_wait3A_575 = tpu.memref_slice %arg4[%dma_wait3A_574, %mul3A_4] : memref<2x3200000xi32, #tpu.memory_space<hbm>> -> memref<2x800xi32, #tpu.memory_space<hbm>>
        tpu.wait_dma2 semaphore(%arg15 : memref<!tpu.dma_semaphore, #tpu.memory_space<semaphore_mem>>) src(%dma_wait3A_575 : memref<2x800xi32, #tpu.memory_space<hbm>>) dst(%dma_wait3A_573 : memref<2x800xi32, #tpu.memory_space<vmem>>)
        %dma_start3A_576 = arith.constant 2 : i32
        %dma_start3A_577 = arith.constant 0 : i32
        %dma_start3A_578 = arith.constant 0 : i32
        %dma_start3A_579 = arith.constant 0 : i32
        %dma_start3A_580 = arith.constant 0 : i32
        %dma_start3A_581 = tpu.memref_slice %arg8[%dma_start3A_578, %dma_start3A_579, %dma_start3A_580] : memref<2x800x16xf32, #tpu.memory_space<vmem>> -> memref<1x800x16xf32, #tpu.memory_space<vmem>>
        %dma_start3A_582 = tpu.memref_squeeze %dma_start3A_581 : memref<1x800x16xf32, #tpu.memory_space<vmem>> -> memref<800x16xf32, #tpu.memory_space<vmem>>
        %dma_start3A_583 = arith.constant 0 : i32
        %dma_start3A_584 = tpu.memref_slice %arg7[%dma_start3A_576, %dma_start3A_577, %dma_start3A_583] : memref<3x2x800xi32, #tpu.memory_space<vmem>> -> memref<1x1x800xi32, #tpu.memory_space<vmem>>
        %dma_start3A_585 = tpu.memref_squeeze %dma_start3A_584 : memref<1x1x800xi32, #tpu.memory_space<vmem>> -> memref<800xi32, #tpu.memory_space<vmem>>
        %dma_start3A_586 = arith.constant 0 : i32
        %dma_start3A_587 = arith.constant 0 : i32
        %dma_start3A_588 = tpu.memref_slice %arg2[%dma_start3A_586, %dma_start3A_587] : memref<100032x16xf32, #tpu.memory_space<hbm>> -> memref<100032x16xf32, #tpu.memory_space<hbm>>
        tpu.enqueue_indirect_dma source(%dma_start3A_588 : memref<100032x16xf32, #tpu.memory_space<hbm>>) target(%dma_start3A_582 : memref<800x16xf32, #tpu.memory_space<vmem>>) offsets(%dma_start3A_585 : memref<800xi32, #tpu.memory_space<vmem>>) semaphore(%arg9 : memref<!tpu.dma_semaphore, #tpu.memory_space<semaphore_mem>>)
        %dma_wait3A_589 = arith.constant 1 : i32
        %dma_wait3A_590 = arith.constant 0 : i32
        %dma_wait3A_591 = arith.constant 1 : i32
        %dma_wait3A_592 = arith.constant 0 : i32
        %dma_wait3A_593 = arith.constant 0 : i32
        %dma_wait3A_594 = tpu.memref_slice %arg8[%dma_wait3A_591, %dma_wait3A_592, %dma_wait3A_593] : memref<2x800x16xf32, #tpu.memory_space<vmem>> -> memref<1x800x16xf32, #tpu.memory_space<vmem>>
        %dma_wait3A_595 = tpu.memref_squeeze %dma_wait3A_594 : memref<1x800x16xf32, #tpu.memory_space<vmem>> -> memref<800x16xf32, #tpu.memory_space<vmem>>
        %dma_wait3A_596 = arith.constant 0 : i32
        %dma_wait3A_597 = tpu.memref_slice %arg7[%dma_wait3A_589, %dma_wait3A_590, %dma_wait3A_596] : memref<3x2x800xi32, #tpu.memory_space<vmem>> -> memref<1x1x800xi32, #tpu.memory_space<vmem>>
        %dma_wait3A_598 = tpu.memref_squeeze %dma_wait3A_597 : memref<1x1x800xi32, #tpu.memory_space<vmem>> -> memref<800xi32, #tpu.memory_space<vmem>>
        %dma_wait3A_599 = arith.constant 0 : i32
        %dma_wait3A_600 = arith.constant 0 : i32
        %dma_wait3A_601 = tpu.memref_slice %arg2[%dma_wait3A_599, %dma_wait3A_600] : memref<100032x16xf32, #tpu.memory_space<hbm>> -> memref<100032x16xf32, #tpu.memory_space<hbm>>
        tpu.wait_indirect_dma semaphore(%arg10 : memref<!tpu.dma_semaphore, #tpu.memory_space<semaphore_mem>>) src(%dma_wait3A_601 : memref<100032x16xf32, #tpu.memory_space<hbm>>) dst(%dma_wait3A_595 : memref<800x16xf32, #tpu.memory_space<vmem>>)
        %dma_start3A_602 = arith.constant 1 : i32
        %dma_start3A_603 = arith.constant 1 : i32
        %dma_start3A_604 = arith.constant 1 : i32
        %dma_start3A_605 = arith.constant 0 : i32
        %dma_start3A_606 = arith.constant 0 : i32
        %dma_start3A_607 = tpu.memref_slice %arg8[%dma_start3A_602, %dma_start3A_605, %dma_start3A_606] : memref<2x800x16xf32, #tpu.memory_space<vmem>> -> memref<1x800x16xf32, #tpu.memory_space<vmem>>
        %dma_start3A_608 = tpu.memref_squeeze %dma_start3A_607 : memref<1x800x16xf32, #tpu.memory_space<vmem>> -> memref<800x16xf32, #tpu.memory_space<vmem>>
        %dma_start3A_609 = arith.constant 0 : i32
        %dma_start3A_610 = tpu.memref_slice %arg7[%dma_start3A_603, %dma_start3A_604, %dma_start3A_609] : memref<3x2x800xi32, #tpu.memory_space<vmem>> -> memref<1x1x800xi32, #tpu.memory_space<vmem>>
        %dma_start3A_611 = tpu.memref_squeeze %dma_start3A_610 : memref<1x1x800xi32, #tpu.memory_space<vmem>> -> memref<800xi32, #tpu.memory_space<vmem>>
        %dma_start3A_612 = arith.constant 0 : i32
        %dma_start3A_613 = arith.constant 0 : i32
        %dma_start3A_614 = tpu.memref_slice %arg16[%dma_start3A_612, %dma_start3A_613] : memref<100032x16xf32, #tpu.memory_space<vmem_shared>> -> memref<100032x16xf32, #tpu.memory_space<vmem_shared>>
        tpu.enqueue_indirect_dma source(%dma_start3A_608 : memref<800x16xf32, #tpu.memory_space<vmem>>) target(%dma_start3A_614 : memref<100032x16xf32, #tpu.memory_space<vmem_shared>>) offsets(%dma_start3A_611 : memref<800xi32, #tpu.memory_space<vmem>>) semaphore(%arg12 : memref<!tpu.dma_semaphore, #tpu.memory_space<semaphore_mem>>) {add = true}
        %mul3A_615 = arith.constant 6 : i32
        %mul3A_616 = arith.muli %mul3A_615, %scan3A_391 : i32
        %add3A_617 = arith.constant 3 : i32
        %add3A_618 = arith.addi %mul3A_616, %add3A_617 : i32
        %dma_wait3A_619 = arith.constant 1 : i32
        %dma_wait3A_620 = arith.constant 1 : i32
        %dma_wait3A_621 = arith.constant 1 : i32
        %dma_wait3A_622 = arith.constant 0 : i32
        %dma_wait3A_623 = arith.constant 0 : i32
        %dma_wait3A_624 = tpu.memref_slice %arg8[%dma_wait3A_619, %dma_wait3A_622, %dma_wait3A_623] : memref<2x800x16xf32, #tpu.memory_space<vmem>> -> memref<1x800x16xf32, #tpu.memory_space<vmem>>
        %dma_wait3A_625 = tpu.memref_squeeze %dma_wait3A_624 : memref<1x800x16xf32, #tpu.memory_space<vmem>> -> memref<800x16xf32, #tpu.memory_space<vmem>>
        %dma_wait3A_626 = arith.constant 0 : i32
        %dma_wait3A_627 = tpu.memref_slice %arg7[%dma_wait3A_620, %dma_wait3A_621, %dma_wait3A_626] : memref<3x2x800xi32, #tpu.memory_space<vmem>> -> memref<1x1x800xi32, #tpu.memory_space<vmem>>
        %dma_wait3A_628 = tpu.memref_squeeze %dma_wait3A_627 : memref<1x1x800xi32, #tpu.memory_space<vmem>> -> memref<800xi32, #tpu.memory_space<vmem>>
        %dma_wait3A_629 = arith.constant 0 : i32
        %dma_wait3A_630 = arith.constant 0 : i32
        %dma_wait3A_631 = tpu.memref_slice %arg16[%dma_wait3A_629, %dma_wait3A_630] : memref<100032x16xf32, #tpu.memory_space<vmem_shared>> -> memref<100032x16xf32, #tpu.memory_space<vmem_shared>>
        tpu.wait_indirect_dma semaphore(%arg12 : memref<!tpu.dma_semaphore, #tpu.memory_space<semaphore_mem>>) src(%dma_wait3A_625 : memref<800x16xf32, #tpu.memory_space<vmem>>) dst(%dma_wait3A_631 : memref<100032x16xf32, #tpu.memory_space<vmem_shared>>)
        %add3A_632 = arith.constant 1 : i32
        %add3A_633 = arith.addi %add3A_618, %add3A_632 : i32
        %mul3A_634 = arith.constant 800 : i32
        %mul3A_635 = arith.muli %add3A_633, %mul3A_634 : i32
        %add3A_636 = arith.addi %mul3A_4, %mul3A_635 : i32
        %dma_start3A_637 = arith.constant 1 : i32
        %dma_start3A_638 = arith.constant 0 : i32
        %dma_start3A_639 = arith.constant 0 : i32
        %dma_start3A_640 = tpu.memref_slice %arg7[%dma_start3A_637, %dma_start3A_638, %dma_start3A_639] : memref<3x2x800xi32, #tpu.memory_space<vmem>> -> memref<1x2x800xi32, #tpu.memory_space<vmem>>
        %dma_start3A_641 = tpu.memref_squeeze %dma_start3A_640 : memref<1x2x800xi32, #tpu.memory_space<vmem>> -> memref<2x800xi32, #tpu.memory_space<vmem>>
        %dma_start3A_642 = arith.constant 0 : i32
        %dma_start3A_643 = tpu.memref_slice %arg4[%dma_start3A_642, %add3A_636] : memref<2x3200000xi32, #tpu.memory_space<hbm>> -> memref<2x800xi32, #tpu.memory_space<hbm>>
        %dma_start3A_644 = arith.constant 0 : i32
        %dma_start3A_645 = arith.constant 0 : i32
        %dma_start3A_646 = tpu.memref_slice %arg7[%dma_start3A_637, %dma_start3A_644, %dma_start3A_645] : memref<3x2x800xi32, #tpu.memory_space<vmem>> -> memref<1x2x800xi32, #tpu.memory_space<vmem>>
        %dma_start3A_647 = tpu.memref_squeeze %dma_start3A_646 : memref<1x2x800xi32, #tpu.memory_space<vmem>> -> memref<2x800xi32, #tpu.memory_space<vmem>>
        %dma_start3A_648 = arith.constant 0 : i32
        %dma_start3A_649 = tpu.memref_slice %arg4[%dma_start3A_648, %add3A_636] : memref<2x3200000xi32, #tpu.memory_space<hbm>> -> memref<2x800xi32, #tpu.memory_space<hbm>>
        tpu.enqueue_dma source(%dma_start3A_649 : memref<2x800xi32, #tpu.memory_space<hbm>>) target(%dma_start3A_647 : memref<2x800xi32, #tpu.memory_space<vmem>>) target_semaphore(%arg14 : memref<!tpu.dma_semaphore, #tpu.memory_space<semaphore_mem>>)
        %dma_wait3A_650 = arith.constant 0 : i32
        %dma_wait3A_651 = arith.constant 0 : i32
        %dma_wait3A_652 = arith.constant 0 : i32
        %dma_wait3A_653 = tpu.memref_slice %arg7[%dma_wait3A_650, %dma_wait3A_651, %dma_wait3A_652] : memref<3x2x800xi32, #tpu.memory_space<vmem>> -> memref<1x2x800xi32, #tpu.memory_space<vmem>>
        %dma_wait3A_654 = tpu.memref_squeeze %dma_wait3A_653 : memref<1x2x800xi32, #tpu.memory_space<vmem>> -> memref<2x800xi32, #tpu.memory_space<vmem>>
        %dma_wait3A_655 = arith.constant 0 : i32
        %dma_wait3A_656 = tpu.memref_slice %arg4[%dma_wait3A_655, %mul3A_4] : memref<2x3200000xi32, #tpu.memory_space<hbm>> -> memref<2x800xi32, #tpu.memory_space<hbm>>
        %dma_wait3A_657 = arith.constant 0 : i32
        %dma_wait3A_658 = arith.constant 0 : i32
        %dma_wait3A_659 = tpu.memref_slice %arg7[%dma_wait3A_650, %dma_wait3A_657, %dma_wait3A_658] : memref<3x2x800xi32, #tpu.memory_space<vmem>> -> memref<1x2x800xi32, #tpu.memory_space<vmem>>
        %dma_wait3A_660 = tpu.memref_squeeze %dma_wait3A_659 : memref<1x2x800xi32, #tpu.memory_space<vmem>> -> memref<2x800xi32, #tpu.memory_space<vmem>>
        %dma_wait3A_661 = arith.constant 0 : i32
        %dma_wait3A_662 = tpu.memref_slice %arg4[%dma_wait3A_661, %mul3A_4] : memref<2x3200000xi32, #tpu.memory_space<hbm>> -> memref<2x800xi32, #tpu.memory_space<hbm>>
        tpu.wait_dma2 semaphore(%arg13 : memref<!tpu.dma_semaphore, #tpu.memory_space<semaphore_mem>>) src(%dma_wait3A_662 : memref<2x800xi32, #tpu.memory_space<hbm>>) dst(%dma_wait3A_660 : memref<2x800xi32, #tpu.memory_space<vmem>>)
        %dma_start3A_663 = arith.constant 0 : i32
        %dma_start3A_664 = arith.constant 0 : i32
        %dma_start3A_665 = arith.constant 1 : i32
        %dma_start3A_666 = arith.constant 0 : i32
        %dma_start3A_667 = arith.constant 0 : i32
        %dma_start3A_668 = tpu.memref_slice %arg8[%dma_start3A_665, %dma_start3A_666, %dma_start3A_667] : memref<2x800x16xf32, #tpu.memory_space<vmem>> -> memref<1x800x16xf32, #tpu.memory_space<vmem>>
        %dma_start3A_669 = tpu.memref_squeeze %dma_start3A_668 : memref<1x800x16xf32, #tpu.memory_space<vmem>> -> memref<800x16xf32, #tpu.memory_space<vmem>>
        %dma_start3A_670 = arith.constant 0 : i32
        %dma_start3A_671 = tpu.memref_slice %arg7[%dma_start3A_663, %dma_start3A_664, %dma_start3A_670] : memref<3x2x800xi32, #tpu.memory_space<vmem>> -> memref<1x1x800xi32, #tpu.memory_space<vmem>>
        %dma_start3A_672 = tpu.memref_squeeze %dma_start3A_671 : memref<1x1x800xi32, #tpu.memory_space<vmem>> -> memref<800xi32, #tpu.memory_space<vmem>>
        %dma_start3A_673 = arith.constant 0 : i32
        %dma_start3A_674 = arith.constant 0 : i32
        %dma_start3A_675 = tpu.memref_slice %arg2[%dma_start3A_673, %dma_start3A_674] : memref<100032x16xf32, #tpu.memory_space<hbm>> -> memref<100032x16xf32, #tpu.memory_space<hbm>>
        tpu.enqueue_indirect_dma source(%dma_start3A_675 : memref<100032x16xf32, #tpu.memory_space<hbm>>) target(%dma_start3A_669 : memref<800x16xf32, #tpu.memory_space<vmem>>) offsets(%dma_start3A_672 : memref<800xi32, #tpu.memory_space<vmem>>) semaphore(%arg10 : memref<!tpu.dma_semaphore, #tpu.memory_space<semaphore_mem>>)
        %dma_wait3A_676 = arith.constant 2 : i32
        %dma_wait3A_677 = arith.constant 0 : i32
        %dma_wait3A_678 = arith.constant 0 : i32
        %dma_wait3A_679 = arith.constant 0 : i32
        %dma_wait3A_680 = arith.constant 0 : i32
        %dma_wait3A_681 = tpu.memref_slice %arg8[%dma_wait3A_678, %dma_wait3A_679, %dma_wait3A_680] : memref<2x800x16xf32, #tpu.memory_space<vmem>> -> memref<1x800x16xf32, #tpu.memory_space<vmem>>
        %dma_wait3A_682 = tpu.memref_squeeze %dma_wait3A_681 : memref<1x800x16xf32, #tpu.memory_space<vmem>> -> memref<800x16xf32, #tpu.memory_space<vmem>>
        %dma_wait3A_683 = arith.constant 0 : i32
        %dma_wait3A_684 = tpu.memref_slice %arg7[%dma_wait3A_676, %dma_wait3A_677, %dma_wait3A_683] : memref<3x2x800xi32, #tpu.memory_space<vmem>> -> memref<1x1x800xi32, #tpu.memory_space<vmem>>
        %dma_wait3A_685 = tpu.memref_squeeze %dma_wait3A_684 : memref<1x1x800xi32, #tpu.memory_space<vmem>> -> memref<800xi32, #tpu.memory_space<vmem>>
        %dma_wait3A_686 = arith.constant 0 : i32
        %dma_wait3A_687 = arith.constant 0 : i32
        %dma_wait3A_688 = tpu.memref_slice %arg2[%dma_wait3A_686, %dma_wait3A_687] : memref<100032x16xf32, #tpu.memory_space<hbm>> -> memref<100032x16xf32, #tpu.memory_space<hbm>>
        tpu.wait_indirect_dma semaphore(%arg9 : memref<!tpu.dma_semaphore, #tpu.memory_space<semaphore_mem>>) src(%dma_wait3A_688 : memref<100032x16xf32, #tpu.memory_space<hbm>>) dst(%dma_wait3A_682 : memref<800x16xf32, #tpu.memory_space<vmem>>)
        %dma_start3A_689 = arith.constant 0 : i32
        %dma_start3A_690 = arith.constant 2 : i32
        %dma_start3A_691 = arith.constant 1 : i32
        %dma_start3A_692 = arith.constant 0 : i32
        %dma_start3A_693 = arith.constant 0 : i32
        %dma_start3A_694 = tpu.memref_slice %arg8[%dma_start3A_689, %dma_start3A_692, %dma_start3A_693] : memref<2x800x16xf32, #tpu.memory_space<vmem>> -> memref<1x800x16xf32, #tpu.memory_space<vmem>>
        %dma_start3A_695 = tpu.memref_squeeze %dma_start3A_694 : memref<1x800x16xf32, #tpu.memory_space<vmem>> -> memref<800x16xf32, #tpu.memory_space<vmem>>
        %dma_start3A_696 = arith.constant 0 : i32
        %dma_start3A_697 = tpu.memref_slice %arg7[%dma_start3A_690, %dma_start3A_691, %dma_start3A_696] : memref<3x2x800xi32, #tpu.memory_space<vmem>> -> memref<1x1x800xi32, #tpu.memory_space<vmem>>
        %dma_start3A_698 = tpu.memref_squeeze %dma_start3A_697 : memref<1x1x800xi32, #tpu.memory_space<vmem>> -> memref<800xi32, #tpu.memory_space<vmem>>
        %dma_start3A_699 = arith.constant 0 : i32
        %dma_start3A_700 = arith.constant 0 : i32
        %dma_start3A_701 = tpu.memref_slice %arg16[%dma_start3A_699, %dma_start3A_700] : memref<100032x16xf32, #tpu.memory_space<vmem_shared>> -> memref<100032x16xf32, #tpu.memory_space<vmem_shared>>
        tpu.enqueue_indirect_dma source(%dma_start3A_695 : memref<800x16xf32, #tpu.memory_space<vmem>>) target(%dma_start3A_701 : memref<100032x16xf32, #tpu.memory_space<vmem_shared>>) offsets(%dma_start3A_698 : memref<800xi32, #tpu.memory_space<vmem>>) semaphore(%arg11 : memref<!tpu.dma_semaphore, #tpu.memory_space<semaphore_mem>>) {add = true}
        %mul3A_702 = arith.constant 6 : i32
        %mul3A_703 = arith.muli %mul3A_702, %scan3A_391 : i32
        %add3A_704 = arith.constant 4 : i32
        %add3A_705 = arith.addi %mul3A_703, %add3A_704 : i32
        %dma_wait3A_706 = arith.constant 0 : i32
        %dma_wait3A_707 = arith.constant 2 : i32
        %dma_wait3A_708 = arith.constant 1 : i32
        %dma_wait3A_709 = arith.constant 0 : i32
        %dma_wait3A_710 = arith.constant 0 : i32
        %dma_wait3A_711 = tpu.memref_slice %arg8[%dma_wait3A_706, %dma_wait3A_709, %dma_wait3A_710] : memref<2x800x16xf32, #tpu.memory_space<vmem>> -> memref<1x800x16xf32, #tpu.memory_space<vmem>>
        %dma_wait3A_712 = tpu.memref_squeeze %dma_wait3A_711 : memref<1x800x16xf32, #tpu.memory_space<vmem>> -> memref<800x16xf32, #tpu.memory_space<vmem>>
        %dma_wait3A_713 = arith.constant 0 : i32
        %dma_wait3A_714 = tpu.memref_slice %arg7[%dma_wait3A_707, %dma_wait3A_708, %dma_wait3A_713] : memref<3x2x800xi32, #tpu.memory_space<vmem>> -> memref<1x1x800xi32, #tpu.memory_space<vmem>>
        %dma_wait3A_715 = tpu.memref_squeeze %dma_wait3A_714 : memref<1x1x800xi32, #tpu.memory_space<vmem>> -> memref<800xi32, #tpu.memory_space<vmem>>
        %dma_wait3A_716 = arith.constant 0 : i32
        %dma_wait3A_717 = arith.constant 0 : i32
        %dma_wait3A_718 = tpu.memref_slice %arg16[%dma_wait3A_716, %dma_wait3A_717] : memref<100032x16xf32, #tpu.memory_space<vmem_shared>> -> memref<100032x16xf32, #tpu.memory_space<vmem_shared>>
        tpu.wait_indirect_dma semaphore(%arg11 : memref<!tpu.dma_semaphore, #tpu.memory_space<semaphore_mem>>) src(%dma_wait3A_712 : memref<800x16xf32, #tpu.memory_space<vmem>>) dst(%dma_wait3A_718 : memref<100032x16xf32, #tpu.memory_space<vmem_shared>>)
        %add3A_719 = arith.constant 1 : i32
        %add3A_720 = arith.addi %add3A_705, %add3A_719 : i32
        %mul3A_721 = arith.constant 800 : i32
        %mul3A_722 = arith.muli %add3A_720, %mul3A_721 : i32
        %add3A_723 = arith.addi %mul3A_4, %mul3A_722 : i32
        %dma_start3A_724 = arith.constant 2 : i32
        %dma_start3A_725 = arith.constant 0 : i32
        %dma_start3A_726 = arith.constant 0 : i32
        %dma_start3A_727 = tpu.memref_slice %arg7[%dma_start3A_724, %dma_start3A_725, %dma_start3A_726] : memref<3x2x800xi32, #tpu.memory_space<vmem>> -> memref<1x2x800xi32, #tpu.memory_space<vmem>>
        %dma_start3A_728 = tpu.memref_squeeze %dma_start3A_727 : memref<1x2x800xi32, #tpu.memory_space<vmem>> -> memref<2x800xi32, #tpu.memory_space<vmem>>
        %dma_start3A_729 = arith.constant 0 : i32
        %dma_start3A_730 = tpu.memref_slice %arg4[%dma_start3A_729, %add3A_723] : memref<2x3200000xi32, #tpu.memory_space<hbm>> -> memref<2x800xi32, #tpu.memory_space<hbm>>
        %dma_start3A_731 = arith.constant 0 : i32
        %dma_start3A_732 = arith.constant 0 : i32
        %dma_start3A_733 = tpu.memref_slice %arg7[%dma_start3A_724, %dma_start3A_731, %dma_start3A_732] : memref<3x2x800xi32, #tpu.memory_space<vmem>> -> memref<1x2x800xi32, #tpu.memory_space<vmem>>
        %dma_start3A_734 = tpu.memref_squeeze %dma_start3A_733 : memref<1x2x800xi32, #tpu.memory_space<vmem>> -> memref<2x800xi32, #tpu.memory_space<vmem>>
        %dma_start3A_735 = arith.constant 0 : i32
        %dma_start3A_736 = tpu.memref_slice %arg4[%dma_start3A_735, %add3A_723] : memref<2x3200000xi32, #tpu.memory_space<hbm>> -> memref<2x800xi32, #tpu.memory_space<hbm>>
        tpu.enqueue_dma source(%dma_start3A_736 : memref<2x800xi32, #tpu.memory_space<hbm>>) target(%dma_start3A_734 : memref<2x800xi32, #tpu.memory_space<vmem>>) target_semaphore(%arg15 : memref<!tpu.dma_semaphore, #tpu.memory_space<semaphore_mem>>)
        %dma_wait3A_737 = arith.constant 1 : i32
        %dma_wait3A_738 = arith.constant 0 : i32
        %dma_wait3A_739 = arith.constant 0 : i32
        %dma_wait3A_740 = tpu.memref_slice %arg7[%dma_wait3A_737, %dma_wait3A_738, %dma_wait3A_739] : memref<3x2x800xi32, #tpu.memory_space<vmem>> -> memref<1x2x800xi32, #tpu.memory_space<vmem>>
        %dma_wait3A_741 = tpu.memref_squeeze %dma_wait3A_740 : memref<1x2x800xi32, #tpu.memory_space<vmem>> -> memref<2x800xi32, #tpu.memory_space<vmem>>
        %dma_wait3A_742 = arith.constant 0 : i32
        %dma_wait3A_743 = tpu.memref_slice %arg4[%dma_wait3A_742, %mul3A_4] : memref<2x3200000xi32, #tpu.memory_space<hbm>> -> memref<2x800xi32, #tpu.memory_space<hbm>>
        %dma_wait3A_744 = arith.constant 0 : i32
        %dma_wait3A_745 = arith.constant 0 : i32
        %dma_wait3A_746 = tpu.memref_slice %arg7[%dma_wait3A_737, %dma_wait3A_744, %dma_wait3A_745] : memref<3x2x800xi32, #tpu.memory_space<vmem>> -> memref<1x2x800xi32, #tpu.memory_space<vmem>>
        %dma_wait3A_747 = tpu.memref_squeeze %dma_wait3A_746 : memref<1x2x800xi32, #tpu.memory_space<vmem>> -> memref<2x800xi32, #tpu.memory_space<vmem>>
        %dma_wait3A_748 = arith.constant 0 : i32
        %dma_wait3A_749 = tpu.memref_slice %arg4[%dma_wait3A_748, %mul3A_4] : memref<2x3200000xi32, #tpu.memory_space<hbm>> -> memref<2x800xi32, #tpu.memory_space<hbm>>
        tpu.wait_dma2 semaphore(%arg14 : memref<!tpu.dma_semaphore, #tpu.memory_space<semaphore_mem>>) src(%dma_wait3A_749 : memref<2x800xi32, #tpu.memory_space<hbm>>) dst(%dma_wait3A_747 : memref<2x800xi32, #tpu.memory_space<vmem>>)
        %dma_start3A_750 = arith.constant 1 : i32
        %dma_start3A_751 = arith.constant 0 : i32
        %dma_start3A_752 = arith.constant 0 : i32
        %dma_start3A_753 = arith.constant 0 : i32
        %dma_start3A_754 = arith.constant 0 : i32
        %dma_start3A_755 = tpu.memref_slice %arg8[%dma_start3A_752, %dma_start3A_753, %dma_start3A_754] : memref<2x800x16xf32, #tpu.memory_space<vmem>> -> memref<1x800x16xf32, #tpu.memory_space<vmem>>
        %dma_start3A_756 = tpu.memref_squeeze %dma_start3A_755 : memref<1x800x16xf32, #tpu.memory_space<vmem>> -> memref<800x16xf32, #tpu.memory_space<vmem>>
        %dma_start3A_757 = arith.constant 0 : i32
        %dma_start3A_758 = tpu.memref_slice %arg7[%dma_start3A_750, %dma_start3A_751, %dma_start3A_757] : memref<3x2x800xi32, #tpu.memory_space<vmem>> -> memref<1x1x800xi32, #tpu.memory_space<vmem>>
        %dma_start3A_759 = tpu.memref_squeeze %dma_start3A_758 : memref<1x1x800xi32, #tpu.memory_space<vmem>> -> memref<800xi32, #tpu.memory_space<vmem>>
        %dma_start3A_760 = arith.constant 0 : i32
        %dma_start3A_761 = arith.constant 0 : i32
        %dma_start3A_762 = tpu.memref_slice %arg2[%dma_start3A_760, %dma_start3A_761] : memref<100032x16xf32, #tpu.memory_space<hbm>> -> memref<100032x16xf32, #tpu.memory_space<hbm>>
        tpu.enqueue_indirect_dma source(%dma_start3A_762 : memref<100032x16xf32, #tpu.memory_space<hbm>>) target(%dma_start3A_756 : memref<800x16xf32, #tpu.memory_space<vmem>>) offsets(%dma_start3A_759 : memref<800xi32, #tpu.memory_space<vmem>>) semaphore(%arg9 : memref<!tpu.dma_semaphore, #tpu.memory_space<semaphore_mem>>)
        %dma_wait3A_763 = arith.constant 0 : i32
        %dma_wait3A_764 = arith.constant 0 : i32
        %dma_wait3A_765 = arith.constant 1 : i32
        %dma_wait3A_766 = arith.constant 0 : i32
        %dma_wait3A_767 = arith.constant 0 : i32
        %dma_wait3A_768 = tpu.memref_slice %arg8[%dma_wait3A_765, %dma_wait3A_766, %dma_wait3A_767] : memref<2x800x16xf32, #tpu.memory_space<vmem>> -> memref<1x800x16xf32, #tpu.memory_space<vmem>>
        %dma_wait3A_769 = tpu.memref_squeeze %dma_wait3A_768 : memref<1x800x16xf32, #tpu.memory_space<vmem>> -> memref<800x16xf32, #tpu.memory_space<vmem>>
        %dma_wait3A_770 = arith.constant 0 : i32
        %dma_wait3A_771 = tpu.memref_slice %arg7[%dma_wait3A_763, %dma_wait3A_764, %dma_wait3A_770] : memref<3x2x800xi32, #tpu.memory_space<vmem>> -> memref<1x1x800xi32, #tpu.memory_space<vmem>>
        %dma_wait3A_772 = tpu.memref_squeeze %dma_wait3A_771 : memref<1x1x800xi32, #tpu.memory_space<vmem>> -> memref<800xi32, #tpu.memory_space<vmem>>
        %dma_wait3A_773 = arith.constant 0 : i32
        %dma_wait3A_774 = arith.constant 0 : i32
        %dma_wait3A_775 = tpu.memref_slice %arg2[%dma_wait3A_773, %dma_wait3A_774] : memref<100032x16xf32, #tpu.memory_space<hbm>> -> memref<100032x16xf32, #tpu.memory_space<hbm>>
        tpu.wait_indirect_dma semaphore(%arg10 : memref<!tpu.dma_semaphore, #tpu.memory_space<semaphore_mem>>) src(%dma_wait3A_775 : memref<100032x16xf32, #tpu.memory_space<hbm>>) dst(%dma_wait3A_769 : memref<800x16xf32, #tpu.memory_space<vmem>>)
        %dma_start3A_776 = arith.constant 1 : i32
        %dma_start3A_777 = arith.constant 0 : i32
        %dma_start3A_778 = arith.constant 1 : i32
        %dma_start3A_779 = arith.constant 0 : i32
        %dma_start3A_780 = arith.constant 0 : i32
        %dma_start3A_781 = tpu.memref_slice %arg8[%dma_start3A_776, %dma_start3A_779, %dma_start3A_780] : memref<2x800x16xf32, #tpu.memory_space<vmem>> -> memref<1x800x16xf32, #tpu.memory_space<vmem>>
        %dma_start3A_782 = tpu.memref_squeeze %dma_start3A_781 : memref<1x800x16xf32, #tpu.memory_space<vmem>> -> memref<800x16xf32, #tpu.memory_space<vmem>>
        %dma_start3A_783 = arith.constant 0 : i32
        %dma_start3A_784 = tpu.memref_slice %arg7[%dma_start3A_777, %dma_start3A_778, %dma_start3A_783] : memref<3x2x800xi32, #tpu.memory_space<vmem>> -> memref<1x1x800xi32, #tpu.memory_space<vmem>>
        %dma_start3A_785 = tpu.memref_squeeze %dma_start3A_784 : memref<1x1x800xi32, #tpu.memory_space<vmem>> -> memref<800xi32, #tpu.memory_space<vmem>>
        %dma_start3A_786 = arith.constant 0 : i32
        %dma_start3A_787 = arith.constant 0 : i32
        %dma_start3A_788 = tpu.memref_slice %arg16[%dma_start3A_786, %dma_start3A_787] : memref<100032x16xf32, #tpu.memory_space<vmem_shared>> -> memref<100032x16xf32, #tpu.memory_space<vmem_shared>>
        tpu.enqueue_indirect_dma source(%dma_start3A_782 : memref<800x16xf32, #tpu.memory_space<vmem>>) target(%dma_start3A_788 : memref<100032x16xf32, #tpu.memory_space<vmem_shared>>) offsets(%dma_start3A_785 : memref<800xi32, #tpu.memory_space<vmem>>) semaphore(%arg12 : memref<!tpu.dma_semaphore, #tpu.memory_space<semaphore_mem>>) {add = true}
        %mul3A_789 = arith.constant 6 : i32
        %mul3A_790 = arith.muli %mul3A_789, %scan3A_391 : i32
        %add3A_791 = arith.constant 5 : i32
        %add3A_792 = arith.addi %mul3A_790, %add3A_791 : i32
        %dma_wait3A_793 = arith.constant 1 : i32
        %dma_wait3A_794 = arith.constant 0 : i32
        %dma_wait3A_795 = arith.constant 1 : i32
        %dma_wait3A_796 = arith.constant 0 : i32
        %dma_wait3A_797 = arith.constant 0 : i32
        %dma_wait3A_798 = tpu.memref_slice %arg8[%dma_wait3A_793, %dma_wait3A_796, %dma_wait3A_797] : memref<2x800x16xf32, #tpu.memory_space<vmem>> -> memref<1x800x16xf32, #tpu.memory_space<vmem>>
        %dma_wait3A_799 = tpu.memref_squeeze %dma_wait3A_798 : memref<1x800x16xf32, #tpu.memory_space<vmem>> -> memref<800x16xf32, #tpu.memory_space<vmem>>
        %dma_wait3A_800 = arith.constant 0 : i32
        %dma_wait3A_801 = tpu.memref_slice %arg7[%dma_wait3A_794, %dma_wait3A_795, %dma_wait3A_800] : memref<3x2x800xi32, #tpu.memory_space<vmem>> -> memref<1x1x800xi32, #tpu.memory_space<vmem>>
        %dma_wait3A_802 = tpu.memref_squeeze %dma_wait3A_801 : memref<1x1x800xi32, #tpu.memory_space<vmem>> -> memref<800xi32, #tpu.memory_space<vmem>>
        %dma_wait3A_803 = arith.constant 0 : i32
        %dma_wait3A_804 = arith.constant 0 : i32
        %dma_wait3A_805 = tpu.memref_slice %arg16[%dma_wait3A_803, %dma_wait3A_804] : memref<100032x16xf32, #tpu.memory_space<vmem_shared>> -> memref<100032x16xf32, #tpu.memory_space<vmem_shared>>
        tpu.wait_indirect_dma semaphore(%arg12 : memref<!tpu.dma_semaphore, #tpu.memory_space<semaphore_mem>>) src(%dma_wait3A_799 : memref<800x16xf32, #tpu.memory_space<vmem>>) dst(%dma_wait3A_805 : memref<100032x16xf32, #tpu.memory_space<vmem_shared>>)
        %add3A_806 = arith.constant 1 : i32
        %add3A_807 = arith.addi %add3A_792, %add3A_806 : i32
        %mul3A_808 = arith.constant 800 : i32
        %mul3A_809 = arith.muli %add3A_807, %mul3A_808 : i32
        %add3A_810 = arith.addi %mul3A_4, %mul3A_809 : i32
        %dma_start3A_811 = arith.constant 0 : i32
        %dma_start3A_812 = arith.constant 0 : i32
        %dma_start3A_813 = arith.constant 0 : i32
        %dma_start3A_814 = tpu.memref_slice %arg7[%dma_start3A_811, %dma_start3A_812, %dma_start3A_813] : memref<3x2x800xi32, #tpu.memory_space<vmem>> -> memref<1x2x800xi32, #tpu.memory_space<vmem>>
        %dma_start3A_815 = tpu.memref_squeeze %dma_start3A_814 : memref<1x2x800xi32, #tpu.memory_space<vmem>> -> memref<2x800xi32, #tpu.memory_space<vmem>>
        %dma_start3A_816 = arith.constant 0 : i32
        %dma_start3A_817 = tpu.memref_slice %arg4[%dma_start3A_816, %add3A_810] : memref<2x3200000xi32, #tpu.memory_space<hbm>> -> memref<2x800xi32, #tpu.memory_space<hbm>>
        %dma_start3A_818 = arith.constant 0 : i32
        %dma_start3A_819 = arith.constant 0 : i32
        %dma_start3A_820 = tpu.memref_slice %arg7[%dma_start3A_811, %dma_start3A_818, %dma_start3A_819] : memref<3x2x800xi32, #tpu.memory_space<vmem>> -> memref<1x2x800xi32, #tpu.memory_space<vmem>>
        %dma_start3A_821 = tpu.memref_squeeze %dma_start3A_820 : memref<1x2x800xi32, #tpu.memory_space<vmem>> -> memref<2x800xi32, #tpu.memory_space<vmem>>
        %dma_start3A_822 = arith.constant 0 : i32
        %dma_start3A_823 = tpu.memref_slice %arg4[%dma_start3A_822, %add3A_810] : memref<2x3200000xi32, #tpu.memory_space<hbm>> -> memref<2x800xi32, #tpu.memory_space<hbm>>
        tpu.enqueue_dma source(%dma_start3A_823 : memref<2x800xi32, #tpu.memory_space<hbm>>) target(%dma_start3A_821 : memref<2x800xi32, #tpu.memory_space<vmem>>) target_semaphore(%arg13 : memref<!tpu.dma_semaphore, #tpu.memory_space<semaphore_mem>>)
        %dma_wait3A_824 = arith.constant 2 : i32
        %dma_wait3A_825 = arith.constant 0 : i32
        %dma_wait3A_826 = arith.constant 0 : i32
        %dma_wait3A_827 = tpu.memref_slice %arg7[%dma_wait3A_824, %dma_wait3A_825, %dma_wait3A_826] : memref<3x2x800xi32, #tpu.memory_space<vmem>> -> memref<1x2x800xi32, #tpu.memory_space<vmem>>
        %dma_wait3A_828 = tpu.memref_squeeze %dma_wait3A_827 : memref<1x2x800xi32, #tpu.memory_space<vmem>> -> memref<2x800xi32, #tpu.memory_space<vmem>>
        %dma_wait3A_829 = arith.constant 0 : i32
        %dma_wait3A_830 = tpu.memref_slice %arg4[%dma_wait3A_829, %mul3A_4] : memref<2x3200000xi32, #tpu.memory_space<hbm>> -> memref<2x800xi32, #tpu.memory_space<hbm>>
        %dma_wait3A_831 = arith.constant 0 : i32
        %dma_wait3A_832 = arith.constant 0 : i32
        %dma_wait3A_833 = tpu.memref_slice %arg7[%dma_wait3A_824, %dma_wait3A_831, %dma_wait3A_832] : memref<3x2x800xi32, #tpu.memory_space<vmem>> -> memref<1x2x800xi32, #tpu.memory_space<vmem>>
        %dma_wait3A_834 = tpu.memref_squeeze %dma_wait3A_833 : memref<1x2x800xi32, #tpu.memory_space<vmem>> -> memref<2x800xi32, #tpu.memory_space<vmem>>
        %dma_wait3A_835 = arith.constant 0 : i32
        %dma_wait3A_836 = tpu.memref_slice %arg4[%dma_wait3A_835, %mul3A_4] : memref<2x3200000xi32, #tpu.memory_space<hbm>> -> memref<2x800xi32, #tpu.memory_space<hbm>>
        tpu.wait_dma2 semaphore(%arg15 : memref<!tpu.dma_semaphore, #tpu.memory_space<semaphore_mem>>) src(%dma_wait3A_836 : memref<2x800xi32, #tpu.memory_space<hbm>>) dst(%dma_wait3A_834 : memref<2x800xi32, #tpu.memory_space<vmem>>)
        %dma_start3A_837 = arith.constant 2 : i32
        %dma_start3A_838 = arith.constant 0 : i32
        %dma_start3A_839 = arith.constant 1 : i32
        %dma_start3A_840 = arith.constant 0 : i32
        %dma_start3A_841 = arith.constant 0 : i32
        %dma_start3A_842 = tpu.memref_slice %arg8[%dma_start3A_839, %dma_start3A_840, %dma_start3A_841] : memref<2x800x16xf32, #tpu.memory_space<vmem>> -> memref<1x800x16xf32, #tpu.memory_space<vmem>>
        %dma_start3A_843 = tpu.memref_squeeze %dma_start3A_842 : memref<1x800x16xf32, #tpu.memory_space<vmem>> -> memref<800x16xf32, #tpu.memory_space<vmem>>
        %dma_start3A_844 = arith.constant 0 : i32
        %dma_start3A_845 = tpu.memref_slice %arg7[%dma_start3A_837, %dma_start3A_838, %dma_start3A_844] : memref<3x2x800xi32, #tpu.memory_space<vmem>> -> memref<1x1x800xi32, #tpu.memory_space<vmem>>
        %dma_start3A_846 = tpu.memref_squeeze %dma_start3A_845 : memref<1x1x800xi32, #tpu.memory_space<vmem>> -> memref<800xi32, #tpu.memory_space<vmem>>
        %dma_start3A_847 = arith.constant 0 : i32
        %dma_start3A_848 = arith.constant 0 : i32
        %dma_start3A_849 = tpu.memref_slice %arg2[%dma_start3A_847, %dma_start3A_848] : memref<100032x16xf32, #tpu.memory_space<hbm>> -> memref<100032x16xf32, #tpu.memory_space<hbm>>
        tpu.enqueue_indirect_dma source(%dma_start3A_849 : memref<100032x16xf32, #tpu.memory_space<hbm>>) target(%dma_start3A_843 : memref<800x16xf32, #tpu.memory_space<vmem>>) offsets(%dma_start3A_846 : memref<800xi32, #tpu.memory_space<vmem>>) semaphore(%arg10 : memref<!tpu.dma_semaphore, #tpu.memory_space<semaphore_mem>>)
        %dma_wait3A_850 = arith.constant 1 : i32
        %dma_wait3A_851 = arith.constant 0 : i32
        %dma_wait3A_852 = arith.constant 0 : i32
        %dma_wait3A_853 = arith.constant 0 : i32
        %dma_wait3A_854 = arith.constant 0 : i32
        %dma_wait3A_855 = tpu.memref_slice %arg8[%dma_wait3A_852, %dma_wait3A_853, %dma_wait3A_854] : memref<2x800x16xf32, #tpu.memory_space<vmem>> -> memref<1x800x16xf32, #tpu.memory_space<vmem>>
        %dma_wait3A_856 = tpu.memref_squeeze %dma_wait3A_855 : memref<1x800x16xf32, #tpu.memory_space<vmem>> -> memref<800x16xf32, #tpu.memory_space<vmem>>
        %dma_wait3A_857 = arith.constant 0 : i32
        %dma_wait3A_858 = tpu.memref_slice %arg7[%dma_wait3A_850, %dma_wait3A_851, %dma_wait3A_857] : memref<3x2x800xi32, #tpu.memory_space<vmem>> -> memref<1x1x800xi32, #tpu.memory_space<vmem>>
        %dma_wait3A_859 = tpu.memref_squeeze %dma_wait3A_858 : memref<1x1x800xi32, #tpu.memory_space<vmem>> -> memref<800xi32, #tpu.memory_space<vmem>>
        %dma_wait3A_860 = arith.constant 0 : i32
        %dma_wait3A_861 = arith.constant 0 : i32
        %dma_wait3A_862 = tpu.memref_slice %arg2[%dma_wait3A_860, %dma_wait3A_861] : memref<100032x16xf32, #tpu.memory_space<hbm>> -> memref<100032x16xf32, #tpu.memory_space<hbm>>
        tpu.wait_indirect_dma semaphore(%arg9 : memref<!tpu.dma_semaphore, #tpu.memory_space<semaphore_mem>>) src(%dma_wait3A_862 : memref<100032x16xf32, #tpu.memory_space<hbm>>) dst(%dma_wait3A_856 : memref<800x16xf32, #tpu.memory_space<vmem>>)
        %dma_start3A_863 = arith.constant 0 : i32
        %dma_start3A_864 = arith.constant 1 : i32
        %dma_start3A_865 = arith.constant 1 : i32
        %dma_start3A_866 = arith.constant 0 : i32
        %dma_start3A_867 = arith.constant 0 : i32
        %dma_start3A_868 = tpu.memref_slice %arg8[%dma_start3A_863, %dma_start3A_866, %dma_start3A_867] : memref<2x800x16xf32, #tpu.memory_space<vmem>> -> memref<1x800x16xf32, #tpu.memory_space<vmem>>
        %dma_start3A_869 = tpu.memref_squeeze %dma_start3A_868 : memref<1x800x16xf32, #tpu.memory_space<vmem>> -> memref<800x16xf32, #tpu.memory_space<vmem>>
        %dma_start3A_870 = arith.constant 0 : i32
        %dma_start3A_871 = tpu.memref_slice %arg7[%dma_start3A_864, %dma_start3A_865, %dma_start3A_870] : memref<3x2x800xi32, #tpu.memory_space<vmem>> -> memref<1x1x800xi32, #tpu.memory_space<vmem>>
        %dma_start3A_872 = tpu.memref_squeeze %dma_start3A_871 : memref<1x1x800xi32, #tpu.memory_space<vmem>> -> memref<800xi32, #tpu.memory_space<vmem>>
        %dma_start3A_873 = arith.constant 0 : i32
        %dma_start3A_874 = arith.constant 0 : i32
        %dma_start3A_875 = tpu.memref_slice %arg16[%dma_start3A_873, %dma_start3A_874] : memref<100032x16xf32, #tpu.memory_space<vmem_shared>> -> memref<100032x16xf32, #tpu.memory_space<vmem_shared>>
        tpu.enqueue_indirect_dma source(%dma_start3A_869 : memref<800x16xf32, #tpu.memory_space<vmem>>) target(%dma_start3A_875 : memref<100032x16xf32, #tpu.memory_space<vmem_shared>>) offsets(%dma_start3A_872 : memref<800xi32, #tpu.memory_space<vmem>>) semaphore(%arg11 : memref<!tpu.dma_semaphore, #tpu.memory_space<semaphore_mem>>) {add = true}
      }
      %scan3A_34 = arith.constant 41 : i32
      %dma_wait3A = arith.constant 0 : i32
      %dma_wait3A_35 = arith.constant 1 : i32
      %dma_wait3A_36 = arith.constant 1 : i32
      %dma_wait3A_37 = arith.constant 0 : i32
      %dma_wait3A_38 = arith.constant 0 : i32
      %dma_wait3A_39 = tpu.memref_slice %arg8[%dma_wait3A, %dma_wait3A_37, %dma_wait3A_38] : memref<2x800x16xf32, #tpu.memory_space<vmem>> -> memref<1x800x16xf32, #tpu.memory_space<vmem>>
      %dma_wait3A_40 = tpu.memref_squeeze %dma_wait3A_39 : memref<1x800x16xf32, #tpu.memory_space<vmem>> -> memref<800x16xf32, #tpu.memory_space<vmem>>
      %dma_wait3A_41 = arith.constant 0 : i32
      %dma_wait3A_42 = tpu.memref_slice %arg7[%dma_wait3A_35, %dma_wait3A_36, %dma_wait3A_41] : memref<3x2x800xi32, #tpu.memory_space<vmem>> -> memref<1x1x800xi32, #tpu.memory_space<vmem>>
      %dma_wait3A_43 = tpu.memref_squeeze %dma_wait3A_42 : memref<1x1x800xi32, #tpu.memory_space<vmem>> -> memref<800xi32, #tpu.memory_space<vmem>>
      %dma_wait3A_44 = arith.constant 0 : i32
      %dma_wait3A_45 = arith.constant 0 : i32
      %dma_wait3A_46 = tpu.memref_slice %arg16[%dma_wait3A_44, %dma_wait3A_45] : memref<100032x16xf32, #tpu.memory_space<vmem_shared>> -> memref<100032x16xf32, #tpu.memory_space<vmem_shared>>
      tpu.wait_indirect_dma semaphore(%arg11 : memref<!tpu.dma_semaphore, #tpu.memory_space<semaphore_mem>>) src(%dma_wait3A_40 : memref<800x16xf32, #tpu.memory_space<vmem>>) dst(%dma_wait3A_46 : memref<100032x16xf32, #tpu.memory_space<vmem_shared>>)
      %add3A_47 = arith.constant 197600 : i32
      %add3A_48 = arith.addi %mul3A_4, %add3A_47 : i32
      %dma_start3A_49 = arith.constant 1 : i32
      %dma_start3A_50 = arith.constant 0 : i32
      %dma_start3A_51 = arith.constant 0 : i32
      %dma_start3A_52 = tpu.memref_slice %arg7[%dma_start3A_49, %dma_start3A_50, %dma_start3A_51] : memref<3x2x800xi32, #tpu.memory_space<vmem>> -> memref<1x2x800xi32, #tpu.memory_space<vmem>>
      %dma_start3A_53 = tpu.memref_squeeze %dma_start3A_52 : memref<1x2x800xi32, #tpu.memory_space<vmem>> -> memref<2x800xi32, #tpu.memory_space<vmem>>
      %dma_start3A_54 = arith.constant 0 : i32
      %dma_start3A_55 = tpu.memref_slice %arg4[%dma_start3A_54, %add3A_48] : memref<2x3200000xi32, #tpu.memory_space<hbm>> -> memref<2x800xi32, #tpu.memory_space<hbm>>
      %dma_start3A_56 = arith.constant 0 : i32
      %dma_start3A_57 = arith.constant 0 : i32
      %dma_start3A_58 = tpu.memref_slice %arg7[%dma_start3A_49, %dma_start3A_56, %dma_start3A_57] : memref<3x2x800xi32, #tpu.memory_space<vmem>> -> memref<1x2x800xi32, #tpu.memory_space<vmem>>
      %dma_start3A_59 = tpu.memref_squeeze %dma_start3A_58 : memref<1x2x800xi32, #tpu.memory_space<vmem>> -> memref<2x800xi32, #tpu.memory_space<vmem>>
      %dma_start3A_60 = arith.constant 0 : i32
      %dma_start3A_61 = tpu.memref_slice %arg4[%dma_start3A_60, %add3A_48] : memref<2x3200000xi32, #tpu.memory_space<hbm>> -> memref<2x800xi32, #tpu.memory_space<hbm>>
      tpu.enqueue_dma source(%dma_start3A_61 : memref<2x800xi32, #tpu.memory_space<hbm>>) target(%dma_start3A_59 : memref<2x800xi32, #tpu.memory_space<vmem>>) target_semaphore(%arg14 : memref<!tpu.dma_semaphore, #tpu.memory_space<semaphore_mem>>)
      %dma_wait3A_62 = arith.constant 0 : i32
      %dma_wait3A_63 = arith.constant 0 : i32
      %dma_wait3A_64 = arith.constant 0 : i32
      %dma_wait3A_65 = tpu.memref_slice %arg7[%dma_wait3A_62, %dma_wait3A_63, %dma_wait3A_64] : memref<3x2x800xi32, #tpu.memory_space<vmem>> -> memref<1x2x800xi32, #tpu.memory_space<vmem>>
      %dma_wait3A_66 = tpu.memref_squeeze %dma_wait3A_65 : memref<1x2x800xi32, #tpu.memory_space<vmem>> -> memref<2x800xi32, #tpu.memory_space<vmem>>
      %dma_wait3A_67 = arith.constant 0 : i32
      %dma_wait3A_68 = tpu.memref_slice %arg4[%dma_wait3A_67, %mul3A_4] : memref<2x3200000xi32, #tpu.memory_space<hbm>> -> memref<2x800xi32, #tpu.memory_space<hbm>>
      %dma_wait3A_69 = arith.constant 0 : i32
      %dma_wait3A_70 = arith.constant 0 : i32
      %dma_wait3A_71 = tpu.memref_slice %arg7[%dma_wait3A_62, %dma_wait3A_69, %dma_wait3A_70] : memref<3x2x800xi32, #tpu.memory_space<vmem>> -> memref<1x2x800xi32, #tpu.memory_space<vmem>>
      %dma_wait3A_72 = tpu.memref_squeeze %dma_wait3A_71 : memref<1x2x800xi32, #tpu.memory_space<vmem>> -> memref<2x800xi32, #tpu.memory_space<vmem>>
      %dma_wait3A_73 = arith.constant 0 : i32
      %dma_wait3A_74 = tpu.memref_slice %arg4[%dma_wait3A_73, %mul3A_4] : memref<2x3200000xi32, #tpu.memory_space<hbm>> -> memref<2x800xi32, #tpu.memory_space<hbm>>
      tpu.wait_dma2 semaphore(%arg13 : memref<!tpu.dma_semaphore, #tpu.memory_space<semaphore_mem>>) src(%dma_wait3A_74 : memref<2x800xi32, #tpu.memory_space<hbm>>) dst(%dma_wait3A_72 : memref<2x800xi32, #tpu.memory_space<vmem>>)
      %dma_start3A_75 = arith.constant 0 : i32
      %dma_start3A_76 = arith.constant 0 : i32
      %dma_start3A_77 = arith.constant 0 : i32
      %dma_start3A_78 = arith.constant 0 : i32
      %dma_start3A_79 = arith.constant 0 : i32
      %dma_start3A_80 = tpu.memref_slice %arg8[%dma_start3A_77, %dma_start3A_78, %dma_start3A_79] : memref<2x800x16xf32, #tpu.memory_space<vmem>> -> memref<1x800x16xf32, #tpu.memory_space<vmem>>
      %dma_start3A_81 = tpu.memref_squeeze %dma_start3A_80 : memref<1x800x16xf32, #tpu.memory_space<vmem>> -> memref<800x16xf32, #tpu.memory_space<vmem>>
      %dma_start3A_82 = arith.constant 0 : i32
      %dma_start3A_83 = tpu.memref_slice %arg7[%dma_start3A_75, %dma_start3A_76, %dma_start3A_82] : memref<3x2x800xi32, #tpu.memory_space<vmem>> -> memref<1x1x800xi32, #tpu.memory_space<vmem>>
      %dma_start3A_84 = tpu.memref_squeeze %dma_start3A_83 : memref<1x1x800xi32, #tpu.memory_space<vmem>> -> memref<800xi32, #tpu.memory_space<vmem>>
      %dma_start3A_85 = arith.constant 0 : i32
      %dma_start3A_86 = arith.constant 0 : i32
      %dma_start3A_87 = tpu.memref_slice %arg2[%dma_start3A_85, %dma_start3A_86] : memref<100032x16xf32, #tpu.memory_space<hbm>> -> memref<100032x16xf32, #tpu.memory_space<hbm>>
      tpu.enqueue_indirect_dma source(%dma_start3A_87 : memref<100032x16xf32, #tpu.memory_space<hbm>>) target(%dma_start3A_81 : memref<800x16xf32, #tpu.memory_space<vmem>>) offsets(%dma_start3A_84 : memref<800xi32, #tpu.memory_space<vmem>>) semaphore(%arg9 : memref<!tpu.dma_semaphore, #tpu.memory_space<semaphore_mem>>)
      %dma_wait3A_88 = arith.constant 2 : i32
      %dma_wait3A_89 = arith.constant 0 : i32
      %dma_wait3A_90 = arith.constant 1 : i32
      %dma_wait3A_91 = arith.constant 0 : i32
      %dma_wait3A_92 = arith.constant 0 : i32
      %dma_wait3A_93 = tpu.memref_slice %arg8[%dma_wait3A_90, %dma_wait3A_91, %dma_wait3A_92] : memref<2x800x16xf32, #tpu.memory_space<vmem>> -> memref<1x800x16xf32, #tpu.memory_space<vmem>>
      %dma_wait3A_94 = tpu.memref_squeeze %dma_wait3A_93 : memref<1x800x16xf32, #tpu.memory_space<vmem>> -> memref<800x16xf32, #tpu.memory_space<vmem>>
      %dma_wait3A_95 = arith.constant 0 : i32
      %dma_wait3A_96 = tpu.memref_slice %arg7[%dma_wait3A_88, %dma_wait3A_89, %dma_wait3A_95] : memref<3x2x800xi32, #tpu.memory_space<vmem>> -> memref<1x1x800xi32, #tpu.memory_space<vmem>>
      %dma_wait3A_97 = tpu.memref_squeeze %dma_wait3A_96 : memref<1x1x800xi32, #tpu.memory_space<vmem>> -> memref<800xi32, #tpu.memory_space<vmem>>
      %dma_wait3A_98 = arith.constant 0 : i32
      %dma_wait3A_99 = arith.constant 0 : i32
      %dma_wait3A_100 = tpu.memref_slice %arg2[%dma_wait3A_98, %dma_wait3A_99] : memref<100032x16xf32, #tpu.memory_space<hbm>> -> memref<100032x16xf32, #tpu.memory_space<hbm>>
      tpu.wait_indirect_dma semaphore(%arg10 : memref<!tpu.dma_semaphore, #tpu.memory_space<semaphore_mem>>) src(%dma_wait3A_100 : memref<100032x16xf32, #tpu.memory_space<hbm>>) dst(%dma_wait3A_94 : memref<800x16xf32, #tpu.memory_space<vmem>>)
      %dma_start3A_101 = arith.constant 1 : i32
      %dma_start3A_102 = arith.constant 2 : i32
      %dma_start3A_103 = arith.constant 1 : i32
      %dma_start3A_104 = arith.constant 0 : i32
      %dma_start3A_105 = arith.constant 0 : i32
      %dma_start3A_106 = tpu.memref_slice %arg8[%dma_start3A_101, %dma_start3A_104, %dma_start3A_105] : memref<2x800x16xf32, #tpu.memory_space<vmem>> -> memref<1x800x16xf32, #tpu.memory_space<vmem>>
      %dma_start3A_107 = tpu.memref_squeeze %dma_start3A_106 : memref<1x800x16xf32, #tpu.memory_space<vmem>> -> memref<800x16xf32, #tpu.memory_space<vmem>>
      %dma_start3A_108 = arith.constant 0 : i32
      %dma_start3A_109 = tpu.memref_slice %arg7[%dma_start3A_102, %dma_start3A_103, %dma_start3A_108] : memref<3x2x800xi32, #tpu.memory_space<vmem>> -> memref<1x1x800xi32, #tpu.memory_space<vmem>>
      %dma_start3A_110 = tpu.memref_squeeze %dma_start3A_109 : memref<1x1x800xi32, #tpu.memory_space<vmem>> -> memref<800xi32, #tpu.memory_space<vmem>>
      %dma_start3A_111 = arith.constant 0 : i32
      %dma_start3A_112 = arith.constant 0 : i32
      %dma_start3A_113 = tpu.memref_slice %arg16[%dma_start3A_111, %dma_start3A_112] : memref<100032x16xf32, #tpu.memory_space<vmem_shared>> -> memref<100032x16xf32, #tpu.memory_space<vmem_shared>>
      tpu.enqueue_indirect_dma source(%dma_start3A_107 : memref<800x16xf32, #tpu.memory_space<vmem>>) target(%dma_start3A_113 : memref<100032x16xf32, #tpu.memory_space<vmem_shared>>) offsets(%dma_start3A_110 : memref<800xi32, #tpu.memory_space<vmem>>) semaphore(%arg12 : memref<!tpu.dma_semaphore, #tpu.memory_space<semaphore_mem>>) {add = true}
      %dma_wait3A_114 = arith.constant 1 : i32
      %dma_wait3A_115 = arith.constant 2 : i32
      %dma_wait3A_116 = arith.constant 1 : i32
      %dma_wait3A_117 = arith.constant 0 : i32
      %dma_wait3A_118 = arith.constant 0 : i32
      %dma_wait3A_119 = tpu.memref_slice %arg8[%dma_wait3A_114, %dma_wait3A_117, %dma_wait3A_118] : memref<2x800x16xf32, #tpu.memory_space<vmem>> -> memref<1x800x16xf32, #tpu.memory_space<vmem>>
      %dma_wait3A_120 = tpu.memref_squeeze %dma_wait3A_119 : memref<1x800x16xf32, #tpu.memory_space<vmem>> -> memref<800x16xf32, #tpu.memory_space<vmem>>
      %dma_wait3A_121 = arith.constant 0 : i32
      %dma_wait3A_122 = tpu.memref_slice %arg7[%dma_wait3A_115, %dma_wait3A_116, %dma_wait3A_121] : memref<3x2x800xi32, #tpu.memory_space<vmem>> -> memref<1x1x800xi32, #tpu.memory_space<vmem>>
      %dma_wait3A_123 = tpu.memref_squeeze %dma_wait3A_122 : memref<1x1x800xi32, #tpu.memory_space<vmem>> -> memref<800xi32, #tpu.memory_space<vmem>>
      %dma_wait3A_124 = arith.constant 0 : i32
      %dma_wait3A_125 = arith.constant 0 : i32
      %dma_wait3A_126 = tpu.memref_slice %arg16[%dma_wait3A_124, %dma_wait3A_125] : memref<100032x16xf32, #tpu.memory_space<vmem_shared>> -> memref<100032x16xf32, #tpu.memory_space<vmem_shared>>
      tpu.wait_indirect_dma semaphore(%arg12 : memref<!tpu.dma_semaphore, #tpu.memory_space<semaphore_mem>>) src(%dma_wait3A_120 : memref<800x16xf32, #tpu.memory_space<vmem>>) dst(%dma_wait3A_126 : memref<100032x16xf32, #tpu.memory_space<vmem_shared>>)
      %add3A_127 = arith.constant 198400 : i32
      %add3A_128 = arith.addi %mul3A_4, %add3A_127 : i32
      %dma_start3A_129 = arith.constant 2 : i32
      %dma_start3A_130 = arith.constant 0 : i32
      %dma_start3A_131 = arith.constant 0 : i32
      %dma_start3A_132 = tpu.memref_slice %arg7[%dma_start3A_129, %dma_start3A_130, %dma_start3A_131] : memref<3x2x800xi32, #tpu.memory_space<vmem>> -> memref<1x2x800xi32, #tpu.memory_space<vmem>>
      %dma_start3A_133 = tpu.memref_squeeze %dma_start3A_132 : memref<1x2x800xi32, #tpu.memory_space<vmem>> -> memref<2x800xi32, #tpu.memory_space<vmem>>
      %dma_start3A_134 = arith.constant 0 : i32
      %dma_start3A_135 = tpu.memref_slice %arg4[%dma_start3A_134, %add3A_128] : memref<2x3200000xi32, #tpu.memory_space<hbm>> -> memref<2x800xi32, #tpu.memory_space<hbm>>
      %dma_start3A_136 = arith.constant 0 : i32
      %dma_start3A_137 = arith.constant 0 : i32
      %dma_start3A_138 = tpu.memref_slice %arg7[%dma_start3A_129, %dma_start3A_136, %dma_start3A_137] : memref<3x2x800xi32, #tpu.memory_space<vmem>> -> memref<1x2x800xi32, #tpu.memory_space<vmem>>
      %dma_start3A_139 = tpu.memref_squeeze %dma_start3A_138 : memref<1x2x800xi32, #tpu.memory_space<vmem>> -> memref<2x800xi32, #tpu.memory_space<vmem>>
      %dma_start3A_140 = arith.constant 0 : i32
      %dma_start3A_141 = tpu.memref_slice %arg4[%dma_start3A_140, %add3A_128] : memref<2x3200000xi32, #tpu.memory_space<hbm>> -> memref<2x800xi32, #tpu.memory_space<hbm>>
      tpu.enqueue_dma source(%dma_start3A_141 : memref<2x800xi32, #tpu.memory_space<hbm>>) target(%dma_start3A_139 : memref<2x800xi32, #tpu.memory_space<vmem>>) target_semaphore(%arg15 : memref<!tpu.dma_semaphore, #tpu.memory_space<semaphore_mem>>)
      %dma_wait3A_142 = arith.constant 1 : i32
      %dma_wait3A_143 = arith.constant 0 : i32
      %dma_wait3A_144 = arith.constant 0 : i32
      %dma_wait3A_145 = tpu.memref_slice %arg7[%dma_wait3A_142, %dma_wait3A_143, %dma_wait3A_144] : memref<3x2x800xi32, #tpu.memory_space<vmem>> -> memref<1x2x800xi32, #tpu.memory_space<vmem>>
      %dma_wait3A_146 = tpu.memref_squeeze %dma_wait3A_145 : memref<1x2x800xi32, #tpu.memory_space<vmem>> -> memref<2x800xi32, #tpu.memory_space<vmem>>
      %dma_wait3A_147 = arith.constant 0 : i32
      %dma_wait3A_148 = tpu.memref_slice %arg4[%dma_wait3A_147, %mul3A_4] : memref<2x3200000xi32, #tpu.memory_space<hbm>> -> memref<2x800xi32, #tpu.memory_space<hbm>>
      %dma_wait3A_149 = arith.constant 0 : i32
      %dma_wait3A_150 = arith.constant 0 : i32
      %dma_wait3A_151 = tpu.memref_slice %arg7[%dma_wait3A_142, %dma_wait3A_149, %dma_wait3A_150] : memref<3x2x800xi32, #tpu.memory_space<vmem>> -> memref<1x2x800xi32, #tpu.memory_space<vmem>>
      %dma_wait3A_152 = tpu.memref_squeeze %dma_wait3A_151 : memref<1x2x800xi32, #tpu.memory_space<vmem>> -> memref<2x800xi32, #tpu.memory_space<vmem>>
      %dma_wait3A_153 = arith.constant 0 : i32
      %dma_wait3A_154 = tpu.memref_slice %arg4[%dma_wait3A_153, %mul3A_4] : memref<2x3200000xi32, #tpu.memory_space<hbm>> -> memref<2x800xi32, #tpu.memory_space<hbm>>
      tpu.wait_dma2 semaphore(%arg14 : memref<!tpu.dma_semaphore, #tpu.memory_space<semaphore_mem>>) src(%dma_wait3A_154 : memref<2x800xi32, #tpu.memory_space<hbm>>) dst(%dma_wait3A_152 : memref<2x800xi32, #tpu.memory_space<vmem>>)
      %dma_start3A_155 = arith.constant 1 : i32
      %dma_start3A_156 = arith.constant 0 : i32
      %dma_start3A_157 = arith.constant 1 : i32
      %dma_start3A_158 = arith.constant 0 : i32
      %dma_start3A_159 = arith.constant 0 : i32
      %dma_start3A_160 = tpu.memref_slice %arg8[%dma_start3A_157, %dma_start3A_158, %dma_start3A_159] : memref<2x800x16xf32, #tpu.memory_space<vmem>> -> memref<1x800x16xf32, #tpu.memory_space<vmem>>
      %dma_start3A_161 = tpu.memref_squeeze %dma_start3A_160 : memref<1x800x16xf32, #tpu.memory_space<vmem>> -> memref<800x16xf32, #tpu.memory_space<vmem>>
      %dma_start3A_162 = arith.constant 0 : i32
      %dma_start3A_163 = tpu.memref_slice %arg7[%dma_start3A_155, %dma_start3A_156, %dma_start3A_162] : memref<3x2x800xi32, #tpu.memory_space<vmem>> -> memref<1x1x800xi32, #tpu.memory_space<vmem>>
      %dma_start3A_164 = tpu.memref_squeeze %dma_start3A_163 : memref<1x1x800xi32, #tpu.memory_space<vmem>> -> memref<800xi32, #tpu.memory_space<vmem>>
      %dma_start3A_165 = arith.constant 0 : i32
      %dma_start3A_166 = arith.constant 0 : i32
      %dma_start3A_167 = tpu.memref_slice %arg2[%dma_start3A_165, %dma_start3A_166] : memref<100032x16xf32, #tpu.memory_space<hbm>> -> memref<100032x16xf32, #tpu.memory_space<hbm>>
      tpu.enqueue_indirect_dma source(%dma_start3A_167 : memref<100032x16xf32, #tpu.memory_space<hbm>>) target(%dma_start3A_161 : memref<800x16xf32, #tpu.memory_space<vmem>>) offsets(%dma_start3A_164 : memref<800xi32, #tpu.memory_space<vmem>>) semaphore(%arg10 : memref<!tpu.dma_semaphore, #tpu.memory_space<semaphore_mem>>)
      %dma_wait3A_168 = arith.constant 0 : i32
      %dma_wait3A_169 = arith.constant 0 : i32
      %dma_wait3A_170 = arith.constant 0 : i32
      %dma_wait3A_171 = arith.constant 0 : i32
      %dma_wait3A_172 = arith.constant 0 : i32
      %dma_wait3A_173 = tpu.memref_slice %arg8[%dma_wait3A_170, %dma_wait3A_171, %dma_wait3A_172] : memref<2x800x16xf32, #tpu.memory_space<vmem>> -> memref<1x800x16xf32, #tpu.memory_space<vmem>>
      %dma_wait3A_174 = tpu.memref_squeeze %dma_wait3A_173 : memref<1x800x16xf32, #tpu.memory_space<vmem>> -> memref<800x16xf32, #tpu.memory_space<vmem>>
      %dma_wait3A_175 = arith.constant 0 : i32
      %dma_wait3A_176 = tpu.memref_slice %arg7[%dma_wait3A_168, %dma_wait3A_169, %dma_wait3A_175] : memref<3x2x800xi32, #tpu.memory_space<vmem>> -> memref<1x1x800xi32, #tpu.memory_space<vmem>>
      %dma_wait3A_177 = tpu.memref_squeeze %dma_wait3A_176 : memref<1x1x800xi32, #tpu.memory_space<vmem>> -> memref<800xi32, #tpu.memory_space<vmem>>
      %dma_wait3A_178 = arith.constant 0 : i32
      %dma_wait3A_179 = arith.constant 0 : i32
      %dma_wait3A_180 = tpu.memref_slice %arg2[%dma_wait3A_178, %dma_wait3A_179] : memref<100032x16xf32, #tpu.memory_space<hbm>> -> memref<100032x16xf32, #tpu.memory_space<hbm>>
      tpu.wait_indirect_dma semaphore(%arg9 : memref<!tpu.dma_semaphore, #tpu.memory_space<semaphore_mem>>) src(%dma_wait3A_180 : memref<100032x16xf32, #tpu.memory_space<hbm>>) dst(%dma_wait3A_174 : memref<800x16xf32, #tpu.memory_space<vmem>>)
      %dma_start3A_181 = arith.constant 0 : i32
      %dma_start3A_182 = arith.constant 0 : i32
      %dma_start3A_183 = arith.constant 1 : i32
      %dma_start3A_184 = arith.constant 0 : i32
      %dma_start3A_185 = arith.constant 0 : i32
      %dma_start3A_186 = tpu.memref_slice %arg8[%dma_start3A_181, %dma_start3A_184, %dma_start3A_185] : memref<2x800x16xf32, #tpu.memory_space<vmem>> -> memref<1x800x16xf32, #tpu.memory_space<vmem>>
      %dma_start3A_187 = tpu.memref_squeeze %dma_start3A_186 : memref<1x800x16xf32, #tpu.memory_space<vmem>> -> memref<800x16xf32, #tpu.memory_space<vmem>>
      %dma_start3A_188 = arith.constant 0 : i32
      %dma_start3A_189 = tpu.memref_slice %arg7[%dma_start3A_182, %dma_start3A_183, %dma_start3A_188] : memref<3x2x800xi32, #tpu.memory_space<vmem>> -> memref<1x1x800xi32, #tpu.memory_space<vmem>>
      %dma_start3A_190 = tpu.memref_squeeze %dma_start3A_189 : memref<1x1x800xi32, #tpu.memory_space<vmem>> -> memref<800xi32, #tpu.memory_space<vmem>>
      %dma_start3A_191 = arith.constant 0 : i32
      %dma_start3A_192 = arith.constant 0 : i32
      %dma_start3A_193 = tpu.memref_slice %arg16[%dma_start3A_191, %dma_start3A_192] : memref<100032x16xf32, #tpu.memory_space<vmem_shared>> -> memref<100032x16xf32, #tpu.memory_space<vmem_shared>>
      tpu.enqueue_indirect_dma source(%dma_start3A_187 : memref<800x16xf32, #tpu.memory_space<vmem>>) target(%dma_start3A_193 : memref<100032x16xf32, #tpu.memory_space<vmem_shared>>) offsets(%dma_start3A_190 : memref<800xi32, #tpu.memory_space<vmem>>) semaphore(%arg11 : memref<!tpu.dma_semaphore, #tpu.memory_space<semaphore_mem>>) {add = true}
      %dma_wait3A_194 = arith.constant 0 : i32
      %dma_wait3A_195 = arith.constant 0 : i32
      %dma_wait3A_196 = arith.constant 1 : i32
      %dma_wait3A_197 = arith.constant 0 : i32
      %dma_wait3A_198 = arith.constant 0 : i32
      %dma_wait3A_199 = tpu.memref_slice %arg8[%dma_wait3A_194, %dma_wait3A_197, %dma_wait3A_198] : memref<2x800x16xf32, #tpu.memory_space<vmem>> -> memref<1x800x16xf32, #tpu.memory_space<vmem>>
      %dma_wait3A_200 = tpu.memref_squeeze %dma_wait3A_199 : memref<1x800x16xf32, #tpu.memory_space<vmem>> -> memref<800x16xf32, #tpu.memory_space<vmem>>
      %dma_wait3A_201 = arith.constant 0 : i32
      %dma_wait3A_202 = tpu.memref_slice %arg7[%dma_wait3A_195, %dma_wait3A_196, %dma_wait3A_201] : memref<3x2x800xi32, #tpu.memory_space<vmem>> -> memref<1x1x800xi32, #tpu.memory_space<vmem>>
      %dma_wait3A_203 = tpu.memref_squeeze %dma_wait3A_202 : memref<1x1x800xi32, #tpu.memory_space<vmem>> -> memref<800xi32, #tpu.memory_space<vmem>>
      %dma_wait3A_204 = arith.constant 0 : i32
      %dma_wait3A_205 = arith.constant 0 : i32
      %dma_wait3A_206 = tpu.memref_slice %arg16[%dma_wait3A_204, %dma_wait3A_205] : memref<100032x16xf32, #tpu.memory_space<vmem_shared>> -> memref<100032x16xf32, #tpu.memory_space<vmem_shared>>
      tpu.wait_indirect_dma semaphore(%arg11 : memref<!tpu.dma_semaphore, #tpu.memory_space<semaphore_mem>>) src(%dma_wait3A_200 : memref<800x16xf32, #tpu.memory_space<vmem>>) dst(%dma_wait3A_206 : memref<100032x16xf32, #tpu.memory_space<vmem_shared>>)
      %add3A_207 = arith.constant 199200 : i32
      %add3A_208 = arith.addi %mul3A_4, %add3A_207 : i32
      %dma_start3A_209 = arith.constant 0 : i32
      %dma_start3A_210 = arith.constant 0 : i32
      %dma_start3A_211 = arith.constant 0 : i32
      %dma_start3A_212 = tpu.memref_slice %arg7[%dma_start3A_209, %dma_start3A_210, %dma_start3A_211] : memref<3x2x800xi32, #tpu.memory_space<vmem>> -> memref<1x2x800xi32, #tpu.memory_space<vmem>>
      %dma_start3A_213 = tpu.memref_squeeze %dma_start3A_212 : memref<1x2x800xi32, #tpu.memory_space<vmem>> -> memref<2x800xi32, #tpu.memory_space<vmem>>
      %dma_start3A_214 = arith.constant 0 : i32
      %dma_start3A_215 = tpu.memref_slice %arg4[%dma_start3A_214, %add3A_208] : memref<2x3200000xi32, #tpu.memory_space<hbm>> -> memref<2x800xi32, #tpu.memory_space<hbm>>
      %dma_start3A_216 = arith.constant 0 : i32
      %dma_start3A_217 = arith.constant 0 : i32
      %dma_start3A_218 = tpu.memref_slice %arg7[%dma_start3A_209, %dma_start3A_216, %dma_start3A_217] : memref<3x2x800xi32, #tpu.memory_space<vmem>> -> memref<1x2x800xi32, #tpu.memory_space<vmem>>
      %dma_start3A_219 = tpu.memref_squeeze %dma_start3A_218 : memref<1x2x800xi32, #tpu.memory_space<vmem>> -> memref<2x800xi32, #tpu.memory_space<vmem>>
      %dma_start3A_220 = arith.constant 0 : i32
      %dma_start3A_221 = tpu.memref_slice %arg4[%dma_start3A_220, %add3A_208] : memref<2x3200000xi32, #tpu.memory_space<hbm>> -> memref<2x800xi32, #tpu.memory_space<hbm>>
      tpu.enqueue_dma source(%dma_start3A_221 : memref<2x800xi32, #tpu.memory_space<hbm>>) target(%dma_start3A_219 : memref<2x800xi32, #tpu.memory_space<vmem>>) target_semaphore(%arg13 : memref<!tpu.dma_semaphore, #tpu.memory_space<semaphore_mem>>)
      %dma_wait3A_222 = arith.constant 2 : i32
      %dma_wait3A_223 = arith.constant 0 : i32
      %dma_wait3A_224 = arith.constant 0 : i32
      %dma_wait3A_225 = tpu.memref_slice %arg7[%dma_wait3A_222, %dma_wait3A_223, %dma_wait3A_224] : memref<3x2x800xi32, #tpu.memory_space<vmem>> -> memref<1x2x800xi32, #tpu.memory_space<vmem>>
      %dma_wait3A_226 = tpu.memref_squeeze %dma_wait3A_225 : memref<1x2x800xi32, #tpu.memory_space<vmem>> -> memref<2x800xi32, #tpu.memory_space<vmem>>
      %dma_wait3A_227 = arith.constant 0 : i32
      %dma_wait3A_228 = tpu.memref_slice %arg4[%dma_wait3A_227, %mul3A_4] : memref<2x3200000xi32, #tpu.memory_space<hbm>> -> memref<2x800xi32, #tpu.memory_space<hbm>>
      %dma_wait3A_229 = arith.constant 0 : i32
      %dma_wait3A_230 = arith.constant 0 : i32
      %dma_wait3A_231 = tpu.memref_slice %arg7[%dma_wait3A_222, %dma_wait3A_229, %dma_wait3A_230] : memref<3x2x800xi32, #tpu.memory_space<vmem>> -> memref<1x2x800xi32, #tpu.memory_space<vmem>>
      %dma_wait3A_232 = tpu.memref_squeeze %dma_wait3A_231 : memref<1x2x800xi32, #tpu.memory_space<vmem>> -> memref<2x800xi32, #tpu.memory_space<vmem>>
      %dma_wait3A_233 = arith.constant 0 : i32
      %dma_wait3A_234 = tpu.memref_slice %arg4[%dma_wait3A_233, %mul3A_4] : memref<2x3200000xi32, #tpu.memory_space<hbm>> -> memref<2x800xi32, #tpu.memory_space<hbm>>
      tpu.wait_dma2 semaphore(%arg15 : memref<!tpu.dma_semaphore, #tpu.memory_space<semaphore_mem>>) src(%dma_wait3A_234 : memref<2x800xi32, #tpu.memory_space<hbm>>) dst(%dma_wait3A_232 : memref<2x800xi32, #tpu.memory_space<vmem>>)
      %dma_start3A_235 = arith.constant 2 : i32
      %dma_start3A_236 = arith.constant 0 : i32
      %dma_start3A_237 = arith.constant 0 : i32
      %dma_start3A_238 = arith.constant 0 : i32
      %dma_start3A_239 = arith.constant 0 : i32
      %dma_start3A_240 = tpu.memref_slice %arg8[%dma_start3A_237, %dma_start3A_238, %dma_start3A_239] : memref<2x800x16xf32, #tpu.memory_space<vmem>> -> memref<1x800x16xf32, #tpu.memory_space<vmem>>
      %dma_start3A_241 = tpu.memref_squeeze %dma_start3A_240 : memref<1x800x16xf32, #tpu.memory_space<vmem>> -> memref<800x16xf32, #tpu.memory_space<vmem>>
      %dma_start3A_242 = arith.constant 0 : i32
      %dma_start3A_243 = tpu.memref_slice %arg7[%dma_start3A_235, %dma_start3A_236, %dma_start3A_242] : memref<3x2x800xi32, #tpu.memory_space<vmem>> -> memref<1x1x800xi32, #tpu.memory_space<vmem>>
      %dma_start3A_244 = tpu.memref_squeeze %dma_start3A_243 : memref<1x1x800xi32, #tpu.memory_space<vmem>> -> memref<800xi32, #tpu.memory_space<vmem>>
      %dma_start3A_245 = arith.constant 0 : i32
      %dma_start3A_246 = arith.constant 0 : i32
      %dma_start3A_247 = tpu.memref_slice %arg2[%dma_start3A_245, %dma_start3A_246] : memref<100032x16xf32, #tpu.memory_space<hbm>> -> memref<100032x16xf32, #tpu.memory_space<hbm>>
      tpu.enqueue_indirect_dma source(%dma_start3A_247 : memref<100032x16xf32, #tpu.memory_space<hbm>>) target(%dma_start3A_241 : memref<800x16xf32, #tpu.memory_space<vmem>>) offsets(%dma_start3A_244 : memref<800xi32, #tpu.memory_space<vmem>>) semaphore(%arg9 : memref<!tpu.dma_semaphore, #tpu.memory_space<semaphore_mem>>)
      %dma_wait3A_248 = arith.constant 1 : i32
      %dma_wait3A_249 = arith.constant 0 : i32
      %dma_wait3A_250 = arith.constant 1 : i32
      %dma_wait3A_251 = arith.constant 0 : i32
      %dma_wait3A_252 = arith.constant 0 : i32
      %dma_wait3A_253 = tpu.memref_slice %arg8[%dma_wait3A_250, %dma_wait3A_251, %dma_wait3A_252] : memref<2x800x16xf32, #tpu.memory_space<vmem>> -> memref<1x800x16xf32, #tpu.memory_space<vmem>>
      %dma_wait3A_254 = tpu.memref_squeeze %dma_wait3A_253 : memref<1x800x16xf32, #tpu.memory_space<vmem>> -> memref<800x16xf32, #tpu.memory_space<vmem>>
      %dma_wait3A_255 = arith.constant 0 : i32
      %dma_wait3A_256 = tpu.memref_slice %arg7[%dma_wait3A_248, %dma_wait3A_249, %dma_wait3A_255] : memref<3x2x800xi32, #tpu.memory_space<vmem>> -> memref<1x1x800xi32, #tpu.memory_space<vmem>>
      %dma_wait3A_257 = tpu.memref_squeeze %dma_wait3A_256 : memref<1x1x800xi32, #tpu.memory_space<vmem>> -> memref<800xi32, #tpu.memory_space<vmem>>
      %dma_wait3A_258 = arith.constant 0 : i32
      %dma_wait3A_259 = arith.constant 0 : i32
      %dma_wait3A_260 = tpu.memref_slice %arg2[%dma_wait3A_258, %dma_wait3A_259] : memref<100032x16xf32, #tpu.memory_space<hbm>> -> memref<100032x16xf32, #tpu.memory_space<hbm>>
      tpu.wait_indirect_dma semaphore(%arg10 : memref<!tpu.dma_semaphore, #tpu.memory_space<semaphore_mem>>) src(%dma_wait3A_260 : memref<100032x16xf32, #tpu.memory_space<hbm>>) dst(%dma_wait3A_254 : memref<800x16xf32, #tpu.memory_space<vmem>>)
      %dma_start3A_261 = arith.constant 1 : i32
      %dma_start3A_262 = arith.constant 1 : i32
      %dma_start3A_263 = arith.constant 1 : i32
      %dma_start3A_264 = arith.constant 0 : i32
      %dma_start3A_265 = arith.constant 0 : i32
      %dma_start3A_266 = tpu.memref_slice %arg8[%dma_start3A_261, %dma_start3A_264, %dma_start3A_265] : memref<2x800x16xf32, #tpu.memory_space<vmem>> -> memref<1x800x16xf32, #tpu.memory_space<vmem>>
      %dma_start3A_267 = tpu.memref_squeeze %dma_start3A_266 : memref<1x800x16xf32, #tpu.memory_space<vmem>> -> memref<800x16xf32, #tpu.memory_space<vmem>>
      %dma_start3A_268 = arith.constant 0 : i32
      %dma_start3A_269 = tpu.memref_slice %arg7[%dma_start3A_262, %dma_start3A_263, %dma_start3A_268] : memref<3x2x800xi32, #tpu.memory_space<vmem>> -> memref<1x1x800xi32, #tpu.memory_space<vmem>>
      %dma_start3A_270 = tpu.memref_squeeze %dma_start3A_269 : memref<1x1x800xi32, #tpu.memory_space<vmem>> -> memref<800xi32, #tpu.memory_space<vmem>>
      %dma_start3A_271 = arith.constant 0 : i32
      %dma_start3A_272 = arith.constant 0 : i32
      %dma_start3A_273 = tpu.memref_slice %arg16[%dma_start3A_271, %dma_start3A_272] : memref<100032x16xf32, #tpu.memory_space<vmem_shared>> -> memref<100032x16xf32, #tpu.memory_space<vmem_shared>>
      tpu.enqueue_indirect_dma source(%dma_start3A_267 : memref<800x16xf32, #tpu.memory_space<vmem>>) target(%dma_start3A_273 : memref<100032x16xf32, #tpu.memory_space<vmem_shared>>) offsets(%dma_start3A_270 : memref<800xi32, #tpu.memory_space<vmem>>) semaphore(%arg12 : memref<!tpu.dma_semaphore, #tpu.memory_space<semaphore_mem>>) {add = true}
      %dma_wait3A_274 = arith.constant 1 : i32
      %dma_wait3A_275 = arith.constant 1 : i32
      %dma_wait3A_276 = arith.constant 1 : i32
      %dma_wait3A_277 = arith.constant 0 : i32
      %dma_wait3A_278 = arith.constant 0 : i32
      %dma_wait3A_279 = tpu.memref_slice %arg8[%dma_wait3A_274, %dma_wait3A_277, %dma_wait3A_278] : memref<2x800x16xf32, #tpu.memory_space<vmem>> -> memref<1x800x16xf32, #tpu.memory_space<vmem>>
      %dma_wait3A_280 = tpu.memref_squeeze %dma_wait3A_279 : memref<1x800x16xf32, #tpu.memory_space<vmem>> -> memref<800x16xf32, #tpu.memory_space<vmem>>
      %dma_wait3A_281 = arith.constant 0 : i32
      %dma_wait3A_282 = tpu.memref_slice %arg7[%dma_wait3A_275, %dma_wait3A_276, %dma_wait3A_281] : memref<3x2x800xi32, #tpu.memory_space<vmem>> -> memref<1x1x800xi32, #tpu.memory_space<vmem>>
      %dma_wait3A_283 = tpu.memref_squeeze %dma_wait3A_282 : memref<1x1x800xi32, #tpu.memory_space<vmem>> -> memref<800xi32, #tpu.memory_space<vmem>>
      %dma_wait3A_284 = arith.constant 0 : i32
      %dma_wait3A_285 = arith.constant 0 : i32
      %dma_wait3A_286 = tpu.memref_slice %arg16[%dma_wait3A_284, %dma_wait3A_285] : memref<100032x16xf32, #tpu.memory_space<vmem_shared>> -> memref<100032x16xf32, #tpu.memory_space<vmem_shared>>
      tpu.wait_indirect_dma semaphore(%arg12 : memref<!tpu.dma_semaphore, #tpu.memory_space<semaphore_mem>>) src(%dma_wait3A_280 : memref<800x16xf32, #tpu.memory_space<vmem>>) dst(%dma_wait3A_286 : memref<100032x16xf32, #tpu.memory_space<vmem_shared>>)
      %dma_wait3A_287 = arith.constant 0 : i32
      %dma_wait3A_288 = arith.constant 0 : i32
      %dma_wait3A_289 = arith.constant 0 : i32
      %dma_wait3A_290 = tpu.memref_slice %arg7[%dma_wait3A_287, %dma_wait3A_288, %dma_wait3A_289] : memref<3x2x800xi32, #tpu.memory_space<vmem>> -> memref<1x2x800xi32, #tpu.memory_space<vmem>>
      %dma_wait3A_291 = tpu.memref_squeeze %dma_wait3A_290 : memref<1x2x800xi32, #tpu.memory_space<vmem>> -> memref<2x800xi32, #tpu.memory_space<vmem>>
      %dma_wait3A_292 = arith.constant 0 : i32
      %dma_wait3A_293 = tpu.memref_slice %arg4[%dma_wait3A_292, %mul3A_4] : memref<2x3200000xi32, #tpu.memory_space<hbm>> -> memref<2x800xi32, #tpu.memory_space<hbm>>
      %dma_wait3A_294 = arith.constant 0 : i32
      %dma_wait3A_295 = arith.constant 0 : i32
      %dma_wait3A_296 = tpu.memref_slice %arg7[%dma_wait3A_287, %dma_wait3A_294, %dma_wait3A_295] : memref<3x2x800xi32, #tpu.memory_space<vmem>> -> memref<1x2x800xi32, #tpu.memory_space<vmem>>
      %dma_wait3A_297 = tpu.memref_squeeze %dma_wait3A_296 : memref<1x2x800xi32, #tpu.memory_space<vmem>> -> memref<2x800xi32, #tpu.memory_space<vmem>>
      %dma_wait3A_298 = arith.constant 0 : i32
      %dma_wait3A_299 = tpu.memref_slice %arg4[%dma_wait3A_298, %mul3A_4] : memref<2x3200000xi32, #tpu.memory_space<hbm>> -> memref<2x800xi32, #tpu.memory_space<hbm>>
      tpu.wait_dma2 semaphore(%arg13 : memref<!tpu.dma_semaphore, #tpu.memory_space<semaphore_mem>>) src(%dma_wait3A_299 : memref<2x800xi32, #tpu.memory_space<hbm>>) dst(%dma_wait3A_297 : memref<2x800xi32, #tpu.memory_space<vmem>>)
      %dma_start3A_300 = arith.constant 0 : i32
      %dma_start3A_301 = arith.constant 0 : i32
      %dma_start3A_302 = arith.constant 1 : i32
      %dma_start3A_303 = arith.constant 0 : i32
      %dma_start3A_304 = arith.constant 0 : i32
      %dma_start3A_305 = tpu.memref_slice %arg8[%dma_start3A_302, %dma_start3A_303, %dma_start3A_304] : memref<2x800x16xf32, #tpu.memory_space<vmem>> -> memref<1x800x16xf32, #tpu.memory_space<vmem>>
      %dma_start3A_306 = tpu.memref_squeeze %dma_start3A_305 : memref<1x800x16xf32, #tpu.memory_space<vmem>> -> memref<800x16xf32, #tpu.memory_space<vmem>>
      %dma_start3A_307 = arith.constant 0 : i32
      %dma_start3A_308 = tpu.memref_slice %arg7[%dma_start3A_300, %dma_start3A_301, %dma_start3A_307] : memref<3x2x800xi32, #tpu.memory_space<vmem>> -> memref<1x1x800xi32, #tpu.memory_space<vmem>>
      %dma_start3A_309 = tpu.memref_squeeze %dma_start3A_308 : memref<1x1x800xi32, #tpu.memory_space<vmem>> -> memref<800xi32, #tpu.memory_space<vmem>>
      %dma_start3A_310 = arith.constant 0 : i32
      %dma_start3A_311 = arith.constant 0 : i32
      %dma_start3A_312 = tpu.memref_slice %arg2[%dma_start3A_310, %dma_start3A_311] : memref<100032x16xf32, #tpu.memory_space<hbm>> -> memref<100032x16xf32, #tpu.memory_space<hbm>>
      tpu.enqueue_indirect_dma source(%dma_start3A_312 : memref<100032x16xf32, #tpu.memory_space<hbm>>) target(%dma_start3A_306 : memref<800x16xf32, #tpu.memory_space<vmem>>) offsets(%dma_start3A_309 : memref<800xi32, #tpu.memory_space<vmem>>) semaphore(%arg10 : memref<!tpu.dma_semaphore, #tpu.memory_space<semaphore_mem>>)
      %dma_wait3A_313 = arith.constant 2 : i32
      %dma_wait3A_314 = arith.constant 0 : i32
      %dma_wait3A_315 = arith.constant 0 : i32
      %dma_wait3A_316 = arith.constant 0 : i32
      %dma_wait3A_317 = arith.constant 0 : i32
      %dma_wait3A_318 = tpu.memref_slice %arg8[%dma_wait3A_315, %dma_wait3A_316, %dma_wait3A_317] : memref<2x800x16xf32, #tpu.memory_space<vmem>> -> memref<1x800x16xf32, #tpu.memory_space<vmem>>
      %dma_wait3A_319 = tpu.memref_squeeze %dma_wait3A_318 : memref<1x800x16xf32, #tpu.memory_space<vmem>> -> memref<800x16xf32, #tpu.memory_space<vmem>>
      %dma_wait3A_320 = arith.constant 0 : i32
      %dma_wait3A_321 = tpu.memref_slice %arg7[%dma_wait3A_313, %dma_wait3A_314, %dma_wait3A_320] : memref<3x2x800xi32, #tpu.memory_space<vmem>> -> memref<1x1x800xi32, #tpu.memory_space<vmem>>
      %dma_wait3A_322 = tpu.memref_squeeze %dma_wait3A_321 : memref<1x1x800xi32, #tpu.memory_space<vmem>> -> memref<800xi32, #tpu.memory_space<vmem>>
      %dma_wait3A_323 = arith.constant 0 : i32
      %dma_wait3A_324 = arith.constant 0 : i32
      %dma_wait3A_325 = tpu.memref_slice %arg2[%dma_wait3A_323, %dma_wait3A_324] : memref<100032x16xf32, #tpu.memory_space<hbm>> -> memref<100032x16xf32, #tpu.memory_space<hbm>>
      tpu.wait_indirect_dma semaphore(%arg9 : memref<!tpu.dma_semaphore, #tpu.memory_space<semaphore_mem>>) src(%dma_wait3A_325 : memref<100032x16xf32, #tpu.memory_space<hbm>>) dst(%dma_wait3A_319 : memref<800x16xf32, #tpu.memory_space<vmem>>)
      %dma_start3A_326 = arith.constant 0 : i32
      %dma_start3A_327 = arith.constant 2 : i32
      %dma_start3A_328 = arith.constant 1 : i32
      %dma_start3A_329 = arith.constant 0 : i32
      %dma_start3A_330 = arith.constant 0 : i32
      %dma_start3A_331 = tpu.memref_slice %arg8[%dma_start3A_326, %dma_start3A_329, %dma_start3A_330] : memref<2x800x16xf32, #tpu.memory_space<vmem>> -> memref<1x800x16xf32, #tpu.memory_space<vmem>>
      %dma_start3A_332 = tpu.memref_squeeze %dma_start3A_331 : memref<1x800x16xf32, #tpu.memory_space<vmem>> -> memref<800x16xf32, #tpu.memory_space<vmem>>
      %dma_start3A_333 = arith.constant 0 : i32
      %dma_start3A_334 = tpu.memref_slice %arg7[%dma_start3A_327, %dma_start3A_328, %dma_start3A_333] : memref<3x2x800xi32, #tpu.memory_space<vmem>> -> memref<1x1x800xi32, #tpu.memory_space<vmem>>
      %dma_start3A_335 = tpu.memref_squeeze %dma_start3A_334 : memref<1x1x800xi32, #tpu.memory_space<vmem>> -> memref<800xi32, #tpu.memory_space<vmem>>
      %dma_start3A_336 = arith.constant 0 : i32
      %dma_start3A_337 = arith.constant 0 : i32
      %dma_start3A_338 = tpu.memref_slice %arg16[%dma_start3A_336, %dma_start3A_337] : memref<100032x16xf32, #tpu.memory_space<vmem_shared>> -> memref<100032x16xf32, #tpu.memory_space<vmem_shared>>
      tpu.enqueue_indirect_dma source(%dma_start3A_332 : memref<800x16xf32, #tpu.memory_space<vmem>>) target(%dma_start3A_338 : memref<100032x16xf32, #tpu.memory_space<vmem_shared>>) offsets(%dma_start3A_335 : memref<800xi32, #tpu.memory_space<vmem>>) semaphore(%arg11 : memref<!tpu.dma_semaphore, #tpu.memory_space<semaphore_mem>>) {add = true}
      %dma_wait3A_339 = arith.constant 0 : i32
      %dma_wait3A_340 = arith.constant 0 : i32
      %dma_wait3A_341 = arith.constant 1 : i32
      %dma_wait3A_342 = arith.constant 0 : i32
      %dma_wait3A_343 = arith.constant 0 : i32
      %dma_wait3A_344 = tpu.memref_slice %arg8[%dma_wait3A_341, %dma_wait3A_342, %dma_wait3A_343] : memref<2x800x16xf32, #tpu.memory_space<vmem>> -> memref<1x800x16xf32, #tpu.memory_space<vmem>>
      %dma_wait3A_345 = tpu.memref_squeeze %dma_wait3A_344 : memref<1x800x16xf32, #tpu.memory_space<vmem>> -> memref<800x16xf32, #tpu.memory_space<vmem>>
      %dma_wait3A_346 = arith.constant 0 : i32
      %dma_wait3A_347 = tpu.memref_slice %arg7[%dma_wait3A_339, %dma_wait3A_340, %dma_wait3A_346] : memref<3x2x800xi32, #tpu.memory_space<vmem>> -> memref<1x1x800xi32, #tpu.memory_space<vmem>>
      %dma_wait3A_348 = tpu.memref_squeeze %dma_wait3A_347 : memref<1x1x800xi32, #tpu.memory_space<vmem>> -> memref<800xi32, #tpu.memory_space<vmem>>
      %dma_wait3A_349 = arith.constant 0 : i32
      %dma_wait3A_350 = arith.constant 0 : i32
      %dma_wait3A_351 = tpu.memref_slice %arg2[%dma_wait3A_349, %dma_wait3A_350] : memref<100032x16xf32, #tpu.memory_space<hbm>> -> memref<100032x16xf32, #tpu.memory_space<hbm>>
      tpu.wait_indirect_dma semaphore(%arg10 : memref<!tpu.dma_semaphore, #tpu.memory_space<semaphore_mem>>) src(%dma_wait3A_351 : memref<100032x16xf32, #tpu.memory_space<hbm>>) dst(%dma_wait3A_345 : memref<800x16xf32, #tpu.memory_space<vmem>>)
      %dma_start3A_352 = arith.constant 1 : i32
      %dma_start3A_353 = arith.constant 0 : i32
      %dma_start3A_354 = arith.constant 1 : i32
      %dma_start3A_355 = arith.constant 0 : i32
      %dma_start3A_356 = arith.constant 0 : i32
      %dma_start3A_357 = tpu.memref_slice %arg8[%dma_start3A_352, %dma_start3A_355, %dma_start3A_356] : memref<2x800x16xf32, #tpu.memory_space<vmem>> -> memref<1x800x16xf32, #tpu.memory_space<vmem>>
      %dma_start3A_358 = tpu.memref_squeeze %dma_start3A_357 : memref<1x800x16xf32, #tpu.memory_space<vmem>> -> memref<800x16xf32, #tpu.memory_space<vmem>>
      %dma_start3A_359 = arith.constant 0 : i32
      %dma_start3A_360 = tpu.memref_slice %arg7[%dma_start3A_353, %dma_start3A_354, %dma_start3A_359] : memref<3x2x800xi32, #tpu.memory_space<vmem>> -> memref<1x1x800xi32, #tpu.memory_space<vmem>>
      %dma_start3A_361 = tpu.memref_squeeze %dma_start3A_360 : memref<1x1x800xi32, #tpu.memory_space<vmem>> -> memref<800xi32, #tpu.memory_space<vmem>>
      %dma_start3A_362 = arith.constant 0 : i32
      %dma_start3A_363 = arith.constant 0 : i32
      %dma_start3A_364 = tpu.memref_slice %arg16[%dma_start3A_362, %dma_start3A_363] : memref<100032x16xf32, #tpu.memory_space<vmem_shared>> -> memref<100032x16xf32, #tpu.memory_space<vmem_shared>>
      tpu.enqueue_indirect_dma source(%dma_start3A_358 : memref<800x16xf32, #tpu.memory_space<vmem>>) target(%dma_start3A_364 : memref<100032x16xf32, #tpu.memory_space<vmem_shared>>) offsets(%dma_start3A_361 : memref<800xi32, #tpu.memory_space<vmem>>) semaphore(%arg12 : memref<!tpu.dma_semaphore, #tpu.memory_space<semaphore_mem>>) {add = true}
      %dma_wait3A_365 = arith.constant 0 : i32
      %dma_wait3A_366 = arith.constant 2 : i32
      %dma_wait3A_367 = arith.constant 1 : i32
      %dma_wait3A_368 = arith.constant 0 : i32
      %dma_wait3A_369 = arith.constant 0 : i32
      %dma_wait3A_370 = tpu.memref_slice %arg8[%dma_wait3A_365, %dma_wait3A_368, %dma_wait3A_369] : memref<2x800x16xf32, #tpu.memory_space<vmem>> -> memref<1x800x16xf32, #tpu.memory_space<vmem>>
      %dma_wait3A_371 = tpu.memref_squeeze %dma_wait3A_370 : memref<1x800x16xf32, #tpu.memory_space<vmem>> -> memref<800x16xf32, #tpu.memory_space<vmem>>
      %dma_wait3A_372 = arith.constant 0 : i32
      %dma_wait3A_373 = tpu.memref_slice %arg7[%dma_wait3A_366, %dma_wait3A_367, %dma_wait3A_372] : memref<3x2x800xi32, #tpu.memory_space<vmem>> -> memref<1x1x800xi32, #tpu.memory_space<vmem>>
      %dma_wait3A_374 = tpu.memref_squeeze %dma_wait3A_373 : memref<1x1x800xi32, #tpu.memory_space<vmem>> -> memref<800xi32, #tpu.memory_space<vmem>>
      %dma_wait3A_375 = arith.constant 0 : i32
      %dma_wait3A_376 = arith.constant 0 : i32
      %dma_wait3A_377 = tpu.memref_slice %arg16[%dma_wait3A_375, %dma_wait3A_376] : memref<100032x16xf32, #tpu.memory_space<vmem_shared>> -> memref<100032x16xf32, #tpu.memory_space<vmem_shared>>
      tpu.wait_indirect_dma semaphore(%arg11 : memref<!tpu.dma_semaphore, #tpu.memory_space<semaphore_mem>>) src(%dma_wait3A_371 : memref<800x16xf32, #tpu.memory_space<vmem>>) dst(%dma_wait3A_377 : memref<100032x16xf32, #tpu.memory_space<vmem_shared>>)
      %dma_wait3A_378 = arith.constant 1 : i32
      %dma_wait3A_379 = arith.constant 0 : i32
      %dma_wait3A_380 = arith.constant 1 : i32
      %dma_wait3A_381 = arith.constant 0 : i32
      %dma_wait3A_382 = arith.constant 0 : i32
      %dma_wait3A_383 = tpu.memref_slice %arg8[%dma_wait3A_378, %dma_wait3A_381, %dma_wait3A_382] : memref<2x800x16xf32, #tpu.memory_space<vmem>> -> memref<1x800x16xf32, #tpu.memory_space<vmem>>
      %dma_wait3A_384 = tpu.memref_squeeze %dma_wait3A_383 : memref<1x800x16xf32, #tpu.memory_space<vmem>> -> memref<800x16xf32, #tpu.memory_space<vmem>>
      %dma_wait3A_385 = arith.constant 0 : i32
      %dma_wait3A_386 = tpu.memref_slice %arg7[%dma_wait3A_379, %dma_wait3A_380, %dma_wait3A_385] : memref<3x2x800xi32, #tpu.memory_space<vmem>> -> memref<1x1x800xi32, #tpu.memory_space<vmem>>
      %dma_wait3A_387 = tpu.memref_squeeze %dma_wait3A_386 : memref<1x1x800xi32, #tpu.memory_space<vmem>> -> memref<800xi32, #tpu.memory_space<vmem>>
      %dma_wait3A_388 = arith.constant 0 : i32
      %dma_wait3A_389 = arith.constant 0 : i32
      %dma_wait3A_390 = tpu.memref_slice %arg16[%dma_wait3A_388, %dma_wait3A_389] : memref<100032x16xf32, #tpu.memory_space<vmem_shared>> -> memref<100032x16xf32, #tpu.memory_space<vmem_shared>>
      tpu.wait_indirect_dma semaphore(%arg12 : memref<!tpu.dma_semaphore, #tpu.memory_space<semaphore_mem>>) src(%dma_wait3A_384 : memref<800x16xf32, #tpu.memory_space<vmem>>) dst(%dma_wait3A_390 : memref<100032x16xf32, #tpu.memory_space<vmem_shared>>)
    } else {
    }
    %eq3A_7 = arith.constant 1 : i32
    %eq3A_8 = arith.cmpi eq, %arg0, %eq3A_7 : i32
    %convert_element_type3A_9 = arith.extui %eq3A_8 : i1 to i32
    %cond3A_10 = arith.constant 0 : i32
    %cond3A_11 = arith.cmpi ne, %convert_element_type3A_9, %cond3A_10 : i32
    scf.if %cond3A_11 {
      %add3A = arith.constant 0 : i32
      %add3A_17 = arith.addi %mul3A_4, %add3A : i32
      %dma_start3A = arith.constant 0 : i32
      %dma_start3A_18 = arith.constant 0 : i32
      %dma_start3A_19 = arith.constant 0 : i32
      %dma_start3A_20 = tpu.memref_slice %arg7[%dma_start3A, %dma_start3A_18, %dma_start3A_19] : memref<3x2x800xi32, #tpu.memory_space<vmem>> -> memref<1x2x800xi32, #tpu.memory_space<vmem>>
      %dma_start3A_21 = tpu.memref_squeeze %dma_start3A_20 : memref<1x2x800xi32, #tpu.memory_space<vmem>> -> memref<2x800xi32, #tpu.memory_space<vmem>>
      %dma_start3A_22 = arith.constant 0 : i32
      %dma_start3A_23 = tpu.memref_slice %arg4[%dma_start3A_22, %add3A_17] : memref<2x3200000xi32, #tpu.memory_space<hbm>> -> memref<2x800xi32, #tpu.memory_space<hbm>>
      %dma_start3A_24 = arith.constant 0 : i32
      %dma_start3A_25 = arith.constant 0 : i32
      %dma_start3A_26 = tpu.memref_slice %arg7[%dma_start3A, %dma_start3A_24, %dma_start3A_25] : memref<3x2x800xi32, #tpu.memory_space<vmem>> -> memref<1x2x800xi32, #tpu.memory_space<vmem>>
      %dma_start3A_27 = tpu.memref_squeeze %dma_start3A_26 : memref<1x2x800xi32, #tpu.memory_space<vmem>> -> memref<2x800xi32, #tpu.memory_space<vmem>>
      %dma_start3A_28 = arith.constant 0 : i32
      %dma_start3A_29 = tpu.memref_slice %arg4[%dma_start3A_28, %add3A_17] : memref<2x3200000xi32, #tpu.memory_space<hbm>> -> memref<2x800xi32, #tpu.memory_space<hbm>>
      tpu.enqueue_dma source(%dma_start3A_29 : memref<2x800xi32, #tpu.memory_space<hbm>>) target(%dma_start3A_27 : memref<2x800xi32, #tpu.memory_space<vmem>>) target_semaphore(%arg13 : memref<!tpu.dma_semaphore, #tpu.memory_space<semaphore_mem>>)
      %scan3A = arith.constant 0 : i32
      %scan3A_30 = arith.constant 0 : i32
      %scan3A_31 = arith.constant 41 : i32
      %scan3A_32 = arith.addi %scan3A_30, %scan3A_31 : i32
      %scan3A_33 = arith.constant 1 : i32
      scf.for %scan3A_391 = %scan3A_30 to %scan3A_32 step %scan3A_33  : i32 {
        %mul3A_392 = arith.constant 6 : i32
        %mul3A_393 = arith.muli %mul3A_392, %scan3A_391 : i32
        %add3A_394 = arith.constant 0 : i32
        %add3A_395 = arith.addi %mul3A_393, %add3A_394 : i32
        %ge3A = arith.constant 1 : i32
        %ge3A_396 = arith.cmpi sge, %scan3A_391, %ge3A : i32
        %convert_element_type3A_397 = arith.extui %ge3A_396 : i1 to i32
        %cond3A_398 = arith.constant 0 : i32
        %cond3A_399 = arith.cmpi ne, %convert_element_type3A_397, %cond3A_398 : i32
        scf.if %cond3A_399 {
          %dma_wait3A_876 = arith.constant 0 : i32
          %dma_wait3A_877 = arith.constant 1 : i32
          %dma_wait3A_878 = arith.constant 1 : i32
          %dma_wait3A_879 = arith.constant 0 : i32
          %dma_wait3A_880 = arith.constant 0 : i32
          %dma_wait3A_881 = tpu.memref_slice %arg8[%dma_wait3A_876, %dma_wait3A_879, %dma_wait3A_880] : memref<2x800x16xf32, #tpu.memory_space<vmem>> -> memref<1x800x16xf32, #tpu.memory_space<vmem>>
          %dma_wait3A_882 = tpu.memref_squeeze %dma_wait3A_881 : memref<1x800x16xf32, #tpu.memory_space<vmem>> -> memref<800x16xf32, #tpu.memory_space<vmem>>
          %dma_wait3A_883 = arith.constant 0 : i32
          %dma_wait3A_884 = tpu.memref_slice %arg7[%dma_wait3A_877, %dma_wait3A_878, %dma_wait3A_883] : memref<3x2x800xi32, #tpu.memory_space<vmem>> -> memref<1x1x800xi32, #tpu.memory_space<vmem>>
          %dma_wait3A_885 = tpu.memref_squeeze %dma_wait3A_884 : memref<1x1x800xi32, #tpu.memory_space<vmem>> -> memref<800xi32, #tpu.memory_space<vmem>>
          %dma_wait3A_886 = arith.constant 0 : i32
          %dma_wait3A_887 = arith.constant 0 : i32
          %dma_wait3A_888 = tpu.memref_slice %arg16[%dma_wait3A_886, %dma_wait3A_887] : memref<100032x16xf32, #tpu.memory_space<vmem_shared>> -> memref<100032x16xf32, #tpu.memory_space<vmem_shared>>
          tpu.wait_indirect_dma semaphore(%arg11 : memref<!tpu.dma_semaphore, #tpu.memory_space<semaphore_mem>>) src(%dma_wait3A_882 : memref<800x16xf32, #tpu.memory_space<vmem>>) dst(%dma_wait3A_888 : memref<100032x16xf32, #tpu.memory_space<vmem_shared>>)
        } else {
        }
        %add3A_400 = arith.constant 1 : i32
        %add3A_401 = arith.addi %add3A_395, %add3A_400 : i32
        %mul3A_402 = arith.constant 800 : i32
        %mul3A_403 = arith.muli %add3A_401, %mul3A_402 : i32
        %add3A_404 = arith.addi %mul3A_4, %mul3A_403 : i32
        %dma_start3A_405 = arith.constant 1 : i32
        %dma_start3A_406 = arith.constant 0 : i32
        %dma_start3A_407 = arith.constant 0 : i32
        %dma_start3A_408 = tpu.memref_slice %arg7[%dma_start3A_405, %dma_start3A_406, %dma_start3A_407] : memref<3x2x800xi32, #tpu.memory_space<vmem>> -> memref<1x2x800xi32, #tpu.memory_space<vmem>>
        %dma_start3A_409 = tpu.memref_squeeze %dma_start3A_408 : memref<1x2x800xi32, #tpu.memory_space<vmem>> -> memref<2x800xi32, #tpu.memory_space<vmem>>
        %dma_start3A_410 = arith.constant 0 : i32
        %dma_start3A_411 = tpu.memref_slice %arg4[%dma_start3A_410, %add3A_404] : memref<2x3200000xi32, #tpu.memory_space<hbm>> -> memref<2x800xi32, #tpu.memory_space<hbm>>
        %dma_start3A_412 = arith.constant 0 : i32
        %dma_start3A_413 = arith.constant 0 : i32
        %dma_start3A_414 = tpu.memref_slice %arg7[%dma_start3A_405, %dma_start3A_412, %dma_start3A_413] : memref<3x2x800xi32, #tpu.memory_space<vmem>> -> memref<1x2x800xi32, #tpu.memory_space<vmem>>
        %dma_start3A_415 = tpu.memref_squeeze %dma_start3A_414 : memref<1x2x800xi32, #tpu.memory_space<vmem>> -> memref<2x800xi32, #tpu.memory_space<vmem>>
        %dma_start3A_416 = arith.constant 0 : i32
        %dma_start3A_417 = tpu.memref_slice %arg4[%dma_start3A_416, %add3A_404] : memref<2x3200000xi32, #tpu.memory_space<hbm>> -> memref<2x800xi32, #tpu.memory_space<hbm>>
        tpu.enqueue_dma source(%dma_start3A_417 : memref<2x800xi32, #tpu.memory_space<hbm>>) target(%dma_start3A_415 : memref<2x800xi32, #tpu.memory_space<vmem>>) target_semaphore(%arg14 : memref<!tpu.dma_semaphore, #tpu.memory_space<semaphore_mem>>)
        %dma_wait3A_418 = arith.constant 0 : i32
        %dma_wait3A_419 = arith.constant 0 : i32
        %dma_wait3A_420 = arith.constant 0 : i32
        %dma_wait3A_421 = tpu.memref_slice %arg7[%dma_wait3A_418, %dma_wait3A_419, %dma_wait3A_420] : memref<3x2x800xi32, #tpu.memory_space<vmem>> -> memref<1x2x800xi32, #tpu.memory_space<vmem>>
        %dma_wait3A_422 = tpu.memref_squeeze %dma_wait3A_421 : memref<1x2x800xi32, #tpu.memory_space<vmem>> -> memref<2x800xi32, #tpu.memory_space<vmem>>
        %dma_wait3A_423 = arith.constant 0 : i32
        %dma_wait3A_424 = tpu.memref_slice %arg4[%dma_wait3A_423, %mul3A_4] : memref<2x3200000xi32, #tpu.memory_space<hbm>> -> memref<2x800xi32, #tpu.memory_space<hbm>>
        %dma_wait3A_425 = arith.constant 0 : i32
        %dma_wait3A_426 = arith.constant 0 : i32
        %dma_wait3A_427 = tpu.memref_slice %arg7[%dma_wait3A_418, %dma_wait3A_425, %dma_wait3A_426] : memref<3x2x800xi32, #tpu.memory_space<vmem>> -> memref<1x2x800xi32, #tpu.memory_space<vmem>>
        %dma_wait3A_428 = tpu.memref_squeeze %dma_wait3A_427 : memref<1x2x800xi32, #tpu.memory_space<vmem>> -> memref<2x800xi32, #tpu.memory_space<vmem>>
        %dma_wait3A_429 = arith.constant 0 : i32
        %dma_wait3A_430 = tpu.memref_slice %arg4[%dma_wait3A_429, %mul3A_4] : memref<2x3200000xi32, #tpu.memory_space<hbm>> -> memref<2x800xi32, #tpu.memory_space<hbm>>
        tpu.wait_dma2 semaphore(%arg13 : memref<!tpu.dma_semaphore, #tpu.memory_space<semaphore_mem>>) src(%dma_wait3A_430 : memref<2x800xi32, #tpu.memory_space<hbm>>) dst(%dma_wait3A_428 : memref<2x800xi32, #tpu.memory_space<vmem>>)
        %dma_start3A_431 = arith.constant 0 : i32
        %dma_start3A_432 = arith.constant 0 : i32
        %dma_start3A_433 = arith.constant 0 : i32
        %dma_start3A_434 = arith.constant 0 : i32
        %dma_start3A_435 = arith.constant 0 : i32
        %dma_start3A_436 = tpu.memref_slice %arg8[%dma_start3A_433, %dma_start3A_434, %dma_start3A_435] : memref<2x800x16xf32, #tpu.memory_space<vmem>> -> memref<1x800x16xf32, #tpu.memory_space<vmem>>
        %dma_start3A_437 = tpu.memref_squeeze %dma_start3A_436 : memref<1x800x16xf32, #tpu.memory_space<vmem>> -> memref<800x16xf32, #tpu.memory_space<vmem>>
        %dma_start3A_438 = arith.constant 0 : i32
        %dma_start3A_439 = tpu.memref_slice %arg7[%dma_start3A_431, %dma_start3A_432, %dma_start3A_438] : memref<3x2x800xi32, #tpu.memory_space<vmem>> -> memref<1x1x800xi32, #tpu.memory_space<vmem>>
        %dma_start3A_440 = tpu.memref_squeeze %dma_start3A_439 : memref<1x1x800xi32, #tpu.memory_space<vmem>> -> memref<800xi32, #tpu.memory_space<vmem>>
        %dma_start3A_441 = arith.constant 0 : i32
        %dma_start3A_442 = arith.constant 0 : i32
        %dma_start3A_443 = tpu.memref_slice %arg3[%dma_start3A_441, %dma_start3A_442] : memref<100032x16xf32, #tpu.memory_space<hbm>> -> memref<100032x16xf32, #tpu.memory_space<hbm>>
        tpu.enqueue_indirect_dma source(%dma_start3A_443 : memref<100032x16xf32, #tpu.memory_space<hbm>>) target(%dma_start3A_437 : memref<800x16xf32, #tpu.memory_space<vmem>>) offsets(%dma_start3A_440 : memref<800xi32, #tpu.memory_space<vmem>>) semaphore(%arg9 : memref<!tpu.dma_semaphore, #tpu.memory_space<semaphore_mem>>)
        %ge3A_444 = arith.constant 1 : i32
        %ge3A_445 = arith.cmpi sge, %scan3A_391, %ge3A_444 : i32
        %convert_element_type3A_446 = arith.extui %ge3A_445 : i1 to i32
        %cond3A_447 = arith.constant 0 : i32
        %cond3A_448 = arith.cmpi ne, %convert_element_type3A_446, %cond3A_447 : i32
        scf.if %cond3A_448 {
          %dma_wait3A_876 = arith.constant 2 : i32
          %dma_wait3A_877 = arith.constant 0 : i32
          %dma_wait3A_878 = arith.constant 1 : i32
          %dma_wait3A_879 = arith.constant 0 : i32
          %dma_wait3A_880 = arith.constant 0 : i32
          %dma_wait3A_881 = tpu.memref_slice %arg8[%dma_wait3A_878, %dma_wait3A_879, %dma_wait3A_880] : memref<2x800x16xf32, #tpu.memory_space<vmem>> -> memref<1x800x16xf32, #tpu.memory_space<vmem>>
          %dma_wait3A_882 = tpu.memref_squeeze %dma_wait3A_881 : memref<1x800x16xf32, #tpu.memory_space<vmem>> -> memref<800x16xf32, #tpu.memory_space<vmem>>
          %dma_wait3A_883 = arith.constant 0 : i32
          %dma_wait3A_884 = tpu.memref_slice %arg7[%dma_wait3A_876, %dma_wait3A_877, %dma_wait3A_883] : memref<3x2x800xi32, #tpu.memory_space<vmem>> -> memref<1x1x800xi32, #tpu.memory_space<vmem>>
          %dma_wait3A_885 = tpu.memref_squeeze %dma_wait3A_884 : memref<1x1x800xi32, #tpu.memory_space<vmem>> -> memref<800xi32, #tpu.memory_space<vmem>>
          %dma_wait3A_886 = arith.constant 0 : i32
          %dma_wait3A_887 = arith.constant 0 : i32
          %dma_wait3A_888 = tpu.memref_slice %arg3[%dma_wait3A_886, %dma_wait3A_887] : memref<100032x16xf32, #tpu.memory_space<hbm>> -> memref<100032x16xf32, #tpu.memory_space<hbm>>
          tpu.wait_indirect_dma semaphore(%arg10 : memref<!tpu.dma_semaphore, #tpu.memory_space<semaphore_mem>>) src(%dma_wait3A_888 : memref<100032x16xf32, #tpu.memory_space<hbm>>) dst(%dma_wait3A_882 : memref<800x16xf32, #tpu.memory_space<vmem>>)
          %dma_start3A_889 = arith.constant 1 : i32
          %dma_start3A_890 = arith.constant 2 : i32
          %dma_start3A_891 = arith.constant 1 : i32
          %dma_start3A_892 = arith.constant 0 : i32
          %dma_start3A_893 = arith.constant 0 : i32
          %dma_start3A_894 = tpu.memref_slice %arg8[%dma_start3A_889, %dma_start3A_892, %dma_start3A_893] : memref<2x800x16xf32, #tpu.memory_space<vmem>> -> memref<1x800x16xf32, #tpu.memory_space<vmem>>
          %dma_start3A_895 = tpu.memref_squeeze %dma_start3A_894 : memref<1x800x16xf32, #tpu.memory_space<vmem>> -> memref<800x16xf32, #tpu.memory_space<vmem>>
          %dma_start3A_896 = arith.constant 0 : i32
          %dma_start3A_897 = tpu.memref_slice %arg7[%dma_start3A_890, %dma_start3A_891, %dma_start3A_896] : memref<3x2x800xi32, #tpu.memory_space<vmem>> -> memref<1x1x800xi32, #tpu.memory_space<vmem>>
          %dma_start3A_898 = tpu.memref_squeeze %dma_start3A_897 : memref<1x1x800xi32, #tpu.memory_space<vmem>> -> memref<800xi32, #tpu.memory_space<vmem>>
          %dma_start3A_899 = arith.constant 0 : i32
          %dma_start3A_900 = arith.constant 0 : i32
          %dma_start3A_901 = tpu.memref_slice %arg16[%dma_start3A_899, %dma_start3A_900] : memref<100032x16xf32, #tpu.memory_space<vmem_shared>> -> memref<100032x16xf32, #tpu.memory_space<vmem_shared>>
          tpu.enqueue_indirect_dma source(%dma_start3A_895 : memref<800x16xf32, #tpu.memory_space<vmem>>) target(%dma_start3A_901 : memref<100032x16xf32, #tpu.memory_space<vmem_shared>>) offsets(%dma_start3A_898 : memref<800xi32, #tpu.memory_space<vmem>>) semaphore(%arg12 : memref<!tpu.dma_semaphore, #tpu.memory_space<semaphore_mem>>) {add = true}
        } else {
        }
        %mul3A_449 = arith.constant 6 : i32
        %mul3A_450 = arith.muli %mul3A_449, %scan3A_391 : i32
        %add3A_451 = arith.constant 1 : i32
        %add3A_452 = arith.addi %mul3A_450, %add3A_451 : i32
        %ge3A_453 = arith.constant 1 : i32
        %ge3A_454 = arith.cmpi sge, %scan3A_391, %ge3A_453 : i32
        %convert_element_type3A_455 = arith.extui %ge3A_454 : i1 to i32
        %cond3A_456 = arith.constant 0 : i32
        %cond3A_457 = arith.cmpi ne, %convert_element_type3A_455, %cond3A_456 : i32
        scf.if %cond3A_457 {
          %dma_wait3A_876 = arith.constant 1 : i32
          %dma_wait3A_877 = arith.constant 2 : i32
          %dma_wait3A_878 = arith.constant 1 : i32
          %dma_wait3A_879 = arith.constant 0 : i32
          %dma_wait3A_880 = arith.constant 0 : i32
          %dma_wait3A_881 = tpu.memref_slice %arg8[%dma_wait3A_876, %dma_wait3A_879, %dma_wait3A_880] : memref<2x800x16xf32, #tpu.memory_space<vmem>> -> memref<1x800x16xf32, #tpu.memory_space<vmem>>
          %dma_wait3A_882 = tpu.memref_squeeze %dma_wait3A_881 : memref<1x800x16xf32, #tpu.memory_space<vmem>> -> memref<800x16xf32, #tpu.memory_space<vmem>>
          %dma_wait3A_883 = arith.constant 0 : i32
          %dma_wait3A_884 = tpu.memref_slice %arg7[%dma_wait3A_877, %dma_wait3A_878, %dma_wait3A_883] : memref<3x2x800xi32, #tpu.memory_space<vmem>> -> memref<1x1x800xi32, #tpu.memory_space<vmem>>
          %dma_wait3A_885 = tpu.memref_squeeze %dma_wait3A_884 : memref<1x1x800xi32, #tpu.memory_space<vmem>> -> memref<800xi32, #tpu.memory_space<vmem>>
          %dma_wait3A_886 = arith.constant 0 : i32
          %dma_wait3A_887 = arith.constant 0 : i32
          %dma_wait3A_888 = tpu.memref_slice %arg16[%dma_wait3A_886, %dma_wait3A_887] : memref<100032x16xf32, #tpu.memory_space<vmem_shared>> -> memref<100032x16xf32, #tpu.memory_space<vmem_shared>>
          tpu.wait_indirect_dma semaphore(%arg12 : memref<!tpu.dma_semaphore, #tpu.memory_space<semaphore_mem>>) src(%dma_wait3A_882 : memref<800x16xf32, #tpu.memory_space<vmem>>) dst(%dma_wait3A_888 : memref<100032x16xf32, #tpu.memory_space<vmem_shared>>)
        } else {
        }
        %add3A_458 = arith.constant 1 : i32
        %add3A_459 = arith.addi %add3A_452, %add3A_458 : i32
        %mul3A_460 = arith.constant 800 : i32
        %mul3A_461 = arith.muli %add3A_459, %mul3A_460 : i32
        %add3A_462 = arith.addi %mul3A_4, %mul3A_461 : i32
        %dma_start3A_463 = arith.constant 2 : i32
        %dma_start3A_464 = arith.constant 0 : i32
        %dma_start3A_465 = arith.constant 0 : i32
        %dma_start3A_466 = tpu.memref_slice %arg7[%dma_start3A_463, %dma_start3A_464, %dma_start3A_465] : memref<3x2x800xi32, #tpu.memory_space<vmem>> -> memref<1x2x800xi32, #tpu.memory_space<vmem>>
        %dma_start3A_467 = tpu.memref_squeeze %dma_start3A_466 : memref<1x2x800xi32, #tpu.memory_space<vmem>> -> memref<2x800xi32, #tpu.memory_space<vmem>>
        %dma_start3A_468 = arith.constant 0 : i32
        %dma_start3A_469 = tpu.memref_slice %arg4[%dma_start3A_468, %add3A_462] : memref<2x3200000xi32, #tpu.memory_space<hbm>> -> memref<2x800xi32, #tpu.memory_space<hbm>>
        %dma_start3A_470 = arith.constant 0 : i32
        %dma_start3A_471 = arith.constant 0 : i32
        %dma_start3A_472 = tpu.memref_slice %arg7[%dma_start3A_463, %dma_start3A_470, %dma_start3A_471] : memref<3x2x800xi32, #tpu.memory_space<vmem>> -> memref<1x2x800xi32, #tpu.memory_space<vmem>>
        %dma_start3A_473 = tpu.memref_squeeze %dma_start3A_472 : memref<1x2x800xi32, #tpu.memory_space<vmem>> -> memref<2x800xi32, #tpu.memory_space<vmem>>
        %dma_start3A_474 = arith.constant 0 : i32
        %dma_start3A_475 = tpu.memref_slice %arg4[%dma_start3A_474, %add3A_462] : memref<2x3200000xi32, #tpu.memory_space<hbm>> -> memref<2x800xi32, #tpu.memory_space<hbm>>
        tpu.enqueue_dma source(%dma_start3A_475 : memref<2x800xi32, #tpu.memory_space<hbm>>) target(%dma_start3A_473 : memref<2x800xi32, #tpu.memory_space<vmem>>) target_semaphore(%arg15 : memref<!tpu.dma_semaphore, #tpu.memory_space<semaphore_mem>>)
        %dma_wait3A_476 = arith.constant 1 : i32
        %dma_wait3A_477 = arith.constant 0 : i32
        %dma_wait3A_478 = arith.constant 0 : i32
        %dma_wait3A_479 = tpu.memref_slice %arg7[%dma_wait3A_476, %dma_wait3A_477, %dma_wait3A_478] : memref<3x2x800xi32, #tpu.memory_space<vmem>> -> memref<1x2x800xi32, #tpu.memory_space<vmem>>
        %dma_wait3A_480 = tpu.memref_squeeze %dma_wait3A_479 : memref<1x2x800xi32, #tpu.memory_space<vmem>> -> memref<2x800xi32, #tpu.memory_space<vmem>>
        %dma_wait3A_481 = arith.constant 0 : i32
        %dma_wait3A_482 = tpu.memref_slice %arg4[%dma_wait3A_481, %mul3A_4] : memref<2x3200000xi32, #tpu.memory_space<hbm>> -> memref<2x800xi32, #tpu.memory_space<hbm>>
        %dma_wait3A_483 = arith.constant 0 : i32
        %dma_wait3A_484 = arith.constant 0 : i32
        %dma_wait3A_485 = tpu.memref_slice %arg7[%dma_wait3A_476, %dma_wait3A_483, %dma_wait3A_484] : memref<3x2x800xi32, #tpu.memory_space<vmem>> -> memref<1x2x800xi32, #tpu.memory_space<vmem>>
        %dma_wait3A_486 = tpu.memref_squeeze %dma_wait3A_485 : memref<1x2x800xi32, #tpu.memory_space<vmem>> -> memref<2x800xi32, #tpu.memory_space<vmem>>
        %dma_wait3A_487 = arith.constant 0 : i32
        %dma_wait3A_488 = tpu.memref_slice %arg4[%dma_wait3A_487, %mul3A_4] : memref<2x3200000xi32, #tpu.memory_space<hbm>> -> memref<2x800xi32, #tpu.memory_space<hbm>>
        tpu.wait_dma2 semaphore(%arg14 : memref<!tpu.dma_semaphore, #tpu.memory_space<semaphore_mem>>) src(%dma_wait3A_488 : memref<2x800xi32, #tpu.memory_space<hbm>>) dst(%dma_wait3A_486 : memref<2x800xi32, #tpu.memory_space<vmem>>)
        %dma_start3A_489 = arith.constant 1 : i32
        %dma_start3A_490 = arith.constant 0 : i32
        %dma_start3A_491 = arith.constant 1 : i32
        %dma_start3A_492 = arith.constant 0 : i32
        %dma_start3A_493 = arith.constant 0 : i32
        %dma_start3A_494 = tpu.memref_slice %arg8[%dma_start3A_491, %dma_start3A_492, %dma_start3A_493] : memref<2x800x16xf32, #tpu.memory_space<vmem>> -> memref<1x800x16xf32, #tpu.memory_space<vmem>>
        %dma_start3A_495 = tpu.memref_squeeze %dma_start3A_494 : memref<1x800x16xf32, #tpu.memory_space<vmem>> -> memref<800x16xf32, #tpu.memory_space<vmem>>
        %dma_start3A_496 = arith.constant 0 : i32
        %dma_start3A_497 = tpu.memref_slice %arg7[%dma_start3A_489, %dma_start3A_490, %dma_start3A_496] : memref<3x2x800xi32, #tpu.memory_space<vmem>> -> memref<1x1x800xi32, #tpu.memory_space<vmem>>
        %dma_start3A_498 = tpu.memref_squeeze %dma_start3A_497 : memref<1x1x800xi32, #tpu.memory_space<vmem>> -> memref<800xi32, #tpu.memory_space<vmem>>
        %dma_start3A_499 = arith.constant 0 : i32
        %dma_start3A_500 = arith.constant 0 : i32
        %dma_start3A_501 = tpu.memref_slice %arg3[%dma_start3A_499, %dma_start3A_500] : memref<100032x16xf32, #tpu.memory_space<hbm>> -> memref<100032x16xf32, #tpu.memory_space<hbm>>
        tpu.enqueue_indirect_dma source(%dma_start3A_501 : memref<100032x16xf32, #tpu.memory_space<hbm>>) target(%dma_start3A_495 : memref<800x16xf32, #tpu.memory_space<vmem>>) offsets(%dma_start3A_498 : memref<800xi32, #tpu.memory_space<vmem>>) semaphore(%arg10 : memref<!tpu.dma_semaphore, #tpu.memory_space<semaphore_mem>>)
        %dma_wait3A_502 = arith.constant 0 : i32
        %dma_wait3A_503 = arith.constant 0 : i32
        %dma_wait3A_504 = arith.constant 0 : i32
        %dma_wait3A_505 = arith.constant 0 : i32
        %dma_wait3A_506 = arith.constant 0 : i32
        %dma_wait3A_507 = tpu.memref_slice %arg8[%dma_wait3A_504, %dma_wait3A_505, %dma_wait3A_506] : memref<2x800x16xf32, #tpu.memory_space<vmem>> -> memref<1x800x16xf32, #tpu.memory_space<vmem>>
        %dma_wait3A_508 = tpu.memref_squeeze %dma_wait3A_507 : memref<1x800x16xf32, #tpu.memory_space<vmem>> -> memref<800x16xf32, #tpu.memory_space<vmem>>
        %dma_wait3A_509 = arith.constant 0 : i32
        %dma_wait3A_510 = tpu.memref_slice %arg7[%dma_wait3A_502, %dma_wait3A_503, %dma_wait3A_509] : memref<3x2x800xi32, #tpu.memory_space<vmem>> -> memref<1x1x800xi32, #tpu.memory_space<vmem>>
        %dma_wait3A_511 = tpu.memref_squeeze %dma_wait3A_510 : memref<1x1x800xi32, #tpu.memory_space<vmem>> -> memref<800xi32, #tpu.memory_space<vmem>>
        %dma_wait3A_512 = arith.constant 0 : i32
        %dma_wait3A_513 = arith.constant 0 : i32
        %dma_wait3A_514 = tpu.memref_slice %arg3[%dma_wait3A_512, %dma_wait3A_513] : memref<100032x16xf32, #tpu.memory_space<hbm>> -> memref<100032x16xf32, #tpu.memory_space<hbm>>
        tpu.wait_indirect_dma semaphore(%arg9 : memref<!tpu.dma_semaphore, #tpu.memory_space<semaphore_mem>>) src(%dma_wait3A_514 : memref<100032x16xf32, #tpu.memory_space<hbm>>) dst(%dma_wait3A_508 : memref<800x16xf32, #tpu.memory_space<vmem>>)
        %dma_start3A_515 = arith.constant 0 : i32
        %dma_start3A_516 = arith.constant 0 : i32
        %dma_start3A_517 = arith.constant 1 : i32
        %dma_start3A_518 = arith.constant 0 : i32
        %dma_start3A_519 = arith.constant 0 : i32
        %dma_start3A_520 = tpu.memref_slice %arg8[%dma_start3A_515, %dma_start3A_518, %dma_start3A_519] : memref<2x800x16xf32, #tpu.memory_space<vmem>> -> memref<1x800x16xf32, #tpu.memory_space<vmem>>
        %dma_start3A_521 = tpu.memref_squeeze %dma_start3A_520 : memref<1x800x16xf32, #tpu.memory_space<vmem>> -> memref<800x16xf32, #tpu.memory_space<vmem>>
        %dma_start3A_522 = arith.constant 0 : i32
        %dma_start3A_523 = tpu.memref_slice %arg7[%dma_start3A_516, %dma_start3A_517, %dma_start3A_522] : memref<3x2x800xi32, #tpu.memory_space<vmem>> -> memref<1x1x800xi32, #tpu.memory_space<vmem>>
        %dma_start3A_524 = tpu.memref_squeeze %dma_start3A_523 : memref<1x1x800xi32, #tpu.memory_space<vmem>> -> memref<800xi32, #tpu.memory_space<vmem>>
        %dma_start3A_525 = arith.constant 0 : i32
        %dma_start3A_526 = arith.constant 0 : i32
        %dma_start3A_527 = tpu.memref_slice %arg16[%dma_start3A_525, %dma_start3A_526] : memref<100032x16xf32, #tpu.memory_space<vmem_shared>> -> memref<100032x16xf32, #tpu.memory_space<vmem_shared>>
        tpu.enqueue_indirect_dma source(%dma_start3A_521 : memref<800x16xf32, #tpu.memory_space<vmem>>) target(%dma_start3A_527 : memref<100032x16xf32, #tpu.memory_space<vmem_shared>>) offsets(%dma_start3A_524 : memref<800xi32, #tpu.memory_space<vmem>>) semaphore(%arg11 : memref<!tpu.dma_semaphore, #tpu.memory_space<semaphore_mem>>) {add = true}
        %mul3A_528 = arith.constant 6 : i32
        %mul3A_529 = arith.muli %mul3A_528, %scan3A_391 : i32
        %add3A_530 = arith.constant 2 : i32
        %add3A_531 = arith.addi %mul3A_529, %add3A_530 : i32
        %dma_wait3A_532 = arith.constant 0 : i32
        %dma_wait3A_533 = arith.constant 0 : i32
        %dma_wait3A_534 = arith.constant 1 : i32
        %dma_wait3A_535 = arith.constant 0 : i32
        %dma_wait3A_536 = arith.constant 0 : i32
        %dma_wait3A_537 = tpu.memref_slice %arg8[%dma_wait3A_532, %dma_wait3A_535, %dma_wait3A_536] : memref<2x800x16xf32, #tpu.memory_space<vmem>> -> memref<1x800x16xf32, #tpu.memory_space<vmem>>
        %dma_wait3A_538 = tpu.memref_squeeze %dma_wait3A_537 : memref<1x800x16xf32, #tpu.memory_space<vmem>> -> memref<800x16xf32, #tpu.memory_space<vmem>>
        %dma_wait3A_539 = arith.constant 0 : i32
        %dma_wait3A_540 = tpu.memref_slice %arg7[%dma_wait3A_533, %dma_wait3A_534, %dma_wait3A_539] : memref<3x2x800xi32, #tpu.memory_space<vmem>> -> memref<1x1x800xi32, #tpu.memory_space<vmem>>
        %dma_wait3A_541 = tpu.memref_squeeze %dma_wait3A_540 : memref<1x1x800xi32, #tpu.memory_space<vmem>> -> memref<800xi32, #tpu.memory_space<vmem>>
        %dma_wait3A_542 = arith.constant 0 : i32
        %dma_wait3A_543 = arith.constant 0 : i32
        %dma_wait3A_544 = tpu.memref_slice %arg16[%dma_wait3A_542, %dma_wait3A_543] : memref<100032x16xf32, #tpu.memory_space<vmem_shared>> -> memref<100032x16xf32, #tpu.memory_space<vmem_shared>>
        tpu.wait_indirect_dma semaphore(%arg11 : memref<!tpu.dma_semaphore, #tpu.memory_space<semaphore_mem>>) src(%dma_wait3A_538 : memref<800x16xf32, #tpu.memory_space<vmem>>) dst(%dma_wait3A_544 : memref<100032x16xf32, #tpu.memory_space<vmem_shared>>)
        %add3A_545 = arith.constant 1 : i32
        %add3A_546 = arith.addi %add3A_531, %add3A_545 : i32
        %mul3A_547 = arith.constant 800 : i32
        %mul3A_548 = arith.muli %add3A_546, %mul3A_547 : i32
        %add3A_549 = arith.addi %mul3A_4, %mul3A_548 : i32
        %dma_start3A_550 = arith.constant 0 : i32
        %dma_start3A_551 = arith.constant 0 : i32
        %dma_start3A_552 = arith.constant 0 : i32
        %dma_start3A_553 = tpu.memref_slice %arg7[%dma_start3A_550, %dma_start3A_551, %dma_start3A_552] : memref<3x2x800xi32, #tpu.memory_space<vmem>> -> memref<1x2x800xi32, #tpu.memory_space<vmem>>
        %dma_start3A_554 = tpu.memref_squeeze %dma_start3A_553 : memref<1x2x800xi32, #tpu.memory_space<vmem>> -> memref<2x800xi32, #tpu.memory_space<vmem>>
        %dma_start3A_555 = arith.constant 0 : i32
        %dma_start3A_556 = tpu.memref_slice %arg4[%dma_start3A_555, %add3A_549] : memref<2x3200000xi32, #tpu.memory_space<hbm>> -> memref<2x800xi32, #tpu.memory_space<hbm>>
        %dma_start3A_557 = arith.constant 0 : i32
        %dma_start3A_558 = arith.constant 0 : i32
        %dma_start3A_559 = tpu.memref_slice %arg7[%dma_start3A_550, %dma_start3A_557, %dma_start3A_558] : memref<3x2x800xi32, #tpu.memory_space<vmem>> -> memref<1x2x800xi32, #tpu.memory_space<vmem>>
        %dma_start3A_560 = tpu.memref_squeeze %dma_start3A_559 : memref<1x2x800xi32, #tpu.memory_space<vmem>> -> memref<2x800xi32, #tpu.memory_space<vmem>>
        %dma_start3A_561 = arith.constant 0 : i32
        %dma_start3A_562 = tpu.memref_slice %arg4[%dma_start3A_561, %add3A_549] : memref<2x3200000xi32, #tpu.memory_space<hbm>> -> memref<2x800xi32, #tpu.memory_space<hbm>>
        tpu.enqueue_dma source(%dma_start3A_562 : memref<2x800xi32, #tpu.memory_space<hbm>>) target(%dma_start3A_560 : memref<2x800xi32, #tpu.memory_space<vmem>>) target_semaphore(%arg13 : memref<!tpu.dma_semaphore, #tpu.memory_space<semaphore_mem>>)
        %dma_wait3A_563 = arith.constant 2 : i32
        %dma_wait3A_564 = arith.constant 0 : i32
        %dma_wait3A_565 = arith.constant 0 : i32
        %dma_wait3A_566 = tpu.memref_slice %arg7[%dma_wait3A_563, %dma_wait3A_564, %dma_wait3A_565] : memref<3x2x800xi32, #tpu.memory_space<vmem>> -> memref<1x2x800xi32, #tpu.memory_space<vmem>>
        %dma_wait3A_567 = tpu.memref_squeeze %dma_wait3A_566 : memref<1x2x800xi32, #tpu.memory_space<vmem>> -> memref<2x800xi32, #tpu.memory_space<vmem>>
        %dma_wait3A_568 = arith.constant 0 : i32
        %dma_wait3A_569 = tpu.memref_slice %arg4[%dma_wait3A_568, %mul3A_4] : memref<2x3200000xi32, #tpu.memory_space<hbm>> -> memref<2x800xi32, #tpu.memory_space<hbm>>
        %dma_wait3A_570 = arith.constant 0 : i32
        %dma_wait3A_571 = arith.constant 0 : i32
        %dma_wait3A_572 = tpu.memref_slice %arg7[%dma_wait3A_563, %dma_wait3A_570, %dma_wait3A_571] : memref<3x2x800xi32, #tpu.memory_space<vmem>> -> memref<1x2x800xi32, #tpu.memory_space<vmem>>
        %dma_wait3A_573 = tpu.memref_squeeze %dma_wait3A_572 : memref<1x2x800xi32, #tpu.memory_space<vmem>> -> memref<2x800xi32, #tpu.memory_space<vmem>>
        %dma_wait3A_574 = arith.constant 0 : i32
        %dma_wait3A_575 = tpu.memref_slice %arg4[%dma_wait3A_574, %mul3A_4] : memref<2x3200000xi32, #tpu.memory_space<hbm>> -> memref<2x800xi32, #tpu.memory_space<hbm>>
        tpu.wait_dma2 semaphore(%arg15 : memref<!tpu.dma_semaphore, #tpu.memory_space<semaphore_mem>>) src(%dma_wait3A_575 : memref<2x800xi32, #tpu.memory_space<hbm>>) dst(%dma_wait3A_573 : memref<2x800xi32, #tpu.memory_space<vmem>>)
        %dma_start3A_576 = arith.constant 2 : i32
        %dma_start3A_577 = arith.constant 0 : i32
        %dma_start3A_578 = arith.constant 0 : i32
        %dma_start3A_579 = arith.constant 0 : i32
        %dma_start3A_580 = arith.constant 0 : i32
        %dma_start3A_581 = tpu.memref_slice %arg8[%dma_start3A_578, %dma_start3A_579, %dma_start3A_580] : memref<2x800x16xf32, #tpu.memory_space<vmem>> -> memref<1x800x16xf32, #tpu.memory_space<vmem>>
        %dma_start3A_582 = tpu.memref_squeeze %dma_start3A_581 : memref<1x800x16xf32, #tpu.memory_space<vmem>> -> memref<800x16xf32, #tpu.memory_space<vmem>>
        %dma_start3A_583 = arith.constant 0 : i32
        %dma_start3A_584 = tpu.memref_slice %arg7[%dma_start3A_576, %dma_start3A_577, %dma_start3A_583] : memref<3x2x800xi32, #tpu.memory_space<vmem>> -> memref<1x1x800xi32, #tpu.memory_space<vmem>>
        %dma_start3A_585 = tpu.memref_squeeze %dma_start3A_584 : memref<1x1x800xi32, #tpu.memory_space<vmem>> -> memref<800xi32, #tpu.memory_space<vmem>>
        %dma_start3A_586 = arith.constant 0 : i32
        %dma_start3A_587 = arith.constant 0 : i32
        %dma_start3A_588 = tpu.memref_slice %arg3[%dma_start3A_586, %dma_start3A_587] : memref<100032x16xf32, #tpu.memory_space<hbm>> -> memref<100032x16xf32, #tpu.memory_space<hbm>>
        tpu.enqueue_indirect_dma source(%dma_start3A_588 : memref<100032x16xf32, #tpu.memory_space<hbm>>) target(%dma_start3A_582 : memref<800x16xf32, #tpu.memory_space<vmem>>) offsets(%dma_start3A_585 : memref<800xi32, #tpu.memory_space<vmem>>) semaphore(%arg9 : memref<!tpu.dma_semaphore, #tpu.memory_space<semaphore_mem>>)
        %dma_wait3A_589 = arith.constant 1 : i32
        %dma_wait3A_590 = arith.constant 0 : i32
        %dma_wait3A_591 = arith.constant 1 : i32
        %dma_wait3A_592 = arith.constant 0 : i32
        %dma_wait3A_593 = arith.constant 0 : i32
        %dma_wait3A_594 = tpu.memref_slice %arg8[%dma_wait3A_591, %dma_wait3A_592, %dma_wait3A_593] : memref<2x800x16xf32, #tpu.memory_space<vmem>> -> memref<1x800x16xf32, #tpu.memory_space<vmem>>
        %dma_wait3A_595 = tpu.memref_squeeze %dma_wait3A_594 : memref<1x800x16xf32, #tpu.memory_space<vmem>> -> memref<800x16xf32, #tpu.memory_space<vmem>>
        %dma_wait3A_596 = arith.constant 0 : i32
        %dma_wait3A_597 = tpu.memref_slice %arg7[%dma_wait3A_589, %dma_wait3A_590, %dma_wait3A_596] : memref<3x2x800xi32, #tpu.memory_space<vmem>> -> memref<1x1x800xi32, #tpu.memory_space<vmem>>
        %dma_wait3A_598 = tpu.memref_squeeze %dma_wait3A_597 : memref<1x1x800xi32, #tpu.memory_space<vmem>> -> memref<800xi32, #tpu.memory_space<vmem>>
        %dma_wait3A_599 = arith.constant 0 : i32
        %dma_wait3A_600 = arith.constant 0 : i32
        %dma_wait3A_601 = tpu.memref_slice %arg3[%dma_wait3A_599, %dma_wait3A_600] : memref<100032x16xf32, #tpu.memory_space<hbm>> -> memref<100032x16xf32, #tpu.memory_space<hbm>>
        tpu.wait_indirect_dma semaphore(%arg10 : memref<!tpu.dma_semaphore, #tpu.memory_space<semaphore_mem>>) src(%dma_wait3A_601 : memref<100032x16xf32, #tpu.memory_space<hbm>>) dst(%dma_wait3A_595 : memref<800x16xf32, #tpu.memory_space<vmem>>)
        %dma_start3A_602 = arith.constant 1 : i32
        %dma_start3A_603 = arith.constant 1 : i32
        %dma_start3A_604 = arith.constant 1 : i32
        %dma_start3A_605 = arith.constant 0 : i32
        %dma_start3A_606 = arith.constant 0 : i32
        %dma_start3A_607 = tpu.memref_slice %arg8[%dma_start3A_602, %dma_start3A_605, %dma_start3A_606] : memref<2x800x16xf32, #tpu.memory_space<vmem>> -> memref<1x800x16xf32, #tpu.memory_space<vmem>>
        %dma_start3A_608 = tpu.memref_squeeze %dma_start3A_607 : memref<1x800x16xf32, #tpu.memory_space<vmem>> -> memref<800x16xf32, #tpu.memory_space<vmem>>
        %dma_start3A_609 = arith.constant 0 : i32
        %dma_start3A_610 = tpu.memref_slice %arg7[%dma_start3A_603, %dma_start3A_604, %dma_start3A_609] : memref<3x2x800xi32, #tpu.memory_space<vmem>> -> memref<1x1x800xi32, #tpu.memory_space<vmem>>
        %dma_start3A_611 = tpu.memref_squeeze %dma_start3A_610 : memref<1x1x800xi32, #tpu.memory_space<vmem>> -> memref<800xi32, #tpu.memory_space<vmem>>
        %dma_start3A_612 = arith.constant 0 : i32
        %dma_start3A_613 = arith.constant 0 : i32
        %dma_start3A_614 = tpu.memref_slice %arg16[%dma_start3A_612, %dma_start3A_613] : memref<100032x16xf32, #tpu.memory_space<vmem_shared>> -> memref<100032x16xf32, #tpu.memory_space<vmem_shared>>
        tpu.enqueue_indirect_dma source(%dma_start3A_608 : memref<800x16xf32, #tpu.memory_space<vmem>>) target(%dma_start3A_614 : memref<100032x16xf32, #tpu.memory_space<vmem_shared>>) offsets(%dma_start3A_611 : memref<800xi32, #tpu.memory_space<vmem>>) semaphore(%arg12 : memref<!tpu.dma_semaphore, #tpu.memory_space<semaphore_mem>>) {add = true}
        %mul3A_615 = arith.constant 6 : i32
        %mul3A_616 = arith.muli %mul3A_615, %scan3A_391 : i32
        %add3A_617 = arith.constant 3 : i32
        %add3A_618 = arith.addi %mul3A_616, %add3A_617 : i32
        %dma_wait3A_619 = arith.constant 1 : i32
        %dma_wait3A_620 = arith.constant 1 : i32
        %dma_wait3A_621 = arith.constant 1 : i32
        %dma_wait3A_622 = arith.constant 0 : i32
        %dma_wait3A_623 = arith.constant 0 : i32
        %dma_wait3A_624 = tpu.memref_slice %arg8[%dma_wait3A_619, %dma_wait3A_622, %dma_wait3A_623] : memref<2x800x16xf32, #tpu.memory_space<vmem>> -> memref<1x800x16xf32, #tpu.memory_space<vmem>>
        %dma_wait3A_625 = tpu.memref_squeeze %dma_wait3A_624 : memref<1x800x16xf32, #tpu.memory_space<vmem>> -> memref<800x16xf32, #tpu.memory_space<vmem>>
        %dma_wait3A_626 = arith.constant 0 : i32
        %dma_wait3A_627 = tpu.memref_slice %arg7[%dma_wait3A_620, %dma_wait3A_621, %dma_wait3A_626] : memref<3x2x800xi32, #tpu.memory_space<vmem>> -> memref<1x1x800xi32, #tpu.memory_space<vmem>>
        %dma_wait3A_628 = tpu.memref_squeeze %dma_wait3A_627 : memref<1x1x800xi32, #tpu.memory_space<vmem>> -> memref<800xi32, #tpu.memory_space<vmem>>
        %dma_wait3A_629 = arith.constant 0 : i32
        %dma_wait3A_630 = arith.constant 0 : i32
        %dma_wait3A_631 = tpu.memref_slice %arg16[%dma_wait3A_629, %dma_wait3A_630] : memref<100032x16xf32, #tpu.memory_space<vmem_shared>> -> memref<100032x16xf32, #tpu.memory_space<vmem_shared>>
        tpu.wait_indirect_dma semaphore(%arg12 : memref<!tpu.dma_semaphore, #tpu.memory_space<semaphore_mem>>) src(%dma_wait3A_625 : memref<800x16xf32, #tpu.memory_space<vmem>>) dst(%dma_wait3A_631 : memref<100032x16xf32, #tpu.memory_space<vmem_shared>>)
        %add3A_632 = arith.constant 1 : i32
        %add3A_633 = arith.addi %add3A_618, %add3A_632 : i32
        %mul3A_634 = arith.constant 800 : i32
        %mul3A_635 = arith.muli %add3A_633, %mul3A_634 : i32
        %add3A_636 = arith.addi %mul3A_4, %mul3A_635 : i32
        %dma_start3A_637 = arith.constant 1 : i32
        %dma_start3A_638 = arith.constant 0 : i32
        %dma_start3A_639 = arith.constant 0 : i32
        %dma_start3A_640 = tpu.memref_slice %arg7[%dma_start3A_637, %dma_start3A_638, %dma_start3A_639] : memref<3x2x800xi32, #tpu.memory_space<vmem>> -> memref<1x2x800xi32, #tpu.memory_space<vmem>>
        %dma_start3A_641 = tpu.memref_squeeze %dma_start3A_640 : memref<1x2x800xi32, #tpu.memory_space<vmem>> -> memref<2x800xi32, #tpu.memory_space<vmem>>
        %dma_start3A_642 = arith.constant 0 : i32
        %dma_start3A_643 = tpu.memref_slice %arg4[%dma_start3A_642, %add3A_636] : memref<2x3200000xi32, #tpu.memory_space<hbm>> -> memref<2x800xi32, #tpu.memory_space<hbm>>
        %dma_start3A_644 = arith.constant 0 : i32
        %dma_start3A_645 = arith.constant 0 : i32
        %dma_start3A_646 = tpu.memref_slice %arg7[%dma_start3A_637, %dma_start3A_644, %dma_start3A_645] : memref<3x2x800xi32, #tpu.memory_space<vmem>> -> memref<1x2x800xi32, #tpu.memory_space<vmem>>
        %dma_start3A_647 = tpu.memref_squeeze %dma_start3A_646 : memref<1x2x800xi32, #tpu.memory_space<vmem>> -> memref<2x800xi32, #tpu.memory_space<vmem>>
        %dma_start3A_648 = arith.constant 0 : i32
        %dma_start3A_649 = tpu.memref_slice %arg4[%dma_start3A_648, %add3A_636] : memref<2x3200000xi32, #tpu.memory_space<hbm>> -> memref<2x800xi32, #tpu.memory_space<hbm>>
        tpu.enqueue_dma source(%dma_start3A_649 : memref<2x800xi32, #tpu.memory_space<hbm>>) target(%dma_start3A_647 : memref<2x800xi32, #tpu.memory_space<vmem>>) target_semaphore(%arg14 : memref<!tpu.dma_semaphore, #tpu.memory_space<semaphore_mem>>)
        %dma_wait3A_650 = arith.constant 0 : i32
        %dma_wait3A_651 = arith.constant 0 : i32
        %dma_wait3A_652 = arith.constant 0 : i32
        %dma_wait3A_653 = tpu.memref_slice %arg7[%dma_wait3A_650, %dma_wait3A_651, %dma_wait3A_652] : memref<3x2x800xi32, #tpu.memory_space<vmem>> -> memref<1x2x800xi32, #tpu.memory_space<vmem>>
        %dma_wait3A_654 = tpu.memref_squeeze %dma_wait3A_653 : memref<1x2x800xi32, #tpu.memory_space<vmem>> -> memref<2x800xi32, #tpu.memory_space<vmem>>
        %dma_wait3A_655 = arith.constant 0 : i32
        %dma_wait3A_656 = tpu.memref_slice %arg4[%dma_wait3A_655, %mul3A_4] : memref<2x3200000xi32, #tpu.memory_space<hbm>> -> memref<2x800xi32, #tpu.memory_space<hbm>>
        %dma_wait3A_657 = arith.constant 0 : i32
        %dma_wait3A_658 = arith.constant 0 : i32
        %dma_wait3A_659 = tpu.memref_slice %arg7[%dma_wait3A_650, %dma_wait3A_657, %dma_wait3A_658] : memref<3x2x800xi32, #tpu.memory_space<vmem>> -> memref<1x2x800xi32, #tpu.memory_space<vmem>>
        %dma_wait3A_660 = tpu.memref_squeeze %dma_wait3A_659 : memref<1x2x800xi32, #tpu.memory_space<vmem>> -> memref<2x800xi32, #tpu.memory_space<vmem>>
        %dma_wait3A_661 = arith.constant 0 : i32
        %dma_wait3A_662 = tpu.memref_slice %arg4[%dma_wait3A_661, %mul3A_4] : memref<2x3200000xi32, #tpu.memory_space<hbm>> -> memref<2x800xi32, #tpu.memory_space<hbm>>
        tpu.wait_dma2 semaphore(%arg13 : memref<!tpu.dma_semaphore, #tpu.memory_space<semaphore_mem>>) src(%dma_wait3A_662 : memref<2x800xi32, #tpu.memory_space<hbm>>) dst(%dma_wait3A_660 : memref<2x800xi32, #tpu.memory_space<vmem>>)
        %dma_start3A_663 = arith.constant 0 : i32
        %dma_start3A_664 = arith.constant 0 : i32
        %dma_start3A_665 = arith.constant 1 : i32
        %dma_start3A_666 = arith.constant 0 : i32
        %dma_start3A_667 = arith.constant 0 : i32
        %dma_start3A_668 = tpu.memref_slice %arg8[%dma_start3A_665, %dma_start3A_666, %dma_start3A_667] : memref<2x800x16xf32, #tpu.memory_space<vmem>> -> memref<1x800x16xf32, #tpu.memory_space<vmem>>
        %dma_start3A_669 = tpu.memref_squeeze %dma_start3A_668 : memref<1x800x16xf32, #tpu.memory_space<vmem>> -> memref<800x16xf32, #tpu.memory_space<vmem>>
        %dma_start3A_670 = arith.constant 0 : i32
        %dma_start3A_671 = tpu.memref_slice %arg7[%dma_start3A_663, %dma_start3A_664, %dma_start3A_670] : memref<3x2x800xi32, #tpu.memory_space<vmem>> -> memref<1x1x800xi32, #tpu.memory_space<vmem>>
        %dma_start3A_672 = tpu.memref_squeeze %dma_start3A_671 : memref<1x1x800xi32, #tpu.memory_space<vmem>> -> memref<800xi32, #tpu.memory_space<vmem>>
        %dma_start3A_673 = arith.constant 0 : i32
        %dma_start3A_674 = arith.constant 0 : i32
        %dma_start3A_675 = tpu.memref_slice %arg3[%dma_start3A_673, %dma_start3A_674] : memref<100032x16xf32, #tpu.memory_space<hbm>> -> memref<100032x16xf32, #tpu.memory_space<hbm>>
        tpu.enqueue_indirect_dma source(%dma_start3A_675 : memref<100032x16xf32, #tpu.memory_space<hbm>>) target(%dma_start3A_669 : memref<800x16xf32, #tpu.memory_space<vmem>>) offsets(%dma_start3A_672 : memref<800xi32, #tpu.memory_space<vmem>>) semaphore(%arg10 : memref<!tpu.dma_semaphore, #tpu.memory_space<semaphore_mem>>)
        %dma_wait3A_676 = arith.constant 2 : i32
        %dma_wait3A_677 = arith.constant 0 : i32
        %dma_wait3A_678 = arith.constant 0 : i32
        %dma_wait3A_679 = arith.constant 0 : i32
        %dma_wait3A_680 = arith.constant 0 : i32
        %dma_wait3A_681 = tpu.memref_slice %arg8[%dma_wait3A_678, %dma_wait3A_679, %dma_wait3A_680] : memref<2x800x16xf32, #tpu.memory_space<vmem>> -> memref<1x800x16xf32, #tpu.memory_space<vmem>>
        %dma_wait3A_682 = tpu.memref_squeeze %dma_wait3A_681 : memref<1x800x16xf32, #tpu.memory_space<vmem>> -> memref<800x16xf32, #tpu.memory_space<vmem>>
        %dma_wait3A_683 = arith.constant 0 : i32
        %dma_wait3A_684 = tpu.memref_slice %arg7[%dma_wait3A_676, %dma_wait3A_677, %dma_wait3A_683] : memref<3x2x800xi32, #tpu.memory_space<vmem>> -> memref<1x1x800xi32, #tpu.memory_space<vmem>>
        %dma_wait3A_685 = tpu.memref_squeeze %dma_wait3A_684 : memref<1x1x800xi32, #tpu.memory_space<vmem>> -> memref<800xi32, #tpu.memory_space<vmem>>
        %dma_wait3A_686 = arith.constant 0 : i32
        %dma_wait3A_687 = arith.constant 0 : i32
        %dma_wait3A_688 = tpu.memref_slice %arg3[%dma_wait3A_686, %dma_wait3A_687] : memref<100032x16xf32, #tpu.memory_space<hbm>> -> memref<100032x16xf32, #tpu.memory_space<hbm>>
        tpu.wait_indirect_dma semaphore(%arg9 : memref<!tpu.dma_semaphore, #tpu.memory_space<semaphore_mem>>) src(%dma_wait3A_688 : memref<100032x16xf32, #tpu.memory_space<hbm>>) dst(%dma_wait3A_682 : memref<800x16xf32, #tpu.memory_space<vmem>>)
        %dma_start3A_689 = arith.constant 0 : i32
        %dma_start3A_690 = arith.constant 2 : i32
        %dma_start3A_691 = arith.constant 1 : i32
        %dma_start3A_692 = arith.constant 0 : i32
        %dma_start3A_693 = arith.constant 0 : i32
        %dma_start3A_694 = tpu.memref_slice %arg8[%dma_start3A_689, %dma_start3A_692, %dma_start3A_693] : memref<2x800x16xf32, #tpu.memory_space<vmem>> -> memref<1x800x16xf32, #tpu.memory_space<vmem>>
        %dma_start3A_695 = tpu.memref_squeeze %dma_start3A_694 : memref<1x800x16xf32, #tpu.memory_space<vmem>> -> memref<800x16xf32, #tpu.memory_space<vmem>>
        %dma_start3A_696 = arith.constant 0 : i32
        %dma_start3A_697 = tpu.memref_slice %arg7[%dma_start3A_690, %dma_start3A_691, %dma_start3A_696] : memref<3x2x800xi32, #tpu.memory_space<vmem>> -> memref<1x1x800xi32, #tpu.memory_space<vmem>>
        %dma_start3A_698 = tpu.memref_squeeze %dma_start3A_697 : memref<1x1x800xi32, #tpu.memory_space<vmem>> -> memref<800xi32, #tpu.memory_space<vmem>>
        %dma_start3A_699 = arith.constant 0 : i32
        %dma_start3A_700 = arith.constant 0 : i32
        %dma_start3A_701 = tpu.memref_slice %arg16[%dma_start3A_699, %dma_start3A_700] : memref<100032x16xf32, #tpu.memory_space<vmem_shared>> -> memref<100032x16xf32, #tpu.memory_space<vmem_shared>>
        tpu.enqueue_indirect_dma source(%dma_start3A_695 : memref<800x16xf32, #tpu.memory_space<vmem>>) target(%dma_start3A_701 : memref<100032x16xf32, #tpu.memory_space<vmem_shared>>) offsets(%dma_start3A_698 : memref<800xi32, #tpu.memory_space<vmem>>) semaphore(%arg11 : memref<!tpu.dma_semaphore, #tpu.memory_space<semaphore_mem>>) {add = true}
        %mul3A_702 = arith.constant 6 : i32
        %mul3A_703 = arith.muli %mul3A_702, %scan3A_391 : i32
        %add3A_704 = arith.constant 4 : i32
        %add3A_705 = arith.addi %mul3A_703, %add3A_704 : i32
        %dma_wait3A_706 = arith.constant 0 : i32
        %dma_wait3A_707 = arith.constant 2 : i32
        %dma_wait3A_708 = arith.constant 1 : i32
        %dma_wait3A_709 = arith.constant 0 : i32
        %dma_wait3A_710 = arith.constant 0 : i32
        %dma_wait3A_711 = tpu.memref_slice %arg8[%dma_wait3A_706, %dma_wait3A_709, %dma_wait3A_710] : memref<2x800x16xf32, #tpu.memory_space<vmem>> -> memref<1x800x16xf32, #tpu.memory_space<vmem>>
        %dma_wait3A_712 = tpu.memref_squeeze %dma_wait3A_711 : memref<1x800x16xf32, #tpu.memory_space<vmem>> -> memref<800x16xf32, #tpu.memory_space<vmem>>
        %dma_wait3A_713 = arith.constant 0 : i32
        %dma_wait3A_714 = tpu.memref_slice %arg7[%dma_wait3A_707, %dma_wait3A_708, %dma_wait3A_713] : memref<3x2x800xi32, #tpu.memory_space<vmem>> -> memref<1x1x800xi32, #tpu.memory_space<vmem>>
        %dma_wait3A_715 = tpu.memref_squeeze %dma_wait3A_714 : memref<1x1x800xi32, #tpu.memory_space<vmem>> -> memref<800xi32, #tpu.memory_space<vmem>>
        %dma_wait3A_716 = arith.constant 0 : i32
        %dma_wait3A_717 = arith.constant 0 : i32
        %dma_wait3A_718 = tpu.memref_slice %arg16[%dma_wait3A_716, %dma_wait3A_717] : memref<100032x16xf32, #tpu.memory_space<vmem_shared>> -> memref<100032x16xf32, #tpu.memory_space<vmem_shared>>
        tpu.wait_indirect_dma semaphore(%arg11 : memref<!tpu.dma_semaphore, #tpu.memory_space<semaphore_mem>>) src(%dma_wait3A_712 : memref<800x16xf32, #tpu.memory_space<vmem>>) dst(%dma_wait3A_718 : memref<100032x16xf32, #tpu.memory_space<vmem_shared>>)
        %add3A_719 = arith.constant 1 : i32
        %add3A_720 = arith.addi %add3A_705, %add3A_719 : i32
        %mul3A_721 = arith.constant 800 : i32
        %mul3A_722 = arith.muli %add3A_720, %mul3A_721 : i32
        %add3A_723 = arith.addi %mul3A_4, %mul3A_722 : i32
        %dma_start3A_724 = arith.constant 2 : i32
        %dma_start3A_725 = arith.constant 0 : i32
        %dma_start3A_726 = arith.constant 0 : i32
        %dma_start3A_727 = tpu.memref_slice %arg7[%dma_start3A_724, %dma_start3A_725, %dma_start3A_726] : memref<3x2x800xi32, #tpu.memory_space<vmem>> -> memref<1x2x800xi32, #tpu.memory_space<vmem>>
        %dma_start3A_728 = tpu.memref_squeeze %dma_start3A_727 : memref<1x2x800xi32, #tpu.memory_space<vmem>> -> memref<2x800xi32, #tpu.memory_space<vmem>>
        %dma_start3A_729 = arith.constant 0 : i32
        %dma_start3A_730 = tpu.memref_slice %arg4[%dma_start3A_729, %add3A_723] : memref<2x3200000xi32, #tpu.memory_space<hbm>> -> memref<2x800xi32, #tpu.memory_space<hbm>>
        %dma_start3A_731 = arith.constant 0 : i32
        %dma_start3A_732 = arith.constant 0 : i32
        %dma_start3A_733 = tpu.memref_slice %arg7[%dma_start3A_724, %dma_start3A_731, %dma_start3A_732] : memref<3x2x800xi32, #tpu.memory_space<vmem>> -> memref<1x2x800xi32, #tpu.memory_space<vmem>>
        %dma_start3A_734 = tpu.memref_squeeze %dma_start3A_733 : memref<1x2x800xi32, #tpu.memory_space<vmem>> -> memref<2x800xi32, #tpu.memory_space<vmem>>
        %dma_start3A_735 = arith.constant 0 : i32
        %dma_start3A_736 = tpu.memref_slice %arg4[%dma_start3A_735, %add3A_723] : memref<2x3200000xi32, #tpu.memory_space<hbm>> -> memref<2x800xi32, #tpu.memory_space<hbm>>
        tpu.enqueue_dma source(%dma_start3A_736 : memref<2x800xi32, #tpu.memory_space<hbm>>) target(%dma_start3A_734 : memref<2x800xi32, #tpu.memory_space<vmem>>) target_semaphore(%arg15 : memref<!tpu.dma_semaphore, #tpu.memory_space<semaphore_mem>>)
        %dma_wait3A_737 = arith.constant 1 : i32
        %dma_wait3A_738 = arith.constant 0 : i32
        %dma_wait3A_739 = arith.constant 0 : i32
        %dma_wait3A_740 = tpu.memref_slice %arg7[%dma_wait3A_737, %dma_wait3A_738, %dma_wait3A_739] : memref<3x2x800xi32, #tpu.memory_space<vmem>> -> memref<1x2x800xi32, #tpu.memory_space<vmem>>
        %dma_wait3A_741 = tpu.memref_squeeze %dma_wait3A_740 : memref<1x2x800xi32, #tpu.memory_space<vmem>> -> memref<2x800xi32, #tpu.memory_space<vmem>>
        %dma_wait3A_742 = arith.constant 0 : i32
        %dma_wait3A_743 = tpu.memref_slice %arg4[%dma_wait3A_742, %mul3A_4] : memref<2x3200000xi32, #tpu.memory_space<hbm>> -> memref<2x800xi32, #tpu.memory_space<hbm>>
        %dma_wait3A_744 = arith.constant 0 : i32
        %dma_wait3A_745 = arith.constant 0 : i32
        %dma_wait3A_746 = tpu.memref_slice %arg7[%dma_wait3A_737, %dma_wait3A_744, %dma_wait3A_745] : memref<3x2x800xi32, #tpu.memory_space<vmem>> -> memref<1x2x800xi32, #tpu.memory_space<vmem>>
        %dma_wait3A_747 = tpu.memref_squeeze %dma_wait3A_746 : memref<1x2x800xi32, #tpu.memory_space<vmem>> -> memref<2x800xi32, #tpu.memory_space<vmem>>
        %dma_wait3A_748 = arith.constant 0 : i32
        %dma_wait3A_749 = tpu.memref_slice %arg4[%dma_wait3A_748, %mul3A_4] : memref<2x3200000xi32, #tpu.memory_space<hbm>> -> memref<2x800xi32, #tpu.memory_space<hbm>>
        tpu.wait_dma2 semaphore(%arg14 : memref<!tpu.dma_semaphore, #tpu.memory_space<semaphore_mem>>) src(%dma_wait3A_749 : memref<2x800xi32, #tpu.memory_space<hbm>>) dst(%dma_wait3A_747 : memref<2x800xi32, #tpu.memory_space<vmem>>)
        %dma_start3A_750 = arith.constant 1 : i32
        %dma_start3A_751 = arith.constant 0 : i32
        %dma_start3A_752 = arith.constant 0 : i32
        %dma_start3A_753 = arith.constant 0 : i32
        %dma_start3A_754 = arith.constant 0 : i32
        %dma_start3A_755 = tpu.memref_slice %arg8[%dma_start3A_752, %dma_start3A_753, %dma_start3A_754] : memref<2x800x16xf32, #tpu.memory_space<vmem>> -> memref<1x800x16xf32, #tpu.memory_space<vmem>>
        %dma_start3A_756 = tpu.memref_squeeze %dma_start3A_755 : memref<1x800x16xf32, #tpu.memory_space<vmem>> -> memref<800x16xf32, #tpu.memory_space<vmem>>
        %dma_start3A_757 = arith.constant 0 : i32
        %dma_start3A_758 = tpu.memref_slice %arg7[%dma_start3A_750, %dma_start3A_751, %dma_start3A_757] : memref<3x2x800xi32, #tpu.memory_space<vmem>> -> memref<1x1x800xi32, #tpu.memory_space<vmem>>
        %dma_start3A_759 = tpu.memref_squeeze %dma_start3A_758 : memref<1x1x800xi32, #tpu.memory_space<vmem>> -> memref<800xi32, #tpu.memory_space<vmem>>
        %dma_start3A_760 = arith.constant 0 : i32
        %dma_start3A_761 = arith.constant 0 : i32
        %dma_start3A_762 = tpu.memref_slice %arg3[%dma_start3A_760, %dma_start3A_761] : memref<100032x16xf32, #tpu.memory_space<hbm>> -> memref<100032x16xf32, #tpu.memory_space<hbm>>
        tpu.enqueue_indirect_dma source(%dma_start3A_762 : memref<100032x16xf32, #tpu.memory_space<hbm>>) target(%dma_start3A_756 : memref<800x16xf32, #tpu.memory_space<vmem>>) offsets(%dma_start3A_759 : memref<800xi32, #tpu.memory_space<vmem>>) semaphore(%arg9 : memref<!tpu.dma_semaphore, #tpu.memory_space<semaphore_mem>>)
        %dma_wait3A_763 = arith.constant 0 : i32
        %dma_wait3A_764 = arith.constant 0 : i32
        %dma_wait3A_765 = arith.constant 1 : i32
        %dma_wait3A_766 = arith.constant 0 : i32
        %dma_wait3A_767 = arith.constant 0 : i32
        %dma_wait3A_768 = tpu.memref_slice %arg8[%dma_wait3A_765, %dma_wait3A_766, %dma_wait3A_767] : memref<2x800x16xf32, #tpu.memory_space<vmem>> -> memref<1x800x16xf32, #tpu.memory_space<vmem>>
        %dma_wait3A_769 = tpu.memref_squeeze %dma_wait3A_768 : memref<1x800x16xf32, #tpu.memory_space<vmem>> -> memref<800x16xf32, #tpu.memory_space<vmem>>
        %dma_wait3A_770 = arith.constant 0 : i32
        %dma_wait3A_771 = tpu.memref_slice %arg7[%dma_wait3A_763, %dma_wait3A_764, %dma_wait3A_770] : memref<3x2x800xi32, #tpu.memory_space<vmem>> -> memref<1x1x800xi32, #tpu.memory_space<vmem>>
        %dma_wait3A_772 = tpu.memref_squeeze %dma_wait3A_771 : memref<1x1x800xi32, #tpu.memory_space<vmem>> -> memref<800xi32, #tpu.memory_space<vmem>>
        %dma_wait3A_773 = arith.constant 0 : i32
        %dma_wait3A_774 = arith.constant 0 : i32
        %dma_wait3A_775 = tpu.memref_slice %arg3[%dma_wait3A_773, %dma_wait3A_774] : memref<100032x16xf32, #tpu.memory_space<hbm>> -> memref<100032x16xf32, #tpu.memory_space<hbm>>
        tpu.wait_indirect_dma semaphore(%arg10 : memref<!tpu.dma_semaphore, #tpu.memory_space<semaphore_mem>>) src(%dma_wait3A_775 : memref<100032x16xf32, #tpu.memory_space<hbm>>) dst(%dma_wait3A_769 : memref<800x16xf32, #tpu.memory_space<vmem>>)
        %dma_start3A_776 = arith.constant 1 : i32
        %dma_start3A_777 = arith.constant 0 : i32
        %dma_start3A_778 = arith.constant 1 : i32
        %dma_start3A_779 = arith.constant 0 : i32
        %dma_start3A_780 = arith.constant 0 : i32
        %dma_start3A_781 = tpu.memref_slice %arg8[%dma_start3A_776, %dma_start3A_779, %dma_start3A_780] : memref<2x800x16xf32, #tpu.memory_space<vmem>> -> memref<1x800x16xf32, #tpu.memory_space<vmem>>
        %dma_start3A_782 = tpu.memref_squeeze %dma_start3A_781 : memref<1x800x16xf32, #tpu.memory_space<vmem>> -> memref<800x16xf32, #tpu.memory_space<vmem>>
        %dma_start3A_783 = arith.constant 0 : i32
        %dma_start3A_784 = tpu.memref_slice %arg7[%dma_start3A_777, %dma_start3A_778, %dma_start3A_783] : memref<3x2x800xi32, #tpu.memory_space<vmem>> -> memref<1x1x800xi32, #tpu.memory_space<vmem>>
        %dma_start3A_785 = tpu.memref_squeeze %dma_start3A_784 : memref<1x1x800xi32, #tpu.memory_space<vmem>> -> memref<800xi32, #tpu.memory_space<vmem>>
        %dma_start3A_786 = arith.constant 0 : i32
        %dma_start3A_787 = arith.constant 0 : i32
        %dma_start3A_788 = tpu.memref_slice %arg16[%dma_start3A_786, %dma_start3A_787] : memref<100032x16xf32, #tpu.memory_space<vmem_shared>> -> memref<100032x16xf32, #tpu.memory_space<vmem_shared>>
        tpu.enqueue_indirect_dma source(%dma_start3A_782 : memref<800x16xf32, #tpu.memory_space<vmem>>) target(%dma_start3A_788 : memref<100032x16xf32, #tpu.memory_space<vmem_shared>>) offsets(%dma_start3A_785 : memref<800xi32, #tpu.memory_space<vmem>>) semaphore(%arg12 : memref<!tpu.dma_semaphore, #tpu.memory_space<semaphore_mem>>) {add = true}
        %mul3A_789 = arith.constant 6 : i32
        %mul3A_790 = arith.muli %mul3A_789, %scan3A_391 : i32
        %add3A_791 = arith.constant 5 : i32
        %add3A_792 = arith.addi %mul3A_790, %add3A_791 : i32
        %dma_wait3A_793 = arith.constant 1 : i32
        %dma_wait3A_794 = arith.constant 0 : i32
        %dma_wait3A_795 = arith.constant 1 : i32
        %dma_wait3A_796 = arith.constant 0 : i32
        %dma_wait3A_797 = arith.constant 0 : i32
        %dma_wait3A_798 = tpu.memref_slice %arg8[%dma_wait3A_793, %dma_wait3A_796, %dma_wait3A_797] : memref<2x800x16xf32, #tpu.memory_space<vmem>> -> memref<1x800x16xf32, #tpu.memory_space<vmem>>
        %dma_wait3A_799 = tpu.memref_squeeze %dma_wait3A_798 : memref<1x800x16xf32, #tpu.memory_space<vmem>> -> memref<800x16xf32, #tpu.memory_space<vmem>>
        %dma_wait3A_800 = arith.constant 0 : i32
        %dma_wait3A_801 = tpu.memref_slice %arg7[%dma_wait3A_794, %dma_wait3A_795, %dma_wait3A_800] : memref<3x2x800xi32, #tpu.memory_space<vmem>> -> memref<1x1x800xi32, #tpu.memory_space<vmem>>
        %dma_wait3A_802 = tpu.memref_squeeze %dma_wait3A_801 : memref<1x1x800xi32, #tpu.memory_space<vmem>> -> memref<800xi32, #tpu.memory_space<vmem>>
        %dma_wait3A_803 = arith.constant 0 : i32
        %dma_wait3A_804 = arith.constant 0 : i32
        %dma_wait3A_805 = tpu.memref_slice %arg16[%dma_wait3A_803, %dma_wait3A_804] : memref<100032x16xf32, #tpu.memory_space<vmem_shared>> -> memref<100032x16xf32, #tpu.memory_space<vmem_shared>>
        tpu.wait_indirect_dma semaphore(%arg12 : memref<!tpu.dma_semaphore, #tpu.memory_space<semaphore_mem>>) src(%dma_wait3A_799 : memref<800x16xf32, #tpu.memory_space<vmem>>) dst(%dma_wait3A_805 : memref<100032x16xf32, #tpu.memory_space<vmem_shared>>)
        %add3A_806 = arith.constant 1 : i32
        %add3A_807 = arith.addi %add3A_792, %add3A_806 : i32
        %mul3A_808 = arith.constant 800 : i32
        %mul3A_809 = arith.muli %add3A_807, %mul3A_808 : i32
        %add3A_810 = arith.addi %mul3A_4, %mul3A_809 : i32
        %dma_start3A_811 = arith.constant 0 : i32
        %dma_start3A_812 = arith.constant 0 : i32
        %dma_start3A_813 = arith.constant 0 : i32
        %dma_start3A_814 = tpu.memref_slice %arg7[%dma_start3A_811, %dma_start3A_812, %dma_start3A_813] : memref<3x2x800xi32, #tpu.memory_space<vmem>> -> memref<1x2x800xi32, #tpu.memory_space<vmem>>
        %dma_start3A_815 = tpu.memref_squeeze %dma_start3A_814 : memref<1x2x800xi32, #tpu.memory_space<vmem>> -> memref<2x800xi32, #tpu.memory_space<vmem>>
        %dma_start3A_816 = arith.constant 0 : i32
        %dma_start3A_817 = tpu.memref_slice %arg4[%dma_start3A_816, %add3A_810] : memref<2x3200000xi32, #tpu.memory_space<hbm>> -> memref<2x800xi32, #tpu.memory_space<hbm>>
        %dma_start3A_818 = arith.constant 0 : i32
        %dma_start3A_819 = arith.constant 0 : i32
        %dma_start3A_820 = tpu.memref_slice %arg7[%dma_start3A_811, %dma_start3A_818, %dma_start3A_819] : memref<3x2x800xi32, #tpu.memory_space<vmem>> -> memref<1x2x800xi32, #tpu.memory_space<vmem>>
        %dma_start3A_821 = tpu.memref_squeeze %dma_start3A_820 : memref<1x2x800xi32, #tpu.memory_space<vmem>> -> memref<2x800xi32, #tpu.memory_space<vmem>>
        %dma_start3A_822 = arith.constant 0 : i32
        %dma_start3A_823 = tpu.memref_slice %arg4[%dma_start3A_822, %add3A_810] : memref<2x3200000xi32, #tpu.memory_space<hbm>> -> memref<2x800xi32, #tpu.memory_space<hbm>>
        tpu.enqueue_dma source(%dma_start3A_823 : memref<2x800xi32, #tpu.memory_space<hbm>>) target(%dma_start3A_821 : memref<2x800xi32, #tpu.memory_space<vmem>>) target_semaphore(%arg13 : memref<!tpu.dma_semaphore, #tpu.memory_space<semaphore_mem>>)
        %dma_wait3A_824 = arith.constant 2 : i32
        %dma_wait3A_825 = arith.constant 0 : i32
        %dma_wait3A_826 = arith.constant 0 : i32
        %dma_wait3A_827 = tpu.memref_slice %arg7[%dma_wait3A_824, %dma_wait3A_825, %dma_wait3A_826] : memref<3x2x800xi32, #tpu.memory_space<vmem>> -> memref<1x2x800xi32, #tpu.memory_space<vmem>>
        %dma_wait3A_828 = tpu.memref_squeeze %dma_wait3A_827 : memref<1x2x800xi32, #tpu.memory_space<vmem>> -> memref<2x800xi32, #tpu.memory_space<vmem>>
        %dma_wait3A_829 = arith.constant 0 : i32
        %dma_wait3A_830 = tpu.memref_slice %arg4[%dma_wait3A_829, %mul3A_4] : memref<2x3200000xi32, #tpu.memory_space<hbm>> -> memref<2x800xi32, #tpu.memory_space<hbm>>
        %dma_wait3A_831 = arith.constant 0 : i32
        %dma_wait3A_832 = arith.constant 0 : i32
        %dma_wait3A_833 = tpu.memref_slice %arg7[%dma_wait3A_824, %dma_wait3A_831, %dma_wait3A_832] : memref<3x2x800xi32, #tpu.memory_space<vmem>> -> memref<1x2x800xi32, #tpu.memory_space<vmem>>
        %dma_wait3A_834 = tpu.memref_squeeze %dma_wait3A_833 : memref<1x2x800xi32, #tpu.memory_space<vmem>> -> memref<2x800xi32, #tpu.memory_space<vmem>>
        %dma_wait3A_835 = arith.constant 0 : i32
        %dma_wait3A_836 = tpu.memref_slice %arg4[%dma_wait3A_835, %mul3A_4] : memref<2x3200000xi32, #tpu.memory_space<hbm>> -> memref<2x800xi32, #tpu.memory_space<hbm>>
        tpu.wait_dma2 semaphore(%arg15 : memref<!tpu.dma_semaphore, #tpu.memory_space<semaphore_mem>>) src(%dma_wait3A_836 : memref<2x800xi32, #tpu.memory_space<hbm>>) dst(%dma_wait3A_834 : memref<2x800xi32, #tpu.memory_space<vmem>>)
        %dma_start3A_837 = arith.constant 2 : i32
        %dma_start3A_838 = arith.constant 0 : i32
        %dma_start3A_839 = arith.constant 1 : i32
        %dma_start3A_840 = arith.constant 0 : i32
        %dma_start3A_841 = arith.constant 0 : i32
        %dma_start3A_842 = tpu.memref_slice %arg8[%dma_start3A_839, %dma_start3A_840, %dma_start3A_841] : memref<2x800x16xf32, #tpu.memory_space<vmem>> -> memref<1x800x16xf32, #tpu.memory_space<vmem>>
        %dma_start3A_843 = tpu.memref_squeeze %dma_start3A_842 : memref<1x800x16xf32, #tpu.memory_space<vmem>> -> memref<800x16xf32, #tpu.memory_space<vmem>>
        %dma_start3A_844 = arith.constant 0 : i32
        %dma_start3A_845 = tpu.memref_slice %arg7[%dma_start3A_837, %dma_start3A_838, %dma_start3A_844] : memref<3x2x800xi32, #tpu.memory_space<vmem>> -> memref<1x1x800xi32, #tpu.memory_space<vmem>>
        %dma_start3A_846 = tpu.memref_squeeze %dma_start3A_845 : memref<1x1x800xi32, #tpu.memory_space<vmem>> -> memref<800xi32, #tpu.memory_space<vmem>>
        %dma_start3A_847 = arith.constant 0 : i32
        %dma_start3A_848 = arith.constant 0 : i32
        %dma_start3A_849 = tpu.memref_slice %arg3[%dma_start3A_847, %dma_start3A_848] : memref<100032x16xf32, #tpu.memory_space<hbm>> -> memref<100032x16xf32, #tpu.memory_space<hbm>>
        tpu.enqueue_indirect_dma source(%dma_start3A_849 : memref<100032x16xf32, #tpu.memory_space<hbm>>) target(%dma_start3A_843 : memref<800x16xf32, #tpu.memory_space<vmem>>) offsets(%dma_start3A_846 : memref<800xi32, #tpu.memory_space<vmem>>) semaphore(%arg10 : memref<!tpu.dma_semaphore, #tpu.memory_space<semaphore_mem>>)
        %dma_wait3A_850 = arith.constant 1 : i32
        %dma_wait3A_851 = arith.constant 0 : i32
        %dma_wait3A_852 = arith.constant 0 : i32
        %dma_wait3A_853 = arith.constant 0 : i32
        %dma_wait3A_854 = arith.constant 0 : i32
        %dma_wait3A_855 = tpu.memref_slice %arg8[%dma_wait3A_852, %dma_wait3A_853, %dma_wait3A_854] : memref<2x800x16xf32, #tpu.memory_space<vmem>> -> memref<1x800x16xf32, #tpu.memory_space<vmem>>
        %dma_wait3A_856 = tpu.memref_squeeze %dma_wait3A_855 : memref<1x800x16xf32, #tpu.memory_space<vmem>> -> memref<800x16xf32, #tpu.memory_space<vmem>>
        %dma_wait3A_857 = arith.constant 0 : i32
        %dma_wait3A_858 = tpu.memref_slice %arg7[%dma_wait3A_850, %dma_wait3A_851, %dma_wait3A_857] : memref<3x2x800xi32, #tpu.memory_space<vmem>> -> memref<1x1x800xi32, #tpu.memory_space<vmem>>
        %dma_wait3A_859 = tpu.memref_squeeze %dma_wait3A_858 : memref<1x1x800xi32, #tpu.memory_space<vmem>> -> memref<800xi32, #tpu.memory_space<vmem>>
        %dma_wait3A_860 = arith.constant 0 : i32
        %dma_wait3A_861 = arith.constant 0 : i32
        %dma_wait3A_862 = tpu.memref_slice %arg3[%dma_wait3A_860, %dma_wait3A_861] : memref<100032x16xf32, #tpu.memory_space<hbm>> -> memref<100032x16xf32, #tpu.memory_space<hbm>>
        tpu.wait_indirect_dma semaphore(%arg9 : memref<!tpu.dma_semaphore, #tpu.memory_space<semaphore_mem>>) src(%dma_wait3A_862 : memref<100032x16xf32, #tpu.memory_space<hbm>>) dst(%dma_wait3A_856 : memref<800x16xf32, #tpu.memory_space<vmem>>)
        %dma_start3A_863 = arith.constant 0 : i32
        %dma_start3A_864 = arith.constant 1 : i32
        %dma_start3A_865 = arith.constant 1 : i32
        %dma_start3A_866 = arith.constant 0 : i32
        %dma_start3A_867 = arith.constant 0 : i32
        %dma_start3A_868 = tpu.memref_slice %arg8[%dma_start3A_863, %dma_start3A_866, %dma_start3A_867] : memref<2x800x16xf32, #tpu.memory_space<vmem>> -> memref<1x800x16xf32, #tpu.memory_space<vmem>>
        %dma_start3A_869 = tpu.memref_squeeze %dma_start3A_868 : memref<1x800x16xf32, #tpu.memory_space<vmem>> -> memref<800x16xf32, #tpu.memory_space<vmem>>
        %dma_start3A_870 = arith.constant 0 : i32
        %dma_start3A_871 = tpu.memref_slice %arg7[%dma_start3A_864, %dma_start3A_865, %dma_start3A_870] : memref<3x2x800xi32, #tpu.memory_space<vmem>> -> memref<1x1x800xi32, #tpu.memory_space<vmem>>
        %dma_start3A_872 = tpu.memref_squeeze %dma_start3A_871 : memref<1x1x800xi32, #tpu.memory_space<vmem>> -> memref<800xi32, #tpu.memory_space<vmem>>
        %dma_start3A_873 = arith.constant 0 : i32
        %dma_start3A_874 = arith.constant 0 : i32
        %dma_start3A_875 = tpu.memref_slice %arg16[%dma_start3A_873, %dma_start3A_874] : memref<100032x16xf32, #tpu.memory_space<vmem_shared>> -> memref<100032x16xf32, #tpu.memory_space<vmem_shared>>
        tpu.enqueue_indirect_dma source(%dma_start3A_869 : memref<800x16xf32, #tpu.memory_space<vmem>>) target(%dma_start3A_875 : memref<100032x16xf32, #tpu.memory_space<vmem_shared>>) offsets(%dma_start3A_872 : memref<800xi32, #tpu.memory_space<vmem>>) semaphore(%arg11 : memref<!tpu.dma_semaphore, #tpu.memory_space<semaphore_mem>>) {add = true}
      }
      %scan3A_34 = arith.constant 41 : i32
      %dma_wait3A = arith.constant 0 : i32
      %dma_wait3A_35 = arith.constant 1 : i32
      %dma_wait3A_36 = arith.constant 1 : i32
      %dma_wait3A_37 = arith.constant 0 : i32
      %dma_wait3A_38 = arith.constant 0 : i32
      %dma_wait3A_39 = tpu.memref_slice %arg8[%dma_wait3A, %dma_wait3A_37, %dma_wait3A_38] : memref<2x800x16xf32, #tpu.memory_space<vmem>> -> memref<1x800x16xf32, #tpu.memory_space<vmem>>
      %dma_wait3A_40 = tpu.memref_squeeze %dma_wait3A_39 : memref<1x800x16xf32, #tpu.memory_space<vmem>> -> memref<800x16xf32, #tpu.memory_space<vmem>>
      %dma_wait3A_41 = arith.constant 0 : i32
      %dma_wait3A_42 = tpu.memref_slice %arg7[%dma_wait3A_35, %dma_wait3A_36, %dma_wait3A_41] : memref<3x2x800xi32, #tpu.memory_space<vmem>> -> memref<1x1x800xi32, #tpu.memory_space<vmem>>
      %dma_wait3A_43 = tpu.memref_squeeze %dma_wait3A_42 : memref<1x1x800xi32, #tpu.memory_space<vmem>> -> memref<800xi32, #tpu.memory_space<vmem>>
      %dma_wait3A_44 = arith.constant 0 : i32
      %dma_wait3A_45 = arith.constant 0 : i32
      %dma_wait3A_46 = tpu.memref_slice %arg16[%dma_wait3A_44, %dma_wait3A_45] : memref<100032x16xf32, #tpu.memory_space<vmem_shared>> -> memref<100032x16xf32, #tpu.memory_space<vmem_shared>>
      tpu.wait_indirect_dma semaphore(%arg11 : memref<!tpu.dma_semaphore, #tpu.memory_space<semaphore_mem>>) src(%dma_wait3A_40 : memref<800x16xf32, #tpu.memory_space<vmem>>) dst(%dma_wait3A_46 : memref<100032x16xf32, #tpu.memory_space<vmem_shared>>)
      %add3A_47 = arith.constant 197600 : i32
      %add3A_48 = arith.addi %mul3A_4, %add3A_47 : i32
      %dma_start3A_49 = arith.constant 1 : i32
      %dma_start3A_50 = arith.constant 0 : i32
      %dma_start3A_51 = arith.constant 0 : i32
      %dma_start3A_52 = tpu.memref_slice %arg7[%dma_start3A_49, %dma_start3A_50, %dma_start3A_51] : memref<3x2x800xi32, #tpu.memory_space<vmem>> -> memref<1x2x800xi32, #tpu.memory_space<vmem>>
      %dma_start3A_53 = tpu.memref_squeeze %dma_start3A_52 : memref<1x2x800xi32, #tpu.memory_space<vmem>> -> memref<2x800xi32, #tpu.memory_space<vmem>>
      %dma_start3A_54 = arith.constant 0 : i32
      %dma_start3A_55 = tpu.memref_slice %arg4[%dma_start3A_54, %add3A_48] : memref<2x3200000xi32, #tpu.memory_space<hbm>> -> memref<2x800xi32, #tpu.memory_space<hbm>>
      %dma_start3A_56 = arith.constant 0 : i32
      %dma_start3A_57 = arith.constant 0 : i32
      %dma_start3A_58 = tpu.memref_slice %arg7[%dma_start3A_49, %dma_start3A_56, %dma_start3A_57] : memref<3x2x800xi32, #tpu.memory_space<vmem>> -> memref<1x2x800xi32, #tpu.memory_space<vmem>>
      %dma_start3A_59 = tpu.memref_squeeze %dma_start3A_58 : memref<1x2x800xi32, #tpu.memory_space<vmem>> -> memref<2x800xi32, #tpu.memory_space<vmem>>
      %dma_start3A_60 = arith.constant 0 : i32
      %dma_start3A_61 = tpu.memref_slice %arg4[%dma_start3A_60, %add3A_48] : memref<2x3200000xi32, #tpu.memory_space<hbm>> -> memref<2x800xi32, #tpu.memory_space<hbm>>
      tpu.enqueue_dma source(%dma_start3A_61 : memref<2x800xi32, #tpu.memory_space<hbm>>) target(%dma_start3A_59 : memref<2x800xi32, #tpu.memory_space<vmem>>) target_semaphore(%arg14 : memref<!tpu.dma_semaphore, #tpu.memory_space<semaphore_mem>>)
      %dma_wait3A_62 = arith.constant 0 : i32
      %dma_wait3A_63 = arith.constant 0 : i32
      %dma_wait3A_64 = arith.constant 0 : i32
      %dma_wait3A_65 = tpu.memref_slice %arg7[%dma_wait3A_62, %dma_wait3A_63, %dma_wait3A_64] : memref<3x2x800xi32, #tpu.memory_space<vmem>> -> memref<1x2x800xi32, #tpu.memory_space<vmem>>
      %dma_wait3A_66 = tpu.memref_squeeze %dma_wait3A_65 : memref<1x2x800xi32, #tpu.memory_space<vmem>> -> memref<2x800xi32, #tpu.memory_space<vmem>>
      %dma_wait3A_67 = arith.constant 0 : i32
      %dma_wait3A_68 = tpu.memref_slice %arg4[%dma_wait3A_67, %mul3A_4] : memref<2x3200000xi32, #tpu.memory_space<hbm>> -> memref<2x800xi32, #tpu.memory_space<hbm>>
      %dma_wait3A_69 = arith.constant 0 : i32
      %dma_wait3A_70 = arith.constant 0 : i32
      %dma_wait3A_71 = tpu.memref_slice %arg7[%dma_wait3A_62, %dma_wait3A_69, %dma_wait3A_70] : memref<3x2x800xi32, #tpu.memory_space<vmem>> -> memref<1x2x800xi32, #tpu.memory_space<vmem>>
      %dma_wait3A_72 = tpu.memref_squeeze %dma_wait3A_71 : memref<1x2x800xi32, #tpu.memory_space<vmem>> -> memref<2x800xi32, #tpu.memory_space<vmem>>
      %dma_wait3A_73 = arith.constant 0 : i32
      %dma_wait3A_74 = tpu.memref_slice %arg4[%dma_wait3A_73, %mul3A_4] : memref<2x3200000xi32, #tpu.memory_space<hbm>> -> memref<2x800xi32, #tpu.memory_space<hbm>>
      tpu.wait_dma2 semaphore(%arg13 : memref<!tpu.dma_semaphore, #tpu.memory_space<semaphore_mem>>) src(%dma_wait3A_74 : memref<2x800xi32, #tpu.memory_space<hbm>>) dst(%dma_wait3A_72 : memref<2x800xi32, #tpu.memory_space<vmem>>)
      %dma_start3A_75 = arith.constant 0 : i32
      %dma_start3A_76 = arith.constant 0 : i32
      %dma_start3A_77 = arith.constant 0 : i32
      %dma_start3A_78 = arith.constant 0 : i32
      %dma_start3A_79 = arith.constant 0 : i32
      %dma_start3A_80 = tpu.memref_slice %arg8[%dma_start3A_77, %dma_start3A_78, %dma_start3A_79] : memref<2x800x16xf32, #tpu.memory_space<vmem>> -> memref<1x800x16xf32, #tpu.memory_space<vmem>>
      %dma_start3A_81 = tpu.memref_squeeze %dma_start3A_80 : memref<1x800x16xf32, #tpu.memory_space<vmem>> -> memref<800x16xf32, #tpu.memory_space<vmem>>
      %dma_start3A_82 = arith.constant 0 : i32
      %dma_start3A_83 = tpu.memref_slice %arg7[%dma_start3A_75, %dma_start3A_76, %dma_start3A_82] : memref<3x2x800xi32, #tpu.memory_space<vmem>> -> memref<1x1x800xi32, #tpu.memory_space<vmem>>
      %dma_start3A_84 = tpu.memref_squeeze %dma_start3A_83 : memref<1x1x800xi32, #tpu.memory_space<vmem>> -> memref<800xi32, #tpu.memory_space<vmem>>
      %dma_start3A_85 = arith.constant 0 : i32
      %dma_start3A_86 = arith.constant 0 : i32
      %dma_start3A_87 = tpu.memref_slice %arg3[%dma_start3A_85, %dma_start3A_86] : memref<100032x16xf32, #tpu.memory_space<hbm>> -> memref<100032x16xf32, #tpu.memory_space<hbm>>
      tpu.enqueue_indirect_dma source(%dma_start3A_87 : memref<100032x16xf32, #tpu.memory_space<hbm>>) target(%dma_start3A_81 : memref<800x16xf32, #tpu.memory_space<vmem>>) offsets(%dma_start3A_84 : memref<800xi32, #tpu.memory_space<vmem>>) semaphore(%arg9 : memref<!tpu.dma_semaphore, #tpu.memory_space<semaphore_mem>>)
      %dma_wait3A_88 = arith.constant 2 : i32
      %dma_wait3A_89 = arith.constant 0 : i32
      %dma_wait3A_90 = arith.constant 1 : i32
      %dma_wait3A_91 = arith.constant 0 : i32
      %dma_wait3A_92 = arith.constant 0 : i32
      %dma_wait3A_93 = tpu.memref_slice %arg8[%dma_wait3A_90, %dma_wait3A_91, %dma_wait3A_92] : memref<2x800x16xf32, #tpu.memory_space<vmem>> -> memref<1x800x16xf32, #tpu.memory_space<vmem>>
      %dma_wait3A_94 = tpu.memref_squeeze %dma_wait3A_93 : memref<1x800x16xf32, #tpu.memory_space<vmem>> -> memref<800x16xf32, #tpu.memory_space<vmem>>
      %dma_wait3A_95 = arith.constant 0 : i32
      %dma_wait3A_96 = tpu.memref_slice %arg7[%dma_wait3A_88, %dma_wait3A_89, %dma_wait3A_95] : memref<3x2x800xi32, #tpu.memory_space<vmem>> -> memref<1x1x800xi32, #tpu.memory_space<vmem>>
      %dma_wait3A_97 = tpu.memref_squeeze %dma_wait3A_96 : memref<1x1x800xi32, #tpu.memory_space<vmem>> -> memref<800xi32, #tpu.memory_space<vmem>>
      %dma_wait3A_98 = arith.constant 0 : i32
      %dma_wait3A_99 = arith.constant 0 : i32
      %dma_wait3A_100 = tpu.memref_slice %arg3[%dma_wait3A_98, %dma_wait3A_99] : memref<100032x16xf32, #tpu.memory_space<hbm>> -> memref<100032x16xf32, #tpu.memory_space<hbm>>
      tpu.wait_indirect_dma semaphore(%arg10 : memref<!tpu.dma_semaphore, #tpu.memory_space<semaphore_mem>>) src(%dma_wait3A_100 : memref<100032x16xf32, #tpu.memory_space<hbm>>) dst(%dma_wait3A_94 : memref<800x16xf32, #tpu.memory_space<vmem>>)
      %dma_start3A_101 = arith.constant 1 : i32
      %dma_start3A_102 = arith.constant 2 : i32
      %dma_start3A_103 = arith.constant 1 : i32
      %dma_start3A_104 = arith.constant 0 : i32
      %dma_start3A_105 = arith.constant 0 : i32
      %dma_start3A_106 = tpu.memref_slice %arg8[%dma_start3A_101, %dma_start3A_104, %dma_start3A_105] : memref<2x800x16xf32, #tpu.memory_space<vmem>> -> memref<1x800x16xf32, #tpu.memory_space<vmem>>
      %dma_start3A_107 = tpu.memref_squeeze %dma_start3A_106 : memref<1x800x16xf32, #tpu.memory_space<vmem>> -> memref<800x16xf32, #tpu.memory_space<vmem>>
      %dma_start3A_108 = arith.constant 0 : i32
      %dma_start3A_109 = tpu.memref_slice %arg7[%dma_start3A_102, %dma_start3A_103, %dma_start3A_108] : memref<3x2x800xi32, #tpu.memory_space<vmem>> -> memref<1x1x800xi32, #tpu.memory_space<vmem>>
      %dma_start3A_110 = tpu.memref_squeeze %dma_start3A_109 : memref<1x1x800xi32, #tpu.memory_space<vmem>> -> memref<800xi32, #tpu.memory_space<vmem>>
      %dma_start3A_111 = arith.constant 0 : i32
      %dma_start3A_112 = arith.constant 0 : i32
      %dma_start3A_113 = tpu.memref_slice %arg16[%dma_start3A_111, %dma_start3A_112] : memref<100032x16xf32, #tpu.memory_space<vmem_shared>> -> memref<100032x16xf32, #tpu.memory_space<vmem_shared>>
      tpu.enqueue_indirect_dma source(%dma_start3A_107 : memref<800x16xf32, #tpu.memory_space<vmem>>) target(%dma_start3A_113 : memref<100032x16xf32, #tpu.memory_space<vmem_shared>>) offsets(%dma_start3A_110 : memref<800xi32, #tpu.memory_space<vmem>>) semaphore(%arg12 : memref<!tpu.dma_semaphore, #tpu.memory_space<semaphore_mem>>) {add = true}
      %dma_wait3A_114 = arith.constant 1 : i32
      %dma_wait3A_115 = arith.constant 2 : i32
      %dma_wait3A_116 = arith.constant 1 : i32
      %dma_wait3A_117 = arith.constant 0 : i32
      %dma_wait3A_118 = arith.constant 0 : i32
      %dma_wait3A_119 = tpu.memref_slice %arg8[%dma_wait3A_114, %dma_wait3A_117, %dma_wait3A_118] : memref<2x800x16xf32, #tpu.memory_space<vmem>> -> memref<1x800x16xf32, #tpu.memory_space<vmem>>
      %dma_wait3A_120 = tpu.memref_squeeze %dma_wait3A_119 : memref<1x800x16xf32, #tpu.memory_space<vmem>> -> memref<800x16xf32, #tpu.memory_space<vmem>>
      %dma_wait3A_121 = arith.constant 0 : i32
      %dma_wait3A_122 = tpu.memref_slice %arg7[%dma_wait3A_115, %dma_wait3A_116, %dma_wait3A_121] : memref<3x2x800xi32, #tpu.memory_space<vmem>> -> memref<1x1x800xi32, #tpu.memory_space<vmem>>
      %dma_wait3A_123 = tpu.memref_squeeze %dma_wait3A_122 : memref<1x1x800xi32, #tpu.memory_space<vmem>> -> memref<800xi32, #tpu.memory_space<vmem>>
      %dma_wait3A_124 = arith.constant 0 : i32
      %dma_wait3A_125 = arith.constant 0 : i32
      %dma_wait3A_126 = tpu.memref_slice %arg16[%dma_wait3A_124, %dma_wait3A_125] : memref<100032x16xf32, #tpu.memory_space<vmem_shared>> -> memref<100032x16xf32, #tpu.memory_space<vmem_shared>>
      tpu.wait_indirect_dma semaphore(%arg12 : memref<!tpu.dma_semaphore, #tpu.memory_space<semaphore_mem>>) src(%dma_wait3A_120 : memref<800x16xf32, #tpu.memory_space<vmem>>) dst(%dma_wait3A_126 : memref<100032x16xf32, #tpu.memory_space<vmem_shared>>)
      %add3A_127 = arith.constant 198400 : i32
      %add3A_128 = arith.addi %mul3A_4, %add3A_127 : i32
      %dma_start3A_129 = arith.constant 2 : i32
      %dma_start3A_130 = arith.constant 0 : i32
      %dma_start3A_131 = arith.constant 0 : i32
      %dma_start3A_132 = tpu.memref_slice %arg7[%dma_start3A_129, %dma_start3A_130, %dma_start3A_131] : memref<3x2x800xi32, #tpu.memory_space<vmem>> -> memref<1x2x800xi32, #tpu.memory_space<vmem>>
      %dma_start3A_133 = tpu.memref_squeeze %dma_start3A_132 : memref<1x2x800xi32, #tpu.memory_space<vmem>> -> memref<2x800xi32, #tpu.memory_space<vmem>>
      %dma_start3A_134 = arith.constant 0 : i32
      %dma_start3A_135 = tpu.memref_slice %arg4[%dma_start3A_134, %add3A_128] : memref<2x3200000xi32, #tpu.memory_space<hbm>> -> memref<2x800xi32, #tpu.memory_space<hbm>>
      %dma_start3A_136 = arith.constant 0 : i32
      %dma_start3A_137 = arith.constant 0 : i32
      %dma_start3A_138 = tpu.memref_slice %arg7[%dma_start3A_129, %dma_start3A_136, %dma_start3A_137] : memref<3x2x800xi32, #tpu.memory_space<vmem>> -> memref<1x2x800xi32, #tpu.memory_space<vmem>>
      %dma_start3A_139 = tpu.memref_squeeze %dma_start3A_138 : memref<1x2x800xi32, #tpu.memory_space<vmem>> -> memref<2x800xi32, #tpu.memory_space<vmem>>
      %dma_start3A_140 = arith.constant 0 : i32
      %dma_start3A_141 = tpu.memref_slice %arg4[%dma_start3A_140, %add3A_128] : memref<2x3200000xi32, #tpu.memory_space<hbm>> -> memref<2x800xi32, #tpu.memory_space<hbm>>
      tpu.enqueue_dma source(%dma_start3A_141 : memref<2x800xi32, #tpu.memory_space<hbm>>) target(%dma_start3A_139 : memref<2x800xi32, #tpu.memory_space<vmem>>) target_semaphore(%arg15 : memref<!tpu.dma_semaphore, #tpu.memory_space<semaphore_mem>>)
      %dma_wait3A_142 = arith.constant 1 : i32
      %dma_wait3A_143 = arith.constant 0 : i32
      %dma_wait3A_144 = arith.constant 0 : i32
      %dma_wait3A_145 = tpu.memref_slice %arg7[%dma_wait3A_142, %dma_wait3A_143, %dma_wait3A_144] : memref<3x2x800xi32, #tpu.memory_space<vmem>> -> memref<1x2x800xi32, #tpu.memory_space<vmem>>
      %dma_wait3A_146 = tpu.memref_squeeze %dma_wait3A_145 : memref<1x2x800xi32, #tpu.memory_space<vmem>> -> memref<2x800xi32, #tpu.memory_space<vmem>>
      %dma_wait3A_147 = arith.constant 0 : i32
      %dma_wait3A_148 = tpu.memref_slice %arg4[%dma_wait3A_147, %mul3A_4] : memref<2x3200000xi32, #tpu.memory_space<hbm>> -> memref<2x800xi32, #tpu.memory_space<hbm>>
      %dma_wait3A_149 = arith.constant 0 : i32
      %dma_wait3A_150 = arith.constant 0 : i32
      %dma_wait3A_151 = tpu.memref_slice %arg7[%dma_wait3A_142, %dma_wait3A_149, %dma_wait3A_150] : memref<3x2x800xi32, #tpu.memory_space<vmem>> -> memref<1x2x800xi32, #tpu.memory_space<vmem>>
      %dma_wait3A_152 = tpu.memref_squeeze %dma_wait3A_151 : memref<1x2x800xi32, #tpu.memory_space<vmem>> -> memref<2x800xi32, #tpu.memory_space<vmem>>
      %dma_wait3A_153 = arith.constant 0 : i32
      %dma_wait3A_154 = tpu.memref_slice %arg4[%dma_wait3A_153, %mul3A_4] : memref<2x3200000xi32, #tpu.memory_space<hbm>> -> memref<2x800xi32, #tpu.memory_space<hbm>>
      tpu.wait_dma2 semaphore(%arg14 : memref<!tpu.dma_semaphore, #tpu.memory_space<semaphore_mem>>) src(%dma_wait3A_154 : memref<2x800xi32, #tpu.memory_space<hbm>>) dst(%dma_wait3A_152 : memref<2x800xi32, #tpu.memory_space<vmem>>)
      %dma_start3A_155 = arith.constant 1 : i32
      %dma_start3A_156 = arith.constant 0 : i32
      %dma_start3A_157 = arith.constant 1 : i32
      %dma_start3A_158 = arith.constant 0 : i32
      %dma_start3A_159 = arith.constant 0 : i32
      %dma_start3A_160 = tpu.memref_slice %arg8[%dma_start3A_157, %dma_start3A_158, %dma_start3A_159] : memref<2x800x16xf32, #tpu.memory_space<vmem>> -> memref<1x800x16xf32, #tpu.memory_space<vmem>>
      %dma_start3A_161 = tpu.memref_squeeze %dma_start3A_160 : memref<1x800x16xf32, #tpu.memory_space<vmem>> -> memref<800x16xf32, #tpu.memory_space<vmem>>
      %dma_start3A_162 = arith.constant 0 : i32
      %dma_start3A_163 = tpu.memref_slice %arg7[%dma_start3A_155, %dma_start3A_156, %dma_start3A_162] : memref<3x2x800xi32, #tpu.memory_space<vmem>> -> memref<1x1x800xi32, #tpu.memory_space<vmem>>
      %dma_start3A_164 = tpu.memref_squeeze %dma_start3A_163 : memref<1x1x800xi32, #tpu.memory_space<vmem>> -> memref<800xi32, #tpu.memory_space<vmem>>
      %dma_start3A_165 = arith.constant 0 : i32
      %dma_start3A_166 = arith.constant 0 : i32
      %dma_start3A_167 = tpu.memref_slice %arg3[%dma_start3A_165, %dma_start3A_166] : memref<100032x16xf32, #tpu.memory_space<hbm>> -> memref<100032x16xf32, #tpu.memory_space<hbm>>
      tpu.enqueue_indirect_dma source(%dma_start3A_167 : memref<100032x16xf32, #tpu.memory_space<hbm>>) target(%dma_start3A_161 : memref<800x16xf32, #tpu.memory_space<vmem>>) offsets(%dma_start3A_164 : memref<800xi32, #tpu.memory_space<vmem>>) semaphore(%arg10 : memref<!tpu.dma_semaphore, #tpu.memory_space<semaphore_mem>>)
      %dma_wait3A_168 = arith.constant 0 : i32
      %dma_wait3A_169 = arith.constant 0 : i32
      %dma_wait3A_170 = arith.constant 0 : i32
      %dma_wait3A_171 = arith.constant 0 : i32
      %dma_wait3A_172 = arith.constant 0 : i32
      %dma_wait3A_173 = tpu.memref_slice %arg8[%dma_wait3A_170, %dma_wait3A_171, %dma_wait3A_172] : memref<2x800x16xf32, #tpu.memory_space<vmem>> -> memref<1x800x16xf32, #tpu.memory_space<vmem>>
      %dma_wait3A_174 = tpu.memref_squeeze %dma_wait3A_173 : memref<1x800x16xf32, #tpu.memory_space<vmem>> -> memref<800x16xf32, #tpu.memory_space<vmem>>
      %dma_wait3A_175 = arith.constant 0 : i32
      %dma_wait3A_176 = tpu.memref_slice %arg7[%dma_wait3A_168, %dma_wait3A_169, %dma_wait3A_175] : memref<3x2x800xi32, #tpu.memory_space<vmem>> -> memref<1x1x800xi32, #tpu.memory_space<vmem>>
      %dma_wait3A_177 = tpu.memref_squeeze %dma_wait3A_176 : memref<1x1x800xi32, #tpu.memory_space<vmem>> -> memref<800xi32, #tpu.memory_space<vmem>>
      %dma_wait3A_178 = arith.constant 0 : i32
      %dma_wait3A_179 = arith.constant 0 : i32
      %dma_wait3A_180 = tpu.memref_slice %arg3[%dma_wait3A_178, %dma_wait3A_179] : memref<100032x16xf32, #tpu.memory_space<hbm>> -> memref<100032x16xf32, #tpu.memory_space<hbm>>
      tpu.wait_indirect_dma semaphore(%arg9 : memref<!tpu.dma_semaphore, #tpu.memory_space<semaphore_mem>>) src(%dma_wait3A_180 : memref<100032x16xf32, #tpu.memory_space<hbm>>) dst(%dma_wait3A_174 : memref<800x16xf32, #tpu.memory_space<vmem>>)
      %dma_start3A_181 = arith.constant 0 : i32
      %dma_start3A_182 = arith.constant 0 : i32
      %dma_start3A_183 = arith.constant 1 : i32
      %dma_start3A_184 = arith.constant 0 : i32
      %dma_start3A_185 = arith.constant 0 : i32
      %dma_start3A_186 = tpu.memref_slice %arg8[%dma_start3A_181, %dma_start3A_184, %dma_start3A_185] : memref<2x800x16xf32, #tpu.memory_space<vmem>> -> memref<1x800x16xf32, #tpu.memory_space<vmem>>
      %dma_start3A_187 = tpu.memref_squeeze %dma_start3A_186 : memref<1x800x16xf32, #tpu.memory_space<vmem>> -> memref<800x16xf32, #tpu.memory_space<vmem>>
      %dma_start3A_188 = arith.constant 0 : i32
      %dma_start3A_189 = tpu.memref_slice %arg7[%dma_start3A_182, %dma_start3A_183, %dma_start3A_188] : memref<3x2x800xi32, #tpu.memory_space<vmem>> -> memref<1x1x800xi32, #tpu.memory_space<vmem>>
      %dma_start3A_190 = tpu.memref_squeeze %dma_start3A_189 : memref<1x1x800xi32, #tpu.memory_space<vmem>> -> memref<800xi32, #tpu.memory_space<vmem>>
      %dma_start3A_191 = arith.constant 0 : i32
      %dma_start3A_192 = arith.constant 0 : i32
      %dma_start3A_193 = tpu.memref_slice %arg16[%dma_start3A_191, %dma_start3A_192] : memref<100032x16xf32, #tpu.memory_space<vmem_shared>> -> memref<100032x16xf32, #tpu.memory_space<vmem_shared>>
      tpu.enqueue_indirect_dma source(%dma_start3A_187 : memref<800x16xf32, #tpu.memory_space<vmem>>) target(%dma_start3A_193 : memref<100032x16xf32, #tpu.memory_space<vmem_shared>>) offsets(%dma_start3A_190 : memref<800xi32, #tpu.memory_space<vmem>>) semaphore(%arg11 : memref<!tpu.dma_semaphore, #tpu.memory_space<semaphore_mem>>) {add = true}
      %dma_wait3A_194 = arith.constant 0 : i32
      %dma_wait3A_195 = arith.constant 0 : i32
      %dma_wait3A_196 = arith.constant 1 : i32
      %dma_wait3A_197 = arith.constant 0 : i32
      %dma_wait3A_198 = arith.constant 0 : i32
      %dma_wait3A_199 = tpu.memref_slice %arg8[%dma_wait3A_194, %dma_wait3A_197, %dma_wait3A_198] : memref<2x800x16xf32, #tpu.memory_space<vmem>> -> memref<1x800x16xf32, #tpu.memory_space<vmem>>
      %dma_wait3A_200 = tpu.memref_squeeze %dma_wait3A_199 : memref<1x800x16xf32, #tpu.memory_space<vmem>> -> memref<800x16xf32, #tpu.memory_space<vmem>>
      %dma_wait3A_201 = arith.constant 0 : i32
      %dma_wait3A_202 = tpu.memref_slice %arg7[%dma_wait3A_195, %dma_wait3A_196, %dma_wait3A_201] : memref<3x2x800xi32, #tpu.memory_space<vmem>> -> memref<1x1x800xi32, #tpu.memory_space<vmem>>
      %dma_wait3A_203 = tpu.memref_squeeze %dma_wait3A_202 : memref<1x1x800xi32, #tpu.memory_space<vmem>> -> memref<800xi32, #tpu.memory_space<vmem>>
      %dma_wait3A_204 = arith.constant 0 : i32
      %dma_wait3A_205 = arith.constant 0 : i32
      %dma_wait3A_206 = tpu.memref_slice %arg16[%dma_wait3A_204, %dma_wait3A_205] : memref<100032x16xf32, #tpu.memory_space<vmem_shared>> -> memref<100032x16xf32, #tpu.memory_space<vmem_shared>>
      tpu.wait_indirect_dma semaphore(%arg11 : memref<!tpu.dma_semaphore, #tpu.memory_space<semaphore_mem>>) src(%dma_wait3A_200 : memref<800x16xf32, #tpu.memory_space<vmem>>) dst(%dma_wait3A_206 : memref<100032x16xf32, #tpu.memory_space<vmem_shared>>)
      %add3A_207 = arith.constant 199200 : i32
      %add3A_208 = arith.addi %mul3A_4, %add3A_207 : i32
      %dma_start3A_209 = arith.constant 0 : i32
      %dma_start3A_210 = arith.constant 0 : i32
      %dma_start3A_211 = arith.constant 0 : i32
      %dma_start3A_212 = tpu.memref_slice %arg7[%dma_start3A_209, %dma_start3A_210, %dma_start3A_211] : memref<3x2x800xi32, #tpu.memory_space<vmem>> -> memref<1x2x800xi32, #tpu.memory_space<vmem>>
      %dma_start3A_213 = tpu.memref_squeeze %dma_start3A_212 : memref<1x2x800xi32, #tpu.memory_space<vmem>> -> memref<2x800xi32, #tpu.memory_space<vmem>>
      %dma_start3A_214 = arith.constant 0 : i32
      %dma_start3A_215 = tpu.memref_slice %arg4[%dma_start3A_214, %add3A_208] : memref<2x3200000xi32, #tpu.memory_space<hbm>> -> memref<2x800xi32, #tpu.memory_space<hbm>>
      %dma_start3A_216 = arith.constant 0 : i32
      %dma_start3A_217 = arith.constant 0 : i32
      %dma_start3A_218 = tpu.memref_slice %arg7[%dma_start3A_209, %dma_start3A_216, %dma_start3A_217] : memref<3x2x800xi32, #tpu.memory_space<vmem>> -> memref<1x2x800xi32, #tpu.memory_space<vmem>>
      %dma_start3A_219 = tpu.memref_squeeze %dma_start3A_218 : memref<1x2x800xi32, #tpu.memory_space<vmem>> -> memref<2x800xi32, #tpu.memory_space<vmem>>
      %dma_start3A_220 = arith.constant 0 : i32
      %dma_start3A_221 = tpu.memref_slice %arg4[%dma_start3A_220, %add3A_208] : memref<2x3200000xi32, #tpu.memory_space<hbm>> -> memref<2x800xi32, #tpu.memory_space<hbm>>
      tpu.enqueue_dma source(%dma_start3A_221 : memref<2x800xi32, #tpu.memory_space<hbm>>) target(%dma_start3A_219 : memref<2x800xi32, #tpu.memory_space<vmem>>) target_semaphore(%arg13 : memref<!tpu.dma_semaphore, #tpu.memory_space<semaphore_mem>>)
      %dma_wait3A_222 = arith.constant 2 : i32
      %dma_wait3A_223 = arith.constant 0 : i32
      %dma_wait3A_224 = arith.constant 0 : i32
      %dma_wait3A_225 = tpu.memref_slice %arg7[%dma_wait3A_222, %dma_wait3A_223, %dma_wait3A_224] : memref<3x2x800xi32, #tpu.memory_space<vmem>> -> memref<1x2x800xi32, #tpu.memory_space<vmem>>
      %dma_wait3A_226 = tpu.memref_squeeze %dma_wait3A_225 : memref<1x2x800xi32, #tpu.memory_space<vmem>> -> memref<2x800xi32, #tpu.memory_space<vmem>>
      %dma_wait3A_227 = arith.constant 0 : i32
      %dma_wait3A_228 = tpu.memref_slice %arg4[%dma_wait3A_227, %mul3A_4] : memref<2x3200000xi32, #tpu.memory_space<hbm>> -> memref<2x800xi32, #tpu.memory_space<hbm>>
      %dma_wait3A_229 = arith.constant 0 : i32
      %dma_wait3A_230 = arith.constant 0 : i32
      %dma_wait3A_231 = tpu.memref_slice %arg7[%dma_wait3A_222, %dma_wait3A_229, %dma_wait3A_230] : memref<3x2x800xi32, #tpu.memory_space<vmem>> -> memref<1x2x800xi32, #tpu.memory_space<vmem>>
      %dma_wait3A_232 = tpu.memref_squeeze %dma_wait3A_231 : memref<1x2x800xi32, #tpu.memory_space<vmem>> -> memref<2x800xi32, #tpu.memory_space<vmem>>
      %dma_wait3A_233 = arith.constant 0 : i32
      %dma_wait3A_234 = tpu.memref_slice %arg4[%dma_wait3A_233, %mul3A_4] : memref<2x3200000xi32, #tpu.memory_space<hbm>> -> memref<2x800xi32, #tpu.memory_space<hbm>>
      tpu.wait_dma2 semaphore(%arg15 : memref<!tpu.dma_semaphore, #tpu.memory_space<semaphore_mem>>) src(%dma_wait3A_234 : memref<2x800xi32, #tpu.memory_space<hbm>>) dst(%dma_wait3A_232 : memref<2x800xi32, #tpu.memory_space<vmem>>)
      %dma_start3A_235 = arith.constant 2 : i32
      %dma_start3A_236 = arith.constant 0 : i32
      %dma_start3A_237 = arith.constant 0 : i32
      %dma_start3A_238 = arith.constant 0 : i32
      %dma_start3A_239 = arith.constant 0 : i32
      %dma_start3A_240 = tpu.memref_slice %arg8[%dma_start3A_237, %dma_start3A_238, %dma_start3A_239] : memref<2x800x16xf32, #tpu.memory_space<vmem>> -> memref<1x800x16xf32, #tpu.memory_space<vmem>>
      %dma_start3A_241 = tpu.memref_squeeze %dma_start3A_240 : memref<1x800x16xf32, #tpu.memory_space<vmem>> -> memref<800x16xf32, #tpu.memory_space<vmem>>
      %dma_start3A_242 = arith.constant 0 : i32
      %dma_start3A_243 = tpu.memref_slice %arg7[%dma_start3A_235, %dma_start3A_236, %dma_start3A_242] : memref<3x2x800xi32, #tpu.memory_space<vmem>> -> memref<1x1x800xi32, #tpu.memory_space<vmem>>
      %dma_start3A_244 = tpu.memref_squeeze %dma_start3A_243 : memref<1x1x800xi32, #tpu.memory_space<vmem>> -> memref<800xi32, #tpu.memory_space<vmem>>
      %dma_start3A_245 = arith.constant 0 : i32
      %dma_start3A_246 = arith.constant 0 : i32
      %dma_start3A_247 = tpu.memref_slice %arg3[%dma_start3A_245, %dma_start3A_246] : memref<100032x16xf32, #tpu.memory_space<hbm>> -> memref<100032x16xf32, #tpu.memory_space<hbm>>
      tpu.enqueue_indirect_dma source(%dma_start3A_247 : memref<100032x16xf32, #tpu.memory_space<hbm>>) target(%dma_start3A_241 : memref<800x16xf32, #tpu.memory_space<vmem>>) offsets(%dma_start3A_244 : memref<800xi32, #tpu.memory_space<vmem>>) semaphore(%arg9 : memref<!tpu.dma_semaphore, #tpu.memory_space<semaphore_mem>>)
      %dma_wait3A_248 = arith.constant 1 : i32
      %dma_wait3A_249 = arith.constant 0 : i32
      %dma_wait3A_250 = arith.constant 1 : i32
      %dma_wait3A_251 = arith.constant 0 : i32
      %dma_wait3A_252 = arith.constant 0 : i32
      %dma_wait3A_253 = tpu.memref_slice %arg8[%dma_wait3A_250, %dma_wait3A_251, %dma_wait3A_252] : memref<2x800x16xf32, #tpu.memory_space<vmem>> -> memref<1x800x16xf32, #tpu.memory_space<vmem>>
      %dma_wait3A_254 = tpu.memref_squeeze %dma_wait3A_253 : memref<1x800x16xf32, #tpu.memory_space<vmem>> -> memref<800x16xf32, #tpu.memory_space<vmem>>
      %dma_wait3A_255 = arith.constant 0 : i32
      %dma_wait3A_256 = tpu.memref_slice %arg7[%dma_wait3A_248, %dma_wait3A_249, %dma_wait3A_255] : memref<3x2x800xi32, #tpu.memory_space<vmem>> -> memref<1x1x800xi32, #tpu.memory_space<vmem>>
      %dma_wait3A_257 = tpu.memref_squeeze %dma_wait3A_256 : memref<1x1x800xi32, #tpu.memory_space<vmem>> -> memref<800xi32, #tpu.memory_space<vmem>>
      %dma_wait3A_258 = arith.constant 0 : i32
      %dma_wait3A_259 = arith.constant 0 : i32
      %dma_wait3A_260 = tpu.memref_slice %arg3[%dma_wait3A_258, %dma_wait3A_259] : memref<100032x16xf32, #tpu.memory_space<hbm>> -> memref<100032x16xf32, #tpu.memory_space<hbm>>
      tpu.wait_indirect_dma semaphore(%arg10 : memref<!tpu.dma_semaphore, #tpu.memory_space<semaphore_mem>>) src(%dma_wait3A_260 : memref<100032x16xf32, #tpu.memory_space<hbm>>) dst(%dma_wait3A_254 : memref<800x16xf32, #tpu.memory_space<vmem>>)
      %dma_start3A_261 = arith.constant 1 : i32
      %dma_start3A_262 = arith.constant 1 : i32
      %dma_start3A_263 = arith.constant 1 : i32
      %dma_start3A_264 = arith.constant 0 : i32
      %dma_start3A_265 = arith.constant 0 : i32
      %dma_start3A_266 = tpu.memref_slice %arg8[%dma_start3A_261, %dma_start3A_264, %dma_start3A_265] : memref<2x800x16xf32, #tpu.memory_space<vmem>> -> memref<1x800x16xf32, #tpu.memory_space<vmem>>
      %dma_start3A_267 = tpu.memref_squeeze %dma_start3A_266 : memref<1x800x16xf32, #tpu.memory_space<vmem>> -> memref<800x16xf32, #tpu.memory_space<vmem>>
      %dma_start3A_268 = arith.constant 0 : i32
      %dma_start3A_269 = tpu.memref_slice %arg7[%dma_start3A_262, %dma_start3A_263, %dma_start3A_268] : memref<3x2x800xi32, #tpu.memory_space<vmem>> -> memref<1x1x800xi32, #tpu.memory_space<vmem>>
      %dma_start3A_270 = tpu.memref_squeeze %dma_start3A_269 : memref<1x1x800xi32, #tpu.memory_space<vmem>> -> memref<800xi32, #tpu.memory_space<vmem>>
      %dma_start3A_271 = arith.constant 0 : i32
      %dma_start3A_272 = arith.constant 0 : i32
      %dma_start3A_273 = tpu.memref_slice %arg16[%dma_start3A_271, %dma_start3A_272] : memref<100032x16xf32, #tpu.memory_space<vmem_shared>> -> memref<100032x16xf32, #tpu.memory_space<vmem_shared>>
      tpu.enqueue_indirect_dma source(%dma_start3A_267 : memref<800x16xf32, #tpu.memory_space<vmem>>) target(%dma_start3A_273 : memref<100032x16xf32, #tpu.memory_space<vmem_shared>>) offsets(%dma_start3A_270 : memref<800xi32, #tpu.memory_space<vmem>>) semaphore(%arg12 : memref<!tpu.dma_semaphore, #tpu.memory_space<semaphore_mem>>) {add = true}
      %dma_wait3A_274 = arith.constant 1 : i32
      %dma_wait3A_275 = arith.constant 1 : i32
      %dma_wait3A_276 = arith.constant 1 : i32
      %dma_wait3A_277 = arith.constant 0 : i32
      %dma_wait3A_278 = arith.constant 0 : i32
      %dma_wait3A_279 = tpu.memref_slice %arg8[%dma_wait3A_274, %dma_wait3A_277, %dma_wait3A_278] : memref<2x800x16xf32, #tpu.memory_space<vmem>> -> memref<1x800x16xf32, #tpu.memory_space<vmem>>
      %dma_wait3A_280 = tpu.memref_squeeze %dma_wait3A_279 : memref<1x800x16xf32, #tpu.memory_space<vmem>> -> memref<800x16xf32, #tpu.memory_space<vmem>>
      %dma_wait3A_281 = arith.constant 0 : i32
      %dma_wait3A_282 = tpu.memref_slice %arg7[%dma_wait3A_275, %dma_wait3A_276, %dma_wait3A_281] : memref<3x2x800xi32, #tpu.memory_space<vmem>> -> memref<1x1x800xi32, #tpu.memory_space<vmem>>
      %dma_wait3A_283 = tpu.memref_squeeze %dma_wait3A_282 : memref<1x1x800xi32, #tpu.memory_space<vmem>> -> memref<800xi32, #tpu.memory_space<vmem>>
      %dma_wait3A_284 = arith.constant 0 : i32
      %dma_wait3A_285 = arith.constant 0 : i32
      %dma_wait3A_286 = tpu.memref_slice %arg16[%dma_wait3A_284, %dma_wait3A_285] : memref<100032x16xf32, #tpu.memory_space<vmem_shared>> -> memref<100032x16xf32, #tpu.memory_space<vmem_shared>>
      tpu.wait_indirect_dma semaphore(%arg12 : memref<!tpu.dma_semaphore, #tpu.memory_space<semaphore_mem>>) src(%dma_wait3A_280 : memref<800x16xf32, #tpu.memory_space<vmem>>) dst(%dma_wait3A_286 : memref<100032x16xf32, #tpu.memory_space<vmem_shared>>)
      %dma_wait3A_287 = arith.constant 0 : i32
      %dma_wait3A_288 = arith.constant 0 : i32
      %dma_wait3A_289 = arith.constant 0 : i32
      %dma_wait3A_290 = tpu.memref_slice %arg7[%dma_wait3A_287, %dma_wait3A_288, %dma_wait3A_289] : memref<3x2x800xi32, #tpu.memory_space<vmem>> -> memref<1x2x800xi32, #tpu.memory_space<vmem>>
      %dma_wait3A_291 = tpu.memref_squeeze %dma_wait3A_290 : memref<1x2x800xi32, #tpu.memory_space<vmem>> -> memref<2x800xi32, #tpu.memory_space<vmem>>
      %dma_wait3A_292 = arith.constant 0 : i32
      %dma_wait3A_293 = tpu.memref_slice %arg4[%dma_wait3A_292, %mul3A_4] : memref<2x3200000xi32, #tpu.memory_space<hbm>> -> memref<2x800xi32, #tpu.memory_space<hbm>>
      %dma_wait3A_294 = arith.constant 0 : i32
      %dma_wait3A_295 = arith.constant 0 : i32
      %dma_wait3A_296 = tpu.memref_slice %arg7[%dma_wait3A_287, %dma_wait3A_294, %dma_wait3A_295] : memref<3x2x800xi32, #tpu.memory_space<vmem>> -> memref<1x2x800xi32, #tpu.memory_space<vmem>>
      %dma_wait3A_297 = tpu.memref_squeeze %dma_wait3A_296 : memref<1x2x800xi32, #tpu.memory_space<vmem>> -> memref<2x800xi32, #tpu.memory_space<vmem>>
      %dma_wait3A_298 = arith.constant 0 : i32
      %dma_wait3A_299 = tpu.memref_slice %arg4[%dma_wait3A_298, %mul3A_4] : memref<2x3200000xi32, #tpu.memory_space<hbm>> -> memref<2x800xi32, #tpu.memory_space<hbm>>
      tpu.wait_dma2 semaphore(%arg13 : memref<!tpu.dma_semaphore, #tpu.memory_space<semaphore_mem>>) src(%dma_wait3A_299 : memref<2x800xi32, #tpu.memory_space<hbm>>) dst(%dma_wait3A_297 : memref<2x800xi32, #tpu.memory_space<vmem>>)
      %dma_start3A_300 = arith.constant 0 : i32
      %dma_start3A_301 = arith.constant 0 : i32
      %dma_start3A_302 = arith.constant 1 : i32
      %dma_start3A_303 = arith.constant 0 : i32
      %dma_start3A_304 = arith.constant 0 : i32
      %dma_start3A_305 = tpu.memref_slice %arg8[%dma_start3A_302, %dma_start3A_303, %dma_start3A_304] : memref<2x800x16xf32, #tpu.memory_space<vmem>> -> memref<1x800x16xf32, #tpu.memory_space<vmem>>
      %dma_start3A_306 = tpu.memref_squeeze %dma_start3A_305 : memref<1x800x16xf32, #tpu.memory_space<vmem>> -> memref<800x16xf32, #tpu.memory_space<vmem>>
      %dma_start3A_307 = arith.constant 0 : i32
      %dma_start3A_308 = tpu.memref_slice %arg7[%dma_start3A_300, %dma_start3A_301, %dma_start3A_307] : memref<3x2x800xi32, #tpu.memory_space<vmem>> -> memref<1x1x800xi32, #tpu.memory_space<vmem>>
      %dma_start3A_309 = tpu.memref_squeeze %dma_start3A_308 : memref<1x1x800xi32, #tpu.memory_space<vmem>> -> memref<800xi32, #tpu.memory_space<vmem>>
      %dma_start3A_310 = arith.constant 0 : i32
      %dma_start3A_311 = arith.constant 0 : i32
      %dma_start3A_312 = tpu.memref_slice %arg3[%dma_start3A_310, %dma_start3A_311] : memref<100032x16xf32, #tpu.memory_space<hbm>> -> memref<100032x16xf32, #tpu.memory_space<hbm>>
      tpu.enqueue_indirect_dma source(%dma_start3A_312 : memref<100032x16xf32, #tpu.memory_space<hbm>>) target(%dma_start3A_306 : memref<800x16xf32, #tpu.memory_space<vmem>>) offsets(%dma_start3A_309 : memref<800xi32, #tpu.memory_space<vmem>>) semaphore(%arg10 : memref<!tpu.dma_semaphore, #tpu.memory_space<semaphore_mem>>)
      %dma_wait3A_313 = arith.constant 2 : i32
      %dma_wait3A_314 = arith.constant 0 : i32
      %dma_wait3A_315 = arith.constant 0 : i32
      %dma_wait3A_316 = arith.constant 0 : i32
      %dma_wait3A_317 = arith.constant 0 : i32
      %dma_wait3A_318 = tpu.memref_slice %arg8[%dma_wait3A_315, %dma_wait3A_316, %dma_wait3A_317] : memref<2x800x16xf32, #tpu.memory_space<vmem>> -> memref<1x800x16xf32, #tpu.memory_space<vmem>>
      %dma_wait3A_319 = tpu.memref_squeeze %dma_wait3A_318 : memref<1x800x16xf32, #tpu.memory_space<vmem>> -> memref<800x16xf32, #tpu.memory_space<vmem>>
      %dma_wait3A_320 = arith.constant 0 : i32
      %dma_wait3A_321 = tpu.memref_slice %arg7[%dma_wait3A_313, %dma_wait3A_314, %dma_wait3A_320] : memref<3x2x800xi32, #tpu.memory_space<vmem>> -> memref<1x1x800xi32, #tpu.memory_space<vmem>>
      %dma_wait3A_322 = tpu.memref_squeeze %dma_wait3A_321 : memref<1x1x800xi32, #tpu.memory_space<vmem>> -> memref<800xi32, #tpu.memory_space<vmem>>
      %dma_wait3A_323 = arith.constant 0 : i32
      %dma_wait3A_324 = arith.constant 0 : i32
      %dma_wait3A_325 = tpu.memref_slice %arg3[%dma_wait3A_323, %dma_wait3A_324] : memref<100032x16xf32, #tpu.memory_space<hbm>> -> memref<100032x16xf32, #tpu.memory_space<hbm>>
      tpu.wait_indirect_dma semaphore(%arg9 : memref<!tpu.dma_semaphore, #tpu.memory_space<semaphore_mem>>) src(%dma_wait3A_325 : memref<100032x16xf32, #tpu.memory_space<hbm>>) dst(%dma_wait3A_319 : memref<800x16xf32, #tpu.memory_space<vmem>>)
      %dma_start3A_326 = arith.constant 0 : i32
      %dma_start3A_327 = arith.constant 2 : i32
      %dma_start3A_328 = arith.constant 1 : i32
      %dma_start3A_329 = arith.constant 0 : i32
      %dma_start3A_330 = arith.constant 0 : i32
      %dma_start3A_331 = tpu.memref_slice %arg8[%dma_start3A_326, %dma_start3A_329, %dma_start3A_330] : memref<2x800x16xf32, #tpu.memory_space<vmem>> -> memref<1x800x16xf32, #tpu.memory_space<vmem>>
      %dma_start3A_332 = tpu.memref_squeeze %dma_start3A_331 : memref<1x800x16xf32, #tpu.memory_space<vmem>> -> memref<800x16xf32, #tpu.memory_space<vmem>>
      %dma_start3A_333 = arith.constant 0 : i32
      %dma_start3A_334 = tpu.memref_slice %arg7[%dma_start3A_327, %dma_start3A_328, %dma_start3A_333] : memref<3x2x800xi32, #tpu.memory_space<vmem>> -> memref<1x1x800xi32, #tpu.memory_space<vmem>>
      %dma_start3A_335 = tpu.memref_squeeze %dma_start3A_334 : memref<1x1x800xi32, #tpu.memory_space<vmem>> -> memref<800xi32, #tpu.memory_space<vmem>>
      %dma_start3A_336 = arith.constant 0 : i32
      %dma_start3A_337 = arith.constant 0 : i32
      %dma_start3A_338 = tpu.memref_slice %arg16[%dma_start3A_336, %dma_start3A_337] : memref<100032x16xf32, #tpu.memory_space<vmem_shared>> -> memref<100032x16xf32, #tpu.memory_space<vmem_shared>>
      tpu.enqueue_indirect_dma source(%dma_start3A_332 : memref<800x16xf32, #tpu.memory_space<vmem>>) target(%dma_start3A_338 : memref<100032x16xf32, #tpu.memory_space<vmem_shared>>) offsets(%dma_start3A_335 : memref<800xi32, #tpu.memory_space<vmem>>) semaphore(%arg11 : memref<!tpu.dma_semaphore, #tpu.memory_space<semaphore_mem>>) {add = true}
      %dma_wait3A_339 = arith.constant 0 : i32
      %dma_wait3A_340 = arith.constant 0 : i32
      %dma_wait3A_341 = arith.constant 1 : i32
      %dma_wait3A_342 = arith.constant 0 : i32
      %dma_wait3A_343 = arith.constant 0 : i32
      %dma_wait3A_344 = tpu.memref_slice %arg8[%dma_wait3A_341, %dma_wait3A_342, %dma_wait3A_343] : memref<2x800x16xf32, #tpu.memory_space<vmem>> -> memref<1x800x16xf32, #tpu.memory_space<vmem>>
      %dma_wait3A_345 = tpu.memref_squeeze %dma_wait3A_344 : memref<1x800x16xf32, #tpu.memory_space<vmem>> -> memref<800x16xf32, #tpu.memory_space<vmem>>
      %dma_wait3A_346 = arith.constant 0 : i32
      %dma_wait3A_347 = tpu.memref_slice %arg7[%dma_wait3A_339, %dma_wait3A_340, %dma_wait3A_346] : memref<3x2x800xi32, #tpu.memory_space<vmem>> -> memref<1x1x800xi32, #tpu.memory_space<vmem>>
      %dma_wait3A_348 = tpu.memref_squeeze %dma_wait3A_347 : memref<1x1x800xi32, #tpu.memory_space<vmem>> -> memref<800xi32, #tpu.memory_space<vmem>>
      %dma_wait3A_349 = arith.constant 0 : i32
      %dma_wait3A_350 = arith.constant 0 : i32
      %dma_wait3A_351 = tpu.memref_slice %arg3[%dma_wait3A_349, %dma_wait3A_350] : memref<100032x16xf32, #tpu.memory_space<hbm>> -> memref<100032x16xf32, #tpu.memory_space<hbm>>
      tpu.wait_indirect_dma semaphore(%arg10 : memref<!tpu.dma_semaphore, #tpu.memory_space<semaphore_mem>>) src(%dma_wait3A_351 : memref<100032x16xf32, #tpu.memory_space<hbm>>) dst(%dma_wait3A_345 : memref<800x16xf32, #tpu.memory_space<vmem>>)
      %dma_start3A_352 = arith.constant 1 : i32
      %dma_start3A_353 = arith.constant 0 : i32
      %dma_start3A_354 = arith.constant 1 : i32
      %dma_start3A_355 = arith.constant 0 : i32
      %dma_start3A_356 = arith.constant 0 : i32
      %dma_start3A_357 = tpu.memref_slice %arg8[%dma_start3A_352, %dma_start3A_355, %dma_start3A_356] : memref<2x800x16xf32, #tpu.memory_space<vmem>> -> memref<1x800x16xf32, #tpu.memory_space<vmem>>
      %dma_start3A_358 = tpu.memref_squeeze %dma_start3A_357 : memref<1x800x16xf32, #tpu.memory_space<vmem>> -> memref<800x16xf32, #tpu.memory_space<vmem>>
      %dma_start3A_359 = arith.constant 0 : i32
      %dma_start3A_360 = tpu.memref_slice %arg7[%dma_start3A_353, %dma_start3A_354, %dma_start3A_359] : memref<3x2x800xi32, #tpu.memory_space<vmem>> -> memref<1x1x800xi32, #tpu.memory_space<vmem>>
      %dma_start3A_361 = tpu.memref_squeeze %dma_start3A_360 : memref<1x1x800xi32, #tpu.memory_space<vmem>> -> memref<800xi32, #tpu.memory_space<vmem>>
      %dma_start3A_362 = arith.constant 0 : i32
      %dma_start3A_363 = arith.constant 0 : i32
      %dma_start3A_364 = tpu.memref_slice %arg16[%dma_start3A_362, %dma_start3A_363] : memref<100032x16xf32, #tpu.memory_space<vmem_shared>> -> memref<100032x16xf32, #tpu.memory_space<vmem_shared>>
      tpu.enqueue_indirect_dma source(%dma_start3A_358 : memref<800x16xf32, #tpu.memory_space<vmem>>) target(%dma_start3A_364 : memref<100032x16xf32, #tpu.memory_space<vmem_shared>>) offsets(%dma_start3A_361 : memref<800xi32, #tpu.memory_space<vmem>>) semaphore(%arg12 : memref<!tpu.dma_semaphore, #tpu.memory_space<semaphore_mem>>) {add = true}
      %dma_wait3A_365 = arith.constant 0 : i32
      %dma_wait3A_366 = arith.constant 2 : i32
      %dma_wait3A_367 = arith.constant 1 : i32
      %dma_wait3A_368 = arith.constant 0 : i32
      %dma_wait3A_369 = arith.constant 0 : i32
      %dma_wait3A_370 = tpu.memref_slice %arg8[%dma_wait3A_365, %dma_wait3A_368, %dma_wait3A_369] : memref<2x800x16xf32, #tpu.memory_space<vmem>> -> memref<1x800x16xf32, #tpu.memory_space<vmem>>
      %dma_wait3A_371 = tpu.memref_squeeze %dma_wait3A_370 : memref<1x800x16xf32, #tpu.memory_space<vmem>> -> memref<800x16xf32, #tpu.memory_space<vmem>>
      %dma_wait3A_372 = arith.constant 0 : i32
      %dma_wait3A_373 = tpu.memref_slice %arg7[%dma_wait3A_366, %dma_wait3A_367, %dma_wait3A_372] : memref<3x2x800xi32, #tpu.memory_space<vmem>> -> memref<1x1x800xi32, #tpu.memory_space<vmem>>
      %dma_wait3A_374 = tpu.memref_squeeze %dma_wait3A_373 : memref<1x1x800xi32, #tpu.memory_space<vmem>> -> memref<800xi32, #tpu.memory_space<vmem>>
      %dma_wait3A_375 = arith.constant 0 : i32
      %dma_wait3A_376 = arith.constant 0 : i32
      %dma_wait3A_377 = tpu.memref_slice %arg16[%dma_wait3A_375, %dma_wait3A_376] : memref<100032x16xf32, #tpu.memory_space<vmem_shared>> -> memref<100032x16xf32, #tpu.memory_space<vmem_shared>>
      tpu.wait_indirect_dma semaphore(%arg11 : memref<!tpu.dma_semaphore, #tpu.memory_space<semaphore_mem>>) src(%dma_wait3A_371 : memref<800x16xf32, #tpu.memory_space<vmem>>) dst(%dma_wait3A_377 : memref<100032x16xf32, #tpu.memory_space<vmem_shared>>)
      %dma_wait3A_378 = arith.constant 1 : i32
      %dma_wait3A_379 = arith.constant 0 : i32
      %dma_wait3A_380 = arith.constant 1 : i32
      %dma_wait3A_381 = arith.constant 0 : i32
      %dma_wait3A_382 = arith.constant 0 : i32
      %dma_wait3A_383 = tpu.memref_slice %arg8[%dma_wait3A_378, %dma_wait3A_381, %dma_wait3A_382] : memref<2x800x16xf32, #tpu.memory_space<vmem>> -> memref<1x800x16xf32, #tpu.memory_space<vmem>>
      %dma_wait3A_384 = tpu.memref_squeeze %dma_wait3A_383 : memref<1x800x16xf32, #tpu.memory_space<vmem>> -> memref<800x16xf32, #tpu.memory_space<vmem>>
      %dma_wait3A_385 = arith.constant 0 : i32
      %dma_wait3A_386 = tpu.memref_slice %arg7[%dma_wait3A_379, %dma_wait3A_380, %dma_wait3A_385] : memref<3x2x800xi32, #tpu.memory_space<vmem>> -> memref<1x1x800xi32, #tpu.memory_space<vmem>>
      %dma_wait3A_387 = tpu.memref_squeeze %dma_wait3A_386 : memref<1x1x800xi32, #tpu.memory_space<vmem>> -> memref<800xi32, #tpu.memory_space<vmem>>
      %dma_wait3A_388 = arith.constant 0 : i32
      %dma_wait3A_389 = arith.constant 0 : i32
      %dma_wait3A_390 = tpu.memref_slice %arg16[%dma_wait3A_388, %dma_wait3A_389] : memref<100032x16xf32, #tpu.memory_space<vmem_shared>> -> memref<100032x16xf32, #tpu.memory_space<vmem_shared>>
      tpu.wait_indirect_dma semaphore(%arg12 : memref<!tpu.dma_semaphore, #tpu.memory_space<semaphore_mem>>) src(%dma_wait3A_384 : memref<800x16xf32, #tpu.memory_space<vmem>>) dst(%dma_wait3A_390 : memref<100032x16xf32, #tpu.memory_space<vmem_shared>>)
    } else {
    }
    %barrier3A_12 = arith.constant 0 : index
    tpu.barrier barrier_id(%barrier3A_12)
    %mul3A_13 = arith.constant 6252 : i32
    %mul3A_14 = arith.muli %arg1, %mul3A_13 : i32
    %mul3A_15 = arith.constant 6252 : i32
    %mul3A_16 = arith.muli %arg1, %mul3A_15 : i32
    "tpu.region"() ({
      %run_scoped3A = tpu.sem_alloc : memref<!tpu.dma_semaphore, #tpu.memory_space<semaphore_mem>>
      %dma_start3A = arith.constant 0 : i32
      %dma_start3A_17 = tpu.memref_slice %arg6[%arg0, %mul3A_16, %dma_start3A] : memref<2x100032x16xf32, #tpu.memory_space<hbm>> -> memref<1x6252x16xf32, #tpu.memory_space<hbm>>
      %dma_start3A_18 = tpu.memref_squeeze %dma_start3A_17 : memref<1x6252x16xf32, #tpu.memory_space<hbm>> -> memref<6252x16xf32, #tpu.memory_space<hbm>>
      %dma_start3A_19 = arith.constant 0 : i32
      %dma_start3A_20 = tpu.memref_slice %arg16[%mul3A_14, %dma_start3A_19] : memref<100032x16xf32, #tpu.memory_space<vmem_shared>> -> memref<6252x16xf32, #tpu.memory_space<vmem_shared>>
      tpu.enqueue_dma source(%dma_start3A_20 : memref<6252x16xf32, #tpu.memory_space<vmem_shared>>) target(%dma_start3A_18 : memref<6252x16xf32, #tpu.memory_space<hbm>>) target_semaphore(%run_scoped3A : memref<!tpu.dma_semaphore, #tpu.memory_space<semaphore_mem>>)
      %dma_wait3A = arith.constant 0 : i32
      %dma_wait3A_21 = tpu.memref_slice %arg6[%arg0, %mul3A_16, %dma_wait3A] : memref<2x100032x16xf32, #tpu.memory_space<hbm>> -> memref<1x6252x16xf32, #tpu.memory_space<hbm>>
      %dma_wait3A_22 = tpu.memref_squeeze %dma_wait3A_21 : memref<1x6252x16xf32, #tpu.memory_space<hbm>> -> memref<6252x16xf32, #tpu.memory_space<hbm>>
      %dma_wait3A_23 = arith.constant 0 : i32
      %dma_wait3A_24 = tpu.memref_slice %arg16[%mul3A_14, %dma_wait3A_23] : memref<100032x16xf32, #tpu.memory_space<vmem_shared>> -> memref<6252x16xf32, #tpu.memory_space<vmem_shared>>
      tpu.wait_dma2 semaphore(%run_scoped3A : memref<!tpu.dma_semaphore, #tpu.memory_space<semaphore_mem>>) src(%dma_wait3A_24 : memref<6252x16xf32, #tpu.memory_space<vmem_shared>>) dst(%dma_wait3A_22 : memref<6252x16xf32, #tpu.memory_space<hbm>>)
      tpu.yield
    }) : () -> ()
    return
  }
}

module attributes {stable_mosaic.version = 14 : i64} {
  func.func @body(%arg0: memref<12504x128xf32, #tpu.memory_space<vmem>>, %arg1: memref<128x128xf32, #tpu.memory_space<vmem>>, %arg2: memref<12504x128xf32, #tpu.memory_space<vmem>>) attributes {dimension_semantics = [], scalar_prefetch = 0 : i64, scratch_operands = 0 : i64, tpu.core_type = #tpu.core_type<tc>} {
    %get3A = arith.constant 0 : index
    %get3A_0 = arith.constant 0 : index
    %get3A_1 = vector.load %arg0[%get3A, %get3A_0] : memref<12504x128xf32, #tpu.memory_space<vmem>>, vector<12504x128xf32>
    %get3A_2 = arith.constant 0 : index
    %get3A_3 = arith.constant 0 : index
    %get3A_4 = vector.load %arg1[%get3A_2, %get3A_3] : memref<128x128xf32, #tpu.memory_space<vmem>>, vector<128x128xf32>
    %dot_general3A = arith.constant dense<0.000000e+00> : vector<12504x128xf32>
    %dot_general3A_5 = tpu.matmul %get3A_1, %get3A_4, %dot_general3A {dimension_numbers = #tpu.dot_dimension_numbers<[1], [0], [0], [1], [0, 0, 1, 1], [], []>, transpose_lhs_hint = false} : vector<12504x128xf32>, vector<128x128xf32>, vector<12504x128xf32> -> vector<12504x128xf32>
    %swap3A = arith.constant 0 : index
    %swap3A_6 = arith.constant 0 : index
    %swap3A_7 = vector.load %arg2[%swap3A, %swap3A_6] : memref<12504x128xf32, #tpu.memory_space<vmem>>, vector<12504x128xf32>
    tpu.vector_store %arg2[%swap3A, %swap3A_6], %dot_general3A_5 {strides = array<i32>} : memref<12504x128xf32, #tpu.memory_space<vmem>>, vector<12504x128xf32>,
    return
  }
}

module attributes {stable_mosaic.version = 14 : i64} {
  func.func @body(%arg0: memref<2x12504x128xf32, #tpu.memory_space<vmem>>, %arg1: memref<12504x128xf32, #tpu.memory_space<vmem>>, %arg2: memref<12504x128xf32, #tpu.memory_space<vmem>>, %arg3: memref<12504x128xf32, #tpu.memory_space<vmem>>) attributes {dimension_semantics = [], scalar_prefetch = 0 : i64, scratch_operands = 0 : i64, tpu.core_type = #tpu.core_type<tc>} {
    %get3A = arith.constant 0 : index
    %get3A_0 = arith.constant 0 : index
    %get3A_1 = arith.constant 0 : index
    %get3A_2 = vector.load %arg0[%get3A, %get3A_0, %get3A_1] : memref<2x12504x128xf32, #tpu.memory_space<vmem>>, vector<1x12504x128xf32>
    %get3A_3 = vector.shape_cast %get3A_2 : vector<1x12504x128xf32> to vector<12504x128xf32>
    %get3A_4 = arith.constant 1 : index
    %get3A_5 = arith.constant 0 : index
    %get3A_6 = arith.constant 0 : index
    %get3A_7 = vector.load %arg0[%get3A_4, %get3A_5, %get3A_6] : memref<2x12504x128xf32, #tpu.memory_space<vmem>>, vector<1x12504x128xf32>
    %get3A_8 = vector.shape_cast %get3A_7 : vector<1x12504x128xf32> to vector<12504x128xf32>
    %add3A = arith.addf %get3A_3, %get3A_8 : vector<12504x128xf32>
    %add3A_9 = arith.constant 1.000000e+00 : f32
    %add3A_10 = vector.broadcast %add3A_9 : f32 to vector<12504x128xf32>
    %add3A_11 = arith.addf %add3A, %add3A_10 : vector<12504x128xf32>
    %rsqrt3A = math.rsqrt %add3A_11 : vector<12504x128xf32>
    %swap3A = arith.constant 0 : index
    %swap3A_12 = arith.constant 0 : index
    %swap3A_13 = vector.load %arg2[%swap3A, %swap3A_12] : memref<12504x128xf32, #tpu.memory_space<vmem>>, vector<12504x128xf32>
    tpu.vector_store %arg2[%swap3A, %swap3A_12], %rsqrt3A {strides = array<i32>} : memref<12504x128xf32, #tpu.memory_space<vmem>>, vector<12504x128xf32>,
    %get3A_14 = arith.constant 0 : index
    %get3A_15 = arith.constant 0 : index
    %get3A_16 = vector.load %arg1[%get3A_14, %get3A_15] : memref<12504x128xf32, #tpu.memory_space<vmem>>, vector<12504x128xf32>
    %mul3A = arith.mulf %rsqrt3A, %get3A_16 : vector<12504x128xf32>
    %swap3A_17 = arith.constant 0 : index
    %swap3A_18 = arith.constant 0 : index
    %swap3A_19 = vector.load %arg3[%swap3A_17, %swap3A_18] : memref<12504x128xf32, #tpu.memory_space<vmem>>, vector<12504x128xf32>
    tpu.vector_store %arg3[%swap3A_17, %swap3A_18], %mul3A {strides = array<i32>} : memref<12504x128xf32, #tpu.memory_space<vmem>>, vector<12504x128xf32>,
    return
  }
}

module attributes {stable_mosaic.version = 14 : i64} {
  func.func @body(%arg0: memref<2x12504x128xf32, #tpu.memory_space<vmem>>, %arg1: memref<12504x128xf32, #tpu.memory_space<vmem>>, %arg2: memref<12504x128xf32, #tpu.memory_space<vmem>>, %arg3: memref<128x128xf32, #tpu.memory_space<vmem>>, %arg4: memref<128x128xf32, #tpu.memory_space<vmem>>, %arg5: memref<1x128xf32, #tpu.memory_space<vmem>>, %arg6: memref<12504x128xf32, #tpu.memory_space<vmem>>, %arg7: memref<12504x128xf32, #tpu.memory_space<vmem>>) attributes {dimension_semantics = [], scalar_prefetch = 0 : i64, scratch_operands = 0 : i64, tpu.core_type = #tpu.core_type<tc>} {
    %get3A = arith.constant 0 : index
    %get3A_0 = arith.constant 0 : index
    %get3A_1 = vector.load %arg2[%get3A, %get3A_0] : memref<12504x128xf32, #tpu.memory_space<vmem>>, vector<12504x128xf32>
    %get3A_2 = arith.constant 0 : index
    %get3A_3 = arith.constant 0 : index
    %get3A_4 = arith.constant 0 : index
    %get3A_5 = vector.load %arg0[%get3A_2, %get3A_3, %get3A_4] : memref<2x12504x128xf32, #tpu.memory_space<vmem>>, vector<1x12504x128xf32>
    %get3A_6 = vector.shape_cast %get3A_5 : vector<1x12504x128xf32> to vector<12504x128xf32>
    %get3A_7 = arith.constant 1 : index
    %get3A_8 = arith.constant 0 : index
    %get3A_9 = arith.constant 0 : index
    %get3A_10 = vector.load %arg0[%get3A_7, %get3A_8, %get3A_9] : memref<2x12504x128xf32, #tpu.memory_space<vmem>>, vector<1x12504x128xf32>
    %get3A_11 = vector.shape_cast %get3A_10 : vector<1x12504x128xf32> to vector<12504x128xf32>
    %add3A = arith.addf %get3A_6, %get3A_11 : vector<12504x128xf32>
    %get3A_12 = arith.constant 0 : index
    %get3A_13 = arith.constant 0 : index
    %get3A_14 = vector.load %arg1[%get3A_12, %get3A_13] : memref<12504x128xf32, #tpu.memory_space<vmem>>, vector<12504x128xf32>
    %add3A_15 = arith.addf %add3A, %get3A_14 : vector<12504x128xf32>
    %mul3A = arith.mulf %get3A_1, %add3A_15 : vector<12504x128xf32>
    %get3A_16 = arith.constant 0 : index
    %get3A_17 = arith.constant 0 : index
    %get3A_18 = vector.load %arg5[%get3A_16, %get3A_17] : memref<1x128xf32, #tpu.memory_space<vmem>>, vector<1x128xf32>
    %add3A_19 = vector.broadcast %get3A_18 : vector<1x128xf32> to vector<12504x128xf32>
    %add3A_20 = arith.addf %mul3A, %add3A_19 : vector<12504x128xf32>
    %max3A = arith.constant 0.000000e+00 : f32
    %max3A_21 = vector.broadcast %max3A : f32 to vector<12504x128xf32>
    %max3A_22 = arith.maximumf %add3A_20, %max3A_21 : vector<12504x128xf32>
    %get3A_23 = arith.constant 0 : index
    %get3A_24 = arith.constant 0 : index
    %get3A_25 = vector.load %arg3[%get3A_23, %get3A_24] : memref<128x128xf32, #tpu.memory_space<vmem>>, vector<128x128xf32>
    %dot_general3A = arith.constant dense<0.000000e+00> : vector<12504x128xf32>
    %dot_general3A_26 = tpu.matmul %max3A_22, %get3A_25, %dot_general3A {dimension_numbers = #tpu.dot_dimension_numbers<[1], [0], [0], [1], [0, 0, 1, 1], [], []>, transpose_lhs_hint = false} : vector<12504x128xf32>, vector<128x128xf32>, vector<12504x128xf32> -> vector<12504x128xf32>
    %mul3A_27 = arith.mulf %get3A_1, %dot_general3A_26 : vector<12504x128xf32>
    %swap3A = arith.constant 0 : index
    %swap3A_28 = arith.constant 0 : index
    %swap3A_29 = vector.load %arg6[%swap3A, %swap3A_28] : memref<12504x128xf32, #tpu.memory_space<vmem>>, vector<12504x128xf32>
    tpu.vector_store %arg6[%swap3A, %swap3A_28], %mul3A_27 {strides = array<i32>} : memref<12504x128xf32, #tpu.memory_space<vmem>>, vector<12504x128xf32>,
    %get3A_30 = arith.constant 0 : index
    %get3A_31 = arith.constant 0 : index
    %get3A_32 = vector.load %arg4[%get3A_30, %get3A_31] : memref<128x128xf32, #tpu.memory_space<vmem>>, vector<128x128xf32>
    %dot_general3A_33 = arith.constant dense<0.000000e+00> : vector<12504x128xf32>
    %dot_general3A_34 = tpu.matmul %max3A_22, %get3A_32, %dot_general3A_33 {dimension_numbers = #tpu.dot_dimension_numbers<[1], [0], [0], [1], [0, 0, 1, 1], [], []>, transpose_lhs_hint = false} : vector<12504x128xf32>, vector<128x128xf32>, vector<12504x128xf32> -> vector<12504x128xf32>
    %mul3A_35 = arith.mulf %get3A_1, %dot_general3A_34 : vector<12504x128xf32>
    %swap3A_36 = arith.constant 0 : index
    %swap3A_37 = arith.constant 0 : index
    %swap3A_38 = vector.load %arg7[%swap3A_36, %swap3A_37] : memref<12504x128xf32, #tpu.memory_space<vmem>>, vector<12504x128xf32>
    tpu.vector_store %arg7[%swap3A_36, %swap3A_37], %mul3A_35 {strides = array<i32>} : memref<12504x128xf32, #tpu.memory_space<vmem>>, vector<12504x128xf32>,
    return
  }
}

module attributes {stable_mosaic.version = 14 : i64} {
  func.func @body(%arg0: memref<2x12504x128xf32, #tpu.memory_space<vmem>>, %arg1: memref<12504x128xf32, #tpu.memory_space<vmem>>, %arg2: memref<12504x128xf32, #tpu.memory_space<vmem>>, %arg3: memref<12504x128xf32, #tpu.memory_space<vmem>>, %arg4: memref<1x128xf32, #tpu.memory_space<vmem>>, %arg5: memref<1x128xf32, #tpu.memory_space<vmem>>, %arg6: memref<1x64xi32, #tpu.memory_space<vmem>>, %arg7: memref<1x64xi32, #tpu.memory_space<vmem>>, %arg8: memref<64x1xi32, #tpu.memory_space<vmem>>, %arg9: memref<64x1xi32, #tpu.memory_space<vmem>>, %arg10: memref<32x1xf32, #tpu.memory_space<vmem>>, %arg11: memref<1x1xf32, #tpu.memory_space<vmem>>, %arg12: memref<64x1xf32, #tpu.memory_space<vmem>>) attributes {dimension_semantics = [], scalar_prefetch = 0 : i64, scratch_operands = 0 : i64, tpu.core_type = #tpu.core_type<tc>} {
    %get3A = arith.constant 0 : index
    %get3A_0 = arith.constant 0 : index
    %get3A_1 = vector.load %arg3[%get3A, %get3A_0] : memref<12504x128xf32, #tpu.memory_space<vmem>>, vector<12504x128xf32>
    %get3A_2 = arith.constant 0 : index
    %get3A_3 = arith.constant 0 : index
    %get3A_4 = arith.constant 0 : index
    %get3A_5 = vector.load %arg0[%get3A_2, %get3A_3, %get3A_4] : memref<2x12504x128xf32, #tpu.memory_space<vmem>>, vector<1x12504x128xf32>
    %get3A_6 = vector.shape_cast %get3A_5 : vector<1x12504x128xf32> to vector<12504x128xf32>
    %get3A_7 = arith.constant 0 : index
    %get3A_8 = arith.constant 0 : index
    %get3A_9 = vector.load %arg1[%get3A_7, %get3A_8] : memref<12504x128xf32, #tpu.memory_space<vmem>>, vector<12504x128xf32>
    %add3A = arith.addf %get3A_6, %get3A_9 : vector<12504x128xf32>
    %mul3A = arith.mulf %get3A_1, %add3A : vector<12504x128xf32>
    %get3A_10 = arith.constant 0 : index
    %get3A_11 = arith.constant 0 : index
    %get3A_12 = vector.load %arg4[%get3A_10, %get3A_11] : memref<1x128xf32, #tpu.memory_space<vmem>>, vector<1x128xf32>
    %add3A_13 = vector.broadcast %get3A_12 : vector<1x128xf32> to vector<12504x128xf32>
    %add3A_14 = arith.addf %mul3A, %add3A_13 : vector<12504x128xf32>
    %max3A = arith.constant 0.000000e+00 : f32
    %max3A_15 = vector.broadcast %max3A : f32 to vector<12504x128xf32>
    %max3A_16 = arith.maximumf %add3A_14, %max3A_15 : vector<12504x128xf32>
    %get3A_17 = arith.constant 1 : index
    %get3A_18 = arith.constant 0 : index
    %get3A_19 = arith.constant 0 : index
    %get3A_20 = vector.load %arg0[%get3A_17, %get3A_18, %get3A_19] : memref<2x12504x128xf32, #tpu.memory_space<vmem>>, vector<1x12504x128xf32>
    %get3A_21 = vector.shape_cast %get3A_20 : vector<1x12504x128xf32> to vector<12504x128xf32>
    %get3A_22 = arith.constant 0 : index
    %get3A_23 = arith.constant 0 : index
    %get3A_24 = vector.load %arg2[%get3A_22, %get3A_23] : memref<12504x128xf32, #tpu.memory_space<vmem>>, vector<12504x128xf32>
    %add3A_25 = arith.addf %get3A_21, %get3A_24 : vector<12504x128xf32>
    %mul3A_26 = arith.mulf %get3A_1, %add3A_25 : vector<12504x128xf32>
    %get3A_27 = arith.constant 0 : index
    %get3A_28 = arith.constant 0 : index
    %get3A_29 = vector.load %arg5[%get3A_27, %get3A_28] : memref<1x128xf32, #tpu.memory_space<vmem>>, vector<1x128xf32>
    %add3A_30 = vector.broadcast %get3A_29 : vector<1x128xf32> to vector<12504x128xf32>
    %add3A_31 = arith.addf %mul3A_26, %add3A_30 : vector<12504x128xf32>
    %max3A_32 = arith.constant 0.000000e+00 : f32
    %max3A_33 = vector.broadcast %max3A_32 : f32 to vector<12504x128xf32>
    %max3A_34 = arith.maximumf %add3A_31, %max3A_33 : vector<12504x128xf32>
    %get3A_35 = arith.constant 0 : index
    %get3A_36 = arith.constant 0 : index
    %get3A_37 = vector.load %arg6[%get3A_35, %get3A_36] : memref<1x64xi32, #tpu.memory_space<vmem>>, vector<1x64xi32>
    %get3A_38 = arith.constant 0 : index
    %get3A_39 = arith.constant 0 : index
    %get3A_40 = vector.load %arg7[%get3A_38, %get3A_39] : memref<1x64xi32, #tpu.memory_space<vmem>>, vector<1x64xi32>
    %iota3A = tpu.iota {dimensions = array<i32: 0>} : vector<12504x64xi32>
    %broadcast_in_dim3A = arith.constant 0.000000e+00 : f32
    %broadcast_in_dim3A_41 = vector.broadcast %broadcast_in_dim3A : f32 to vector<64x16xf32>
    %broadcast_in_dim3A_42 = arith.constant 0.000000e+00 : f32
    %broadcast_in_dim3A_43 = vector.broadcast %broadcast_in_dim3A_42 : f32 to vector<64x16xf32>
    %mul3A_44 = arith.constant 8 : i32
    %mul3A_45 = vector.broadcast %mul3A_44 : i32 to vector<12504x64xi32>
    %mul3A_46 = arith.muli %iota3A, %mul3A_45 : vector<12504x64xi32>
    %add3A_47 = arith.constant 0 : i32
    %add3A_48 = vector.broadcast %add3A_47 : i32 to vector<12504x64xi32>
    %add3A_49 = arith.addi %mul3A_46, %add3A_48 : vector<12504x64xi32>
    %ge3A = vector.broadcast %get3A_37 : vector<1x64xi32> to vector<12504x64xi32>
    %ge3A_50 = arith.cmpi sge, %add3A_49, %ge3A : vector<12504x64xi32>
    %lt3A = vector.broadcast %get3A_40 : vector<1x64xi32> to vector<12504x64xi32>
    %lt3A_51 = arith.cmpi slt, %add3A_49, %lt3A : vector<12504x64xi32>
    %and3A = arith.andi %ge3A_50, %lt3A_51 : vector<12504x64xi1>
    %convert_element_type3A = arith.extui %and3A : vector<12504x64xi1> to vector<12504x64xi32>
    %convert_element_type3A_52 = arith.sitofp %convert_element_type3A : vector<12504x64xi32> to vector<12504x64xf32>
    %dot_general3A = arith.constant dense<0.000000e+00> : vector<64x128xf32>
    %dot_general3A_53 = tpu.matmul %convert_element_type3A_52, %max3A_16, %dot_general3A {dimension_numbers = #tpu.dot_dimension_numbers<[0], [0], [1], [1], [0, 1, 1, 1], [], []>, transpose_lhs_hint = false} : vector<12504x64xf32>, vector<12504x128xf32>, vector<64x128xf32> -> vector<64x128xf32>
    %dot_general3A_54 = arith.constant dense<0.000000e+00> : vector<64x128xf32>
    %dot_general3A_55 = tpu.matmul %convert_element_type3A_52, %max3A_34, %dot_general3A_54 {dimension_numbers = #tpu.dot_dimension_numbers<[0], [0], [1], [1], [0, 1, 1, 1], [], []>, transpose_lhs_hint = false} : vector<12504x64xf32>, vector<12504x128xf32>, vector<64x128xf32> -> vector<64x128xf32>
    %slice3A = vector.extract_strided_slice %dot_general3A_53 {offsets = [0, 0], sizes = [64, 16], strides = [1, 1]} : vector<64x128xf32> to vector<64x16xf32>
    %add3A_56 = arith.addf %broadcast_in_dim3A_41, %slice3A : vector<64x16xf32>
    %slice3A_57 = vector.extract_strided_slice %dot_general3A_55 {offsets = [0, 0], sizes = [64, 16], strides = [1, 1]} : vector<64x128xf32> to vector<64x16xf32>
    %add3A_58 = arith.addf %broadcast_in_dim3A_43, %slice3A_57 : vector<64x16xf32>
    %mul3A_59 = arith.constant 8 : i32
    %mul3A_60 = vector.broadcast %mul3A_59 : i32 to vector<12504x64xi32>
    %mul3A_61 = arith.muli %iota3A, %mul3A_60 : vector<12504x64xi32>
    %add3A_62 = arith.constant 1 : i32
    %add3A_63 = vector.broadcast %add3A_62 : i32 to vector<12504x64xi32>
    %add3A_64 = arith.addi %mul3A_61, %add3A_63 : vector<12504x64xi32>
    %ge3A_65 = vector.broadcast %get3A_37 : vector<1x64xi32> to vector<12504x64xi32>
    %ge3A_66 = arith.cmpi sge, %add3A_64, %ge3A_65 : vector<12504x64xi32>
    %lt3A_67 = vector.broadcast %get3A_40 : vector<1x64xi32> to vector<12504x64xi32>
    %lt3A_68 = arith.cmpi slt, %add3A_64, %lt3A_67 : vector<12504x64xi32>
    %and3A_69 = arith.andi %ge3A_66, %lt3A_68 : vector<12504x64xi1>
    %convert_element_type3A_70 = arith.extui %and3A_69 : vector<12504x64xi1> to vector<12504x64xi32>
    %convert_element_type3A_71 = arith.sitofp %convert_element_type3A_70 : vector<12504x64xi32> to vector<12504x64xf32>
    %dot_general3A_72 = arith.constant dense<0.000000e+00> : vector<64x128xf32>
    %dot_general3A_73 = tpu.matmul %convert_element_type3A_71, %max3A_16, %dot_general3A_72 {dimension_numbers = #tpu.dot_dimension_numbers<[0], [0], [1], [1], [0, 1, 1, 1], [], []>, transpose_lhs_hint = false} : vector<12504x64xf32>, vector<12504x128xf32>, vector<64x128xf32> -> vector<64x128xf32>
    %dot_general3A_74 = arith.constant dense<0.000000e+00> : vector<64x128xf32>
    %dot_general3A_75 = tpu.matmul %convert_element_type3A_71, %max3A_34, %dot_general3A_74 {dimension_numbers = #tpu.dot_dimension_numbers<[0], [0], [1], [1], [0, 1, 1, 1], [], []>, transpose_lhs_hint = false} : vector<12504x64xf32>, vector<12504x128xf32>, vector<64x128xf32> -> vector<64x128xf32>
    %slice3A_76 = vector.extract_strided_slice %dot_general3A_73 {offsets = [0, 16], sizes = [64, 16], strides = [1, 1]} : vector<64x128xf32> to vector<64x16xf32>
    %add3A_77 = arith.addf %add3A_56, %slice3A_76 : vector<64x16xf32>
    %slice3A_78 = vector.extract_strided_slice %dot_general3A_75 {offsets = [0, 16], sizes = [64, 16], strides = [1, 1]} : vector<64x128xf32> to vector<64x16xf32>
    %add3A_79 = arith.addf %add3A_58, %slice3A_78 : vector<64x16xf32>
    %mul3A_80 = arith.constant 8 : i32
    %mul3A_81 = vector.broadcast %mul3A_80 : i32 to vector<12504x64xi32>
    %mul3A_82 = arith.muli %iota3A, %mul3A_81 : vector<12504x64xi32>
    %add3A_83 = arith.constant 2 : i32
    %add3A_84 = vector.broadcast %add3A_83 : i32 to vector<12504x64xi32>
    %add3A_85 = arith.addi %mul3A_82, %add3A_84 : vector<12504x64xi32>
    %ge3A_86 = vector.broadcast %get3A_37 : vector<1x64xi32> to vector<12504x64xi32>
    %ge3A_87 = arith.cmpi sge, %add3A_85, %ge3A_86 : vector<12504x64xi32>
    %lt3A_88 = vector.broadcast %get3A_40 : vector<1x64xi32> to vector<12504x64xi32>
    %lt3A_89 = arith.cmpi slt, %add3A_85, %lt3A_88 : vector<12504x64xi32>
    %and3A_90 = arith.andi %ge3A_87, %lt3A_89 : vector<12504x64xi1>
    %convert_element_type3A_91 = arith.extui %and3A_90 : vector<12504x64xi1> to vector<12504x64xi32>
    %convert_element_type3A_92 = arith.sitofp %convert_element_type3A_91 : vector<12504x64xi32> to vector<12504x64xf32>
    %dot_general3A_93 = arith.constant dense<0.000000e+00> : vector<64x128xf32>
    %dot_general3A_94 = tpu.matmul %convert_element_type3A_92, %max3A_16, %dot_general3A_93 {dimension_numbers = #tpu.dot_dimension_numbers<[0], [0], [1], [1], [0, 1, 1, 1], [], []>, transpose_lhs_hint = false} : vector<12504x64xf32>, vector<12504x128xf32>, vector<64x128xf32> -> vector<64x128xf32>
    %dot_general3A_95 = arith.constant dense<0.000000e+00> : vector<64x128xf32>
    %dot_general3A_96 = tpu.matmul %convert_element_type3A_92, %max3A_34, %dot_general3A_95 {dimension_numbers = #tpu.dot_dimension_numbers<[0], [0], [1], [1], [0, 1, 1, 1], [], []>, transpose_lhs_hint = false} : vector<12504x64xf32>, vector<12504x128xf32>, vector<64x128xf32> -> vector<64x128xf32>
    %slice3A_97 = vector.extract_strided_slice %dot_general3A_94 {offsets = [0, 32], sizes = [64, 16], strides = [1, 1]} : vector<64x128xf32> to vector<64x16xf32>
    %add3A_98 = arith.addf %add3A_77, %slice3A_97 : vector<64x16xf32>
    %slice3A_99 = vector.extract_strided_slice %dot_general3A_96 {offsets = [0, 32], sizes = [64, 16], strides = [1, 1]} : vector<64x128xf32> to vector<64x16xf32>
    %add3A_100 = arith.addf %add3A_79, %slice3A_99 : vector<64x16xf32>
    %mul3A_101 = arith.constant 8 : i32
    %mul3A_102 = vector.broadcast %mul3A_101 : i32 to vector<12504x64xi32>
    %mul3A_103 = arith.muli %iota3A, %mul3A_102 : vector<12504x64xi32>
    %add3A_104 = arith.constant 3 : i32
    %add3A_105 = vector.broadcast %add3A_104 : i32 to vector<12504x64xi32>
    %add3A_106 = arith.addi %mul3A_103, %add3A_105 : vector<12504x64xi32>
    %ge3A_107 = vector.broadcast %get3A_37 : vector<1x64xi32> to vector<12504x64xi32>
    %ge3A_108 = arith.cmpi sge, %add3A_106, %ge3A_107 : vector<12504x64xi32>
    %lt3A_109 = vector.broadcast %get3A_40 : vector<1x64xi32> to vector<12504x64xi32>
    %lt3A_110 = arith.cmpi slt, %add3A_106, %lt3A_109 : vector<12504x64xi32>
    %and3A_111 = arith.andi %ge3A_108, %lt3A_110 : vector<12504x64xi1>
    %convert_element_type3A_112 = arith.extui %and3A_111 : vector<12504x64xi1> to vector<12504x64xi32>
    %convert_element_type3A_113 = arith.sitofp %convert_element_type3A_112 : vector<12504x64xi32> to vector<12504x64xf32>
    %dot_general3A_114 = arith.constant dense<0.000000e+00> : vector<64x128xf32>
    %dot_general3A_115 = tpu.matmul %convert_element_type3A_113, %max3A_16, %dot_general3A_114 {dimension_numbers = #tpu.dot_dimension_numbers<[0], [0], [1], [1], [0, 1, 1, 1], [], []>, transpose_lhs_hint = false} : vector<12504x64xf32>, vector<12504x128xf32>, vector<64x128xf32> -> vector<64x128xf32>
    %dot_general3A_116 = arith.constant dense<0.000000e+00> : vector<64x128xf32>
    %dot_general3A_117 = tpu.matmul %convert_element_type3A_113, %max3A_34, %dot_general3A_116 {dimension_numbers = #tpu.dot_dimension_numbers<[0], [0], [1], [1], [0, 1, 1, 1], [], []>, transpose_lhs_hint = false} : vector<12504x64xf32>, vector<12504x128xf32>, vector<64x128xf32> -> vector<64x128xf32>
    %slice3A_118 = vector.extract_strided_slice %dot_general3A_115 {offsets = [0, 48], sizes = [64, 16], strides = [1, 1]} : vector<64x128xf32> to vector<64x16xf32>
    %add3A_119 = arith.addf %add3A_98, %slice3A_118 : vector<64x16xf32>
    %slice3A_120 = vector.extract_strided_slice %dot_general3A_117 {offsets = [0, 48], sizes = [64, 16], strides = [1, 1]} : vector<64x128xf32> to vector<64x16xf32>
    %add3A_121 = arith.addf %add3A_100, %slice3A_120 : vector<64x16xf32>
    %mul3A_122 = arith.constant 8 : i32
    %mul3A_123 = vector.broadcast %mul3A_122 : i32 to vector<12504x64xi32>
    %mul3A_124 = arith.muli %iota3A, %mul3A_123 : vector<12504x64xi32>
    %add3A_125 = arith.constant 4 : i32
    %add3A_126 = vector.broadcast %add3A_125 : i32 to vector<12504x64xi32>
    %add3A_127 = arith.addi %mul3A_124, %add3A_126 : vector<12504x64xi32>
    %ge3A_128 = vector.broadcast %get3A_37 : vector<1x64xi32> to vector<12504x64xi32>
    %ge3A_129 = arith.cmpi sge, %add3A_127, %ge3A_128 : vector<12504x64xi32>
    %lt3A_130 = vector.broadcast %get3A_40 : vector<1x64xi32> to vector<12504x64xi32>
    %lt3A_131 = arith.cmpi slt, %add3A_127, %lt3A_130 : vector<12504x64xi32>
    %and3A_132 = arith.andi %ge3A_129, %lt3A_131 : vector<12504x64xi1>
    %convert_element_type3A_133 = arith.extui %and3A_132 : vector<12504x64xi1> to vector<12504x64xi32>
    %convert_element_type3A_134 = arith.sitofp %convert_element_type3A_133 : vector<12504x64xi32> to vector<12504x64xf32>
    %dot_general3A_135 = arith.constant dense<0.000000e+00> : vector<64x128xf32>
    %dot_general3A_136 = tpu.matmul %convert_element_type3A_134, %max3A_16, %dot_general3A_135 {dimension_numbers = #tpu.dot_dimension_numbers<[0], [0], [1], [1], [0, 1, 1, 1], [], []>, transpose_lhs_hint = false} : vector<12504x64xf32>, vector<12504x128xf32>, vector<64x128xf32> -> vector<64x128xf32>
    %dot_general3A_137 = arith.constant dense<0.000000e+00> : vector<64x128xf32>
    %dot_general3A_138 = tpu.matmul %convert_element_type3A_134, %max3A_34, %dot_general3A_137 {dimension_numbers = #tpu.dot_dimension_numbers<[0], [0], [1], [1], [0, 1, 1, 1], [], []>, transpose_lhs_hint = false} : vector<12504x64xf32>, vector<12504x128xf32>, vector<64x128xf32> -> vector<64x128xf32>
    %slice3A_139 = vector.extract_strided_slice %dot_general3A_136 {offsets = [0, 64], sizes = [64, 16], strides = [1, 1]} : vector<64x128xf32> to vector<64x16xf32>
    %add3A_140 = arith.addf %add3A_119, %slice3A_139 : vector<64x16xf32>
    %slice3A_141 = vector.extract_strided_slice %dot_general3A_138 {offsets = [0, 64], sizes = [64, 16], strides = [1, 1]} : vector<64x128xf32> to vector<64x16xf32>
    %add3A_142 = arith.addf %add3A_121, %slice3A_141 : vector<64x16xf32>
    %mul3A_143 = arith.constant 8 : i32
    %mul3A_144 = vector.broadcast %mul3A_143 : i32 to vector<12504x64xi32>
    %mul3A_145 = arith.muli %iota3A, %mul3A_144 : vector<12504x64xi32>
    %add3A_146 = arith.constant 5 : i32
    %add3A_147 = vector.broadcast %add3A_146 : i32 to vector<12504x64xi32>
    %add3A_148 = arith.addi %mul3A_145, %add3A_147 : vector<12504x64xi32>
    %ge3A_149 = vector.broadcast %get3A_37 : vector<1x64xi32> to vector<12504x64xi32>
    %ge3A_150 = arith.cmpi sge, %add3A_148, %ge3A_149 : vector<12504x64xi32>
    %lt3A_151 = vector.broadcast %get3A_40 : vector<1x64xi32> to vector<12504x64xi32>
    %lt3A_152 = arith.cmpi slt, %add3A_148, %lt3A_151 : vector<12504x64xi32>
    %and3A_153 = arith.andi %ge3A_150, %lt3A_152 : vector<12504x64xi1>
    %convert_element_type3A_154 = arith.extui %and3A_153 : vector<12504x64xi1> to vector<12504x64xi32>
    %convert_element_type3A_155 = arith.sitofp %convert_element_type3A_154 : vector<12504x64xi32> to vector<12504x64xf32>
    %dot_general3A_156 = arith.constant dense<0.000000e+00> : vector<64x128xf32>
    %dot_general3A_157 = tpu.matmul %convert_element_type3A_155, %max3A_16, %dot_general3A_156 {dimension_numbers = #tpu.dot_dimension_numbers<[0], [0], [1], [1], [0, 1, 1, 1], [], []>, transpose_lhs_hint = false} : vector<12504x64xf32>, vector<12504x128xf32>, vector<64x128xf32> -> vector<64x128xf32>
    %dot_general3A_158 = arith.constant dense<0.000000e+00> : vector<64x128xf32>
    %dot_general3A_159 = tpu.matmul %convert_element_type3A_155, %max3A_34, %dot_general3A_158 {dimension_numbers = #tpu.dot_dimension_numbers<[0], [0], [1], [1], [0, 1, 1, 1], [], []>, transpose_lhs_hint = false} : vector<12504x64xf32>, vector<12504x128xf32>, vector<64x128xf32> -> vector<64x128xf32>
    %slice3A_160 = vector.extract_strided_slice %dot_general3A_157 {offsets = [0, 80], sizes = [64, 16], strides = [1, 1]} : vector<64x128xf32> to vector<64x16xf32>
    %add3A_161 = arith.addf %add3A_140, %slice3A_160 : vector<64x16xf32>
    %slice3A_162 = vector.extract_strided_slice %dot_general3A_159 {offsets = [0, 80], sizes = [64, 16], strides = [1, 1]} : vector<64x128xf32> to vector<64x16xf32>
    %add3A_163 = arith.addf %add3A_142, %slice3A_162 : vector<64x16xf32>
    %mul3A_164 = arith.constant 8 : i32
    %mul3A_165 = vector.broadcast %mul3A_164 : i32 to vector<12504x64xi32>
    %mul3A_166 = arith.muli %iota3A, %mul3A_165 : vector<12504x64xi32>
    %add3A_167 = arith.constant 6 : i32
    %add3A_168 = vector.broadcast %add3A_167 : i32 to vector<12504x64xi32>
    %add3A_169 = arith.addi %mul3A_166, %add3A_168 : vector<12504x64xi32>
    %ge3A_170 = vector.broadcast %get3A_37 : vector<1x64xi32> to vector<12504x64xi32>
    %ge3A_171 = arith.cmpi sge, %add3A_169, %ge3A_170 : vector<12504x64xi32>
    %lt3A_172 = vector.broadcast %get3A_40 : vector<1x64xi32> to vector<12504x64xi32>
    %lt3A_173 = arith.cmpi slt, %add3A_169, %lt3A_172 : vector<12504x64xi32>
    %and3A_174 = arith.andi %ge3A_171, %lt3A_173 : vector<12504x64xi1>
    %convert_element_type3A_175 = arith.extui %and3A_174 : vector<12504x64xi1> to vector<12504x64xi32>
    %convert_element_type3A_176 = arith.sitofp %convert_element_type3A_175 : vector<12504x64xi32> to vector<12504x64xf32>
    %dot_general3A_177 = arith.constant dense<0.000000e+00> : vector<64x128xf32>
    %dot_general3A_178 = tpu.matmul %convert_element_type3A_176, %max3A_16, %dot_general3A_177 {dimension_numbers = #tpu.dot_dimension_numbers<[0], [0], [1], [1], [0, 1, 1, 1], [], []>, transpose_lhs_hint = false} : vector<12504x64xf32>, vector<12504x128xf32>, vector<64x128xf32> -> vector<64x128xf32>
    %dot_general3A_179 = arith.constant dense<0.000000e+00> : vector<64x128xf32>
    %dot_general3A_180 = tpu.matmul %convert_element_type3A_176, %max3A_34, %dot_general3A_179 {dimension_numbers = #tpu.dot_dimension_numbers<[0], [0], [1], [1], [0, 1, 1, 1], [], []>, transpose_lhs_hint = false} : vector<12504x64xf32>, vector<12504x128xf32>, vector<64x128xf32> -> vector<64x128xf32>
    %slice3A_181 = vector.extract_strided_slice %dot_general3A_178 {offsets = [0, 96], sizes = [64, 16], strides = [1, 1]} : vector<64x128xf32> to vector<64x16xf32>
    %add3A_182 = arith.addf %add3A_161, %slice3A_181 : vector<64x16xf32>
    %slice3A_183 = vector.extract_strided_slice %dot_general3A_180 {offsets = [0, 96], sizes = [64, 16], strides = [1, 1]} : vector<64x128xf32> to vector<64x16xf32>
    %add3A_184 = arith.addf %add3A_163, %slice3A_183 : vector<64x16xf32>
    %mul3A_185 = arith.constant 8 : i32
    %mul3A_186 = vector.broadcast %mul3A_185 : i32 to vector<12504x64xi32>
    %mul3A_187 = arith.muli %iota3A, %mul3A_186 : vector<12504x64xi32>
    %add3A_188 = arith.constant 7 : i32
    %add3A_189 = vector.broadcast %add3A_188 : i32 to vector<12504x64xi32>
    %add3A_190 = arith.addi %mul3A_187, %add3A_189 : vector<12504x64xi32>
    %ge3A_191 = vector.broadcast %get3A_37 : vector<1x64xi32> to vector<12504x64xi32>
    %ge3A_192 = arith.cmpi sge, %add3A_190, %ge3A_191 : vector<12504x64xi32>
    %lt3A_193 = vector.broadcast %get3A_40 : vector<1x64xi32> to vector<12504x64xi32>
    %lt3A_194 = arith.cmpi slt, %add3A_190, %lt3A_193 : vector<12504x64xi32>
    %and3A_195 = arith.andi %ge3A_192, %lt3A_194 : vector<12504x64xi1>
    %convert_element_type3A_196 = arith.extui %and3A_195 : vector<12504x64xi1> to vector<12504x64xi32>
    %convert_element_type3A_197 = arith.sitofp %convert_element_type3A_196 : vector<12504x64xi32> to vector<12504x64xf32>
    %dot_general3A_198 = arith.constant dense<0.000000e+00> : vector<64x128xf32>
    %dot_general3A_199 = tpu.matmul %convert_element_type3A_197, %max3A_16, %dot_general3A_198 {dimension_numbers = #tpu.dot_dimension_numbers<[0], [0], [1], [1], [0, 1, 1, 1], [], []>, transpose_lhs_hint = false} : vector<12504x64xf32>, vector<12504x128xf32>, vector<64x128xf32> -> vector<64x128xf32>
    %dot_general3A_200 = arith.constant dense<0.000000e+00> : vector<64x128xf32>
    %dot_general3A_201 = tpu.matmul %convert_element_type3A_197, %max3A_34, %dot_general3A_200 {dimension_numbers = #tpu.dot_dimension_numbers<[0], [0], [1], [1], [0, 1, 1, 1], [], []>, transpose_lhs_hint = false} : vector<12504x64xf32>, vector<12504x128xf32>, vector<64x128xf32> -> vector<64x128xf32>
    %slice3A_202 = vector.extract_strided_slice %dot_general3A_199 {offsets = [0, 112], sizes = [64, 16], strides = [1, 1]} : vector<64x128xf32> to vector<64x16xf32>
    %add3A_203 = arith.addf %add3A_182, %slice3A_202 : vector<64x16xf32>
    %slice3A_204 = vector.extract_strided_slice %dot_general3A_201 {offsets = [0, 112], sizes = [64, 16], strides = [1, 1]} : vector<64x128xf32> to vector<64x16xf32>
    %add3A_205 = arith.addf %add3A_184, %slice3A_204 : vector<64x16xf32>
    %get3A_206 = arith.constant 0 : index
    %get3A_207 = arith.constant 0 : index
    %get3A_208 = vector.load %arg9[%get3A_206, %get3A_207] : memref<64x1xi32, #tpu.memory_space<vmem>>, vector<64x1xi32>
    %get3A_209 = arith.constant 0 : index
    %get3A_210 = arith.constant 0 : index
    %get3A_211 = vector.load %arg8[%get3A_209, %get3A_210] : memref<64x1xi32, #tpu.memory_space<vmem>>, vector<64x1xi32>
    %sub3A = arith.subi %get3A_208, %get3A_211 : vector<64x1xi32>
    %convert_element_type3A_212 = arith.sitofp %sub3A : vector<64x1xi32> to vector<64x1xf32>
    %max3A_213 = arith.constant 1.000000e+00 : f32
    %max3A_214 = vector.broadcast %max3A_213 : f32 to vector<64x1xf32>
    %max3A_215 = arith.maximumf %convert_element_type3A_212, %max3A_214 : vector<64x1xf32>
    %concatenate3A = tpu.concatenate %add3A_203, %add3A_205 in 1 : vector<64x16xf32>, vector<64x16xf32> -> vector<64x32xf32>
    %div3A = vector.broadcast %max3A_215 : vector<64x1xf32> to vector<64x32xf32>
    %div3A_216 = arith.divf %concatenate3A, %div3A : vector<64x32xf32>
    %get3A_217 = arith.constant 0 : index
    %get3A_218 = arith.constant 0 : index
    %get3A_219 = vector.load %arg10[%get3A_217, %get3A_218] : memref<32x1xf32, #tpu.memory_space<vmem>>, vector<32x1xf32>
    %dot_general3A_220 = arith.constant dense<0.000000e+00> : vector<64x1xf32>
    %dot_general3A_221 = tpu.matmul %div3A_216, %get3A_219, %dot_general3A_220 {dimension_numbers = #tpu.dot_dimension_numbers<[1], [0], [0], [1], [0, 0, 1, 1], [], []>, transpose_lhs_hint = false} : vector<64x32xf32>, vector<32x1xf32>, vector<64x1xf32> -> vector<64x1xf32>
    %get3A_222 = arith.constant 0 : index
    %get3A_223 = arith.constant 0 : index
    %get3A_224 = vector.load %arg11[%get3A_222, %get3A_223] : memref<1x1xf32, #tpu.memory_space<vmem>>, vector<1x1xf32>
    %add3A_225 = vector.broadcast %get3A_224 : vector<1x1xf32> to vector<64x1xf32>
    %add3A_226 = arith.addf %dot_general3A_221, %add3A_225 : vector<64x1xf32>
    %logistic3A = arith.negf %add3A_226 : vector<64x1xf32>
    %logistic3A_227 = math.exp %logistic3A : vector<64x1xf32>
    %logistic3A_228 = arith.constant 1.000000e+00 : f32
    %logistic3A_229 = vector.broadcast %logistic3A_228 : f32 to vector<64x1xf32>
    %logistic3A_230 = arith.addf %logistic3A_229, %logistic3A_227 : vector<64x1xf32>
    %logistic3A_231 = arith.divf %logistic3A_229, %logistic3A_230 : vector<64x1xf32>
    %swap3A = arith.constant 0 : index
    %swap3A_232 = arith.constant 0 : index
    %swap3A_233 = vector.load %arg12[%swap3A, %swap3A_232] : memref<64x1xf32, #tpu.memory_space<vmem>>, vector<64x1xf32>
    tpu.vector_store %arg12[%swap3A, %swap3A_232], %logistic3A_231 {strides = array<i32>} : memref<64x1xf32, #tpu.memory_space<vmem>>, vector<64x1xf32>,
    return
  }
}

</mosaic_0001>

<sc_bundles>
// kernel: kernel.12.cloned.1.call-start
scs
__scs_entry_jumppad:
0x0: {  	(pc) =	sbr.rel $0x88, $3  }
0x1: {  	(tag) =	ssettag $0x0;
	lr =	simm.s32 $0x1  }
0x2: {  	[smem:$0x3F98] =	sst lr;
	_ =	strace $0xD0000000  }
0x3: {  	_ = 	snop  }
0x4: {  	_ = 	snop  }
0x5: {  	_ = 	snop  }
0x6: {  	_ = 	snop  }
0x7: {  	_ = 	snop  }
__scs_overlays_trampoline_lowered:
0x8: {  	[smem:$0x3FA7] =	sst s0  }
0x9: {  	[smem:$0x3FA8] =	sst s1  }
0xa: {  	[smem:$0x3FA9] =	sst s2  }
0xb: {  	[smem:$0x3FAA] =	sst s3  }
0xc: {  	[smem:$0x3FAB] =	sst s4  }
0xd: {  	[smem:$0x3FAC] =	sst s5  }
0xe: {  	[smem:$0x3FAD] =	sst s6  }
0xf: {  	[smem:$0x3FAE] =	sst s7  }
0x10: {  	[smem:$0x3FAF] =	sst s8  }
0x11: {  	[smem:$0x3FB0] =	sst s9;
	s0 =	simm.s32 @!p0 $0x0  }
0x12: {  	s1 =	sld [smem:$0x3F96];
	s0 =	simm.s32 @p0 $0x1  }
0x13: {  	[smem:$0x3FB1] =	sst s0;
	s0 =	simm.s32 @!p1 $0x0  }
0x14: {  	s2 =	sld [smem:$0x3F95];
	s0 =	simm.s32 @p1 $0x1  }
0x15: {  	[smem:$0x3FB2] =	sst s0;
	s0 =	simm.s32 @!p2 $0x0  }
0x16: {  	s3 =	sld [smem:$0x3FDB];
	s0 =	simm.s32 @p2 $0x1  }
0x17: {  	s4 =	simm.s32 $0x1BF5;
	[smem:$0x3FB4] =	sst s0  }
0x18: {  	s0 =	sld [smem:$0x3F97];
	_ =	swait.ge [sflag:s4], $0x0  }
0x19: {  	s7 =	sld [smem:$0x3F98]  }
0x1a: {  	s8 =	sadd.s32 $0xFFFFE003, lr  }
0x1b: {  	s9 =	sadd.s32 $0xFFFFFEF7, lr;
	s5 =	simm.s32 $0xFFFFFFFF;
	p2 =	slt.u32 s8, $0xFFFFF086  }
0x1c: {  	p1 =	slt.u32 s9, $0xF7A;
	s5 =	simm.s32 @!p2 $0x0  }
0x1d: {  	s5 =	simm.s32 @p1 $0x1;
	p0 =	seq.s32 s7, s2  }
0x1e: {  	s7 =	smul.u32 @!p0 $0xF7A, s2;
	p2 =	seq.s32 @!p0 s5, $0x0  }
0x1f: {  	s9 =	smul.u32 $0xF7A, s1;
	s8 =	simm.s32 @!p0 $0x1BF5;
	p2 =	por !p2, p0  }
0x20: {  	[sflag:s8] =	ssyncset.s32 @!p0 $0xFFFFF086;
	s6 =	sadd.s32 @!p0 s3, s7;
	s7 =	simm.s32 @!p0 $0x108  }
0x21: {  	s3 =	sadd.s32 s3, s9;
	s6 =	sadd.s32 @!p0 $0x88, s6;
	s7 =	simm.s32 @p2 $0x1082  }
0x22: {  	[simem:s7], [sflag:s8] =	dma.local @!p0 [hbm:s6], $0xF7A  }
0x23: {  	s9 =	sor.u32 $0xD0000000, s2;
	s6 =	simm.s32 $0x108;
	_ =	swait.ge @!p0 [sflag:s8], $0x0  }
0x24: {  	s3 =	sadd.s32 $0x88, s3;
	s6 =	simm.s32 @!p1 $0x1082;
	[sflag:s4] =	ssyncset.s32 $0xFFFFF086  }
0x25: {  	[simem:s6], [sflag:s4] =	dma.local [hbm:s3], $0xF7A  }
0x26: {  	[smem:$0x3F98] =	sst s1;
	(tag) =	ssettag s2;
	_ =	strace s9  }
0x27: {  	s1 =	sld [smem:$0x3FA8]  }
0x28: {  	s2 =	sld [smem:$0x3FA9]  }
0x29: {  	s4 =	sld [smem:$0x3FAB]  }
0x2a: {  	p0 =	seq.s32 s5, $0x0;
	s5 =	sld [smem:$0x3FAC]  }
0x2b: {  	s6 =	sld [smem:$0x3FAD]  }
0x2c: {  	s7 =	sld [smem:$0x3FAE]  }
0x2d: {  	s3 =	simm.s32 $0x108;
	s8 =	sld [smem:$0x3FAF]  }
0x2e: {  	s3 =	simm.s32 @!p0 $0x1082;
	s9 =	sld [smem:$0x3FB0]  }
0x2f: {  	lr =	sadd.s32 s0, s3;
	s0 =	sld [smem:$0x3FA7]  }
0x30: {  	s3 =	sld [smem:$0x3FAA]  }
0x31: {  	[smem:$0x3FB3] =	sst s10  }
0x32: {  	s10 =	sld [smem:$0x3FB1];
	_ =	sdelay $0x3  }
0x33: {  	p0 =	seq.s32 s10, $0x1;
	s10 =	sld [smem:$0x3FB3];
	_ =	sdelay $0x3  }
0x34: {  	[smem:$0x3FB3] =	sst s10  }
0x35: {  	s10 =	sld [smem:$0x3FB2];
	_ =	sdelay $0x3  }
0x36: {  	p1 =	seq.s32 s10, $0x1;
	s10 =	sld [smem:$0x3FB3];
	_ =	sdelay $0x3  }
0x37: {  	[smem:$0x3FB3] =	sst s10  }
0x38: {  	s10 =	sld [smem:$0x3FB4]  }
0x39: {  	_ = 	snop;
	(pc) =	sbr.ind lr, $3  }
0x3a: {  	_ = 	snop  }
0x3b: {  	_ = 	snop  }
0x3c: {  	p2 =	seq.s32 s10, $0x1;
	s10 =	sld [smem:$0x3FB3]  }
0x3d: {  	_ =	shalt  }
0x3e: {  	_ =	shalt  }
0x3f: {  	_ =	shalt  }
0x40: {  	_ =	shalt  }
0x41: {  	_ =	shalt  }
0x42: {  	_ =	shalt  }
0x43: {  	_ =	shalt  }
0x44: {  	_ =	shalt  }
0x45: {  	_ =	shalt  }
0x46: {  	_ =	shalt  }
0x47: {  	_ =	shalt  }
0x48: {  	_ =	shalt  }
0x49: {  	_ =	shalt  }
0x4a: {  	_ =	shalt  }
0x4b: {  	_ =	shalt  }
0x4c: {  	_ =	shalt  }
0x4d: {  	_ =	shalt  }
0x4e: {  	_ =	shalt  }
0x4f: {  	_ =	shalt  }
0x50: {  	_ =	shalt  }
0x51: {  	_ =	shalt  }
0x52: {  	_ =	shalt  }
0x53: {  	_ =	shalt  }
0x54: {  	_ =	shalt  }
0x55: {  	_ =	shalt  }
0x56: {  	_ =	shalt  }
0x57: {  	_ =	shalt  }
0x58: {  	_ =	shalt  }
0x59: {  	_ =	shalt  }
0x5a: {  	_ =	shalt  }
0x5b: {  	_ =	shalt  }
0x5c: {  	_ =	shalt  }
0x5d: {  	_ =	shalt  }
0x5e: {  	_ =	shalt  }
0x5f: {  	_ =	shalt  }
0x60: {  	_ =	shalt  }
0x61: {  	_ =	shalt  }
0x62: {  	_ =	shalt  }
0x63: {  	_ =	shalt  }
0x64: {  	_ =	shalt  }
0x65: {  	_ =	shalt  }
0x66: {  	_ =	shalt  }
0x67: {  	_ =	shalt  }
0x68: {  	_ =	shalt  }
0x69: {  	_ =	shalt  }
0x6a: {  	_ =	shalt  }
0x6b: {  	_ =	shalt  }
0x6c: {  	_ =	shalt  }
0x6d: {  	_ =	shalt  }
0x6e: {  	_ =	shalt  }
0x6f: {  	_ =	shalt  }
0x70: {  	_ =	shalt  }
0x71: {  	_ =	shalt  }
0x72: {  	_ =	shalt  }
0x73: {  	_ =	shalt  }
0x74: {  	_ =	shalt  }
0x75: {  	_ =	shalt  }
0x76: {  	_ =	shalt  }
0x77: {  	_ =	shalt  }
0x78: {  	_ =	shalt  }
0x79: {  	_ =	shalt  }
0x7a: {  	_ =	shalt  }
0x7b: {  	_ =	shalt  }
0x7c: {  	_ =	shalt  }
0x7d: {  	_ =	shalt  }
0x7e: {  	_ =	shalt  }
0x7f: {  	_ =	shalt  }
0x80: {  	_ =	shalt  }
0x81: {  	_ =	shalt  }
0x82: {  	_ =	shalt  }
0x83: {  	_ =	shalt  }
0x84: {  	_ =	shalt  }
0x85: {  	_ =	shalt  }
0x86: {  	_ =	shalt  }
0x87: {  	_ =	shalt  }
.Lfunc_end0:
.L_simem_size_0:
called_computation.1_lowered:
.L_overlay_start_0:
0x88: {  	s2 =	sld [smem:$0x3FD9]  }
0x89: {  	s3 =	sld [smem:$0x3FFE];
	_ =	sdelay $0x1  }
0x8a: {  	s1 =	srdreg.scid  }
0x8b: {  	s0 =	sand.u32 $0x1, s1  }
0x8c: {  	s16 =	sshll.u32 s0, $0xA;
	s2 =	sadd.s32 s3, s2  }
0x8d: {  	s2 =	sadd.s32 s2, s16  }
0x8e: {  	[smem:$0x3FBF] =	sst s2  }
0x8f: {  	_ = 	snop  }
0x90: {  	(tm) =	ssettm $0x1  }
0x91: {  	s17 =	sld [smem:$0x3FFB];
	_ =	sdelay $0x3  }
0x92: {  	_ =	strace s17  }
0x93: {  	s2 =	sld [smem:$0x3FFC];
	_ =	sdelay $0x3  }
0x94: {  	_ =	strace s2  }
0x95: {  	s2 =	sld [smem:$0x3FFD];
	_ =	sdelay $0x3  }
0x96: {  	_ =	strace s2  }
0x97: {  	_ =	strace $0x8FFFFFFF  }
0x98: {  	s18 =	sld [smem:$0x3FDB];
	_ =	sdelay $0x1  }
0x99: {  	s19 =	simm.s32 $_scs_section_size  }
0x9a: {  	s4 =	simm.s32 $_size__tile_overlayer_lowered;
	s5 =	simm.s32 $_tile_overlayer_lowered  }
0x9b: {  	s22 =	simm.s32 $0x1BFF;
	s21 =	sshll.u32 s5, $0x1;
	s2 =	sadd.s32 s19, s18  }
0x9c: {  	s6 =	simm.s32 $0x0;
	s20 =	sshll.u32 s4, $0x1;
	s4 =	sadd.s32 s21, s2  }
0x9d: {  	[timem:s6], [sflag:s22] =	dma.local [hbm:s4], s20  }
0x9e: {  	_ =	swait.ge [sflag:s22], s20  }
0x9f: {  	s3 =	ssub.s32 $0x0, s20;
	[sflag:s22] =	ssyncset.done $0x0  }
0xa0: {  	[sflag:s22] =	ssyncadd.s32 s3;
	_ =	sdelay $0x1  }
0xa1: {  	s23 =	simm.s32 $0x1B8B  }
0xa2: {  	_ =	swait.ge [sflag:s23], $0x1  }
0xa3: {  	[sflag:s23] =	ssyncset.done $0x0  }
0xa4: {  	s25 =	simm.s32 $0x1B8E;
	s24 =	sld [smem:$0x3FFE];
	[sflag:s23] =	ssyncadd.s32 $0xFFFFFFFF  }
0xa5: {  	s26 =	simm.s32 $execute0_lowered;
	[smem:$0x3FD2] =	sst s25  }
0xa6: {  	s4 =	sshll.u32 s26, $0x1;
	_ =	strace $0x80000049;
	[dreg:$0x1] =	wrdreg $0xFFFFFFFF  }
0xa7: {  	s28 =	simm.s32 $_size_execute0_lowered;
	s2 =	sadd.s32 s2, s4;
	[dreg:$0x0] =	wrdreg $0x0  }
0xa8: {  	s4 =	sshll.u32 s28, $0x1;
	[dreg:$0x2] =	wrdreg s2  }
0xa9: {  	[dreg:$0x3] =	wrdreg s4  }
0xaa: {  	[dreg:$0x4] =	wrdreg $0xC0  }
0xab: {  	_ =	task [dreg:s6], $0x5FFFF  }
0xac: {  	[dreg:$0x1] =	wrdreg $0xFFFFFFFF  }
0xad: {  	[dreg:$0x0] =	wrdreg $0x60  }
0xae: {  	[dreg:$0x2] =	wrdreg s24  }
0xaf: {  	[dreg:$0x3] =	wrdreg $0x76C00  }
0xb0: {  	[dreg:$0x4] =	wrdreg $0x9  }
0xb1: {  	_ =	task.clear_ibuf [dreg:s6], $0x5FFFF;
	_ =	strace $0x90000049  }
0xb2: {  	s29 =	simm.s32 $0x9;
	_ =	strace $0x8000004B  }
0xb3: {  	_ =	swait.ge [sflag:s29], $0x1  }
0xb4: {  	[sflag:s29] =	ssyncadd.s32 $0xFFFFFFFF  }
0xb5: {  	_ =	strace $0x9000004B  }
0xb6: {  	_ =	sfence  }
0xb7: {  	s30 =	sld [smem:$0x0];
	_ =	sdelay $0x2  }
0xb8: {  	s31 =	sshll.u32 s1, $0xD;
	s1 =	sshrl.u32 s1, $0x2  }
0xb9: {  	s3 =	sand.u32 $0x4000, s31;
	s1 =	sadd.s32 s1, s30  }
0xba: {  	s0 =	sor.u32 s3, s0;
	s1 =	sshll.u32 s1, $0x11  }
0xbb: {  	s0 =	sor.u32 s1, s0  }
0xbc: {  	s0 =	sadd.s32 $0x8F2B, s0  }
0xbd: {  	[sflag:s0] =	ssyncadd.remote.s32 $0x1  }
0xbe: {  	_ =	sfence.sel $0xFFFF  }
0xbf: {  	[dreg:$0x0] =	wrdreg $0xFFFFFFFF;
	(pc) =	sbr.abs _section_cstart, $3  }
0xc0: {  	[dreg:$0x1] =	wrdreg $0xFFFFFFFF  }
0xc1: {  	_ =	task.clear_ibuf [dreg:s6], $0x2FFFF;
	_ =	strace $0x9FFFFFFF  }
0xc2: {  	(tm) =	ssettm $0x7FFFFFFF  }
0xc3: {  	_ =	shalt  }
tec
execute0_lowered:
.L_overlay_start_1:
0x0: {  	(tag) =	ssettag $0x1  }
0x1: {  	s0 =	rddreg [dreg:$0x0]  }
0x2: {  	s2 =	rddreg [dreg:$0x1]  }
0x3: {  	s3 =	simm.s32 $0x0;
	s12 =	stileid.u32;
	s1 =	srdreg.scid  }
0x4: {  	s28 =	simm.s32 $0x3;
	s29 =	simm.s32 $0x7;
	s30 =	simm.s32 $0x2  }
0x5: {  	s31 =	simm.s32 $0x960;
	[smem:$0x7FF] =	sst s3;
	s6 =	smul.u32 $0x186C0, s12  }
0x6: {  	s1 =	sand.u32 $0x1, s1;
	s4 =	sadd.s32 $0x160C00, s0;
	s11 =	smul.u32 $0x30D40, s12  }
0x7: {  	s5 =	sadd.s32 $0x2400, s0;
	s9 =	sshll.u32 s12, $0x1;
	s7 =	smul.u32 $0x186C00, s1  }
0x8: {  	s9 =	sor.u32 s1, s9;
	s10 =	ssub.s32 $0x2, s1;
	s1 =	smul.u32 $0x186A0, s1  }
0x9: {  	_ =	strace $0x8000004A;
	s8 =	sshrl.u32 s6, $0x3;
	s9 =	smul.u32 $0x186A0, s9  }
0xa: {  	s25 =	sshrl.u32 s10, $0x1;
	s8 =	sadd.s32 s8, s0;
	s7 =	sadd.s32 s6, s7  }
0xb: {  	s10 =	ssub.s32 s10, s25;
	s6 =	sadd.s32 s6, s2;
	s1 =	sadd.s32 s1, s11  }
0xc: {  	s7 =	sshrl.u32 s7, $0x3;
	s26 =	sadd.s32 $0xC5A00, s8;
	s8 =	sshll.u32 s12, $0x6  }
0xd: {  	s12 =	sshrl.u32 s9, $0x3;
	s16 =	sadd.s32 $0xFA0, s1;
	s11 =	sadd.s32 $0xC80, s1  }
0xe: {  	s19 =	sadd.s32 $0x960, s1;
	s21 =	sadd.s32 $0x640, s1;
	s22 =	sadd.s32 $0x320, s1  }
0xf: {  	s1 =	sadd.s32 $0x12C0, s1;
	s0 =	sadd.s32 s7, s0;
	[dreg:$0x8] =	wrdreg s26  }
0x10: {  	s13 =	sor.u32 $0x1C08, s8;
	s14 =	sadd.s32 s5, s12;
	s9 =	sshrl.u32 s16, $0x3  }
0x11: {  	s11 =	sshrl.u32 s11, $0x3;
	s20 =	sshrl.u32 s19, $0x3;
	s24 =	sshrl.u32 s22, $0x3  }
0x12: {  	s26 =	smax.u32 s10, $0x1;
	[dreg:$0x10] =	wrdreg s1;
	s16 =	sshrl.u32 s6, $0x3  }
0x13: {  	s19 =	simm.s32 $0x30D400;
	s22 =	simm.s32 $0x12C0;
	[dreg:$0x9] =	wrdreg s14  }
0x14: {  	s1 =	simm.s32 $0xFA0;
	s8 =	sadd.s32 $0x2F44, s14;
	[dreg:$0xf] =	wrdreg s26  }
0x15: {  	s6 =	simm.s32 $0x0;
	s15 =	sadd.s32 $0x2FA8, s14;
	[dreg:$0xa] =	wrdreg s8  }
0x16: {  	s17 =	sadd.s32 $0x300C, s14;
	s7 =	sadd.s32 $0x3070, s14;
	[dreg:$0xb] =	wrdreg s15  }
0x17: {  	s9 =	sadd.s32 s9, s5;
	s18 =	sadd.s32 s11, s5;
	[dreg:$0xc] =	wrdreg s17  }
0x18: {  	s11 =	sshrl.u32 s21, $0x3;
	s0 =	sadd.s32 $0xF6800, s0;
	[dreg:$0xd] =	wrdreg s7  }
0x19: {  	s25 =	sadd.s32 s24, s5;
	s21 =	simm.s32 $0x5;
	[dreg:$0x3] =	wrdreg s9  }
0x1a: {  	s24 =	simm.s32 $0x6;
	s26 =	simm.s32 $0x1;
	[dreg:$0x4] =	wrdreg s18  }
0x1b: {  	s9 =	sadd.s32 s20, s5;
	s23 =	sadd.s32 s11, s5;
	[dreg:$0xe] =	wrdreg s0  }
0x1c: {  	[dreg:$0x7] =	wrdreg s25;
	s17 =	simm.s32 $0x8;
	s18 =	simm.s32 $0x320  }
0x1d: {  	s20 =	simm.s32 $0x640;
	s25 =	simm.s32 $0x44C0;
	[dreg:$0x5] =	wrdreg s9  }
0x1e: {  	s0 =	simm.s32 $0x4;
	[dreg:$0x6] =	wrdreg s23;
	s23 =	simm.s32 $0xC80  }
.LBB2_1:
0x1f: {  	s7 =	rddreg [dreg:$0x8]  }
0x20: {  	[spmem:s16], [sflag:s13] =	dma.local [hbm:s7], $0x30D8  }
0x21: {  	_ =	swait.ge [sflag:s17], $0x30D8  }
0x22: {  	[sflag:s17] =	ssyncset.done $0x0  }
0x23: {  	[sflag:s17] =	ssyncadd.s32 $0xFFFFCF28  }
0x24: {  	p0 =	por $0x1, $0x1;
	[bflag:$0x0] =	sbarrier.arrive $0xFFFF  }
0x25: {  	s15 =	smov.u32 s13;
	s9 =	simm.s32 @!p0 $0x3;
	s13 =	rddreg [dreg:$0x9]  }
0x26: {  	[tilespmem:s3], [sflag:$0x5] =	stream.strided.gather [hbm4b:s13+s18], $0x640, s19, s18, $0x38;
	[tilespmem:$0x1FD80] =	vst v63  }
0x27: {  	_ =	swait.ge @!p0 [sflag:s9], $0x3200  }
0x28: {  	s10 =	rddreg [dreg:$0x7];
	[sflag:s9] =	ssyncset.done @!p0 $0x0  }
0x29: {  	[sflag:s9] =	ssyncadd.s32 @!p0 $0xFFFFCE00;
	s14 =	sadd.s32 $0x0, s10  }
0x2a: {  	[tilespmem:s20], [sflag:$0x6] =	stream.strided.gather [hbm4b:s14+s18], $0x640, s19, s18, $0x38;
	[tilespmem:$0x1FD80] =	vst v63  }
0x2b: {  	_ =	swait.ge [sflag:s21], $0x640  }
0x2c: {  	[sflag:s21] =	ssyncset.done $0x0  }
0x2d: {  	s9 =	simm.s32 @!p0 $0x2;
	[sflag:s21] =	ssyncadd.s32 $0xFFFFF9C0  }
0x2e: {  	[tilespmem:s22], [sflag:$0x1] =	stream.indirect.gather [hbm4b:s4+s18], $0x10, s3, s18, $0xb8;
	[tilespmem:$0x1FD80] =	vst v63  }
0x2f: {  	_ =	swait.ge @!p0 [sflag:s9], $0x3200  }
0x30: {  	s11 =	simm.s32 @!p0 $0xFA0;
	[sflag:s9] =	ssyncset.done @!p0 $0x0  }
0x31: {  	s10 =	simm.s32 @!p0 $0x44C0;
	[sflag:s9] =	ssyncadd.s32 @!p0 $0xFFFFCE00;
	s9 =	simm.s32 @!p0 $0x320  }
0x32: {  	[spmem:s2] =	stream.indirect.scatter.add.f32 @!p0 [tilespmem:s10], [sflag:$0x4], $0x10, s11, s9, $0xb8;
	[tilespmem:$0x1FD80] =	vst v63  }
0x33: {  	s9 =	simm.s32 @!p0 $0x4  }
0x34: {  	_ =	swait.ge @!p0 [sflag:s9], $0x3200  }
0x35: {  	s7 =	rddreg [dreg:$0x6];
	[sflag:s9] =	ssyncset.done @!p0 $0x0  }
0x36: {  	[sflag:s9] =	ssyncadd.s32 @!p0 $0xFFFFCE00;
	s8 =	sadd.s32 $0x0, s7  }
0x37: {  	[tilespmem:s23], [sflag:$0x7] =	stream.strided.gather [hbm4b:s8+s18], $0x640, s19, s18, $0x38;
	[tilespmem:$0x1FD80] =	vst v63  }
0x38: {  	_ =	swait.ge [sflag:s24], $0x640  }
0x39: {  	[sflag:s24] =	ssyncset.done $0x0  }
0x3a: {  	[sflag:s24] =	ssyncadd.s32 $0xFFFFF9C0  }
0x3b: {  	[tilespmem:s25], [sflag:$0x2] =	stream.indirect.gather [hbm4b:s4+s18], $0x10, s20, s18, $0xb8;
	[tilespmem:$0x1FD80] =	vst v63  }
0x3c: {  	_ =	swait.ge [sflag:s26], $0x3200  }
0x3d: {  	[sflag:s26] =	ssyncset.done $0x0  }
0x3e: {  	[sflag:s26] =	ssyncadd.s32 $0xFFFFCE00  }
0x3f: {  	[spmem:s2] =	stream.indirect.scatter.add.f32 [tilespmem:s22], [sflag:$0x3], $0x10, s18, s18, $0xb8;
	[tilespmem:$0x1FD80] =	vst v63  }
0x40: {  	_ =	swait.ge [sflag:s28], $0x3200  }
0x41: {  	s10 =	rddreg [dreg:$0x5];
	[sflag:s28] =	ssyncset.done $0x0  }
0x42: {  	[sflag:s28] =	ssyncadd.s32 $0xFFFFCE00;
	s9 =	sadd.s32 $0x0, s10  }
0x43: {  	[tilespmem:s3], [sflag:$0x5] =	stream.strided.gather [hbm4b:s9+s18], $0x640, s19, s18, $0x38;
	[tilespmem:$0x1FD80] =	vst v63  }
0x44: {  	_ =	swait.ge [sflag:s29], $0x640  }
0x45: {  	[sflag:s29] =	ssyncset.done $0x0  }
0x46: {  	[sflag:s29] =	ssyncadd.s32 $0xFFFFF9C0  }
0x47: {  	[tilespmem:s22], [sflag:$0x1] =	stream.indirect.gather [hbm4b:s4+s18], $0x10, s23, s18, $0xb8;
	[tilespmem:$0x1FD80] =	vst v63  }
0x48: {  	_ =	swait.ge [sflag:s30], $0x3200  }
0x49: {  	[sflag:s30] =	ssyncset.done $0x0  }
0x4a: {  	[sflag:s30] =	ssyncadd.s32 $0xFFFFCE00  }
0x4b: {  	[spmem:s2] =	stream.indirect.scatter.add.f32 [tilespmem:s25], [sflag:$0x4], $0x10, s31, s18, $0xb8;
	[tilespmem:$0x1FD80] =	vst v63  }
0x4c: {  	_ =	swait.ge [sflag:s0], $0x3200  }
0x4d: {  	s11 =	rddreg [dreg:$0x4];
	[sflag:s0] =	ssyncset.done $0x0  }
0x4e: {  	[sflag:s0] =	ssyncadd.s32 $0xFFFFCE00;
	s9 =	sadd.s32 $0x0, s11  }
0x4f: {  	[tilespmem:s20], [sflag:$0x6] =	stream.strided.gather [hbm4b:s9+s18], $0x640, s19, s18, $0x38;
	[tilespmem:$0x1FD80] =	vst v63  }
0x50: {  	_ =	swait.ge [sflag:s21], $0x640  }
0x51: {  	[sflag:s21] =	ssyncset.done $0x0  }
0x52: {  	[sflag:s21] =	ssyncadd.s32 $0xFFFFF9C0  }
0x53: {  	[tilespmem:s25], [sflag:$0x2] =	stream.indirect.gather [hbm4b:s4+s18], $0x10, s3, s18, $0xb8;
	[tilespmem:$0x1FD80] =	vst v63  }
0x54: {  	_ =	swait.ge [sflag:s26], $0x3200  }
0x55: {  	[sflag:s26] =	ssyncset.done $0x0  }
0x56: {  	[sflag:s26] =	ssyncadd.s32 $0xFFFFCE00  }
0x57: {  	[spmem:s2] =	stream.indirect.scatter.add.f32 [tilespmem:s22], [sflag:$0x3], $0x10, s1, s18, $0xb8;
	[tilespmem:$0x1FD80] =	vst v63  }
0x58: {  	_ =	swait.ge [sflag:s28], $0x3200  }
0x59: {  	s12 =	rddreg [dreg:$0x3];
	[sflag:s28] =	ssyncset.done $0x0  }
0x5a: {  	[sflag:s28] =	ssyncadd.s32 $0xFFFFCE00;
	s9 =	sadd.s32 $0x0, s12  }
0x5b: {  	[tilespmem:s23], [sflag:$0x7] =	stream.strided.gather [hbm4b:s9+s18], $0x640, s19, s18, $0x38;
	[tilespmem:$0x1FD80] =	vst v63  }
0x5c: {  	_ =	swait.ge [sflag:s24], $0x640  }
0x5d: {  	[sflag:s24] =	ssyncset.done $0x0  }
0x5e: {  	[sflag:s24] =	ssyncadd.s32 $0xFFFFF9C0  }
0x5f: {  	[tilespmem:s22], [sflag:$0x1] =	stream.indirect.gather [hbm4b:s4+s18], $0x10, s20, s18, $0xb8;
	[tilespmem:$0x1FD80] =	vst v63  }
0x60: {  	_ =	swait.ge [sflag:s30], $0x3200  }
0x61: {  	[sflag:s30] =	ssyncset.done $0x0  }
0x62: {  	[sflag:s30] =	ssyncadd.s32 $0xFFFFCE00  }
0x63: {  	[spmem:s2] =	stream.indirect.scatter.add.f32 [tilespmem:s25], [sflag:$0x4], $0x10, s18, s18, $0xb8;
	[tilespmem:$0x1FD80] =	vst v63  }
0x64: {  	_ =	swait.ge [sflag:s0], $0x3200  }
0x65: {  	s13 =	rddreg [dreg:$0x10]  }
0x66: {  	[sflag:s0] =	ssyncset.done $0x0;
	s14 =	sshrl.u32 s13, $0x3  }
0x67: {  	[sflag:s0] =	ssyncadd.s32 $0xFFFFCE00;
	s9 =	sadd.s32 s5, s14  }
0x68: {  	[tilespmem:s3], [sflag:$0x5] =	stream.strided.gather [hbm4b:s9+s18], $0x640, s19, s18, $0x38;
	[tilespmem:$0x1FD80] =	vst v63  }
0x69: {  	_ =	swait.ge [sflag:s29], $0x640  }
0x6a: {  	[sflag:s29] =	ssyncset.done $0x0  }
0x6b: {  	[sflag:s29] =	ssyncadd.s32 $0xFFFFF9C0  }
0x6c: {  	[tilespmem:s25], [sflag:$0x2] =	stream.indirect.gather [hbm4b:s4+s18], $0x10, s23, s18, $0xb8;
	[tilespmem:$0x1FD80] =	vst v63  }
0x6d: {  	p1 =	por $0x0, $0x0;
	s10 =	simm.s32 $0x258;
	_ =	swait.ge [sflag:s26], $0x3200  }
0x6e: {  	s11 =	simm.s32 $0x4B0;
	s9 =	sadd.s32 $0x12C0, s13;
	[sflag:s26] =	ssyncset.done $0x0  }
.LBB2_2:
0x6f: {  	s13 =	simm.s32 @!p1 $0x3;
	[sflag:s26] =	ssyncadd.s32 $0xFFFFCE00  }
0x70: {  	[spmem:s2] =	stream.indirect.scatter.add.f32 [tilespmem:s22], [sflag:$0x3], $0x10, s31, s18, $0xb8;
	[tilespmem:$0x1FD80] =	vst v63  }
0x71: {  	_ =	swait.ge @!p1 [sflag:s13], $0x3200  }
0x72: {  	[sflag:s13] =	ssyncset.done @!p1 $0x0;
	s14 =	rddreg [dreg:$0x7]  }
0x73: {  	[sflag:s13] =	ssyncadd.s32 @!p1 $0xFFFFCE00;
	s8 =	sadd.s32 s10, s14  }
0x74: {  	[tilespmem:s20], [sflag:$0x6] =	stream.strided.gather [hbm4b:s8+s18], $0x640, s19, s18, $0x38;
	[tilespmem:$0x1FD80] =	vst v63  }
0x75: {  	_ =	swait.ge [sflag:s21], $0x640  }
0x76: {  	[sflag:s21] =	ssyncset.done $0x0  }
0x77: {  	s13 =	simm.s32 @!p1 $0x2;
	[sflag:s21] =	ssyncadd.s32 $0xFFFFF9C0  }
0x78: {  	[tilespmem:s22], [sflag:$0x1] =	stream.indirect.gather [hbm4b:s4+s18], $0x10, s3, s18, $0xb8;
	[tilespmem:$0x1FD80] =	vst v63  }
0x79: {  	_ =	swait.ge @!p1 [sflag:s13], $0x3200  }
0x7a: {  	s7 =	simm.s32 @!p1 $0xFA0;
	s14 =	simm.s32 @!p1 $0x44C0;
	[sflag:s13] =	ssyncset.done @!p1 $0x0  }
0x7b: {  	s8 =	simm.s32 @!p1 $0x4;
	[sflag:s13] =	ssyncadd.s32 @!p1 $0xFFFFCE00;
	s13 =	simm.s32 @!p1 $0x320  }
0x7c: {  	[spmem:s2] =	stream.indirect.scatter.add.f32 @!p1 [tilespmem:s14], [sflag:$0x4], $0x10, s7, s13, $0xb8;
	[tilespmem:$0x1FD80] =	vst v63  }
0x7d: {  	_ =	swait.ge @!p1 [sflag:s8], $0x3200  }
0x7e: {  	[sflag:s8] =	ssyncset.done @!p1 $0x0;
	s13 =	rddreg [dreg:$0x6]  }
0x7f: {  	[sflag:s8] =	ssyncadd.s32 @!p1 $0xFFFFCE00;
	s7 =	sadd.s32 s10, s13  }
0x80: {  	[tilespmem:s23], [sflag:$0x7] =	stream.strided.gather [hbm4b:s7+s18], $0x640, s19, s18, $0x38;
	[tilespmem:$0x1FD80] =	vst v63  }
0x81: {  	_ =	swait.ge [sflag:s24], $0x640  }
0x82: {  	[sflag:s24] =	ssyncset.done $0x0  }
0x83: {  	[sflag:s24] =	ssyncadd.s32 $0xFFFFF9C0  }
0x84: {  	[tilespmem:s25], [sflag:$0x2] =	stream.indirect.gather [hbm4b:s4+s18], $0x10, s20, s18, $0xb8;
	[tilespmem:$0x1FD80] =	vst v63  }
0x85: {  	_ =	swait.ge [sflag:s26], $0x3200  }
0x86: {  	[sflag:s26] =	ssyncset.done $0x0  }
0x87: {  	[sflag:s26] =	ssyncadd.s32 $0xFFFFCE00  }
0x88: {  	[spmem:s2] =	stream.indirect.scatter.add.f32 [tilespmem:s22], [sflag:$0x3], $0x10, s18, s18, $0xb8;
	[tilespmem:$0x1FD80] =	vst v63  }
0x89: {  	_ =	swait.ge [sflag:s28], $0x3200  }
0x8a: {  	s14 =	rddreg [dreg:$0x5];
	[sflag:s28] =	ssyncset.done $0x0  }
0x8b: {  	[sflag:s28] =	ssyncadd.s32 $0xFFFFCE00;
	s7 =	sadd.s32 s10, s14  }
0x8c: {  	[tilespmem:s3], [sflag:$0x5] =	stream.strided.gather [hbm4b:s7+s18], $0x640, s19, s18, $0x38;
	[tilespmem:$0x1FD80] =	vst v63  }
0x8d: {  	_ =	swait.ge [sflag:s29], $0x640  }
0x8e: {  	[sflag:s29] =	ssyncset.done $0x0  }
0x8f: {  	[sflag:s29] =	ssyncadd.s32 $0xFFFFF9C0  }
0x90: {  	[tilespmem:s22], [sflag:$0x1] =	stream.indirect.gather [hbm4b:s4+s18], $0x10, s23, s18, $0xb8;
	[tilespmem:$0x1FD80] =	vst v63  }
0x91: {  	_ =	swait.ge [sflag:s30], $0x3200  }
0x92: {  	[sflag:s30] =	ssyncset.done $0x0  }
0x93: {  	[sflag:s30] =	ssyncadd.s32 $0xFFFFCE00  }
0x94: {  	[spmem:s2] =	stream.indirect.scatter.add.f32 [tilespmem:s25], [sflag:$0x4], $0x10, s31, s18, $0xb8;
	[tilespmem:$0x1FD80] =	vst v63  }
0x95: {  	_ =	swait.ge [sflag:s0], $0x3200  }
0x96: {  	s8 =	rddreg [dreg:$0x4];
	[sflag:s0] =	ssyncset.done $0x0  }
0x97: {  	[sflag:s0] =	ssyncadd.s32 $0xFFFFCE00;
	s7 =	sadd.s32 s10, s8  }
0x98: {  	[tilespmem:s20], [sflag:$0x6] =	stream.strided.gather [hbm4b:s7+s18], $0x640, s19, s18, $0x38;
	[tilespmem:$0x1FD80] =	vst v63  }
0x99: {  	_ =	swait.ge [sflag:s21], $0x640  }
0x9a: {  	[sflag:s21] =	ssyncset.done $0x0  }
0x9b: {  	[sflag:s21] =	ssyncadd.s32 $0xFFFFF9C0  }
0x9c: {  	[tilespmem:s25], [sflag:$0x2] =	stream.indirect.gather [hbm4b:s4+s18], $0x10, s3, s18, $0xb8;
	[tilespmem:$0x1FD80] =	vst v63  }
0x9d: {  	_ =	swait.ge [sflag:s26], $0x3200  }
0x9e: {  	[sflag:s26] =	ssyncset.done $0x0  }
0x9f: {  	[sflag:s26] =	ssyncadd.s32 $0xFFFFCE00  }
0xa0: {  	[spmem:s2] =	stream.indirect.scatter.add.f32 [tilespmem:s22], [sflag:$0x3], $0x10, s1, s18, $0xb8;
	[tilespmem:$0x1FD80] =	vst v63  }
0xa1: {  	_ =	swait.ge [sflag:s28], $0x3200  }
0xa2: {  	s13 =	rddreg [dreg:$0x3];
	[sflag:s28] =	ssyncset.done $0x0  }
0xa3: {  	[sflag:s28] =	ssyncadd.s32 $0xFFFFCE00;
	s7 =	sadd.s32 s10, s13  }
0xa4: {  	[tilespmem:s23], [sflag:$0x7] =	stream.strided.gather [hbm4b:s7+s18], $0x640, s19, s18, $0x38;
	[tilespmem:$0x1FD80] =	vst v63  }
0xa5: {  	_ =	swait.ge [sflag:s24], $0x640  }
0xa6: {  	[sflag:s24] =	ssyncset.done $0x0  }
0xa7: {  	[sflag:s24] =	ssyncadd.s32 $0xFFFFF9C0  }
0xa8: {  	[tilespmem:s22], [sflag:$0x1] =	stream.indirect.gather [hbm4b:s4+s18], $0x10, s20, s18, $0xb8;
	[tilespmem:$0x1FD80] =	vst v63  }
0xa9: {  	_ =	swait.ge [sflag:s30], $0x3200  }
0xaa: {  	[sflag:s30] =	ssyncset.done $0x0  }
0xab: {  	[sflag:s30] =	ssyncadd.s32 $0xFFFFCE00  }
0xac: {  	[spmem:s2] =	stream.indirect.scatter.add.f32 [tilespmem:s25], [sflag:$0x4], $0x10, s18, s18, $0xb8;
	[tilespmem:$0x1FD80] =	vst v63  }
0xad: {  	_ =	swait.ge [sflag:s0], $0x3200  }
0xae: {  	s12 =	smov.u32 s11;
	s14 =	sshrl.u32 s9, $0x3;
	[sflag:s0] =	ssyncset.done $0x0  }
0xaf: {  	s11 =	sadd.s32 $0x258, s11;
	s7 =	sadd.s32 s5, s14;
	[sflag:s0] =	ssyncadd.s32 $0xFFFFCE00  }
0xb0: {  	[tilespmem:s3], [sflag:$0x5] =	stream.strided.gather [hbm4b:s7+s18], $0x640, s19, s18, $0x38;
	[tilespmem:$0x1FD80] =	vst v63  }
0xb1: {  	p0 =	sne.s32 s11, $0x2EE0;
	_ =	swait.ge [sflag:s29], $0x640  }
.Ltmp0:
0xb2: {  	[sflag:s29] =	ssyncset.done $0x0;
	(pc) =	sbr.rel @p0 .LBB2_2-.Ltmp0, $4  }
0xb3: {  	[sflag:s29] =	ssyncadd.s32 $0xFFFFF9C0  }
0xb4: {  	[tilespmem:s25], [sflag:$0x2] =	stream.indirect.gather [hbm4b:s4+s18], $0x10, s23, s18, $0xb8;
	[tilespmem:$0x1FD80] =	vst v63  }
0xb5: {  	s10 =	smov.u32 s12;
	_ =	swait.ge [sflag:s26], $0x3200  }
0xb6: {  	s9 =	sadd.s32 $0x12C0, s9;
	p1 =	seq.s32 s10, $0x0;
	[sflag:s26] =	ssyncset.done $0x0  }
0xb7: {  	s7 =	simm.s32 @!p1 $0x3;
	[sflag:s26] =	ssyncadd.s32 $0xFFFFCE00  }
0xb8: {  	[spmem:s2] =	stream.indirect.scatter.add.f32 [tilespmem:s22], [sflag:$0x3], $0x10, s31, s18, $0xb8;
	[tilespmem:$0x1FD80] =	vst v63  }
0xb9: {  	_ =	swait.ge @!p1 [sflag:s7], $0x3200  }
0xba: {  	s8 =	rddreg [dreg:$0x7];
	[sflag:s7] =	ssyncset.done @!p1 $0x0  }
0xbb: {  	[sflag:s7] =	ssyncadd.s32 @!p1 $0xFFFFCE00;
	s8 =	sadd.s32 s10, s8  }
0xbc: {  	[tilespmem:s20], [sflag:$0x6] =	stream.strided.gather [hbm4b:s8+s18], $0x640, s19, s18, $0x38;
	[tilespmem:$0x1FD80] =	vst v63  }
0xbd: {  	_ =	swait.ge [sflag:s21], $0x640  }
0xbe: {  	[sflag:s21] =	ssyncset.done $0x0  }
0xbf: {  	s7 =	simm.s32 @!p1 $0x2;
	[sflag:s21] =	ssyncadd.s32 $0xFFFFF9C0  }
0xc0: {  	[tilespmem:s22], [sflag:$0x1] =	stream.indirect.gather [hbm4b:s4+s18], $0x10, s3, s18, $0xb8;
	[tilespmem:$0x1FD80] =	vst v63  }
0xc1: {  	_ =	swait.ge @!p1 [sflag:s7], $0x3200  }
0xc2: {  	s11 =	simm.s32 @!p1 $0xFA0;
	[sflag:s7] =	ssyncset.done @!p1 $0x0  }
0xc3: {  	s8 =	simm.s32 @!p1 $0x44C0;
	[sflag:s7] =	ssyncadd.s32 @!p1 $0xFFFFCE00;
	s7 =	simm.s32 @!p1 $0x320  }
0xc4: {  	[spmem:s2] =	stream.indirect.scatter.add.f32 @!p1 [tilespmem:s8], [sflag:$0x4], $0x10, s11, s7, $0xb8;
	[tilespmem:$0x1FD80] =	vst v63  }
0xc5: {  	s7 =	simm.s32 @!p1 $0x4  }
0xc6: {  	_ =	swait.ge @!p1 [sflag:s7], $0x3200  }
0xc7: {  	s11 =	rddreg [dreg:$0x6];
	[sflag:s7] =	ssyncset.done @!p1 $0x0  }
0xc8: {  	[sflag:s7] =	ssyncadd.s32 @!p1 $0xFFFFCE00;
	s12 =	sadd.s32 s10, s11  }
0xc9: {  	[tilespmem:s23], [sflag:$0x7] =	stream.strided.gather [hbm4b:s12+s18], $0x640, s19, s18, $0x38;
	[tilespmem:$0x1FD80] =	vst v63  }
0xca: {  	_ =	swait.ge [sflag:s24], $0x640  }
0xcb: {  	[sflag:s24] =	ssyncset.done $0x0  }
0xcc: {  	[sflag:s24] =	ssyncadd.s32 $0xFFFFF9C0  }
0xcd: {  	[tilespmem:s25], [sflag:$0x2] =	stream.indirect.gather [hbm4b:s4+s18], $0x10, s20, s18, $0xb8;
	[tilespmem:$0x1FD80] =	vst v63  }
0xce: {  	_ =	swait.ge [sflag:s26], $0x3200  }
0xcf: {  	[sflag:s26] =	ssyncset.done $0x0  }
0xd0: {  	[sflag:s26] =	ssyncadd.s32 $0xFFFFCE00  }
0xd1: {  	[spmem:s2] =	stream.indirect.scatter.add.f32 [tilespmem:s22], [sflag:$0x3], $0x10, s18, s18, $0xb8;
	[tilespmem:$0x1FD80] =	vst v63  }
0xd2: {  	_ =	swait.ge [sflag:s28], $0x3200  }
0xd3: {  	s13 =	rddreg [dreg:$0x5];
	[sflag:s28] =	ssyncset.done $0x0  }
0xd4: {  	[sflag:s28] =	ssyncadd.s32 $0xFFFFCE00;
	s7 =	sadd.s32 s10, s13  }
0xd5: {  	[tilespmem:s3], [sflag:$0x5] =	stream.strided.gather [hbm4b:s7+s18], $0x640, s19, s18, $0x38;
	[tilespmem:$0x1FD80] =	vst v63  }
0xd6: {  	_ =	swait.ge [sflag:s29], $0x640  }
0xd7: {  	[sflag:s29] =	ssyncset.done $0x0  }
0xd8: {  	[sflag:s29] =	ssyncadd.s32 $0xFFFFF9C0  }
0xd9: {  	[tilespmem:s22], [sflag:$0x1] =	stream.indirect.gather [hbm4b:s4+s18], $0x10, s23, s18, $0xb8;
	[tilespmem:$0x1FD80] =	vst v63  }
0xda: {  	_ =	swait.ge [sflag:s30], $0x3200  }
0xdb: {  	[sflag:s30] =	ssyncset.done $0x0  }
0xdc: {  	[sflag:s30] =	ssyncadd.s32 $0xFFFFCE00  }
0xdd: {  	[spmem:s2] =	stream.indirect.scatter.add.f32 [tilespmem:s25], [sflag:$0x4], $0x10, s31, s18, $0xb8;
	[tilespmem:$0x1FD80] =	vst v63  }
0xde: {  	_ =	swait.ge [sflag:s0], $0x3200  }
0xdf: {  	s14 =	rddreg [dreg:$0x4];
	[sflag:s0] =	ssyncset.done $0x0  }
0xe0: {  	[sflag:s0] =	ssyncadd.s32 $0xFFFFCE00;
	s7 =	sadd.s32 s10, s14  }
0xe1: {  	[tilespmem:s20], [sflag:$0x6] =	stream.strided.gather [hbm4b:s7+s18], $0x640, s19, s18, $0x38;
	[tilespmem:$0x1FD80] =	vst v63  }
0xe2: {  	_ =	swait.ge [sflag:s21], $0x640  }
0xe3: {  	[sflag:s21] =	ssyncset.done $0x0  }
0xe4: {  	[sflag:s21] =	ssyncadd.s32 $0xFFFFF9C0  }
0xe5: {  	[tilespmem:s25], [sflag:$0x2] =	stream.indirect.gather [hbm4b:s4+s18], $0x10, s3, s18, $0xb8;
	[tilespmem:$0x1FD80] =	vst v63  }
0xe6: {  	_ =	swait.ge [sflag:s26], $0x3200  }
0xe7: {  	[sflag:s26] =	ssyncset.done $0x0  }
0xe8: {  	[sflag:s26] =	ssyncadd.s32 $0xFFFFCE00  }
0xe9: {  	[spmem:s2] =	stream.indirect.scatter.add.f32 [tilespmem:s22], [sflag:$0x3], $0x10, s1, s18, $0xb8;
	[tilespmem:$0x1FD80] =	vst v63  }
0xea: {  	_ =	swait.ge [sflag:s28], $0x3200  }
0xeb: {  	s8 =	rddreg [dreg:$0x3];
	[sflag:s28] =	ssyncset.done $0x0  }
0xec: {  	s7 =	sadd.s32 s10, s8;
	[sflag:s28] =	ssyncadd.s32 $0xFFFFCE00  }
0xed: {  	[tilespmem:s23], [sflag:$0x7] =	stream.strided.gather [hbm4b:s7+s18], $0x640, s19, s18, $0x38;
	[tilespmem:$0x1FD80] =	vst v63  }
0xee: {  	_ =	swait.ge [sflag:s24], $0x640  }
0xef: {  	[sflag:s24] =	ssyncset.done $0x0  }
0xf0: {  	[sflag:s24] =	ssyncadd.s32 $0xFFFFF9C0  }
0xf1: {  	[tilespmem:s22], [sflag:$0x1] =	stream.indirect.gather [hbm4b:s4+s18], $0x10, s20, s18, $0xb8;
	[tilespmem:$0x1FD80] =	vst v63  }
0xf2: {  	_ =	swait.ge [sflag:s30], $0x3200  }
0xf3: {  	[sflag:s30] =	ssyncset.done $0x0  }
0xf4: {  	[sflag:s30] =	ssyncadd.s32 $0xFFFFCE00  }
0xf5: {  	[spmem:s2] =	stream.indirect.scatter.add.f32 [tilespmem:s25], [sflag:$0x4], $0x10, s18, s18, $0xb8;
	[tilespmem:$0x1FD80] =	vst v63  }
0xf6: {  	_ =	swait.ge [sflag:s0], $0x3200  }
0xf7: {  	s9 =	sshrl.u32 s9, $0x3;
	[sflag:s0] =	ssyncset.done $0x0  }
0xf8: {  	s7 =	sadd.s32 s5, s9;
	[sflag:s0] =	ssyncadd.s32 $0xFFFFCE00  }
0xf9: {  	[tilespmem:s3], [sflag:$0x5] =	stream.strided.gather [hbm4b:s7+s18], $0x640, s19, s18, $0x38;
	[tilespmem:$0x1FD80] =	vst v63  }
0xfa: {  	_ =	swait.ge [sflag:s29], $0x640  }
0xfb: {  	[sflag:s29] =	ssyncset.done $0x0  }
0xfc: {  	[sflag:s29] =	ssyncadd.s32 $0xFFFFF9C0  }
0xfd: {  	[tilespmem:s25], [sflag:$0x2] =	stream.indirect.gather [hbm4b:s4+s18], $0x10, s23, s18, $0xb8;
	[tilespmem:$0x1FD80] =	vst v63  }
0xfe: {  	_ =	swait.ge [sflag:s26], $0x3200  }
0xff: {  	[sflag:s26] =	ssyncset.done $0x0  }
0x100: {  	[sflag:s26] =	ssyncadd.s32 $0xFFFFCE00  }
0x101: {  	[spmem:s2] =	stream.indirect.scatter.add.f32 [tilespmem:s22], [sflag:$0x3], $0x10, s31, s18, $0xb8;
	[tilespmem:$0x1FD80] =	vst v63  }
0x102: {  	_ =	swait.ge [sflag:s28], $0x3200  }
0x103: {  	[sflag:s28] =	ssyncset.done $0x0  }
0x104: {  	s10 =	rddreg [dreg:$0xa];
	[sflag:s28] =	ssyncadd.s32 $0xFFFFCE00  }
0x105: {  	[tilespmem:s20], [sflag:$0x6] =	stream.strided.gather [hbm4b:s10+s18], $0x640, s19, s18, $0x38;
	[tilespmem:$0x1FD80] =	vst v63  }
0x106: {  	_ =	swait.ge [sflag:s21], $0x640  }
0x107: {  	[sflag:s21] =	ssyncset.done $0x0  }
0x108: {  	[sflag:s21] =	ssyncadd.s32 $0xFFFFF9C0  }
0x109: {  	[tilespmem:s22], [sflag:$0x1] =	stream.indirect.gather [hbm4b:s4+s18], $0x10, s3, s18, $0xb8;
	[tilespmem:$0x1FD80] =	vst v63  }
0x10a: {  	_ =	swait.ge [sflag:s30], $0x3200  }
0x10b: {  	[sflag:s30] =	ssyncset.done $0x0  }
0x10c: {  	[sflag:s30] =	ssyncadd.s32 $0xFFFFCE00  }
0x10d: {  	[spmem:s2] =	stream.indirect.scatter.add.f32 [tilespmem:s25], [sflag:$0x4], $0x10, s1, s18, $0xb8;
	[tilespmem:$0x1FD80] =	vst v63  }
0x10e: {  	_ =	swait.ge [sflag:s0], $0x3200  }
0x10f: {  	[sflag:s0] =	ssyncset.done $0x0  }
0x110: {  	s11 =	rddreg [dreg:$0xb];
	[sflag:s0] =	ssyncadd.s32 $0xFFFFCE00  }
0x111: {  	[tilespmem:s23], [sflag:$0x7] =	stream.strided.gather [hbm4b:s11+s18], $0x640, s19, s18, $0x38;
	[tilespmem:$0x1FD80] =	vst v63  }
0x112: {  	_ =	swait.ge [sflag:s24], $0x640  }
0x113: {  	[sflag:s24] =	ssyncset.done $0x0  }
0x114: {  	[sflag:s24] =	ssyncadd.s32 $0xFFFFF9C0  }
0x115: {  	[tilespmem:s25], [sflag:$0x2] =	stream.indirect.gather [hbm4b:s4+s18], $0x10, s20, s18, $0xb8;
	[tilespmem:$0x1FD80] =	vst v63  }
0x116: {  	_ =	swait.ge [sflag:s26], $0x3200  }
0x117: {  	[sflag:s26] =	ssyncset.done $0x0  }
0x118: {  	[sflag:s26] =	ssyncadd.s32 $0xFFFFCE00  }
0x119: {  	[spmem:s2] =	stream.indirect.scatter.add.f32 [tilespmem:s22], [sflag:$0x3], $0x10, s18, s18, $0xb8;
	[tilespmem:$0x1FD80] =	vst v63  }
0x11a: {  	_ =	swait.ge [sflag:s28], $0x3200  }
0x11b: {  	[sflag:s28] =	ssyncset.done $0x0  }
0x11c: {  	s12 =	rddreg [dreg:$0xc];
	[sflag:s28] =	ssyncadd.s32 $0xFFFFCE00  }
0x11d: {  	[tilespmem:s3], [sflag:$0x5] =	stream.strided.gather [hbm4b:s12+s18], $0x640, s19, s18, $0x38;
	[tilespmem:$0x1FD80] =	vst v63  }
0x11e: {  	_ =	swait.ge [sflag:s29], $0x640  }
0x11f: {  	[sflag:s29] =	ssyncset.done $0x0  }
0x120: {  	[sflag:s29] =	ssyncadd.s32 $0xFFFFF9C0  }
0x121: {  	[tilespmem:s22], [sflag:$0x1] =	stream.indirect.gather [hbm4b:s4+s18], $0x10, s23, s18, $0xb8;
	[tilespmem:$0x1FD80] =	vst v63  }
0x122: {  	_ =	swait.ge [sflag:s30], $0x3200  }
0x123: {  	[sflag:s30] =	ssyncset.done $0x0  }
0x124: {  	[sflag:s30] =	ssyncadd.s32 $0xFFFFCE00  }
0x125: {  	[spmem:s2] =	stream.indirect.scatter.add.f32 [tilespmem:s25], [sflag:$0x4], $0x10, s31, s18, $0xb8;
	[tilespmem:$0x1FD80] =	vst v63  }
0x126: {  	_ =	swait.ge [sflag:s0], $0x3200  }
0x127: {  	[sflag:s0] =	ssyncset.done $0x0  }
0x128: {  	s13 =	rddreg [dreg:$0xd];
	[sflag:s0] =	ssyncadd.s32 $0xFFFFCE00  }
0x129: {  	[tilespmem:s20], [sflag:$0x6] =	stream.strided.gather [hbm4b:s13+s18], $0x640, s19, s18, $0x38;
	[tilespmem:$0x1FD80] =	vst v63  }
0x12a: {  	_ =	swait.ge [sflag:s21], $0x640  }
0x12b: {  	[sflag:s21] =	ssyncset.done $0x0  }
0x12c: {  	[sflag:s21] =	ssyncadd.s32 $0xFFFFF9C0  }
0x12d: {  	[tilespmem:s25], [sflag:$0x2] =	stream.indirect.gather [hbm4b:s4+s18], $0x10, s3, s18, $0xb8;
	[tilespmem:$0x1FD80] =	vst v63  }
0x12e: {  	_ =	swait.ge [sflag:s26], $0x3200  }
0x12f: {  	[sflag:s26] =	ssyncset.done $0x0  }
0x130: {  	[sflag:s26] =	ssyncadd.s32 $0xFFFFCE00  }
0x131: {  	[spmem:s2] =	stream.indirect.scatter.add.f32 [tilespmem:s22], [sflag:$0x3], $0x10, s1, s18, $0xb8;
	[tilespmem:$0x1FD80] =	vst v63  }
0x132: {  	_ =	swait.ge [sflag:s28], $0x3200  }
0x133: {  	[sflag:s28] =	ssyncset.done $0x0  }
0x134: {  	[sflag:s28] =	ssyncadd.s32 $0xFFFFCE00  }
0x135: {  	_ =	swait.ge [sflag:s24], $0x640  }
0x136: {  	[sflag:s24] =	ssyncset.done $0x0  }
0x137: {  	[sflag:s24] =	ssyncadd.s32 $0xFFFFF9C0  }
0x138: {  	[tilespmem:s22], [sflag:$0x1] =	stream.indirect.gather [hbm4b:s4+s18], $0x10, s20, s18, $0xb8;
	[tilespmem:$0x1FD80] =	vst v63  }
0x139: {  	_ =	swait.ge [sflag:s30], $0x3200  }
0x13a: {  	[sflag:s30] =	ssyncset.done $0x0  }
0x13b: {  	[sflag:s30] =	ssyncadd.s32 $0xFFFFCE00  }
0x13c: {  	[spmem:s2] =	stream.indirect.scatter.add.f32 [tilespmem:s25], [sflag:$0x4], $0x10, s18, s18, $0xb8;
	[tilespmem:$0x1FD80] =	vst v63  }
0x13d: {  	_ =	swait.ge [sflag:s26], $0x3200  }
0x13e: {  	[sflag:s26] =	ssyncset.done $0x0  }
0x13f: {  	[sflag:s26] =	ssyncadd.s32 $0xFFFFCE00  }
0x140: {  	[spmem:s2] =	stream.indirect.scatter.add.f32 [tilespmem:s22], [sflag:$0x3], $0x10, s31, s18, $0xb8;
	[tilespmem:$0x1FD80] =	vst v63  }
0x141: {  	_ =	swait.ge [sflag:s0], $0x3200  }
0x142: {  	[sflag:s0] =	ssyncset.done $0x0  }
0x143: {  	[sflag:s0] =	ssyncadd.s32 $0xFFFFCE00  }
0x144: {  	_ =	swait.ge [sflag:s28], $0x3200  }
0x145: {  	[sflag:s28] =	ssyncset.done $0x0  }
0x146: {  	[sflag:s28] =	ssyncadd.s32 $0xFFFFCE00  }
0x147: {  	[bflag:$0x0] =	sbarrier.arrive $0xFFFF  }
0x148: {  	s14 =	rddreg [dreg:$0xe]  }
0x149: {  	[hbm:s14], [sflag:s15] =	dma.local [spmem:s16], $0x30D8  }
0x14a: {  	_ =	swait.ge [sflag:s17], $0x30D8  }
0x14b: {  	s6 =	sadd.s32 $0x1, s6;
	s13 =	smov.u32 s15;
	s15 =	rddreg [dreg:$0xf]  }
0x14c: {  	p0 =	sne.s32 s6, s15  }
.Ltmp1:
0x14d: {  	_ = 	snop;
	(pc) =	sbr.rel @p0 .LBB2_1-.Ltmp1, $3  }
0x14e: {  	_ =	sdelay $0x1  }
0x14f: {  	[sflag:s17] =	ssyncset.done $0x0  }
0x150: {  	[sflag:s17] =	ssyncadd.s32 $0xFFFFCF28  }
0x151: {  	_ =	sfence.sel $0x180000  }
0x152: {  	[bflag:$0x0] =	sbarrier.arrive $0xFFFF  }
0x153: {  	_ =	strace $0x9000004A  }
0x154: {  	s0 =	stileid.u32;
	[bflag:$0x2] =	sbarrier.arrive $0xFFFF  }
0x155: {  	p0 =	sne.s32 s0, $0x0;
	s0 =	rddreg [dreg:$0x2]  }
0x156: {  	s0 =	sadd.s32 @!p0 $0x100000, s0  }
0x157: {  	[sflag:s0] =	ssyncadd.tile.s32 @!p0 $0x1;
	_ =	shalt  }
.Lfunc_end2:
_tile_overlayer_lowered:
.L_overlay_start_2:
0x158: {  	(tag) =	ssettag $0x2  }
0x159: {  	s0 =	rddreg [dreg:$0x0];
	s2 =	stileid.u32  }
0x15a: {  	s1 =	rddreg [dreg:$0x1];
	p0 =	sne.s32 s2, $0x0  }
0x15b: {  	s3 =	rddreg [dreg:$0x2];
	[bflag:$0x3] =	sbarrier.arrive $0xFFFF;
	s2 =	simm.s32 @!p0 $0x1C08  }
0x15c: {  	[timem:s3], [sflag:s2] =	dma.local @!p0 [hbm:s0], s1  }
0x15d: {  	s0 =	simm.s32 @!p0 $0x8  }
0x15e: {  	_ =	swait.ge @!p0 [sflag:s0], s1  }
0x15f: {  	s1 =	ssub.s32 @!p0 $0x0, s1;
	[sflag:s0] =	ssyncset.done @!p0 $0x0  }
0x160: {  	[sflag:s0] =	ssyncadd.s32 @!p0 s1  }
0x161: {  	[bflag:$0x3] =	sbarrier.arrive $0xFFFF  }
0x162: {  	_ =	shalt  }

// kernel: kernel.15.cloned.1.call-start
scs
__scs_entry_jumppad:
0x0: {  	(pc) =	sbr.rel $0x88, $3  }
0x1: {  	(tag) =	ssettag $0x0;
	lr =	simm.s32 $0x1  }
0x2: {  	[smem:$0x3F98] =	sst lr;
	_ =	strace $0xD0000000  }
0x3: {  	_ = 	snop  }
0x4: {  	_ = 	snop  }
0x5: {  	_ = 	snop  }
0x6: {  	_ = 	snop  }
0x7: {  	_ = 	snop  }
__scs_overlays_trampoline_lowered:
0x8: {  	[smem:$0x3FA7] =	sst s0  }
0x9: {  	[smem:$0x3FA8] =	sst s1  }
0xa: {  	[smem:$0x3FA9] =	sst s2  }
0xb: {  	[smem:$0x3FAA] =	sst s3  }
0xc: {  	[smem:$0x3FAB] =	sst s4  }
0xd: {  	[smem:$0x3FAC] =	sst s5  }
0xe: {  	[smem:$0x3FAD] =	sst s6  }
0xf: {  	[smem:$0x3FAE] =	sst s7  }
0x10: {  	[smem:$0x3FAF] =	sst s8  }
0x11: {  	[smem:$0x3FB0] =	sst s9;
	s0 =	simm.s32 @!p0 $0x0  }
0x12: {  	s1 =	sld [smem:$0x3F96];
	s0 =	simm.s32 @p0 $0x1  }
0x13: {  	[smem:$0x3FB1] =	sst s0;
	s0 =	simm.s32 @!p1 $0x0  }
0x14: {  	s2 =	sld [smem:$0x3F95];
	s0 =	simm.s32 @p1 $0x1  }
0x15: {  	[smem:$0x3FB2] =	sst s0;
	s0 =	simm.s32 @!p2 $0x0  }
0x16: {  	s3 =	sld [smem:$0x3FDB];
	s0 =	simm.s32 @p2 $0x1  }
0x17: {  	s4 =	simm.s32 $0x1BF5;
	[smem:$0x3FB4] =	sst s0  }
0x18: {  	s0 =	sld [smem:$0x3F97];
	_ =	swait.ge [sflag:s4], $0x0  }
0x19: {  	s7 =	sld [smem:$0x3F98]  }
0x1a: {  	s8 =	sadd.s32 $0xFFFFE003, lr  }
0x1b: {  	s9 =	sadd.s32 $0xFFFFFEF7, lr;
	s5 =	simm.s32 $0xFFFFFFFF;
	p2 =	slt.u32 s8, $0xFFFFF086  }
0x1c: {  	p1 =	slt.u32 s9, $0xF7A;
	s5 =	simm.s32 @!p2 $0x0  }
0x1d: {  	s5 =	simm.s32 @p1 $0x1;
	p0 =	seq.s32 s7, s2  }
0x1e: {  	s7 =	smul.u32 @!p0 $0xF7A, s2;
	p2 =	seq.s32 @!p0 s5, $0x0  }
0x1f: {  	s9 =	smul.u32 $0xF7A, s1;
	s8 =	simm.s32 @!p0 $0x1BF5;
	p2 =	por !p2, p0  }
0x20: {  	[sflag:s8] =	ssyncset.s32 @!p0 $0xFFFFF086;
	s6 =	sadd.s32 @!p0 s3, s7;
	s7 =	simm.s32 @!p0 $0x108  }
0x21: {  	s3 =	sadd.s32 s3, s9;
	s6 =	sadd.s32 @!p0 $0x88, s6;
	s7 =	simm.s32 @p2 $0x1082  }
0x22: {  	[simem:s7], [sflag:s8] =	dma.local @!p0 [hbm:s6], $0xF7A  }
0x23: {  	s9 =	sor.u32 $0xD0000000, s2;
	s6 =	simm.s32 $0x108;
	_ =	swait.ge @!p0 [sflag:s8], $0x0  }
0x24: {  	s3 =	sadd.s32 $0x88, s3;
	s6 =	simm.s32 @!p1 $0x1082;
	[sflag:s4] =	ssyncset.s32 $0xFFFFF086  }
0x25: {  	[simem:s6], [sflag:s4] =	dma.local [hbm:s3], $0xF7A  }
0x26: {  	[smem:$0x3F98] =	sst s1;
	(tag) =	ssettag s2;
	_ =	strace s9  }
0x27: {  	s1 =	sld [smem:$0x3FA8]  }
0x28: {  	s2 =	sld [smem:$0x3FA9]  }
0x29: {  	s4 =	sld [smem:$0x3FAB]  }
0x2a: {  	p0 =	seq.s32 s5, $0x0;
	s5 =	sld [smem:$0x3FAC]  }
0x2b: {  	s6 =	sld [smem:$0x3FAD]  }
0x2c: {  	s7 =	sld [smem:$0x3FAE]  }
0x2d: {  	s3 =	simm.s32 $0x108;
	s8 =	sld [smem:$0x3FAF]  }
0x2e: {  	s3 =	simm.s32 @!p0 $0x1082;
	s9 =	sld [smem:$0x3FB0]  }
0x2f: {  	lr =	sadd.s32 s0, s3;
	s0 =	sld [smem:$0x3FA7]  }
0x30: {  	s3 =	sld [smem:$0x3FAA]  }
0x31: {  	[smem:$0x3FB3] =	sst s10  }
0x32: {  	s10 =	sld [smem:$0x3FB1];
	_ =	sdelay $0x3  }
0x33: {  	p0 =	seq.s32 s10, $0x1;
	s10 =	sld [smem:$0x3FB3];
	_ =	sdelay $0x3  }
0x34: {  	[smem:$0x3FB3] =	sst s10  }
0x35: {  	s10 =	sld [smem:$0x3FB2];
	_ =	sdelay $0x3  }
0x36: {  	p1 =	seq.s32 s10, $0x1;
	s10 =	sld [smem:$0x3FB3];
	_ =	sdelay $0x3  }
0x37: {  	[smem:$0x3FB3] =	sst s10  }
0x38: {  	s10 =	sld [smem:$0x3FB4]  }
0x39: {  	_ = 	snop;
	(pc) =	sbr.ind lr, $3  }
0x3a: {  	_ = 	snop  }
0x3b: {  	_ = 	snop  }
0x3c: {  	p2 =	seq.s32 s10, $0x1;
	s10 =	sld [smem:$0x3FB3]  }
0x3d: {  	_ =	shalt  }
0x3e: {  	_ =	shalt  }
0x3f: {  	_ =	shalt  }
0x40: {  	_ =	shalt  }
0x41: {  	_ =	shalt  }
0x42: {  	_ =	shalt  }
0x43: {  	_ =	shalt  }
0x44: {  	_ =	shalt  }
0x45: {  	_ =	shalt  }
0x46: {  	_ =	shalt  }
0x47: {  	_ =	shalt  }
0x48: {  	_ =	shalt  }
0x49: {  	_ =	shalt  }
0x4a: {  	_ =	shalt  }
0x4b: {  	_ =	shalt  }
0x4c: {  	_ =	shalt  }
0x4d: {  	_ =	shalt  }
0x4e: {  	_ =	shalt  }
0x4f: {  	_ =	shalt  }
0x50: {  	_ =	shalt  }
0x51: {  	_ =	shalt  }
0x52: {  	_ =	shalt  }
0x53: {  	_ =	shalt  }
0x54: {  	_ =	shalt  }
0x55: {  	_ =	shalt  }
0x56: {  	_ =	shalt  }
0x57: {  	_ =	shalt  }
0x58: {  	_ =	shalt  }
0x59: {  	_ =	shalt  }
0x5a: {  	_ =	shalt  }
0x5b: {  	_ =	shalt  }
0x5c: {  	_ =	shalt  }
0x5d: {  	_ =	shalt  }
0x5e: {  	_ =	shalt  }
0x5f: {  	_ =	shalt  }
0x60: {  	_ =	shalt  }
0x61: {  	_ =	shalt  }
0x62: {  	_ =	shalt  }
0x63: {  	_ =	shalt  }
0x64: {  	_ =	shalt  }
0x65: {  	_ =	shalt  }
0x66: {  	_ =	shalt  }
0x67: {  	_ =	shalt  }
0x68: {  	_ =	shalt  }
0x69: {  	_ =	shalt  }
0x6a: {  	_ =	shalt  }
0x6b: {  	_ =	shalt  }
0x6c: {  	_ =	shalt  }
0x6d: {  	_ =	shalt  }
0x6e: {  	_ =	shalt  }
0x6f: {  	_ =	shalt  }
0x70: {  	_ =	shalt  }
0x71: {  	_ =	shalt  }
0x72: {  	_ =	shalt  }
0x73: {  	_ =	shalt  }
0x74: {  	_ =	shalt  }
0x75: {  	_ =	shalt  }
0x76: {  	_ =	shalt  }
0x77: {  	_ =	shalt  }
0x78: {  	_ =	shalt  }
0x79: {  	_ =	shalt  }
0x7a: {  	_ =	shalt  }
0x7b: {  	_ =	shalt  }
0x7c: {  	_ =	shalt  }
0x7d: {  	_ =	shalt  }
0x7e: {  	_ =	shalt  }
0x7f: {  	_ =	shalt  }
0x80: {  	_ =	shalt  }
0x81: {  	_ =	shalt  }
0x82: {  	_ =	shalt  }
0x83: {  	_ =	shalt  }
0x84: {  	_ =	shalt  }
0x85: {  	_ =	shalt  }
0x86: {  	_ =	shalt  }
0x87: {  	_ =	shalt  }
.Lfunc_end0:
.L_simem_size_0:
called_computation.2_lowered:
.L_overlay_start_0:
0x88: {  	s2 =	sld [smem:$0x3FD9]  }
0x89: {  	s3 =	sld [smem:$0x3FFE];
	_ =	sdelay $0x1  }
0x8a: {  	s1 =	srdreg.scid  }
0x8b: {  	s0 =	sand.u32 $0x1, s1  }
0x8c: {  	s16 =	sshll.u32 s0, $0xA;
	s2 =	sadd.s32 s3, s2  }
0x8d: {  	s2 =	sadd.s32 s2, s16  }
0x8e: {  	[smem:$0x3FBF] =	sst s2  }
0x8f: {  	_ = 	snop  }
0x90: {  	(tm) =	ssettm $0x1  }
0x91: {  	s17 =	sld [smem:$0x3FFB];
	_ =	sdelay $0x3  }
0x92: {  	_ =	strace s17  }
0x93: {  	s2 =	sld [smem:$0x3FFC];
	_ =	sdelay $0x3  }
0x94: {  	_ =	strace s2  }
0x95: {  	s2 =	sld [smem:$0x3FFD];
	_ =	sdelay $0x3  }
0x96: {  	_ =	strace s2  }
0x97: {  	_ =	strace $0x8FFFFFFF  }
0x98: {  	s18 =	sld [smem:$0x3FDB];
	_ =	sdelay $0x1  }
0x99: {  	s19 =	simm.s32 $_scs_section_size  }
0x9a: {  	s4 =	simm.s32 $_size__tile_overlayer_lowered;
	s5 =	simm.s32 $_tile_overlayer_lowered  }
0x9b: {  	s22 =	simm.s32 $0x1BFF;
	s21 =	sshll.u32 s5, $0x1;
	s2 =	sadd.s32 s19, s18  }
0x9c: {  	s6 =	simm.s32 $0x0;
	s20 =	sshll.u32 s4, $0x1;
	s4 =	sadd.s32 s21, s2  }
0x9d: {  	[timem:s6], [sflag:s22] =	dma.local [hbm:s4], s20  }
0x9e: {  	_ =	swait.ge [sflag:s22], s20  }
0x9f: {  	s3 =	ssub.s32 $0x0, s20;
	[sflag:s22] =	ssyncset.done $0x0  }
0xa0: {  	[sflag:s22] =	ssyncadd.s32 s3;
	_ =	sdelay $0x1  }
0xa1: {  	s23 =	simm.s32 $0x1B8B  }
0xa2: {  	_ =	swait.ge [sflag:s23], $0x1  }
0xa3: {  	[sflag:s23] =	ssyncset.done $0x0  }
0xa4: {  	s25 =	simm.s32 $0x1B8E;
	s24 =	sld [smem:$0x3FFE];
	[sflag:s23] =	ssyncadd.s32 $0xFFFFFFFF  }
0xa5: {  	s26 =	simm.s32 $execute0_lowered;
	[smem:$0x3FD2] =	sst s25  }
0xa6: {  	s4 =	sshll.u32 s26, $0x1;
	_ =	strace $0x8000004C;
	[dreg:$0x1] =	wrdreg $0xFFFFFFFF  }
0xa7: {  	s28 =	simm.s32 $_size_execute0_lowered;
	s2 =	sadd.s32 s2, s4;
	[dreg:$0x0] =	wrdreg $0x0  }
0xa8: {  	s4 =	sshll.u32 s28, $0x1;
	[dreg:$0x2] =	wrdreg s2  }
0xa9: {  	[dreg:$0x3] =	wrdreg s4  }
0xaa: {  	[dreg:$0x4] =	wrdreg $0xC0  }
0xab: {  	_ =	task [dreg:s6], $0x5FFFF  }
0xac: {  	[dreg:$0x1] =	wrdreg $0xFFFFFFFF  }
0xad: {  	[dreg:$0x0] =	wrdreg $0x60  }
0xae: {  	[dreg:$0x2] =	wrdreg s24  }
0xaf: {  	[dreg:$0x3] =	wrdreg $0x76C00  }
0xb0: {  	[dreg:$0x4] =	wrdreg $0x9  }
0xb1: {  	_ =	task.clear_ibuf [dreg:s6], $0x5FFFF;
	_ =	strace $0x9000004C  }
0xb2: {  	s29 =	simm.s32 $0x9;
	_ =	strace $0x8000004E  }
0xb3: {  	_ =	swait.ge [sflag:s29], $0x1  }
0xb4: {  	[sflag:s29] =	ssyncadd.s32 $0xFFFFFFFF  }
0xb5: {  	_ =	strace $0x9000004E  }
0xb6: {  	_ =	sfence  }
0xb7: {  	s30 =	sld [smem:$0x0];
	_ =	sdelay $0x2  }
0xb8: {  	s31 =	sshll.u32 s1, $0xD;
	s1 =	sshrl.u32 s1, $0x2  }
0xb9: {  	s3 =	sand.u32 $0x4000, s31;
	s1 =	sadd.s32 s1, s30  }
0xba: {  	s0 =	sor.u32 s3, s0;
	s1 =	sshll.u32 s1, $0x11  }
0xbb: {  	s0 =	sor.u32 s1, s0  }
0xbc: {  	s0 =	sadd.s32 $0x8F2B, s0  }
0xbd: {  	[sflag:s0] =	ssyncadd.remote.s32 $0x1  }
0xbe: {  	_ =	sfence.sel $0xFFFF  }
0xbf: {  	[dreg:$0x0] =	wrdreg $0xFFFFFFFF;
	(pc) =	sbr.abs _section_cstart, $3  }
0xc0: {  	[dreg:$0x1] =	wrdreg $0xFFFFFFFF  }
0xc1: {  	_ =	task.clear_ibuf [dreg:s6], $0x2FFFF;
	_ =	strace $0x9FFFFFFF  }
0xc2: {  	(tm) =	ssettm $0x7FFFFFFF  }
0xc3: {  	_ =	shalt  }
tec
execute0_lowered:
.L_overlay_start_1:
0x0: {  	(tag) =	ssettag $0x1  }
0x1: {  	s0 =	rddreg [dreg:$0x0]  }
0x2: {  	s2 =	rddreg [dreg:$0x1]  }
0x3: {  	s3 =	simm.s32 $0x0;
	s12 =	stileid.u32;
	s1 =	srdreg.scid  }
0x4: {  	s16 =	simm.s32 $0x8;
	s17 =	simm.s32 $0x320;
	s18 =	simm.s32 $0x30D400  }
0x5: {  	s19 =	simm.s32 $0x640;
	s28 =	simm.s32 $0x7;
	s29 =	simm.s32 $0x2  }
0x6: {  	s30 =	simm.s32 $0x960;
	s31 =	simm.s32 $0x4;
	[smem:$0x7FF] =	sst s3  }
0x7: {  	s6 =	smul.u32 $0x186C0, s12;
	s1 =	sand.u32 $0x1, s1;
	s4 =	sadd.s32 $0x191A00, s0  }
0x8: {  	s5 =	sadd.s32 $0x1F3E00, s0;
	s9 =	sadd.s32 $0x2400, s0;
	s11 =	smul.u32 $0x30D40, s12  }
0x9: {  	s21 =	sshll.u32 s12, $0x6;
	s23 =	smul.u32 $0x61A8, s12;
	_ =	strace $0x8000004D  }
0xa: {  	s7 =	smul.u32 $0x186C00, s1;
	s10 =	ssub.s32 $0x2, s1;
	p0 =	seq.s32 s1, $0x1  }
0xb: {  	s1 =	simm.s32 $0x0;
	s8 =	sshrl.u32 s6, $0x3;
	s20 =	sshrl.u32 s10, $0x1  }
0xc: {  	s22 =	sshrl.u32 s11, $0x3;
	s14 =	sadd.s32 s23, s9;
	s23 =	simm.s32 $0x6  }
0xd: {  	s7 =	sadd.s32 s6, s7;
	s8 =	sadd.s32 s8, s0;
	s10 =	ssub.s32 s10, s20  }
0xe: {  	s6 =	sadd.s32 s6, s2;
	s20 =	simm.s32 $0x5;
	s8 =	sadd.s32 $0xC5A00, s8  }
0xf: {  	s7 =	sshrl.u32 s7, $0x3;
	s26 =	smax.u32 s10, $0x1;
	[dreg:$0x3] =	wrdreg s8  }
0x10: {  	s15 =	sshrl.u32 s6, $0x3;
	s8 =	sadd.s32 s9, s22;
	[dreg:$0x9] =	wrdreg s26  }
0x11: {  	s0 =	sadd.s32 s7, s0;
	s24 =	sadd.s32 $0x607C, s8;
	[dreg:$0x4] =	wrdreg s8  }
.Ltmp0:
0x12: {  	s25 =	sadd.s32 $0x60E0, s8;
	[dreg:$0x5] =	wrdreg s24;
	(pc) =	sbr.rel .LBB2_1-.Ltmp0, $4  }
0x13: {  	s7 =	sor.u32 $0x1C08, s21;
	s8 =	sadd.s32 $0x6144, s8;
	[dreg:$0x6] =	wrdreg s25  }
0x14: {  	s21 =	simm.s32 $0x12C0;
	s0 =	sadd.s32 $0xF6800, s0;
	[dreg:$0x7] =	wrdreg s8  }
0x15: {  	s22 =	simm.s32 $0xC80;
	s26 =	simm.s32 $0x3;
	[dreg:$0x8] =	wrdreg s0  }
0x16: {  	s24 =	simm.s32 $0x44C0;
	s25 =	simm.s32 $0x1;
	s0 =	simm.s32 $0xFA0  }
.LBB2_7:
0x17: {  	s8 =	simm.s32 @!p2 $0x3;
	[sflag:s25] =	ssyncadd.s32 $0xFFFFCE00  }
0x18: {  	[spmem:s2] =	stream.indirect.scatter.add.f32 [tilespmem:s21], [sflag:$0x3], $0x10, s30, s17, $0xb8;
	[tilespmem:$0x1FD80] =	vst v63  }
0x19: {  	_ =	swait.ge @!p2 [sflag:s8], $0x3200  }
0x1a: {  	s6 =	sadd.s32 s6, s14;
	[sflag:s8] =	ssyncset.done @!p2 $0x0  }
0x1b: {  	s9 =	sadd.s32 $0x64, s6;
	[sflag:s8] =	ssyncadd.s32 @!p2 $0xFFFFCE00  }
0x1c: {  	[tilespmem:s19], [sflag:$0x6] =	stream.strided.gather [hbm4b:s9+s17], $0x640, s18, s17, $0x38;
	[tilespmem:$0x1FD80] =	vst v63  }
0x1d: {  	_ =	swait.ge [sflag:s20], $0x640  }
0x1e: {  	[sflag:s20] =	ssyncset.done $0x0  }
0x1f: {  	s8 =	simm.s32 @!p2 $0x2;
	[sflag:s20] =	ssyncadd.s32 $0xFFFFF9C0  }
0x20: {  	[tilespmem:s21], [sflag:$0x1] =	stream.indirect.gather [hbm4b:s5+s17], $0x10, s3, s17, $0xb8;
	[tilespmem:$0x1FD80] =	vst v63  }
0x21: {  	_ =	swait.ge @!p2 [sflag:s8], $0x3200  }
0x22: {  	s10 =	simm.s32 @!p2 $0x4;
	s11 =	simm.s32 @!p2 $0xFA0;
	[sflag:s8] =	ssyncset.done @!p2 $0x0  }
0x23: {  	s9 =	simm.s32 @!p2 $0x44C0;
	[sflag:s8] =	ssyncadd.s32 @!p2 $0xFFFFCE00;
	s8 =	simm.s32 @!p2 $0x320  }
0x24: {  	[spmem:s2] =	stream.indirect.scatter.add.f32 @!p2 [tilespmem:s9], [sflag:$0x4], $0x10, s11, s8, $0xb8;
	[tilespmem:$0x1FD80] =	vst v63  }
0x25: {  	_ =	swait.ge @!p2 [sflag:s10], $0x3200  }
0x26: {  	[sflag:s10] =	ssyncset.done @!p2 $0x0  }
0x27: {  	[sflag:s10] =	ssyncadd.s32 @!p2 $0xFFFFCE00;
	s10 =	sadd.s32 $0xC8, s6  }
0x28: {  	[tilespmem:s22], [sflag:$0x7] =	stream.strided.gather [hbm4b:s10+s17], $0x640, s18, s17, $0x38;
	[tilespmem:$0x1FD80] =	vst v63  }
0x29: {  	_ =	swait.ge [sflag:s23], $0x640  }
0x2a: {  	[sflag:s23] =	ssyncset.done $0x0  }
0x2b: {  	[sflag:s23] =	ssyncadd.s32 $0xFFFFF9C0  }
0x2c: {  	[tilespmem:s24], [sflag:$0x2] =	stream.indirect.gather [hbm4b:s5+s17], $0x10, s19, s17, $0xb8;
	[tilespmem:$0x1FD80] =	vst v63  }
0x2d: {  	_ =	swait.ge [sflag:s25], $0x3200  }
0x2e: {  	[sflag:s25] =	ssyncset.done $0x0  }
0x2f: {  	[sflag:s25] =	ssyncadd.s32 $0xFFFFCE00  }
0x30: {  	[spmem:s2] =	stream.indirect.scatter.add.f32 [tilespmem:s21], [sflag:$0x3], $0x10, s17, s17, $0xb8;
	[tilespmem:$0x1FD80] =	vst v63  }
0x31: {  	_ =	swait.ge [sflag:s26], $0x3200  }
0x32: {  	[sflag:s26] =	ssyncset.done $0x0  }
0x33: {  	s11 =	sadd.s32 $0x12C, s6;
	[sflag:s26] =	ssyncadd.s32 $0xFFFFCE00  }
0x34: {  	[tilespmem:s3], [sflag:$0x5] =	stream.strided.gather [hbm4b:s11+s17], $0x640, s18, s17, $0x38;
	[tilespmem:$0x1FD80] =	vst v63  }
0x35: {  	_ =	swait.ge [sflag:s28], $0x640  }
0x36: {  	[sflag:s28] =	ssyncset.done $0x0  }
0x37: {  	[sflag:s28] =	ssyncadd.s32 $0xFFFFF9C0  }
0x38: {  	[tilespmem:s21], [sflag:$0x1] =	stream.indirect.gather [hbm4b:s5+s17], $0x10, s22, s17, $0xb8;
	[tilespmem:$0x1FD80] =	vst v63  }
0x39: {  	_ =	swait.ge [sflag:s29], $0x3200  }
0x3a: {  	[sflag:s29] =	ssyncset.done $0x0  }
0x3b: {  	[sflag:s29] =	ssyncadd.s32 $0xFFFFCE00  }
0x3c: {  	[spmem:s2] =	stream.indirect.scatter.add.f32 [tilespmem:s24], [sflag:$0x4], $0x10, s30, s17, $0xb8;
	[tilespmem:$0x1FD80] =	vst v63  }
0x3d: {  	_ =	swait.ge [sflag:s31], $0x3200  }
0x3e: {  	[sflag:s31] =	ssyncset.done $0x0  }
0x3f: {  	s12 =	sadd.s32 $0x190, s6;
	[sflag:s31] =	ssyncadd.s32 $0xFFFFCE00  }
0x40: {  	[tilespmem:s19], [sflag:$0x6] =	stream.strided.gather [hbm4b:s12+s17], $0x640, s18, s17, $0x38;
	[tilespmem:$0x1FD80] =	vst v63  }
0x41: {  	_ =	swait.ge [sflag:s20], $0x640  }
0x42: {  	[sflag:s20] =	ssyncset.done $0x0  }
0x43: {  	[sflag:s20] =	ssyncadd.s32 $0xFFFFF9C0  }
0x44: {  	[tilespmem:s24], [sflag:$0x2] =	stream.indirect.gather [hbm4b:s5+s17], $0x10, s3, s17, $0xb8;
	[tilespmem:$0x1FD80] =	vst v63  }
0x45: {  	_ =	swait.ge [sflag:s25], $0x3200  }
0x46: {  	[sflag:s25] =	ssyncset.done $0x0  }
0x47: {  	[sflag:s25] =	ssyncadd.s32 $0xFFFFCE00  }
0x48: {  	[spmem:s2] =	stream.indirect.scatter.add.f32 [tilespmem:s21], [sflag:$0x3], $0x10, s0, s17, $0xb8;
	[tilespmem:$0x1FD80] =	vst v63  }
0x49: {  	_ =	swait.ge [sflag:s26], $0x3200  }
0x4a: {  	[sflag:s26] =	ssyncset.done $0x0  }
0x4b: {  	s13 =	sadd.s32 $0x1F4, s6;
	[sflag:s26] =	ssyncadd.s32 $0xFFFFCE00  }
0x4c: {  	[tilespmem:s22], [sflag:$0x7] =	stream.strided.gather [hbm4b:s13+s17], $0x640, s18, s17, $0x38;
	[tilespmem:$0x1FD80] =	vst v63  }
0x4d: {  	_ =	swait.ge [sflag:s23], $0x640  }
0x4e: {  	[sflag:s23] =	ssyncset.done $0x0  }
0x4f: {  	[sflag:s23] =	ssyncadd.s32 $0xFFFFF9C0  }
0x50: {  	[tilespmem:s21], [sflag:$0x1] =	stream.indirect.gather [hbm4b:s5+s17], $0x10, s19, s17, $0xb8;
	[tilespmem:$0x1FD80] =	vst v63  }
0x51: {  	_ =	swait.ge [sflag:s29], $0x3200  }
0x52: {  	[sflag:s29] =	ssyncset.done $0x0  }
0x53: {  	[sflag:s29] =	ssyncadd.s32 $0xFFFFCE00  }
0x54: {  	[spmem:s2] =	stream.indirect.scatter.add.f32 [tilespmem:s24], [sflag:$0x4], $0x10, s17, s17, $0xb8;
	[tilespmem:$0x1FD80] =	vst v63  }
0x55: {  	_ =	swait.ge [sflag:s31], $0x3200  }
0x56: {  	[sflag:s31] =	ssyncset.done $0x0  }
0x57: {  	s6 =	sadd.s32 $0x258, s6;
	[sflag:s31] =	ssyncadd.s32 $0xFFFFCE00  }
0x58: {  	[tilespmem:s3], [sflag:$0x5] =	stream.strided.gather [hbm4b:s6+s17], $0x640, s18, s17, $0x38;
	[tilespmem:$0x1FD80] =	vst v63  }
0x59: {  	_ =	swait.ge [sflag:s28], $0x640  }
0x5a: {  	[sflag:s28] =	ssyncset.done $0x0  }
0x5b: {  	[sflag:s28] =	ssyncadd.s32 $0xFFFFF9C0  }
0x5c: {  	[tilespmem:s24], [sflag:$0x2] =	stream.indirect.gather [hbm4b:s5+s17], $0x10, s22, s17, $0xb8;
	[tilespmem:$0x1FD80] =	vst v63  }
0x5d: {  	_ =	swait.ge [sflag:s25], $0x3200  }
0x5e: {  	[sflag:s25] =	ssyncset.done $0x0  }
0x5f: {  	s6 =	smov.u32 s5;
	[sflag:s25] =	ssyncadd.s32 $0xFFFFCE00  }
0x60: {  	[spmem:s2] =	stream.indirect.scatter.add.f32 [tilespmem:s21], [sflag:$0x3], $0x10, s30, s17, $0xb8;
	[tilespmem:$0x1FD80] =	vst v63  }
.LBB2_8:
0x61: {  	_ =	swait.ge [sflag:s26], $0x3200  }
0x62: {  	[sflag:s26] =	ssyncset.done $0x0  }
0x63: {  	s8 =	rddreg [dreg:$0x5];
	[sflag:s26] =	ssyncadd.s32 $0xFFFFCE00  }
0x64: {  	[tilespmem:s19], [sflag:$0x6] =	stream.strided.gather [hbm4b:s8+s17], $0x640, s18, s17, $0x38;
	[tilespmem:$0x1FD80] =	vst v63  }
0x65: {  	_ =	swait.ge [sflag:s20], $0x640  }
0x66: {  	[sflag:s20] =	ssyncset.done $0x0  }
0x67: {  	[sflag:s20] =	ssyncadd.s32 $0xFFFFF9C0  }
0x68: {  	[tilespmem:s21], [sflag:$0x1] =	stream.indirect.gather [hbm4b:s6+s17], $0x10, s3, s17, $0xb8;
	[tilespmem:$0x1FD80] =	vst v63  }
0x69: {  	_ =	swait.ge [sflag:s29], $0x3200  }
0x6a: {  	[sflag:s29] =	ssyncset.done $0x0  }
0x6b: {  	[sflag:s29] =	ssyncadd.s32 $0xFFFFCE00  }
0x6c: {  	[spmem:s2] =	stream.indirect.scatter.add.f32 [tilespmem:s24], [sflag:$0x4], $0x10, s0, s17, $0xb8;
	[tilespmem:$0x1FD80] =	vst v63  }
0x6d: {  	_ =	swait.ge [sflag:s31], $0x3200  }
0x6e: {  	[sflag:s31] =	ssyncset.done $0x0  }
0x6f: {  	s10 =	rddreg [dreg:$0x6];
	[sflag:s31] =	ssyncadd.s32 $0xFFFFCE00  }
0x70: {  	[tilespmem:s22], [sflag:$0x7] =	stream.strided.gather [hbm4b:s10+s17], $0x640, s18, s17, $0x38;
	[tilespmem:$0x1FD80] =	vst v63  }
0x71: {  	_ =	swait.ge [sflag:s23], $0x640  }
0x72: {  	[sflag:s23] =	ssyncset.done $0x0  }
0x73: {  	[sflag:s23] =	ssyncadd.s32 $0xFFFFF9C0  }
0x74: {  	[tilespmem:s24], [sflag:$0x2] =	stream.indirect.gather [hbm4b:s6+s17], $0x10, s19, s17, $0xb8;
	[tilespmem:$0x1FD80] =	vst v63  }
0x75: {  	_ =	swait.ge [sflag:s25], $0x3200  }
0x76: {  	[sflag:s25] =	ssyncset.done $0x0  }
0x77: {  	[sflag:s25] =	ssyncadd.s32 $0xFFFFCE00  }
0x78: {  	[spmem:s2] =	stream.indirect.scatter.add.f32 [tilespmem:s21], [sflag:$0x3], $0x10, s17, s17, $0xb8;
	[tilespmem:$0x1FD80] =	vst v63  }
0x79: {  	_ =	swait.ge [sflag:s26], $0x3200  }
0x7a: {  	[sflag:s26] =	ssyncset.done $0x0  }
0x7b: {  	s11 =	rddreg [dreg:$0x7];
	[sflag:s26] =	ssyncadd.s32 $0xFFFFCE00  }
0x7c: {  	[tilespmem:s3], [sflag:$0x5] =	stream.strided.gather [hbm4b:s11+s17], $0x640, s18, s17, $0x38;
	[tilespmem:$0x1FD80] =	vst v63  }
0x7d: {  	_ =	swait.ge [sflag:s28], $0x640  }
0x7e: {  	[sflag:s28] =	ssyncset.done $0x0  }
0x7f: {  	[sflag:s28] =	ssyncadd.s32 $0xFFFFF9C0  }
0x80: {  	[tilespmem:s21], [sflag:$0x1] =	stream.indirect.gather [hbm4b:s6+s17], $0x10, s22, s17, $0xb8;
	[tilespmem:$0x1FD80] =	vst v63  }
0x81: {  	_ =	swait.ge [sflag:s29], $0x3200  }
0x82: {  	[sflag:s29] =	ssyncset.done $0x0  }
0x83: {  	[sflag:s29] =	ssyncadd.s32 $0xFFFFCE00  }
0x84: {  	[spmem:s2] =	stream.indirect.scatter.add.f32 [tilespmem:s24], [sflag:$0x4], $0x10, s30, s17, $0xb8;
	[tilespmem:$0x1FD80] =	vst v63  }
0x85: {  	_ =	swait.ge [sflag:s31], $0x3200  }
0x86: {  	[sflag:s31] =	ssyncset.done $0x0  }
0x87: {  	[sflag:s31] =	ssyncadd.s32 $0xFFFFCE00  }
0x88: {  	_ =	swait.ge [sflag:s20], $0x640  }
0x89: {  	[sflag:s20] =	ssyncset.done $0x0  }
0x8a: {  	[sflag:s20] =	ssyncadd.s32 $0xFFFFF9C0  }
0x8b: {  	[tilespmem:s24], [sflag:$0x2] =	stream.indirect.gather [hbm4b:s6+s17], $0x10, s3, s17, $0xb8;
	[tilespmem:$0x1FD80] =	vst v63  }
0x8c: {  	_ =	swait.ge [sflag:s25], $0x3200  }
0x8d: {  	[sflag:s25] =	ssyncset.done $0x0  }
0x8e: {  	[sflag:s25] =	ssyncadd.s32 $0xFFFFCE00  }
0x8f: {  	[spmem:s2] =	stream.indirect.scatter.add.f32 [tilespmem:s21], [sflag:$0x3], $0x10, s0, s17, $0xb8;
	[tilespmem:$0x1FD80] =	vst v63  }
0x90: {  	_ =	swait.ge [sflag:s29], $0x3200  }
0x91: {  	[sflag:s29] =	ssyncset.done $0x0  }
0x92: {  	[sflag:s29] =	ssyncadd.s32 $0xFFFFCE00  }
0x93: {  	[spmem:s2] =	stream.indirect.scatter.add.f32 [tilespmem:s24], [sflag:$0x4], $0x10, s17, s17, $0xb8;
	[tilespmem:$0x1FD80] =	vst v63  }
0x94: {  	_ =	swait.ge [sflag:s26], $0x3200  }
0x95: {  	[sflag:s26] =	ssyncset.done $0x0  }
0x96: {  	[sflag:s26] =	ssyncadd.s32 $0xFFFFCE00  }
0x97: {  	_ =	swait.ge [sflag:s31], $0x3200  }
0x98: {  	[sflag:s31] =	ssyncset.done $0x0  }
0x99: {  	[sflag:s31] =	ssyncadd.s32 $0xFFFFCE00  }
0x9a: {  	[bflag:$0x0] =	sbarrier.arrive $0xFFFF  }
0x9b: {  	s12 =	rddreg [dreg:$0x8]  }
0x9c: {  	[hbm:s12], [sflag:s7] =	dma.local [spmem:s15], $0x30D8  }
0x9d: {  	_ =	swait.ge [sflag:s16], $0x30D8  }
0x9e: {  	s1 =	sadd.s32 $0x1, s1;
	s13 =	rddreg [dreg:$0x9]  }
0x9f: {  	p1 =	sne.s32 s1, s13  }
.Ltmp1:
0xa0: {  	_ = 	snop;
	(pc) =	sbr.rel @!p1 .LBB2_9-.Ltmp1, $3  }
0xa1: {  	_ =	sdelay $0x1  }
0xa2: {  	[sflag:s16] =	ssyncset.done $0x0  }
0xa3: {  	[sflag:s16] =	ssyncadd.s32 $0xFFFFCF28  }
.LBB2_1:
0xa4: {  	s6 =	rddreg [dreg:$0x3]  }
0xa5: {  	[spmem:s15], [sflag:s7] =	dma.local [hbm:s6], $0x30D8  }
0xa6: {  	_ =	swait.ge [sflag:s16], $0x30D8  }
.Ltmp2:
0xa7: {  	[sflag:s16] =	ssyncset.done $0x0;
	(pc) =	sbr.rel @!p0 .LBB2_2-.Ltmp2, $4  }
0xa8: {  	[sflag:s16] =	ssyncadd.s32 $0xFFFFCF28  }
0xa9: {  	[bflag:$0x0] =	sbarrier.arrive $0xFFFF  }
0xaa: {  	p1 =	por $0x1, $0x1;
	s13 =	rddreg [dreg:$0x4]  }
0xab: {  	[tilespmem:s3], [sflag:$0x5] =	stream.strided.gather [hbm4b:s13+s17], $0x640, s18, s17, $0x38;
	[tilespmem:$0x1FD80] =	vst v63  }
0xac: {  	s8 =	simm.s32 @!p1 $0x3  }
0xad: {  	_ =	swait.ge @!p1 [sflag:s8], $0x3200  }
0xae: {  	s6 =	sadd.s32 $0x0, s14;
	[sflag:s8] =	ssyncset.done @!p1 $0x0  }
0xaf: {  	s9 =	sadd.s32 $0x64, s6;
	[sflag:s8] =	ssyncadd.s32 @!p1 $0xFFFFCE00  }
0xb0: {  	[tilespmem:s19], [sflag:$0x6] =	stream.strided.gather [hbm4b:s9+s17], $0x640, s18, s17, $0x38;
	[tilespmem:$0x1FD80] =	vst v63  }
0xb1: {  	_ =	swait.ge [sflag:s20], $0x640  }
0xb2: {  	[sflag:s20] =	ssyncset.done $0x0  }
0xb3: {  	s8 =	simm.s32 @!p1 $0x2;
	[sflag:s20] =	ssyncadd.s32 $0xFFFFF9C0  }
0xb4: {  	[tilespmem:s21], [sflag:$0x1] =	stream.indirect.gather [hbm4b:s5+s17], $0x10, s3, s17, $0xb8;
	[tilespmem:$0x1FD80] =	vst v63  }
0xb5: {  	_ =	swait.ge @!p1 [sflag:s8], $0x3200  }
0xb6: {  	s10 =	simm.s32 @!p1 $0x4;
	s11 =	simm.s32 @!p1 $0xFA0;
	[sflag:s8] =	ssyncset.done @!p1 $0x0  }
0xb7: {  	s9 =	simm.s32 @!p1 $0x44C0;
	[sflag:s8] =	ssyncadd.s32 @!p1 $0xFFFFCE00;
	s8 =	simm.s32 @!p1 $0x320  }
0xb8: {  	[spmem:s2] =	stream.indirect.scatter.add.f32 @!p1 [tilespmem:s9], [sflag:$0x4], $0x10, s11, s8, $0xb8;
	[tilespmem:$0x1FD80] =	vst v63  }
0xb9: {  	_ =	swait.ge @!p1 [sflag:s10], $0x3200  }
0xba: {  	[sflag:s10] =	ssyncset.done @!p1 $0x0  }
0xbb: {  	[sflag:s10] =	ssyncadd.s32 @!p1 $0xFFFFCE00;
	s10 =	sadd.s32 $0xC8, s6  }
0xbc: {  	[tilespmem:s22], [sflag:$0x7] =	stream.strided.gather [hbm4b:s10+s17], $0x640, s18, s17, $0x38;
	[tilespmem:$0x1FD80] =	vst v63  }
0xbd: {  	_ =	swait.ge [sflag:s23], $0x640  }
0xbe: {  	[sflag:s23] =	ssyncset.done $0x0  }
0xbf: {  	[sflag:s23] =	ssyncadd.s32 $0xFFFFF9C0  }
0xc0: {  	[tilespmem:s24], [sflag:$0x2] =	stream.indirect.gather [hbm4b:s5+s17], $0x10, s19, s17, $0xb8;
	[tilespmem:$0x1FD80] =	vst v63  }
0xc1: {  	_ =	swait.ge [sflag:s25], $0x3200  }
0xc2: {  	[sflag:s25] =	ssyncset.done $0x0  }
0xc3: {  	[sflag:s25] =	ssyncadd.s32 $0xFFFFCE00  }
0xc4: {  	[spmem:s2] =	stream.indirect.scatter.add.f32 [tilespmem:s21], [sflag:$0x3], $0x10, s17, s17, $0xb8;
	[tilespmem:$0x1FD80] =	vst v63  }
0xc5: {  	_ =	swait.ge [sflag:s26], $0x3200  }
0xc6: {  	[sflag:s26] =	ssyncset.done $0x0  }
0xc7: {  	s11 =	sadd.s32 $0x12C, s6;
	[sflag:s26] =	ssyncadd.s32 $0xFFFFCE00  }
0xc8: {  	[tilespmem:s3], [sflag:$0x5] =	stream.strided.gather [hbm4b:s11+s17], $0x640, s18, s17, $0x38;
	[tilespmem:$0x1FD80] =	vst v63  }
0xc9: {  	_ =	swait.ge [sflag:s28], $0x640  }
0xca: {  	[sflag:s28] =	ssyncset.done $0x0  }
0xcb: {  	[sflag:s28] =	ssyncadd.s32 $0xFFFFF9C0  }
0xcc: {  	[tilespmem:s21], [sflag:$0x1] =	stream.indirect.gather [hbm4b:s5+s17], $0x10, s22, s17, $0xb8;
	[tilespmem:$0x1FD80] =	vst v63  }
0xcd: {  	_ =	swait.ge [sflag:s29], $0x3200  }
0xce: {  	[sflag:s29] =	ssyncset.done $0x0  }
0xcf: {  	[sflag:s29] =	ssyncadd.s32 $0xFFFFCE00  }
0xd0: {  	[spmem:s2] =	stream.indirect.scatter.add.f32 [tilespmem:s24], [sflag:$0x4], $0x10, s30, s17, $0xb8;
	[tilespmem:$0x1FD80] =	vst v63  }
0xd1: {  	_ =	swait.ge [sflag:s31], $0x3200  }
0xd2: {  	[sflag:s31] =	ssyncset.done $0x0  }
0xd3: {  	s12 =	sadd.s32 $0x190, s6;
	[sflag:s31] =	ssyncadd.s32 $0xFFFFCE00  }
0xd4: {  	[tilespmem:s19], [sflag:$0x6] =	stream.strided.gather [hbm4b:s12+s17], $0x640, s18, s17, $0x38;
	[tilespmem:$0x1FD80] =	vst v63  }
0xd5: {  	_ =	swait.ge [sflag:s20], $0x640  }
0xd6: {  	[sflag:s20] =	ssyncset.done $0x0  }
0xd7: {  	[sflag:s20] =	ssyncadd.s32 $0xFFFFF9C0  }
0xd8: {  	[tilespmem:s24], [sflag:$0x2] =	stream.indirect.gather [hbm4b:s5+s17], $0x10, s3, s17, $0xb8;
	[tilespmem:$0x1FD80] =	vst v63  }
0xd9: {  	_ =	swait.ge [sflag:s25], $0x3200  }
0xda: {  	[sflag:s25] =	ssyncset.done $0x0  }
0xdb: {  	[sflag:s25] =	ssyncadd.s32 $0xFFFFCE00  }
0xdc: {  	[spmem:s2] =	stream.indirect.scatter.add.f32 [tilespmem:s21], [sflag:$0x3], $0x10, s0, s17, $0xb8;
	[tilespmem:$0x1FD80] =	vst v63  }
0xdd: {  	_ =	swait.ge [sflag:s26], $0x3200  }
0xde: {  	[sflag:s26] =	ssyncset.done $0x0  }
0xdf: {  	s13 =	sadd.s32 $0x1F4, s6;
	[sflag:s26] =	ssyncadd.s32 $0xFFFFCE00  }
0xe0: {  	[tilespmem:s22], [sflag:$0x7] =	stream.strided.gather [hbm4b:s13+s17], $0x640, s18, s17, $0x38;
	[tilespmem:$0x1FD80] =	vst v63  }
0xe1: {  	_ =	swait.ge [sflag:s23], $0x640  }
0xe2: {  	[sflag:s23] =	ssyncset.done $0x0  }
0xe3: {  	[sflag:s23] =	ssyncadd.s32 $0xFFFFF9C0  }
0xe4: {  	[tilespmem:s21], [sflag:$0x1] =	stream.indirect.gather [hbm4b:s5+s17], $0x10, s19, s17, $0xb8;
	[tilespmem:$0x1FD80] =	vst v63  }
0xe5: {  	_ =	swait.ge [sflag:s29], $0x3200  }
0xe6: {  	[sflag:s29] =	ssyncset.done $0x0  }
0xe7: {  	[sflag:s29] =	ssyncadd.s32 $0xFFFFCE00  }
0xe8: {  	[spmem:s2] =	stream.indirect.scatter.add.f32 [tilespmem:s24], [sflag:$0x4], $0x10, s17, s17, $0xb8;
	[tilespmem:$0x1FD80] =	vst v63  }
0xe9: {  	_ =	swait.ge [sflag:s31], $0x3200  }
0xea: {  	[sflag:s31] =	ssyncset.done $0x0  }
0xeb: {  	s6 =	sadd.s32 $0x258, s6;
	[sflag:s31] =	ssyncadd.s32 $0xFFFFCE00  }
0xec: {  	[tilespmem:s3], [sflag:$0x5] =	stream.strided.gather [hbm4b:s6+s17], $0x640, s18, s17, $0x38;
	[tilespmem:$0x1FD80] =	vst v63  }
0xed: {  	_ =	swait.ge [sflag:s28], $0x640  }
0xee: {  	[sflag:s28] =	ssyncset.done $0x0  }
0xef: {  	[sflag:s28] =	ssyncadd.s32 $0xFFFFF9C0  }
0xf0: {  	[tilespmem:s24], [sflag:$0x2] =	stream.indirect.gather [hbm4b:s5+s17], $0x10, s22, s17, $0xb8;
	[tilespmem:$0x1FD80] =	vst v63  }
0xf1: {  	p2 =	por $0x0, $0x0;
	_ =	swait.ge [sflag:s25], $0x3200  }
0xf2: {  	s9 =	simm.s32 $0x4B0;
	s6 =	simm.s32 $0x258;
	[sflag:s25] =	ssyncset.done $0x0  }
.LBB2_6:
0xf3: {  	s8 =	simm.s32 @!p2 $0x3  }
0xf4: {  	[sflag:s25] =	ssyncadd.s32 $0xFFFFCE00;
	s11 =	smov.u32 s9;
	s9 =	sadd.s32 $0x258, s9  }
0xf5: {  	[spmem:s2] =	stream.indirect.scatter.add.f32 [tilespmem:s21], [sflag:$0x3], $0x10, s30, s17, $0xb8;
	[tilespmem:$0x1FD80] =	vst v63  }
0xf6: {  	p1 =	sne.s32 s9, $0x6018;
	_ =	swait.ge @!p2 [sflag:s8], $0x3200  }
0xf7: {  	s10 =	sadd.s32 s6, s14;
	s6 =	smov.u32 s11;
	[sflag:s8] =	ssyncset.done @!p2 $0x0  }
0xf8: {  	[sflag:s8] =	ssyncadd.s32 @!p2 $0xFFFFCE00;
	s8 =	sadd.s32 $0x64, s10  }
0xf9: {  	[tilespmem:s19], [sflag:$0x6] =	stream.strided.gather [hbm4b:s8+s17], $0x640, s18, s17, $0x38;
	[tilespmem:$0x1FD80] =	vst v63  }
0xfa: {  	_ =	swait.ge [sflag:s20], $0x640  }
0xfb: {  	[sflag:s20] =	ssyncset.done $0x0  }
0xfc: {  	s8 =	simm.s32 @!p2 $0x2;
	[sflag:s20] =	ssyncadd.s32 $0xFFFFF9C0  }
0xfd: {  	[tilespmem:s21], [sflag:$0x1] =	stream.indirect.gather [hbm4b:s5+s17], $0x10, s3, s17, $0xb8;
	[tilespmem:$0x1FD80] =	vst v63  }
0xfe: {  	_ =	swait.ge @!p2 [sflag:s8], $0x3200  }
0xff: {  	s12 =	simm.s32 @!p2 $0x4;
	s11 =	simm.s32 @!p2 $0x44C0;
	[sflag:s8] =	ssyncset.done @!p2 $0x0  }
0x100: {  	s13 =	simm.s32 @!p2 $0xFA0;
	[sflag:s8] =	ssyncadd.s32 @!p2 $0xFFFFCE00;
	s8 =	simm.s32 @!p2 $0x320  }
0x101: {  	[spmem:s2] =	stream.indirect.scatter.add.f32 @!p2 [tilespmem:s11], [sflag:$0x4], $0x10, s13, s8, $0xb8;
	[tilespmem:$0x1FD80] =	vst v63  }
0x102: {  	_ =	swait.ge @!p2 [sflag:s12], $0x3200  }
0x103: {  	[sflag:s12] =	ssyncset.done @!p2 $0x0  }
0x104: {  	s8 =	sadd.s32 $0xC8, s10;
	[sflag:s12] =	ssyncadd.s32 @!p2 $0xFFFFCE00  }
0x105: {  	[tilespmem:s22], [sflag:$0x7] =	stream.strided.gather [hbm4b:s8+s17], $0x640, s18, s17, $0x38;
	[tilespmem:$0x1FD80] =	vst v63  }
0x106: {  	_ =	swait.ge [sflag:s23], $0x640  }
0x107: {  	[sflag:s23] =	ssyncset.done $0x0  }
0x108: {  	[sflag:s23] =	ssyncadd.s32 $0xFFFFF9C0  }
0x109: {  	[tilespmem:s24], [sflag:$0x2] =	stream.indirect.gather [hbm4b:s5+s17], $0x10, s19, s17, $0xb8;
	[tilespmem:$0x1FD80] =	vst v63  }
0x10a: {  	_ =	swait.ge [sflag:s25], $0x3200  }
0x10b: {  	[sflag:s25] =	ssyncset.done $0x0  }
0x10c: {  	[sflag:s25] =	ssyncadd.s32 $0xFFFFCE00  }
0x10d: {  	[spmem:s2] =	stream.indirect.scatter.add.f32 [tilespmem:s21], [sflag:$0x3], $0x10, s17, s17, $0xb8;
	[tilespmem:$0x1FD80] =	vst v63  }
0x10e: {  	_ =	swait.ge [sflag:s26], $0x3200  }
0x10f: {  	[sflag:s26] =	ssyncset.done $0x0  }
0x110: {  	s8 =	sadd.s32 $0x12C, s10;
	[sflag:s26] =	ssyncadd.s32 $0xFFFFCE00  }
0x111: {  	[tilespmem:s3], [sflag:$0x5] =	stream.strided.gather [hbm4b:s8+s17], $0x640, s18, s17, $0x38;
	[tilespmem:$0x1FD80] =	vst v63  }
0x112: {  	_ =	swait.ge [sflag:s28], $0x640  }
0x113: {  	[sflag:s28] =	ssyncset.done $0x0  }
0x114: {  	[sflag:s28] =	ssyncadd.s32 $0xFFFFF9C0  }
0x115: {  	[tilespmem:s21], [sflag:$0x1] =	stream.indirect.gather [hbm4b:s5+s17], $0x10, s22, s17, $0xb8;
	[tilespmem:$0x1FD80] =	vst v63  }
0x116: {  	_ =	swait.ge [sflag:s29], $0x3200  }
0x117: {  	[sflag:s29] =	ssyncset.done $0x0  }
0x118: {  	[sflag:s29] =	ssyncadd.s32 $0xFFFFCE00  }
0x119: {  	[spmem:s2] =	stream.indirect.scatter.add.f32 [tilespmem:s24], [sflag:$0x4], $0x10, s30, s17, $0xb8;
	[tilespmem:$0x1FD80] =	vst v63  }
0x11a: {  	_ =	swait.ge [sflag:s31], $0x3200  }
0x11b: {  	[sflag:s31] =	ssyncset.done $0x0  }
0x11c: {  	s8 =	sadd.s32 $0x190, s10;
	[sflag:s31] =	ssyncadd.s32 $0xFFFFCE00  }
0x11d: {  	[tilespmem:s19], [sflag:$0x6] =	stream.strided.gather [hbm4b:s8+s17], $0x640, s18, s17, $0x38;
	[tilespmem:$0x1FD80] =	vst v63  }
0x11e: {  	_ =	swait.ge [sflag:s20], $0x640  }
0x11f: {  	[sflag:s20] =	ssyncset.done $0x0  }
0x120: {  	[sflag:s20] =	ssyncadd.s32 $0xFFFFF9C0  }
0x121: {  	[tilespmem:s24], [sflag:$0x2] =	stream.indirect.gather [hbm4b:s5+s17], $0x10, s3, s17, $0xb8;
	[tilespmem:$0x1FD80] =	vst v63  }
0x122: {  	_ =	swait.ge [sflag:s25], $0x3200  }
0x123: {  	[sflag:s25] =	ssyncset.done $0x0  }
0x124: {  	[sflag:s25] =	ssyncadd.s32 $0xFFFFCE00  }
0x125: {  	[spmem:s2] =	stream.indirect.scatter.add.f32 [tilespmem:s21], [sflag:$0x3], $0x10, s0, s17, $0xb8;
	[tilespmem:$0x1FD80] =	vst v63  }
0x126: {  	_ =	swait.ge [sflag:s26], $0x3200  }
0x127: {  	[sflag:s26] =	ssyncset.done $0x0  }
0x128: {  	s8 =	sadd.s32 $0x1F4, s10;
	[sflag:s26] =	ssyncadd.s32 $0xFFFFCE00  }
0x129: {  	[tilespmem:s22], [sflag:$0x7] =	stream.strided.gather [hbm4b:s8+s17], $0x640, s18, s17, $0x38;
	[tilespmem:$0x1FD80] =	vst v63  }
0x12a: {  	_ =	swait.ge [sflag:s23], $0x640  }
0x12b: {  	[sflag:s23] =	ssyncset.done $0x0  }
0x12c: {  	[sflag:s23] =	ssyncadd.s32 $0xFFFFF9C0  }
0x12d: {  	[tilespmem:s21], [sflag:$0x1] =	stream.indirect.gather [hbm4b:s5+s17], $0x10, s19, s17, $0xb8;
	[tilespmem:$0x1FD80] =	vst v63  }
0x12e: {  	_ =	swait.ge [sflag:s29], $0x3200  }
0x12f: {  	[sflag:s29] =	ssyncset.done $0x0  }
0x130: {  	[sflag:s29] =	ssyncadd.s32 $0xFFFFCE00  }
0x131: {  	[spmem:s2] =	stream.indirect.scatter.add.f32 [tilespmem:s24], [sflag:$0x4], $0x10, s17, s17, $0xb8;
	[tilespmem:$0x1FD80] =	vst v63  }
0x132: {  	_ =	swait.ge [sflag:s31], $0x3200  }
0x133: {  	[sflag:s31] =	ssyncset.done $0x0  }
0x134: {  	s8 =	sadd.s32 $0x258, s10;
	[sflag:s31] =	ssyncadd.s32 $0xFFFFCE00  }
0x135: {  	[tilespmem:s3], [sflag:$0x5] =	stream.strided.gather [hbm4b:s8+s17], $0x640, s18, s17, $0x38;
	[tilespmem:$0x1FD80] =	vst v63  }
0x136: {  	_ =	swait.ge [sflag:s28], $0x640  }
.Ltmp3:
0x137: {  	[sflag:s28] =	ssyncset.done $0x0;
	(pc) =	sbr.rel @p1 .LBB2_6-.Ltmp3, $4  }
0x138: {  	[sflag:s28] =	ssyncadd.s32 $0xFFFFF9C0  }
0x139: {  	[tilespmem:s24], [sflag:$0x2] =	stream.indirect.gather [hbm4b:s5+s17], $0x10, s22, s17, $0xb8;
	[tilespmem:$0x1FD80] =	vst v63  }
0x13a: {  	_ =	swait.ge [sflag:s25], $0x3200  }
0x13b: {  	p2 =	seq.s32 s6, $0x0;
	[sflag:s25] =	ssyncset.done $0x0  }
.Ltmp4:
0x13c: {  	_ = 	snop;
	(pc) =	sbr.rel .LBB2_7-.Ltmp4, $1  }
0x13d: {  	_ =	sdelay $0x3  }
.LBB2_2:
0x13e: {  	s9 =	simm.s32 @!p1 $0x3  }
0x13f: {  	_ =	swait.ge @!p1 [sflag:s9], $0x3200  }
0x140: {  	s6 =	sadd.s32 $0x0, s14;
	[sflag:s9] =	ssyncset.done @!p1 $0x0  }
0x141: {  	s8 =	sadd.s32 $0x64, s6;
	[sflag:s9] =	ssyncadd.s32 @!p1 $0xFFFFCE00  }
0x142: {  	[tilespmem:s19], [sflag:$0x6] =	stream.strided.gather [hbm4b:s8+s17], $0x640, s18, s17, $0x38;
	[tilespmem:$0x1FD80] =	vst v63  }
0x143: {  	_ =	swait.ge [sflag:s20], $0x640  }
0x144: {  	[sflag:s20] =	ssyncset.done $0x0  }
0x145: {  	s9 =	simm.s32 @!p1 $0x2;
	[sflag:s20] =	ssyncadd.s32 $0xFFFFF9C0  }
0x146: {  	[tilespmem:s21], [sflag:$0x1] =	stream.indirect.gather [hbm4b:s4+s17], $0x10, s3, s17, $0xb8;
	[tilespmem:$0x1FD80] =	vst v63  }
0x147: {  	_ =	swait.ge @!p1 [sflag:s9], $0x3200  }
0x148: {  	s10 =	simm.s32 @!p1 $0x44C0;
	s11 =	simm.s32 @!p1 $0x4;
	[sflag:s9] =	ssyncset.done @!p1 $0x0  }
0x149: {  	s12 =	simm.s32 @!p1 $0xFA0;
	[sflag:s9] =	ssyncadd.s32 @!p1 $0xFFFFCE00;
	s9 =	simm.s32 @!p1 $0x320  }
0x14a: {  	[spmem:s2] =	stream.indirect.scatter.add.f32 @!p1 [tilespmem:s10], [sflag:$0x4], $0x10, s12, s9, $0xb8;
	[tilespmem:$0x1FD80] =	vst v63  }
0x14b: {  	_ =	swait.ge @!p1 [sflag:s11], $0x3200  }
0x14c: {  	[sflag:s11] =	ssyncset.done @!p1 $0x0  }
0x14d: {  	s10 =	sadd.s32 $0xC8, s6;
	[sflag:s11] =	ssyncadd.s32 @!p1 $0xFFFFCE00  }
0x14e: {  	[tilespmem:s22], [sflag:$0x7] =	stream.strided.gather [hbm4b:s10+s17], $0x640, s18, s17, $0x38;
	[tilespmem:$0x1FD80] =	vst v63  }
0x14f: {  	_ =	swait.ge [sflag:s23], $0x640  }
0x150: {  	[sflag:s23] =	ssyncset.done $0x0  }
0x151: {  	[sflag:s23] =	ssyncadd.s32 $0xFFFFF9C0  }
0x152: {  	[tilespmem:s24], [sflag:$0x2] =	stream.indirect.gather [hbm4b:s4+s17], $0x10, s19, s17, $0xb8;
	[tilespmem:$0x1FD80] =	vst v63  }
0x153: {  	_ =	swait.ge [sflag:s25], $0x3200  }
0x154: {  	[sflag:s25] =	ssyncset.done $0x0  }
0x155: {  	[sflag:s25] =	ssyncadd.s32 $0xFFFFCE00  }
0x156: {  	[spmem:s2] =	stream.indirect.scatter.add.f32 [tilespmem:s21], [sflag:$0x3], $0x10, s17, s17, $0xb8;
	[tilespmem:$0x1FD80] =	vst v63  }
0x157: {  	_ =	swait.ge [sflag:s26], $0x3200  }
0x158: {  	[sflag:s26] =	ssyncset.done $0x0  }
0x159: {  	s11 =	sadd.s32 $0x12C, s6;
	[sflag:s26] =	ssyncadd.s32 $0xFFFFCE00  }
0x15a: {  	[tilespmem:s3], [sflag:$0x5] =	stream.strided.gather [hbm4b:s11+s17], $0x640, s18, s17, $0x38;
	[tilespmem:$0x1FD80] =	vst v63  }
0x15b: {  	_ =	swait.ge [sflag:s28], $0x640  }
0x15c: {  	[sflag:s28] =	ssyncset.done $0x0  }
0x15d: {  	[sflag:s28] =	ssyncadd.s32 $0xFFFFF9C0  }
0x15e: {  	[tilespmem:s21], [sflag:$0x1] =	stream.indirect.gather [hbm4b:s4+s17], $0x10, s22, s17, $0xb8;
	[tilespmem:$0x1FD80] =	vst v63  }
0x15f: {  	_ =	swait.ge [sflag:s29], $0x3200  }
0x160: {  	[sflag:s29] =	ssyncset.done $0x0  }
0x161: {  	[sflag:s29] =	ssyncadd.s32 $0xFFFFCE00  }
0x162: {  	[spmem:s2] =	stream.indirect.scatter.add.f32 [tilespmem:s24], [sflag:$0x4], $0x10, s30, s17, $0xb8;
	[tilespmem:$0x1FD80] =	vst v63  }
0x163: {  	_ =	swait.ge [sflag:s31], $0x3200  }
0x164: {  	[sflag:s31] =	ssyncset.done $0x0  }
0x165: {  	s12 =	sadd.s32 $0x190, s6;
	[sflag:s31] =	ssyncadd.s32 $0xFFFFCE00  }
0x166: {  	[tilespmem:s19], [sflag:$0x6] =	stream.strided.gather [hbm4b:s12+s17], $0x640, s18, s17, $0x38;
	[tilespmem:$0x1FD80] =	vst v63  }
0x167: {  	_ =	swait.ge [sflag:s20], $0x640  }
0x168: {  	[sflag:s20] =	ssyncset.done $0x0  }
0x169: {  	[sflag:s20] =	ssyncadd.s32 $0xFFFFF9C0  }
0x16a: {  	[tilespmem:s24], [sflag:$0x2] =	stream.indirect.gather [hbm4b:s4+s17], $0x10, s3, s17, $0xb8;
	[tilespmem:$0x1FD80] =	vst v63  }
0x16b: {  	_ =	swait.ge [sflag:s25], $0x3200  }
0x16c: {  	[sflag:s25] =	ssyncset.done $0x0  }
0x16d: {  	[sflag:s25] =	ssyncadd.s32 $0xFFFFCE00  }
0x16e: {  	[spmem:s2] =	stream.indirect.scatter.add.f32 [tilespmem:s21], [sflag:$0x3], $0x10, s0, s17, $0xb8;
	[tilespmem:$0x1FD80] =	vst v63  }
0x16f: {  	_ =	swait.ge [sflag:s26], $0x3200  }
0x170: {  	[sflag:s26] =	ssyncset.done $0x0  }
0x171: {  	s13 =	sadd.s32 $0x1F4, s6;
	[sflag:s26] =	ssyncadd.s32 $0xFFFFCE00  }
0x172: {  	[tilespmem:s22], [sflag:$0x7] =	stream.strided.gather [hbm4b:s13+s17], $0x640, s18, s17, $0x38;
	[tilespmem:$0x1FD80] =	vst v63  }
0x173: {  	_ =	swait.ge [sflag:s23], $0x640  }
0x174: {  	[sflag:s23] =	ssyncset.done $0x0  }
0x175: {  	[sflag:s23] =	ssyncadd.s32 $0xFFFFF9C0  }
0x176: {  	[tilespmem:s21], [sflag:$0x1] =	stream.indirect.gather [hbm4b:s4+s17], $0x10, s19, s17, $0xb8;
	[tilespmem:$0x1FD80] =	vst v63  }
0x177: {  	_ =	swait.ge [sflag:s29], $0x3200  }
0x178: {  	[sflag:s29] =	ssyncset.done $0x0  }
0x179: {  	[sflag:s29] =	ssyncadd.s32 $0xFFFFCE00  }
0x17a: {  	[spmem:s2] =	stream.indirect.scatter.add.f32 [tilespmem:s24], [sflag:$0x4], $0x10, s17, s17, $0xb8;
	[tilespmem:$0x1FD80] =	vst v63  }
0x17b: {  	_ =	swait.ge [sflag:s31], $0x3200  }
0x17c: {  	[sflag:s31] =	ssyncset.done $0x0  }
0x17d: {  	s6 =	sadd.s32 $0x258, s6;
	[sflag:s31] =	ssyncadd.s32 $0xFFFFCE00  }
0x17e: {  	[tilespmem:s3], [sflag:$0x5] =	stream.strided.gather [hbm4b:s6+s17], $0x640, s18, s17, $0x38;
	[tilespmem:$0x1FD80] =	vst v63  }
0x17f: {  	_ =	swait.ge [sflag:s28], $0x640  }
0x180: {  	[sflag:s28] =	ssyncset.done $0x0  }
0x181: {  	[sflag:s28] =	ssyncadd.s32 $0xFFFFF9C0  }
0x182: {  	[tilespmem:s24], [sflag:$0x2] =	stream.indirect.gather [hbm4b:s4+s17], $0x10, s22, s17, $0xb8;
	[tilespmem:$0x1FD80] =	vst v63  }
0x183: {  	p2 =	por $0x0, $0x0;
	_ =	swait.ge [sflag:s25], $0x3200  }
0x184: {  	s9 =	simm.s32 $0x4B0;
	s6 =	simm.s32 $0x258;
	[sflag:s25] =	ssyncset.done $0x0  }
.LBB2_3:
0x185: {  	s11 =	simm.s32 @!p2 $0x3  }
0x186: {  	[sflag:s25] =	ssyncadd.s32 $0xFFFFCE00;
	s12 =	smov.u32 s9;
	s9 =	sadd.s32 $0x258, s9  }
0x187: {  	[spmem:s2] =	stream.indirect.scatter.add.f32 [tilespmem:s21], [sflag:$0x3], $0x10, s30, s17, $0xb8;
	[tilespmem:$0x1FD80] =	vst v63  }
0x188: {  	p1 =	seq.s32 s9, $0x6018;
	_ =	swait.ge @!p2 [sflag:s11], $0x3200  }
0x189: {  	s10 =	sadd.s32 s6, s14;
	s6 =	smov.u32 s12;
	[sflag:s11] =	ssyncset.done @!p2 $0x0  }
0x18a: {  	[sflag:s11] =	ssyncadd.s32 @!p2 $0xFFFFCE00;
	s11 =	sadd.s32 $0x64, s10  }
0x18b: {  	[tilespmem:s19], [sflag:$0x6] =	stream.strided.gather [hbm4b:s11+s17], $0x640, s18, s17, $0x38;
	[tilespmem:$0x1FD80] =	vst v63  }
0x18c: {  	_ =	swait.ge [sflag:s20], $0x640  }
0x18d: {  	[sflag:s20] =	ssyncset.done $0x0  }
0x18e: {  	s11 =	simm.s32 @!p2 $0x2;
	[sflag:s20] =	ssyncadd.s32 $0xFFFFF9C0  }
0x18f: {  	[tilespmem:s21], [sflag:$0x1] =	stream.indirect.gather [hbm4b:s4+s17], $0x10, s3, s17, $0xb8;
	[tilespmem:$0x1FD80] =	vst v63  }
0x190: {  	_ =	swait.ge @!p2 [sflag:s11], $0x3200  }
0x191: {  	s13 =	simm.s32 @!p2 $0x4;
	s12 =	simm.s32 @!p2 $0x44C0;
	[sflag:s11] =	ssyncset.done @!p2 $0x0  }
0x192: {  	s8 =	simm.s32 @!p2 $0xFA0;
	[sflag:s11] =	ssyncadd.s32 @!p2 $0xFFFFCE00;
	s11 =	simm.s32 @!p2 $0x320  }
0x193: {  	[spmem:s2] =	stream.indirect.scatter.add.f32 @!p2 [tilespmem:s12], [sflag:$0x4], $0x10, s8, s11, $0xb8;
	[tilespmem:$0x1FD80] =	vst v63  }
0x194: {  	_ =	swait.ge @!p2 [sflag:s13], $0x3200  }
0x195: {  	[sflag:s13] =	ssyncset.done @!p2 $0x0  }
0x196: {  	s8 =	sadd.s32 $0xC8, s10;
	[sflag:s13] =	ssyncadd.s32 @!p2 $0xFFFFCE00  }
0x197: {  	[tilespmem:s22], [sflag:$0x7] =	stream.strided.gather [hbm4b:s8+s17], $0x640, s18, s17, $0x38;
	[tilespmem:$0x1FD80] =	vst v63  }
0x198: {  	_ =	swait.ge [sflag:s23], $0x640  }
0x199: {  	[sflag:s23] =	ssyncset.done $0x0  }
0x19a: {  	[sflag:s23] =	ssyncadd.s32 $0xFFFFF9C0  }
0x19b: {  	[tilespmem:s24], [sflag:$0x2] =	stream.indirect.gather [hbm4b:s4+s17], $0x10, s19, s17, $0xb8;
	[tilespmem:$0x1FD80] =	vst v63  }
0x19c: {  	_ =	swait.ge [sflag:s25], $0x3200  }
0x19d: {  	[sflag:s25] =	ssyncset.done $0x0  }
0x19e: {  	[sflag:s25] =	ssyncadd.s32 $0xFFFFCE00  }
0x19f: {  	[spmem:s2] =	stream.indirect.scatter.add.f32 [tilespmem:s21], [sflag:$0x3], $0x10, s17, s17, $0xb8;
	[tilespmem:$0x1FD80] =	vst v63  }
0x1a0: {  	_ =	swait.ge [sflag:s26], $0x3200  }
0x1a1: {  	[sflag:s26] =	ssyncset.done $0x0  }
0x1a2: {  	s8 =	sadd.s32 $0x12C, s10;
	[sflag:s26] =	ssyncadd.s32 $0xFFFFCE00  }
0x1a3: {  	[tilespmem:s3], [sflag:$0x5] =	stream.strided.gather [hbm4b:s8+s17], $0x640, s18, s17, $0x38;
	[tilespmem:$0x1FD80] =	vst v63  }
0x1a4: {  	_ =	swait.ge [sflag:s28], $0x640  }
0x1a5: {  	[sflag:s28] =	ssyncset.done $0x0  }
0x1a6: {  	[sflag:s28] =	ssyncadd.s32 $0xFFFFF9C0  }
0x1a7: {  	[tilespmem:s21], [sflag:$0x1] =	stream.indirect.gather [hbm4b:s4+s17], $0x10, s22, s17, $0xb8;
	[tilespmem:$0x1FD80] =	vst v63  }
0x1a8: {  	_ =	swait.ge [sflag:s29], $0x3200  }
0x1a9: {  	[sflag:s29] =	ssyncset.done $0x0  }
0x1aa: {  	[sflag:s29] =	ssyncadd.s32 $0xFFFFCE00  }
0x1ab: {  	[spmem:s2] =	stream.indirect.scatter.add.f32 [tilespmem:s24], [sflag:$0x4], $0x10, s30, s17, $0xb8;
	[tilespmem:$0x1FD80] =	vst v63  }
0x1ac: {  	_ =	swait.ge [sflag:s31], $0x3200  }
0x1ad: {  	[sflag:s31] =	ssyncset.done $0x0  }
0x1ae: {  	s8 =	sadd.s32 $0x190, s10;
	[sflag:s31] =	ssyncadd.s32 $0xFFFFCE00  }
0x1af: {  	[tilespmem:s19], [sflag:$0x6] =	stream.strided.gather [hbm4b:s8+s17], $0x640, s18, s17, $0x38;
	[tilespmem:$0x1FD80] =	vst v63  }
0x1b0: {  	_ =	swait.ge [sflag:s20], $0x640  }
0x1b1: {  	[sflag:s20] =	ssyncset.done $0x0  }
0x1b2: {  	[sflag:s20] =	ssyncadd.s32 $0xFFFFF9C0  }
0x1b3: {  	[tilespmem:s24], [sflag:$0x2] =	stream.indirect.gather [hbm4b:s4+s17], $0x10, s3, s17, $0xb8;
	[tilespmem:$0x1FD80] =	vst v63  }
0x1b4: {  	_ =	swait.ge [sflag:s25], $0x3200  }
0x1b5: {  	[sflag:s25] =	ssyncset.done $0x0  }
0x1b6: {  	[sflag:s25] =	ssyncadd.s32 $0xFFFFCE00  }
0x1b7: {  	[spmem:s2] =	stream.indirect.scatter.add.f32 [tilespmem:s21], [sflag:$0x3], $0x10, s0, s17, $0xb8;
	[tilespmem:$0x1FD80] =	vst v63  }
0x1b8: {  	_ =	swait.ge [sflag:s26], $0x3200  }
0x1b9: {  	[sflag:s26] =	ssyncset.done $0x0  }
0x1ba: {  	s8 =	sadd.s32 $0x1F4, s10;
	[sflag:s26] =	ssyncadd.s32 $0xFFFFCE00  }
0x1bb: {  	[tilespmem:s22], [sflag:$0x7] =	stream.strided.gather [hbm4b:s8+s17], $0x640, s18, s17, $0x38;
	[tilespmem:$0x1FD80] =	vst v63  }
0x1bc: {  	_ =	swait.ge [sflag:s23], $0x640  }
0x1bd: {  	[sflag:s23] =	ssyncset.done $0x0  }
0x1be: {  	[sflag:s23] =	ssyncadd.s32 $0xFFFFF9C0  }
0x1bf: {  	[tilespmem:s21], [sflag:$0x1] =	stream.indirect.gather [hbm4b:s4+s17], $0x10, s19, s17, $0xb8;
	[tilespmem:$0x1FD80] =	vst v63  }
0x1c0: {  	_ =	swait.ge [sflag:s29], $0x3200  }
0x1c1: {  	[sflag:s29] =	ssyncset.done $0x0  }
0x1c2: {  	[sflag:s29] =	ssyncadd.s32 $0xFFFFCE00  }
0x1c3: {  	[spmem:s2] =	stream.indirect.scatter.add.f32 [tilespmem:s24], [sflag:$0x4], $0x10, s17, s17, $0xb8;
	[tilespmem:$0x1FD80] =	vst v63  }
0x1c4: {  	_ =	swait.ge [sflag:s31], $0x3200  }
0x1c5: {  	[sflag:s31] =	ssyncset.done $0x0  }
0x1c6: {  	s8 =	sadd.s32 $0x258, s10;
	[sflag:s31] =	ssyncadd.s32 $0xFFFFCE00  }
0x1c7: {  	[tilespmem:s3], [sflag:$0x5] =	stream.strided.gather [hbm4b:s8+s17], $0x640, s18, s17, $0x38;
	[tilespmem:$0x1FD80] =	vst v63  }
0x1c8: {  	_ =	swait.ge [sflag:s28], $0x640  }
.Ltmp5:
0x1c9: {  	[sflag:s28] =	ssyncset.done $0x0;
	(pc) =	sbr.rel @!p1 .LBB2_3-.Ltmp5, $4  }
0x1ca: {  	[sflag:s28] =	ssyncadd.s32 $0xFFFFF9C0  }
0x1cb: {  	[tilespmem:s24], [sflag:$0x2] =	stream.indirect.gather [hbm4b:s4+s17], $0x10, s22, s17, $0xb8;
	[tilespmem:$0x1FD80] =	vst v63  }
0x1cc: {  	_ =	swait.ge [sflag:s25], $0x3200  }
0x1cd: {  	p2 =	seq.s32 s6, $0x0;
	[sflag:s25] =	ssyncset.done $0x0  }
0x1ce: {  	s8 =	simm.s32 @!p2 $0x3;
	[sflag:s25] =	ssyncadd.s32 $0xFFFFCE00  }
0x1cf: {  	[spmem:s2] =	stream.indirect.scatter.add.f32 [tilespmem:s21], [sflag:$0x3], $0x10, s30, s17, $0xb8;
	[tilespmem:$0x1FD80] =	vst v63  }
0x1d0: {  	_ =	swait.ge @!p2 [sflag:s8], $0x3200  }
0x1d1: {  	s6 =	sadd.s32 s6, s14;
	[sflag:s8] =	ssyncset.done @!p2 $0x0  }
0x1d2: {  	s9 =	sadd.s32 $0x64, s6;
	[sflag:s8] =	ssyncadd.s32 @!p2 $0xFFFFCE00  }
0x1d3: {  	[tilespmem:s19], [sflag:$0x6] =	stream.strided.gather [hbm4b:s9+s17], $0x640, s18, s17, $0x38;
	[tilespmem:$0x1FD80] =	vst v63  }
0x1d4: {  	_ =	swait.ge [sflag:s20], $0x640  }
0x1d5: {  	[sflag:s20] =	ssyncset.done $0x0  }
0x1d6: {  	s8 =	simm.s32 @!p2 $0x2;
	[sflag:s20] =	ssyncadd.s32 $0xFFFFF9C0  }
0x1d7: {  	[tilespmem:s21], [sflag:$0x1] =	stream.indirect.gather [hbm4b:s4+s17], $0x10, s3, s17, $0xb8;
	[tilespmem:$0x1FD80] =	vst v63  }
0x1d8: {  	_ =	swait.ge @!p2 [sflag:s8], $0x3200  }
0x1d9: {  	s10 =	simm.s32 @!p2 $0x4;
	s11 =	simm.s32 @!p2 $0xFA0;
	[sflag:s8] =	ssyncset.done @!p2 $0x0  }
0x1da: {  	s9 =	simm.s32 @!p2 $0x44C0;
	[sflag:s8] =	ssyncadd.s32 @!p2 $0xFFFFCE00;
	s8 =	simm.s32 @!p2 $0x320  }
0x1db: {  	[spmem:s2] =	stream.indirect.scatter.add.f32 @!p2 [tilespmem:s9], [sflag:$0x4], $0x10, s11, s8, $0xb8;
	[tilespmem:$0x1FD80] =	vst v63  }
0x1dc: {  	_ =	swait.ge @!p2 [sflag:s10], $0x3200  }
0x1dd: {  	[sflag:s10] =	ssyncset.done @!p2 $0x0  }
0x1de: {  	[sflag:s10] =	ssyncadd.s32 @!p2 $0xFFFFCE00;
	s10 =	sadd.s32 $0xC8, s6  }
0x1df: {  	[tilespmem:s22], [sflag:$0x7] =	stream.strided.gather [hbm4b:s10+s17], $0x640, s18, s17, $0x38;
	[tilespmem:$0x1FD80] =	vst v63  }
0x1e0: {  	_ =	swait.ge [sflag:s23], $0x640  }
0x1e1: {  	[sflag:s23] =	ssyncset.done $0x0  }
0x1e2: {  	[sflag:s23] =	ssyncadd.s32 $0xFFFFF9C0  }
0x1e3: {  	[tilespmem:s24], [sflag:$0x2] =	stream.indirect.gather [hbm4b:s4+s17], $0x10, s19, s17, $0xb8;
	[tilespmem:$0x1FD80] =	vst v63  }
0x1e4: {  	_ =	swait.ge [sflag:s25], $0x3200  }
0x1e5: {  	[sflag:s25] =	ssyncset.done $0x0  }
0x1e6: {  	[sflag:s25] =	ssyncadd.s32 $0xFFFFCE00  }
0x1e7: {  	[spmem:s2] =	stream.indirect.scatter.add.f32 [tilespmem:s21], [sflag:$0x3], $0x10, s17, s17, $0xb8;
	[tilespmem:$0x1FD80] =	vst v63  }
0x1e8: {  	_ =	swait.ge [sflag:s26], $0x3200  }
0x1e9: {  	[sflag:s26] =	ssyncset.done $0x0  }
0x1ea: {  	s11 =	sadd.s32 $0x12C, s6;
	[sflag:s26] =	ssyncadd.s32 $0xFFFFCE00  }
0x1eb: {  	[tilespmem:s3], [sflag:$0x5] =	stream.strided.gather [hbm4b:s11+s17], $0x640, s18, s17, $0x38;
	[tilespmem:$0x1FD80] =	vst v63  }
0x1ec: {  	_ =	swait.ge [sflag:s28], $0x640  }
0x1ed: {  	[sflag:s28] =	ssyncset.done $0x0  }
0x1ee: {  	[sflag:s28] =	ssyncadd.s32 $0xFFFFF9C0  }
0x1ef: {  	[tilespmem:s21], [sflag:$0x1] =	stream.indirect.gather [hbm4b:s4+s17], $0x10, s22, s17, $0xb8;
	[tilespmem:$0x1FD80] =	vst v63  }
0x1f0: {  	_ =	swait.ge [sflag:s29], $0x3200  }
0x1f1: {  	[sflag:s29] =	ssyncset.done $0x0  }
0x1f2: {  	[sflag:s29] =	ssyncadd.s32 $0xFFFFCE00  }
0x1f3: {  	[spmem:s2] =	stream.indirect.scatter.add.f32 [tilespmem:s24], [sflag:$0x4], $0x10, s30, s17, $0xb8;
	[tilespmem:$0x1FD80] =	vst v63  }
0x1f4: {  	_ =	swait.ge [sflag:s31], $0x3200  }
0x1f5: {  	[sflag:s31] =	ssyncset.done $0x0  }
0x1f6: {  	s12 =	sadd.s32 $0x190, s6;
	[sflag:s31] =	ssyncadd.s32 $0xFFFFCE00  }
0x1f7: {  	[tilespmem:s19], [sflag:$0x6] =	stream.strided.gather [hbm4b:s12+s17], $0x640, s18, s17, $0x38;
	[tilespmem:$0x1FD80] =	vst v63  }
0x1f8: {  	_ =	swait.ge [sflag:s20], $0x640  }
0x1f9: {  	[sflag:s20] =	ssyncset.done $0x0  }
0x1fa: {  	[sflag:s20] =	ssyncadd.s32 $0xFFFFF9C0  }
0x1fb: {  	[tilespmem:s24], [sflag:$0x2] =	stream.indirect.gather [hbm4b:s4+s17], $0x10, s3, s17, $0xb8;
	[tilespmem:$0x1FD80] =	vst v63  }
0x1fc: {  	_ =	swait.ge [sflag:s25], $0x3200  }
0x1fd: {  	[sflag:s25] =	ssyncset.done $0x0  }
0x1fe: {  	[sflag:s25] =	ssyncadd.s32 $0xFFFFCE00  }
0x1ff: {  	[spmem:s2] =	stream.indirect.scatter.add.f32 [tilespmem:s21], [sflag:$0x3], $0x10, s0, s17, $0xb8;
	[tilespmem:$0x1FD80] =	vst v63  }
0x200: {  	_ =	swait.ge [sflag:s26], $0x3200  }
0x201: {  	[sflag:s26] =	ssyncset.done $0x0  }
0x202: {  	s13 =	sadd.s32 $0x1F4, s6;
	[sflag:s26] =	ssyncadd.s32 $0xFFFFCE00  }
0x203: {  	[tilespmem:s22], [sflag:$0x7] =	stream.strided.gather [hbm4b:s13+s17], $0x640, s18, s17, $0x38;
	[tilespmem:$0x1FD80] =	vst v63  }
0x204: {  	_ =	swait.ge [sflag:s23], $0x640  }
0x205: {  	[sflag:s23] =	ssyncset.done $0x0  }
0x206: {  	[sflag:s23] =	ssyncadd.s32 $0xFFFFF9C0  }
0x207: {  	[tilespmem:s21], [sflag:$0x1] =	stream.indirect.gather [hbm4b:s4+s17], $0x10, s19, s17, $0xb8;
	[tilespmem:$0x1FD80] =	vst v63  }
0x208: {  	_ =	swait.ge [sflag:s29], $0x3200  }
0x209: {  	[sflag:s29] =	ssyncset.done $0x0  }
0x20a: {  	[sflag:s29] =	ssyncadd.s32 $0xFFFFCE00  }
0x20b: {  	[spmem:s2] =	stream.indirect.scatter.add.f32 [tilespmem:s24], [sflag:$0x4], $0x10, s17, s17, $0xb8;
	[tilespmem:$0x1FD80] =	vst v63  }
0x20c: {  	_ =	swait.ge [sflag:s31], $0x3200  }
0x20d: {  	[sflag:s31] =	ssyncset.done $0x0  }
0x20e: {  	s6 =	sadd.s32 $0x258, s6;
	[sflag:s31] =	ssyncadd.s32 $0xFFFFCE00  }
0x20f: {  	[tilespmem:s3], [sflag:$0x5] =	stream.strided.gather [hbm4b:s6+s17], $0x640, s18, s17, $0x38;
	[tilespmem:$0x1FD80] =	vst v63  }
0x210: {  	_ =	swait.ge [sflag:s28], $0x640  }
0x211: {  	[sflag:s28] =	ssyncset.done $0x0  }
0x212: {  	[sflag:s28] =	ssyncadd.s32 $0xFFFFF9C0  }
0x213: {  	[tilespmem:s24], [sflag:$0x2] =	stream.indirect.gather [hbm4b:s4+s17], $0x10, s22, s17, $0xb8;
	[tilespmem:$0x1FD80] =	vst v63  }
.Ltmp6:
0x214: {  	_ = 	snop;
	(pc) =	sbr.rel .LBB2_8-.Ltmp6, $4  }
0x215: {  	_ =	swait.ge [sflag:s25], $0x3200  }
0x216: {  	[sflag:s25] =	ssyncset.done $0x0  }
0x217: {  	s6 =	smov.u32 s4;
	[sflag:s25] =	ssyncadd.s32 $0xFFFFCE00  }
0x218: {  	[spmem:s2] =	stream.indirect.scatter.add.f32 [tilespmem:s21], [sflag:$0x3], $0x10, s30, s17, $0xb8;
	[tilespmem:$0x1FD80] =	vst v63  }
.LBB2_9:
0x219: {  	_ =	sfence.sel $0x180000  }
0x21a: {  	[bflag:$0x0] =	sbarrier.arrive $0xFFFF  }
0x21b: {  	_ =	strace $0x9000004D  }
0x21c: {  	s0 =	stileid.u32;
	[bflag:$0x2] =	sbarrier.arrive $0xFFFF  }
0x21d: {  	p0 =	sne.s32 s0, $0x0;
	s0 =	rddreg [dreg:$0x2]  }
0x21e: {  	s0 =	sadd.s32 @!p0 $0x100000, s0  }
0x21f: {  	[sflag:s0] =	ssyncadd.tile.s32 @!p0 $0x1;
	_ =	shalt  }
.Lfunc_end2:
_tile_overlayer_lowered:
.L_overlay_start_2:
0x220: {  	(tag) =	ssettag $0x2  }
0x221: {  	s0 =	rddreg [dreg:$0x0];
	s2 =	stileid.u32  }
0x222: {  	s1 =	rddreg [dreg:$0x1];
	p0 =	sne.s32 s2, $0x0  }
0x223: {  	s3 =	rddreg [dreg:$0x2];
	[bflag:$0x3] =	sbarrier.arrive $0xFFFF;
	s2 =	simm.s32 @!p0 $0x1C08  }
0x224: {  	[timem:s3], [sflag:s2] =	dma.local @!p0 [hbm:s0], s1  }
0x225: {  	s0 =	simm.s32 @!p0 $0x8  }
0x226: {  	_ =	swait.ge @!p0 [sflag:s0], s1  }
0x227: {  	s1 =	ssub.s32 @!p0 $0x0, s1;
	[sflag:s0] =	ssyncset.done @!p0 $0x0  }
0x228: {  	[sflag:s0] =	ssyncadd.s32 @!p0 s1  }
0x229: {  	[bflag:$0x3] =	sbarrier.arrive $0xFFFF  }
0x22a: {  	_ =	shalt  }

// kernel: kernel.9.cloned.1.call-start
scs
__scs_entry_jumppad:
0x0: {  	(pc) =	sbr.rel $0x88, $3  }
0x1: {  	(tag) =	ssettag $0x0;
	lr =	simm.s32 $0x1  }
0x2: {  	[smem:$0x3F98] =	sst lr;
	_ =	strace $0xD0000000  }
0x3: {  	_ = 	snop  }
0x4: {  	_ = 	snop  }
0x5: {  	_ = 	snop  }
0x6: {  	_ = 	snop  }
0x7: {  	_ = 	snop  }
__scs_overlays_trampoline_lowered:
0x8: {  	[smem:$0x3FA7] =	sst s0  }
0x9: {  	[smem:$0x3FA8] =	sst s1  }
0xa: {  	[smem:$0x3FA9] =	sst s2  }
0xb: {  	[smem:$0x3FAA] =	sst s3  }
0xc: {  	[smem:$0x3FAB] =	sst s4  }
0xd: {  	[smem:$0x3FAC] =	sst s5  }
0xe: {  	[smem:$0x3FAD] =	sst s6  }
0xf: {  	[smem:$0x3FAE] =	sst s7  }
0x10: {  	[smem:$0x3FAF] =	sst s8  }
0x11: {  	[smem:$0x3FB0] =	sst s9;
	s0 =	simm.s32 @!p0 $0x0  }
0x12: {  	s1 =	sld [smem:$0x3F96];
	s0 =	simm.s32 @p0 $0x1  }
0x13: {  	[smem:$0x3FB1] =	sst s0;
	s0 =	simm.s32 @!p1 $0x0  }
0x14: {  	s2 =	sld [smem:$0x3F95];
	s0 =	simm.s32 @p1 $0x1  }
0x15: {  	[smem:$0x3FB2] =	sst s0;
	s0 =	simm.s32 @!p2 $0x0  }
0x16: {  	s3 =	sld [smem:$0x3FDB];
	s0 =	simm.s32 @p2 $0x1  }
0x17: {  	s4 =	simm.s32 $0x1BF5;
	[smem:$0x3FB4] =	sst s0  }
0x18: {  	s0 =	sld [smem:$0x3F97];
	_ =	swait.ge [sflag:s4], $0x0  }
0x19: {  	s7 =	sld [smem:$0x3F98]  }
0x1a: {  	s8 =	sadd.s32 $0xFFFFE003, lr  }
0x1b: {  	s9 =	sadd.s32 $0xFFFFFEF7, lr;
	s5 =	simm.s32 $0xFFFFFFFF;
	p2 =	slt.u32 s8, $0xFFFFF086  }
0x1c: {  	p1 =	slt.u32 s9, $0xF7A;
	s5 =	simm.s32 @!p2 $0x0  }
0x1d: {  	s5 =	simm.s32 @p1 $0x1;
	p0 =	seq.s32 s7, s2  }
0x1e: {  	s7 =	smul.u32 @!p0 $0xF7A, s2;
	p2 =	seq.s32 @!p0 s5, $0x0  }
0x1f: {  	s9 =	smul.u32 $0xF7A, s1;
	s8 =	simm.s32 @!p0 $0x1BF5;
	p2 =	por !p2, p0  }
0x20: {  	[sflag:s8] =	ssyncset.s32 @!p0 $0xFFFFF086;
	s6 =	sadd.s32 @!p0 s3, s7;
	s7 =	simm.s32 @!p0 $0x108  }
0x21: {  	s3 =	sadd.s32 s3, s9;
	s6 =	sadd.s32 @!p0 $0x88, s6;
	s7 =	simm.s32 @p2 $0x1082  }
0x22: {  	[simem:s7], [sflag:s8] =	dma.local @!p0 [hbm:s6], $0xF7A  }
0x23: {  	s9 =	sor.u32 $0xD0000000, s2;
	s6 =	simm.s32 $0x108;
	_ =	swait.ge @!p0 [sflag:s8], $0x0  }
0x24: {  	s3 =	sadd.s32 $0x88, s3;
	s6 =	simm.s32 @!p1 $0x1082;
	[sflag:s4] =	ssyncset.s32 $0xFFFFF086  }
0x25: {  	[simem:s6], [sflag:s4] =	dma.local [hbm:s3], $0xF7A  }
0x26: {  	[smem:$0x3F98] =	sst s1;
	(tag) =	ssettag s2;
	_ =	strace s9  }
0x27: {  	s1 =	sld [smem:$0x3FA8]  }
0x28: {  	s2 =	sld [smem:$0x3FA9]  }
0x29: {  	s4 =	sld [smem:$0x3FAB]  }
0x2a: {  	p0 =	seq.s32 s5, $0x0;
	s5 =	sld [smem:$0x3FAC]  }
0x2b: {  	s6 =	sld [smem:$0x3FAD]  }
0x2c: {  	s7 =	sld [smem:$0x3FAE]  }
0x2d: {  	s3 =	simm.s32 $0x108;
	s8 =	sld [smem:$0x3FAF]  }
0x2e: {  	s3 =	simm.s32 @!p0 $0x1082;
	s9 =	sld [smem:$0x3FB0]  }
0x2f: {  	lr =	sadd.s32 s0, s3;
	s0 =	sld [smem:$0x3FA7]  }
0x30: {  	s3 =	sld [smem:$0x3FAA]  }
0x31: {  	[smem:$0x3FB3] =	sst s10  }
0x32: {  	s10 =	sld [smem:$0x3FB1];
	_ =	sdelay $0x3  }
0x33: {  	p0 =	seq.s32 s10, $0x1;
	s10 =	sld [smem:$0x3FB3];
	_ =	sdelay $0x3  }
0x34: {  	[smem:$0x3FB3] =	sst s10  }
0x35: {  	s10 =	sld [smem:$0x3FB2];
	_ =	sdelay $0x3  }
0x36: {  	p1 =	seq.s32 s10, $0x1;
	s10 =	sld [smem:$0x3FB3];
	_ =	sdelay $0x3  }
0x37: {  	[smem:$0x3FB3] =	sst s10  }
0x38: {  	s10 =	sld [smem:$0x3FB4]  }
0x39: {  	_ = 	snop;
	(pc) =	sbr.ind lr, $3  }
0x3a: {  	_ = 	snop  }
0x3b: {  	_ = 	snop  }
0x3c: {  	p2 =	seq.s32 s10, $0x1;
	s10 =	sld [smem:$0x3FB3]  }
0x3d: {  	_ =	shalt  }
0x3e: {  	_ =	shalt  }
0x3f: {  	_ =	shalt  }
0x40: {  	_ =	shalt  }
0x41: {  	_ =	shalt  }
0x42: {  	_ =	shalt  }
0x43: {  	_ =	shalt  }
0x44: {  	_ =	shalt  }
0x45: {  	_ =	shalt  }
0x46: {  	_ =	shalt  }
0x47: {  	_ =	shalt  }
0x48: {  	_ =	shalt  }
0x49: {  	_ =	shalt  }
0x4a: {  	_ =	shalt  }
0x4b: {  	_ =	shalt  }
0x4c: {  	_ =	shalt  }
0x4d: {  	_ =	shalt  }
0x4e: {  	_ =	shalt  }
0x4f: {  	_ =	shalt  }
0x50: {  	_ =	shalt  }
0x51: {  	_ =	shalt  }
0x52: {  	_ =	shalt  }
0x53: {  	_ =	shalt  }
0x54: {  	_ =	shalt  }
0x55: {  	_ =	shalt  }
0x56: {  	_ =	shalt  }
0x57: {  	_ =	shalt  }
0x58: {  	_ =	shalt  }
0x59: {  	_ =	shalt  }
0x5a: {  	_ =	shalt  }
0x5b: {  	_ =	shalt  }
0x5c: {  	_ =	shalt  }
0x5d: {  	_ =	shalt  }
0x5e: {  	_ =	shalt  }
0x5f: {  	_ =	shalt  }
0x60: {  	_ =	shalt  }
0x61: {  	_ =	shalt  }
0x62: {  	_ =	shalt  }
0x63: {  	_ =	shalt  }
0x64: {  	_ =	shalt  }
0x65: {  	_ =	shalt  }
0x66: {  	_ =	shalt  }
0x67: {  	_ =	shalt  }
0x68: {  	_ =	shalt  }
0x69: {  	_ =	shalt  }
0x6a: {  	_ =	shalt  }
0x6b: {  	_ =	shalt  }
0x6c: {  	_ =	shalt  }
0x6d: {  	_ =	shalt  }
0x6e: {  	_ =	shalt  }
0x6f: {  	_ =	shalt  }
0x70: {  	_ =	shalt  }
0x71: {  	_ =	shalt  }
0x72: {  	_ =	shalt  }
0x73: {  	_ =	shalt  }
0x74: {  	_ =	shalt  }
0x75: {  	_ =	shalt  }
0x76: {  	_ =	shalt  }
0x77: {  	_ =	shalt  }
0x78: {  	_ =	shalt  }
0x79: {  	_ =	shalt  }
0x7a: {  	_ =	shalt  }
0x7b: {  	_ =	shalt  }
0x7c: {  	_ =	shalt  }
0x7d: {  	_ =	shalt  }
0x7e: {  	_ =	shalt  }
0x7f: {  	_ =	shalt  }
0x80: {  	_ =	shalt  }
0x81: {  	_ =	shalt  }
0x82: {  	_ =	shalt  }
0x83: {  	_ =	shalt  }
0x84: {  	_ =	shalt  }
0x85: {  	_ =	shalt  }
0x86: {  	_ =	shalt  }
0x87: {  	_ =	shalt  }
.Lfunc_end0:
.L_simem_size_0:
called_computation_lowered:
.L_overlay_start_0:
0x88: {  	s2 =	sld [smem:$0x3FD9]  }
0x89: {  	s3 =	sld [smem:$0x3FFE];
	_ =	sdelay $0x1  }
0x8a: {  	s1 =	srdreg.scid  }
0x8b: {  	s0 =	sand.u32 $0x1, s1  }
0x8c: {  	s16 =	sshll.u32 s0, $0xA;
	s2 =	sadd.s32 s3, s2  }
0x8d: {  	s2 =	sadd.s32 s2, s16  }
0x8e: {  	[smem:$0x3FBF] =	sst s2  }
0x8f: {  	_ = 	snop  }
0x90: {  	(tm) =	ssettm $0x1  }
0x91: {  	s17 =	sld [smem:$0x3FFB];
	_ =	sdelay $0x3  }
0x92: {  	_ =	strace s17  }
0x93: {  	s2 =	sld [smem:$0x3FFC];
	_ =	sdelay $0x3  }
0x94: {  	_ =	strace s2  }
0x95: {  	s2 =	sld [smem:$0x3FFD];
	_ =	sdelay $0x3  }
0x96: {  	_ =	strace s2  }
0x97: {  	_ =	strace $0x8FFFFFFF  }
0x98: {  	s18 =	sld [smem:$0x3FDB];
	_ =	sdelay $0x1  }
0x99: {  	s19 =	simm.s32 $_scs_section_size  }
0x9a: {  	s4 =	simm.s32 $_size__tile_overlayer_lowered;
	s5 =	simm.s32 $_tile_overlayer_lowered  }
0x9b: {  	s22 =	simm.s32 $0x1BFF;
	s21 =	sshll.u32 s5, $0x1;
	s2 =	sadd.s32 s19, s18  }
0x9c: {  	s6 =	simm.s32 $0x0;
	s20 =	sshll.u32 s4, $0x1;
	s4 =	sadd.s32 s21, s2  }
0x9d: {  	[timem:s6], [sflag:s22] =	dma.local [hbm:s4], s20  }
0x9e: {  	_ =	swait.ge [sflag:s22], s20  }
0x9f: {  	s3 =	ssub.s32 $0x0, s20;
	[sflag:s22] =	ssyncset.done $0x0  }
0xa0: {  	[sflag:s22] =	ssyncadd.s32 s3;
	_ =	sdelay $0x1  }
0xa1: {  	s23 =	simm.s32 $0x1B8B  }
0xa2: {  	_ =	swait.ge [sflag:s23], $0x1  }
0xa3: {  	[sflag:s23] =	ssyncset.done $0x0  }
0xa4: {  	s25 =	simm.s32 $0x1B8E;
	s24 =	sld [smem:$0x3FFE];
	[sflag:s23] =	ssyncadd.s32 $0xFFFFFFFF  }
0xa5: {  	s26 =	simm.s32 $execute0_lowered;
	[smem:$0x3FD2] =	sst s25  }
0xa6: {  	s4 =	sshll.u32 s26, $0x1;
	_ =	strace $0x80000046;
	[dreg:$0x1] =	wrdreg $0xFFFFFFFF  }
0xa7: {  	s28 =	simm.s32 $_size_execute0_lowered;
	s2 =	sadd.s32 s2, s4;
	[dreg:$0x0] =	wrdreg $0x0  }
0xa8: {  	s4 =	sshll.u32 s28, $0x1;
	[dreg:$0x2] =	wrdreg s2  }
0xa9: {  	[dreg:$0x3] =	wrdreg s4  }
0xaa: {  	[dreg:$0x4] =	wrdreg $0xC0  }
0xab: {  	_ =	task [dreg:s6], $0x5FFFF  }
0xac: {  	[dreg:$0x1] =	wrdreg $0xFFFFFFFF  }
0xad: {  	[dreg:$0x0] =	wrdreg $0x60  }
0xae: {  	[dreg:$0x2] =	wrdreg s24  }
0xaf: {  	[dreg:$0x3] =	wrdreg $0x38400  }
0xb0: {  	[dreg:$0x4] =	wrdreg $0x9  }
0xb1: {  	_ =	task.clear_ibuf [dreg:s6], $0x5FFFF;
	_ =	strace $0x90000046  }
0xb2: {  	s29 =	simm.s32 $0x9;
	_ =	strace $0x80000048  }
0xb3: {  	_ =	swait.ge [sflag:s29], $0x1  }
0xb4: {  	[sflag:s29] =	ssyncadd.s32 $0xFFFFFFFF  }
0xb5: {  	_ =	strace $0x90000048  }
0xb6: {  	_ =	sfence  }
0xb7: {  	s30 =	sld [smem:$0x0];
	_ =	sdelay $0x2  }
0xb8: {  	s31 =	sshll.u32 s1, $0xD;
	s1 =	sshrl.u32 s1, $0x2  }
0xb9: {  	s3 =	sand.u32 $0x4000, s31;
	s1 =	sadd.s32 s1, s30  }
0xba: {  	s0 =	sor.u32 s3, s0;
	s1 =	sshll.u32 s1, $0x11  }
0xbb: {  	s0 =	sor.u32 s1, s0  }
0xbc: {  	s0 =	sadd.s32 $0x8F2B, s0  }
0xbd: {  	[sflag:s0] =	ssyncadd.remote.s32 $0x1  }
0xbe: {  	_ =	sfence.sel $0xFFFF  }
0xbf: {  	[dreg:$0x0] =	wrdreg $0xFFFFFFFF;
	(pc) =	sbr.abs _section_cstart, $3  }
0xc0: {  	[dreg:$0x1] =	wrdreg $0xFFFFFFFF  }
0xc1: {  	_ =	task.clear_ibuf [dreg:s6], $0x2FFFF;
	_ =	strace $0x9FFFFFFF  }
0xc2: {  	(tm) =	ssettm $0x7FFFFFFF  }
0xc3: {  	_ =	shalt  }
tec
execute0_lowered:
.L_overlay_start_1:
0x0: {  	(tag) =	ssettag $0x1  }
0x1: {  	s5 =	rddreg [dreg:$0x0]  }
0x2: {  	s2 =	rddreg [dreg:$0x1]  }
0x3: {  	s0 =	rddreg [dreg:$0x2];
	s3 =	simm.s32 $0x0;
	s1 =	stileid.u32  }
0x4: {  	s4 =	srdreg.scid;
	s18 =	simm.s32 $0x320;
	s19 =	simm.s32 $0x4  }
0x5: {  	s20 =	simm.s32 $0x1;
	s21 =	simm.s32 $0x2;
	s22 =	simm.s32 $0x0  }
0x6: {  	[smem:$0x7FF] =	sst s3;
	s6 =	smul.u32 $0x186C0, s1;
	s7 =	sand.u32 $0x1, s4  }
0x7: {  	s13 =	sadd.s32 $0x2400, s5;
	s4 =	sadd.s32 $0xF6800, s5;
	s9 =	sshll.u32 s1, $0x1  }
0x8: {  	s12 =	smul.u32 $0x30D40, s1;
	s16 =	sshll.u32 s1, $0x6;
	_ =	strace $0x80000047  }
0x9: {  	s8 =	smul.u32 $0x186C00, s7;
	s9 =	sor.u32 s7, s9;
	s11 =	ssub.s32 $0x2, s7  }
0xa: {  	s15 =	smul.u32 $0x186A0, s7;
	s16 =	sor.u32 $0x1C03, s16;
	s10 =	sshrl.u32 s6, $0x3  }
0xb: {  	s9 =	smul.u32 $0x186A0, s9;
	s28 =	sshrl.u32 s11, $0x1;
	s17 =	sadd.s32 s6, s2  }
0xc: {  	s8 =	sadd.s32 s6, s8;
	s10 =	sadd.s32 s10, s5;
	s11 =	ssub.s32 s11, s28  }
0xd: {  	s12 =	sadd.s32 s15, s12;
	s17 =	sshrl.u32 s17, $0x3;
	s8 =	sshrl.u32 s8, $0x3  }
0xe: {  	s29 =	sshrl.u32 s9, $0x3;
	s15 =	sadd.s32 $0x30E080, s12;
	s12 =	sadd.s32 $0x30DD60, s12  }
0xf: {  	s8 =	sadd.s32 s8, s5;
	s14 =	sadd.s32 s13, s29;
	s5 =	sadd.s32 $0xC5A00, s10  }
0x10: {  	s10 =	smax.u32 s11, $0x1;
	s30 =	sshrl.u32 s15, $0x3;
	s31 =	sshrl.u32 s12, $0x3  }
0x11: {  	s15 =	simm.s32 $0x3;
	s6 =	sadd.s32 $0x61A80, s14;
	s7 =	sadd.s32 $0x64AF0, s14  }
0x12: {  	s8 =	sadd.s32 $0xF7000, s8;
	s9 =	sadd.s32 $0x61AE4, s14;
	s11 =	sadd.s32 $0x61B48, s14  }
0x13: {  	s12 =	sadd.s32 s30, s13;
	s13 =	sadd.s32 s31, s13;
	s14 =	simm.s32 $0x640  }
.LBB2_1:
0x14: {  	[tilespmem:s14], [sflag:$0x3] =	stream.linear.gather [hbm4b:s4+s3], $0x3200, $0x38;
	[tilespmem:$0x1BF00] =	vst v63  }
0x15: {  	_ =	swait.ge [sflag:s15], $0x3200  }
0x16: {  	[sflag:s15] =	ssyncset.done $0x0  }
0x17: {  	[sflag:s15] =	ssyncadd.s32 $0xFFFFCE00  }
0x18: {  	[spmem:s17], [sflag:s16] =	dma.local [hbm:s5], $0x30D8  }
0x19: {  	_ =	swait.ge [sflag:s15], $0x30D8  }
0x1a: {  	[sflag:s15] =	ssyncset.done $0x0  }
0x1b: {  	[sflag:s15] =	ssyncadd.s32 $0xFFFFCF28  }
0x1c: {  	[bflag:$0x0] =	sbarrier.arrive $0xFFFF  }
0x1d: {  	[tilespmem:s3], [sflag:$0x3] =	stream.linear.gather [hbm4b:s6+s3], $0x320, $0x38;
	[tilespmem:$0x1BF00] =	vst v63  }
0x1e: {  	_ =	swait.ge [sflag:s15], $0x320  }
0x1f: {  	[sflag:s15] =	ssyncset.done $0x0  }
0x20: {  	[sflag:s15] =	ssyncadd.s32 $0xFFFFFCE0  }
0x21: {  	[spmem:s2] =	stream.indirect.scatter.add.f32 [tilespmem:s14], [sflag:$0x1], $0x10, s3, s18, $0xb8;
	[tilespmem:$0x1BF00] =	vst v63  }
0x22: {  	_ = 	snop  }
0x23: {  	[tilespmem:s18], [sflag:$0x4] =	stream.linear.gather [hbm4b:s9+s3], $0x320, $0x38;
	[tilespmem:$0x1BF00] =	vst v63  }
0x24: {  	_ =	swait.ge [sflag:s19], $0x320  }
0x25: {  	[sflag:s19] =	ssyncset.done $0x0  }
0x26: {  	[sflag:s19] =	ssyncadd.s32 $0xFFFFFCE0  }
0x27: {  	[spmem:s2] =	stream.indirect.scatter.add.f32 [tilespmem:s14], [sflag:$0x2], $0x10, s18, s18, $0xb8;
	[tilespmem:$0x1BF00] =	vst v63  }
0x28: {  	_ =	swait.ge [sflag:s20], $0x3200  }
0x29: {  	[sflag:s20] =	ssyncset.done $0x0  }
0x2a: {  	[sflag:s20] =	ssyncadd.s32 $0xFFFFCE00  }
0x2b: {  	[tilespmem:s3], [sflag:$0x3] =	stream.linear.gather [hbm4b:s11+s3], $0x320, $0x38;
	[tilespmem:$0x1BF00] =	vst v63  }
0x2c: {  	_ =	swait.ge [sflag:s15], $0x320  }
0x2d: {  	[sflag:s15] =	ssyncset.done $0x0  }
0x2e: {  	s23 =	simm.s32 $0x0;
	[sflag:s15] =	ssyncadd.s32 $0xFFFFFCE0  }
.LBB2_2:
0x2f: {  	[spmem:s2] =	stream.indirect.scatter.add.f32 [tilespmem:s14], [sflag:$0x1], $0x10, s3, s18, $0xb8;
	[tilespmem:$0x1BF00] =	vst v63  }
0x30: {  	_ =	swait.ge [sflag:s21], $0x3200  }
0x31: {  	[sflag:s21] =	ssyncset.done $0x0  }
0x32: {  	s24 =	sadd.s32 s23, s13;
	[sflag:s21] =	ssyncadd.s32 $0xFFFFCE00  }
0x33: {  	[tilespmem:s18], [sflag:$0x4] =	stream.linear.gather [hbm4b:s24+s3], $0x320, $0x38;
	[tilespmem:$0x1BF00] =	vst v63  }
0x34: {  	_ =	swait.ge [sflag:s19], $0x320  }
0x35: {  	p0 =	seq.s32 s23, $0x2EE0;
	[sflag:s19] =	ssyncset.done $0x0  }
0x36: {  	s24 =	simm.s32 @!p0 $0x1;
	[sflag:s19] =	ssyncadd.s32 $0xFFFFFCE0  }
0x37: {  	[spmem:s2] =	stream.indirect.scatter.add.f32 [tilespmem:s14], [sflag:$0x2], $0x10, s18, s18, $0xb8;
	[tilespmem:$0x1BF00] =	vst v63  }
0x38: {  	_ =	swait.ge @!p0 [sflag:s24], $0x3200  }
0x39: {  	s25 =	simm.s32 @!p0 $0x0;
	[sflag:s24] =	ssyncset.done @!p0 $0x0  }
0x3a: {  	[sflag:s24] =	ssyncadd.s32 @!p0 $0xFFFFCE00;
	s24 =	sadd.s32 @!p0 s23, s12;
	s23 =	sadd.s32 @!p0 $0xC8, s23  }
0x3b: {  	[tilespmem:s25], [sflag:$0x3] =	stream.linear.gather @!p0 [hbm4b:s24+s25], $0x320, $0x38;
	[tilespmem:$0x1BF00] =	vst v63  }
0x3c: {  	p1 =	sne.s32 @!p0 s23, $0x2FA8  }
0x3d: {  	p1 =	por p0, !p1  }
.Ltmp0:
0x3e: {  	_ = 	snop;
	(pc) =	sbr.rel @!p1 .LBB2_2-.Ltmp0, $4  }
0x3f: {  	s24 =	simm.s32 @!p0 $0x3  }
0x40: {  	_ =	swait.ge @!p0 [sflag:s24], $0x320  }
0x41: {  	[sflag:s24] =	ssyncset.done @!p0 $0x0  }
0x42: {  	[sflag:s24] =	ssyncadd.s32 @!p0 $0xFFFFFCE0  }
0x43: {  	_ =	swait.ge [sflag:s20], $0x3200  }
0x44: {  	[sflag:s20] =	ssyncset.done $0x0  }
0x45: {  	[sflag:s20] =	ssyncadd.s32 $0xFFFFCE00  }
0x46: {  	[tilespmem:s3], [sflag:$0x3] =	stream.linear.gather [hbm4b:s7+s3], $0x320, $0x38;
	[tilespmem:$0x1BF00] =	vst v63  }
0x47: {  	_ =	swait.ge [sflag:s15], $0x320  }
0x48: {  	[sflag:s15] =	ssyncset.done $0x0  }
0x49: {  	[sflag:s15] =	ssyncadd.s32 $0xFFFFFCE0  }
0x4a: {  	[spmem:s2] =	stream.indirect.scatter.add.f32 [tilespmem:s14], [sflag:$0x1], $0x10, s3, s18, $0xb8;
	[tilespmem:$0x1BF00] =	vst v63  }
0x4b: {  	_ =	swait.ge [sflag:s20], $0x3200  }
0x4c: {  	[sflag:s20] =	ssyncset.done $0x0  }
0x4d: {  	[sflag:s20] =	ssyncadd.s32 $0xFFFFCE00  }
0x4e: {  	_ =	swait.ge [sflag:s21], $0x3200  }
0x4f: {  	s22 =	sadd.s32 $0x1, s22;
	[sflag:s21] =	ssyncset.done $0x0  }
0x50: {  	p0 =	sne.s32 s22, s10;
	[sflag:s21] =	ssyncadd.s32 $0xFFFFCE00  }
.Ltmp1:
0x51: {  	[bflag:$0x0] =	sbarrier.arrive $0xFFFF;
	(pc) =	sbr.rel @p0 .LBB2_1-.Ltmp1, $4  }
0x52: {  	[hbm:s8], [sflag:s16] =	dma.local [spmem:s17], $0x30D8  }
0x53: {  	_ =	swait.ge [sflag:s15], $0x30D8  }
0x54: {  	[sflag:s15] =	ssyncset.done $0x0  }
0x55: {  	[sflag:s15] =	ssyncadd.s32 $0xFFFFCF28  }
0x56: {  	_ =	sfence.sel $0x180000  }
0x57: {  	[bflag:$0x0] =	sbarrier.arrive $0xFFFF  }
0x58: {  	p0 =	sne.s32 s1, $0x0;
	_ =	strace $0x90000047  }
0x59: {  	s0 =	sadd.s32 @!p0 $0x100000, s0;
	[bflag:$0x2] =	sbarrier.arrive $0xFFFF  }
0x5a: {  	[sflag:s0] =	ssyncadd.tile.s32 @!p0 $0x1;
	_ =	shalt  }
.Lfunc_end2:
_tile_overlayer_lowered:
.L_overlay_start_2:
0x5b: {  	(tag) =	ssettag $0x2  }
0x5c: {  	s0 =	rddreg [dreg:$0x0];
	s2 =	stileid.u32  }
0x5d: {  	s1 =	rddreg [dreg:$0x1];
	p0 =	sne.s32 s2, $0x0  }
0x5e: {  	s3 =	rddreg [dreg:$0x2];
	[bflag:$0x3] =	sbarrier.arrive $0xFFFF;
	s2 =	simm.s32 @!p0 $0x1C03  }
0x5f: {  	[timem:s3], [sflag:s2] =	dma.local @!p0 [hbm:s0], s1  }
0x60: {  	s0 =	simm.s32 @!p0 $0x3  }
0x61: {  	_ =	swait.ge @!p0 [sflag:s0], s1  }
0x62: {  	s1 =	ssub.s32 @!p0 $0x0, s1;
	[sflag:s0] =	ssyncset.done @!p0 $0x0  }
0x63: {  	[sflag:s0] =	ssyncadd.s32 @!p0 s1  }
0x64: {  	[bflag:$0x3] =	sbarrier.arrive $0xFFFF  }
0x65: {  	_ =	shalt  }

</sc_bundles>
